<compile_context>
chip_gen: v7x
topology: tpu7x:2x2x1
jax: 0.10.2.dev20260603
libtpu: 0.0.44.dev20260713+nightly
codegen_flags: <defaults>
</compile_context>

<pallas_src>
import functools

import numpy as np
import jax
import jax.numpy as jnp
from jax import lax
from jax.experimental import pallas as pl
from jax.experimental.pallas import tpu as pltpu
from jax.experimental.pallas import tpu_sc as plsc

_ORB = '1s 2s 2p 3s 3p 4s 3d 4p 5s 4d 5p 6s 4f 5d 6p 7s 5f 6d 7p 6f 7d 7f'.split()
_NE = dict(s=2, p=6, d=10, f=14)


def _econf(n):
    cnt, last, cfg = 0, -1, []
    for o in _ORB:
        if cnt < n:
            cfg.append(_NE[o[-1]])
            cnt += _NE[o[-1]]
            last += 1
        else:
            cfg.append(0)
    if cnt > n:
        cfg[last] -= cnt - n
    return cfg


_TABLE = np.array([_econf(i) for i in range(128)], dtype=np.float32)

NC, NS = 2, 16
NW = NC * NS
ORB = 22
D_EDGE = 16
W = 2 * ORB + 1 + D_EDGE

E = 1600000
EPW = E // NW
C = 512
NFULL = EPW // C
TAIL = EPW - NFULL * C
NPAIR = (NFULL - 1) // 2

_mesh = plsc.VectorSubcoreMesh(core_axis_name="c", subcore_axis_name="s")
_params = pltpu.CompilerParams(use_tc_tiling_on_sc=False,
                               needs_layout_passes=False)


def _wid():
    return lax.axis_index("s") * NC + lax.axis_index("c")


@functools.partial(
    pl.kernel,
    out_type=jax.ShapeDtypeStruct((E * W,), jnp.float32),
    mesh=_mesh,
    scratch_types=[
        pltpu.VMEM((128 * ORB,), jnp.float32),
        pltpu.VMEM((C,), jnp.int32),
        pltpu.VMEM((C,), jnp.int32),
        pltpu.VMEM((C,), jnp.int32),
        pltpu.VMEM((C,), jnp.int32),
        pltpu.VMEM((C,), jnp.int32),
        pltpu.VMEM((C,), jnp.int32),
        pltpu.VMEM((C,), jnp.int32),
        pltpu.VMEM((C,), jnp.int32),
        pltpu.VMEM((C, D_EDGE), jnp.float32),
        pltpu.VMEM((C, D_EDGE), jnp.float32),
        pltpu.VMEM((C,), jnp.float32),
        pltpu.VMEM((C,), jnp.float32),
        pltpu.VMEM((C * W,), jnp.float32),
        pltpu.VMEM((C * W,), jnp.float32),
        pltpu.SemaphoreType.DMA,
        pltpu.SemaphoreType.DMA,
        pltpu.SemaphoreType.DMA,
        pltpu.SemaphoreType.DMA,
        pltpu.SemaphoreType.DMA,
        pltpu.SemaphoreType.DMA,
    ],
    compiler_params=_params,
)
def _edge_kernel(table_hbm, z22_hbm, idxi_hbm, idxj_hbm, d_hbm, phi_hbm,
                 out_hbm, table_v, idxi0, idxi1, idxj0, idxj1, zi0, zi1,
                 zj0, zj1, phi0, phi1, dv0, dv1, rowf0, rowf1,
                 isem0, isem1, bsem0, bsem1, osem0, osem1):
    idxi = (idxi0, idxi1)
    idxj = (idxj0, idxj1)
    zi = (zi0, zi1)
    zj = (zj0, zj1)
    phi = (phi0, phi1)
    dv = (dv0, dv1)
    rowf = (rowf0, rowf1)
    isem = (isem0, isem1)
    bsem = (bsem0, bsem1)
    osem = (osem0, osem1)

    wbase = _wid() * EPW
    pltpu.sync_copy(table_hbm, table_v)
    lanes = lax.iota(jnp.int32, 16)
    lanes_w = lanes * W

    def base_of(t):
        return wbase + t * C

    def issue_idx(t, b):
        base = base_of(t)
        pltpu.async_copy(idxi_hbm.at[pl.ds(base, C)], idxi[b], isem[b])
        pltpu.async_copy(idxj_hbm.at[pl.ds(base, C)], idxj[b], isem[b])

    def drain_idx(t, b):
        base = base_of(t)
        pltpu.make_async_copy(idxi_hbm.at[pl.ds(base, C)], idxi[b],
                              isem[b]).wait()
        pltpu.make_async_copy(idxj_hbm.at[pl.ds(base, C)], idxj[b],
                              isem[b]).wait()

    def issue_b(t, b):
        base = base_of(t)
        return [
            pltpu.async_copy(z22_hbm.at[idxi[b]], zi[b], bsem[b]),
            pltpu.async_copy(z22_hbm.at[idxj[b]], zj[b], bsem[b]),
            pltpu.async_copy(phi_hbm.at[pl.ds(base, C), :], phi[b], bsem[b]),
            pltpu.async_copy(d_hbm.at[pl.ds(base, C)], dv[b], bsem[b]),
        ]

    def issue_out(t, b):
        base = base_of(t)
        pltpu.async_copy(rowf[b], out_hbm.at[pl.ds(base * W, C * W)], osem[b])

    def drain_out(t, b):
        base = base_of(t)
        pltpu.make_async_copy(rowf[b], out_hbm.at[pl.ds(base * W, C * W)],
                              osem[b]).wait()

    def compute(b, ngroups):
        zib, zjb, phib, dvb, rowb = zi[b], zj[b], phi[b], dv[b], rowf[b]

        def grp(g, carry):
            e16 = g * 16 + lanes
            dst = g * (16 * W) + lanes_w
            zbi = zib[pl.ds(g * 16, 16)]
            zbj = zjb[pl.ds(g * 16, 16)]
            for c in range(ORB):
                v = plsc.load_gather(table_v, [zbi + c])
                plsc.store_scatter(rowb, [dst + c], v)
                v = plsc.load_gather(table_v, [zbj + c])
                plsc.store_scatter(rowb, [dst + (ORB + c)], v)
            cfull = jnp.full((16,), 0, jnp.int32)
            for c in range(D_EDGE):
                v = plsc.load_gather(phib, [e16, cfull + c])
                plsc.store_scatter(rowb, [dst + (2 * ORB + c)], v)
            v = dvb[pl.ds(g * 16, 16)]
            plsc.store_scatter(rowb, [dst + (W - 1)], v)
            return carry

        lax.fori_loop(0, ngroups, grp, 0)

    def stage(t, b, nxt, drain_prev):
        drain_idx(t, b)
        cps = issue_b(t, b)
        if nxt is not None:
            issue_idx(nxt, 1 - b)
        for cp in cps:
            cp.wait()
        if drain_prev is not None:
            drain_out(drain_prev, b)
        compute(b, C // 16)
        issue_out(t, b)

    issue_idx(0, 0)
    stage(0, 0, 1, None)
    stage(1, 1, 2, None)

    def body(g, carry):
        t = 2 * g
        stage(t, 0, t + 1, t - 2)
        stage(t + 1, 1, t + 2, t - 1)
        return carry

    lax.fori_loop(1, NPAIR, body, 0)

    stage(NFULL - 1, 0, None, NFULL - 3)
    drain_out(NFULL - 2, 1)

    tbase = wbase + NFULL * C
    pltpu.sync_copy(idxi_hbm.at[pl.ds(tbase, TAIL)],
                    idxi[1].at[pl.ds(0, TAIL)])
    pltpu.sync_copy(idxj_hbm.at[pl.ds(tbase, TAIL)],
                    idxj[1].at[pl.ds(0, TAIL)])
    cps = [
        pltpu.async_copy(z22_hbm.at[idxi[1].at[pl.ds(0, TAIL)]],
                         zi[1].at[pl.ds(0, TAIL)], bsem[1]),
        pltpu.async_copy(z22_hbm.at[idxj[1].at[pl.ds(0, TAIL)]],
                         zj[1].at[pl.ds(0, TAIL)], bsem[1]),
        pltpu.async_copy(phi_hbm.at[pl.ds(tbase, TAIL), :],
                         phi[1].at[pl.ds(0, TAIL), :], bsem[1]),
        pltpu.async_copy(d_hbm.at[pl.ds(tbase, TAIL)],
                         dv[1].at[pl.ds(0, TAIL)], bsem[1]),
    ]
    for cp in cps:
        cp.wait()
    compute(1, TAIL // 16)
    pltpu.sync_copy(rowf[1].at[pl.ds(0, TAIL * W)],
                    out_hbm.at[pl.ds(tbase * W, TAIL * W)])
    drain_out(NFULL - 1, 0)


def kernel(z, idx_i, idx_j, d_ij, phi_ij):
    table = jnp.asarray(_TABLE.reshape(-1))
    z22 = z.astype(jnp.int32) * ORB
    out_flat = _edge_kernel(table, z22, idx_i.astype(jnp.int32),
                            idx_j.astype(jnp.int32),
                            jnp.squeeze(d_ij, -1), phi_ij)
    return out_flat.reshape(E, W)

# --- scband reference (transcript-rebuilt; emitter-appended) ---
"""Pipeline reference for scband-pair-atoms-distance-adumbration-47906065219824 (READ-ONLY COPY).

The authoritative reference and input builder live on the scoring server;
editing this copy changes nothing except your own understanding.
"""

import jax, jax.numpy as jnp
import numpy as np

ORBITALS = '1s 2s 2p 3s 3p 4s 3d 4p 5s 4d 5p 6s 4f 5d 6p 7s 5f 6d 7p 6f 7d 7f'.split()
POSSIBLE_ELECTRONS = dict(s=2, p=6, d=10, f=14)

def generate_electron_configurations(atomic_num):
    electron_count, last_idx, config = 0, -1, []
    for i in ORBITALS:
        if electron_count < atomic_num:
            config.append(POSSIBLE_ELECTRONS[i[-1]])
            electron_count += POSSIBLE_ELECTRONS[i[-1]]
            last_idx += 1
        else:
            config.append(0)
    if electron_count > atomic_num:
        config[last_idx] -= electron_count - atomic_num
    return config

# Lookup table of electron configurations for all atomic numbers we may sample.
CONFIG_TABLE = np.array([generate_electron_configurations(i) for i in range(128)], dtype=np.float32)

ORBITALS_SIZE = 22
N_NODES = 100000
N_EDGES = 1600000
D_EDGE = 16

def setup_inputs(seed: int = 0) -> dict:
    key = jax.random.key(seed)
    k1, k2, k3, k4, k5 = jax.random.split(key, 5)
    z = jax.random.randint(k1, (N_NODES,), 0, 100)
    idx_i = jax.random.randint(k2, (N_EDGES,), 0, N_NODES)
    idx_j = jax.random.randint(k3, (N_EDGES,), 0, N_NODES)
    d_ij = jax.random.uniform(k4, (N_EDGES, 1), dtype=jnp.float32)
    phi_ij = jax.random.normal(k5, (N_EDGES, D_EDGE), dtype=jnp.float32)
    return {"z": z, "idx_i": idx_i, "idx_j": idx_j, "d_ij": d_ij, "phi_ij": phi_ij}

def reference(z, idx_i, idx_j, d_ij, phi_ij):
    orbitals_size = ORBITALS_SIZE
    E = d_ij.shape[0]
    width = 2 * orbitals_size + 1 + phi_ij.shape[-1]
    # atoms_electron_config: per-atom config via table lookup (data-dependent in torch,
    # equivalent to indexing the precomputed table with z)
    table = jnp.asarray(CONFIG_TABLE)
    atoms_electron_config = jnp.take(table, z, axis=0)
    representation = jnp.zeros((E, width), dtype=jnp.float32)
    representation = representation.at[:, -1].set(jnp.squeeze(d_ij))
    representation = representation.at[:, :orbitals_size].set(jnp.take(atoms_electron_config, idx_i, axis=0))
    representation = representation.at[:, orbitals_size:2 * orbitals_size].set(jnp.take(atoms_electron_config, idx_j, axis=0))
    representation = representation.at[:, 2 * orbitals_size:-1].set(jnp.squeeze(phi_ij))
    return representation

if __name__ == "__main__":
    import jax
    _d = setup_inputs()
    print(jax.jit(kernel)(*tuple(_d.values())))

</pallas_src>

<mosaic_0001>
#map = affine_map<(d0, d1) -> (0)>
#map1 = affine_map<(d0, d1) -> (0, 0)>
module attributes {stable_mosaic.version = 14 : i64} {
  func.func @_edge_kernel(%arg0: i32, %arg1: i32, %arg2: memref<2816xf32, #tpu.memory_space<hbm>>, %arg3: memref<100000xi32, #tpu.memory_space<hbm>>, %arg4: memref<1600000xi32, #tpu.memory_space<hbm>>, %arg5: memref<1600000xi32, #tpu.memory_space<hbm>>, %arg6: memref<1600000xf32, #tpu.memory_space<hbm>>, %arg7: memref<1600000x16xf32, #tpu.memory_space<hbm>>, %arg8: memref<97600000xf32, #tpu.memory_space<hbm>>, %arg9: memref<2816xf32, #tpu.memory_space<vmem>>, %arg10: memref<512xi32, #tpu.memory_space<vmem>>, %arg11: memref<512xi32, #tpu.memory_space<vmem>>, %arg12: memref<512xi32, #tpu.memory_space<vmem>>, %arg13: memref<512xi32, #tpu.memory_space<vmem>>, %arg14: memref<512xi32, #tpu.memory_space<vmem>>, %arg15: memref<512xi32, #tpu.memory_space<vmem>>, %arg16: memref<512xi32, #tpu.memory_space<vmem>>, %arg17: memref<512xi32, #tpu.memory_space<vmem>>, %arg18: memref<512x16xf32, #tpu.memory_space<vmem>>, %arg19: memref<512x16xf32, #tpu.memory_space<vmem>>, %arg20: memref<512xf32, #tpu.memory_space<vmem>>, %arg21: memref<512xf32, #tpu.memory_space<vmem>>, %arg22: memref<31232xf32, #tpu.memory_space<vmem>>, %arg23: memref<31232xf32, #tpu.memory_space<vmem>>, %arg24: memref<!tpu.dma_semaphore, #tpu.memory_space<semaphore_mem>>, %arg25: memref<!tpu.dma_semaphore, #tpu.memory_space<semaphore_mem>>, %arg26: memref<!tpu.dma_semaphore, #tpu.memory_space<semaphore_mem>>, %arg27: memref<!tpu.dma_semaphore, #tpu.memory_space<semaphore_mem>>, %arg28: memref<!tpu.dma_semaphore, #tpu.memory_space<semaphore_mem>>, %arg29: memref<!tpu.dma_semaphore, #tpu.memory_space<semaphore_mem>>) attributes {dimension_semantics = [#tpu.dimension_semantics<core_parallel>, #tpu.dimension_semantics<subcore_parallel>], iteration_bounds = array<i64: 2, 16>, scalar_prefetch = 0 : i64, scratch_operands = 21 : i64, tpu.core_type = #tpu.core_type<sc_vector_subcore>, window_params = [{transform_indices = #map}, {transform_indices = #map}, {transform_indices = #map}, {transform_indices = #map}, {transform_indices = #map}, {transform_indices = #map1}, {transform_indices = #map}]} {
    %mul3A = arith.constant 2 : i32
    %mul3A_0 = arith.muli %arg1, %mul3A : i32
    %add3A = arith.addi %mul3A_0, %arg0 : i32
    %mul3A_1 = arith.constant 50000 : i32
    %mul3A_2 = arith.muli %add3A, %mul3A_1 : i32
    "tpu.region"() ({
      %run_scoped3A = tpu.sem_alloc : memref<!tpu.dma_semaphore, #tpu.memory_space<semaphore_mem>>
      tpu.enqueue_dma source(%arg2 : memref<2816xf32, #tpu.memory_space<hbm>>) target(%arg9 : memref<2816xf32, #tpu.memory_space<vmem>>) target_semaphore(%run_scoped3A : memref<!tpu.dma_semaphore, #tpu.memory_space<semaphore_mem>>)
      tpu.wait_dma2 semaphore(%run_scoped3A : memref<!tpu.dma_semaphore, #tpu.memory_space<semaphore_mem>>) src(%arg2 : memref<2816xf32, #tpu.memory_space<hbm>>) dst(%arg9 : memref<2816xf32, #tpu.memory_space<vmem>>)
      tpu.yield
    }) : () -> ()
    %iota3A = tpu.iota {dimensions = array<i32: 0>} : vector<16xi32>
    %mul3A_3 = arith.constant 61 : i32
    %mul3A_4 = vector.broadcast %mul3A_3 : i32 to vector<16xi32>
    %mul3A_5 = arith.muli %iota3A, %mul3A_4 : vector<16xi32>
    %add3A_6 = arith.constant 0 : i32
    %add3A_7 = arith.addi %mul3A_2, %add3A_6 : i32
    %dma_start3A = tpu.memref_slice %arg4[%add3A_7] : memref<1600000xi32, #tpu.memory_space<hbm>> -> memref<512xi32, #tpu.memory_space<hbm>>
    %dma_start3A_8 = tpu.memref_slice %arg4[%add3A_7] : memref<1600000xi32, #tpu.memory_space<hbm>> -> memref<512xi32, #tpu.memory_space<hbm>>
    tpu.enqueue_dma source(%dma_start3A_8 : memref<512xi32, #tpu.memory_space<hbm>>) target(%arg10 : memref<512xi32, #tpu.memory_space<vmem>>) target_semaphore(%arg24 : memref<!tpu.dma_semaphore, #tpu.memory_space<semaphore_mem>>)
    %dma_start3A_9 = tpu.memref_slice %arg5[%add3A_7] : memref<1600000xi32, #tpu.memory_space<hbm>> -> memref<512xi32, #tpu.memory_space<hbm>>
    %dma_start3A_10 = tpu.memref_slice %arg5[%add3A_7] : memref<1600000xi32, #tpu.memory_space<hbm>> -> memref<512xi32, #tpu.memory_space<hbm>>
    tpu.enqueue_dma source(%dma_start3A_10 : memref<512xi32, #tpu.memory_space<hbm>>) target(%arg12 : memref<512xi32, #tpu.memory_space<vmem>>) target_semaphore(%arg24 : memref<!tpu.dma_semaphore, #tpu.memory_space<semaphore_mem>>)
    %add3A_11 = arith.constant 0 : i32
    %add3A_12 = arith.addi %mul3A_2, %add3A_11 : i32
    %dma_wait3A = tpu.memref_slice %arg4[%add3A_12] : memref<1600000xi32, #tpu.memory_space<hbm>> -> memref<512xi32, #tpu.memory_space<hbm>>
    %dma_wait3A_13 = tpu.memref_slice %arg4[%add3A_12] : memref<1600000xi32, #tpu.memory_space<hbm>> -> memref<512xi32, #tpu.memory_space<hbm>>
    tpu.wait_dma2 semaphore(%arg24 : memref<!tpu.dma_semaphore, #tpu.memory_space<semaphore_mem>>) src(%dma_wait3A_13 : memref<512xi32, #tpu.memory_space<hbm>>) dst(%arg10 : memref<512xi32, #tpu.memory_space<vmem>>)
    %dma_wait3A_14 = tpu.memref_slice %arg5[%add3A_12] : memref<1600000xi32, #tpu.memory_space<hbm>> -> memref<512xi32, #tpu.memory_space<hbm>>
    %dma_wait3A_15 = tpu.memref_slice %arg5[%add3A_12] : memref<1600000xi32, #tpu.memory_space<hbm>> -> memref<512xi32, #tpu.memory_space<hbm>>
    tpu.wait_dma2 semaphore(%arg24 : memref<!tpu.dma_semaphore, #tpu.memory_space<semaphore_mem>>) src(%dma_wait3A_15 : memref<512xi32, #tpu.memory_space<hbm>>) dst(%arg12 : memref<512xi32, #tpu.memory_space<vmem>>)
    %add3A_16 = arith.constant 0 : i32
    %add3A_17 = arith.addi %mul3A_2, %add3A_16 : i32
    %dma_start3A_18 = arith.constant 0 : i32
    %dma_start3A_19 = tpu.memref_slice %arg3[%dma_start3A_18] : memref<100000xi32, #tpu.memory_space<hbm>> -> memref<100000xi32, #tpu.memory_space<hbm>>
    tpu.enqueue_indirect_dma source(%dma_start3A_19 : memref<100000xi32, #tpu.memory_space<hbm>>) target(%arg14 : memref<512xi32, #tpu.memory_space<vmem>>) offsets(%arg10 : memref<512xi32, #tpu.memory_space<vmem>>) semaphore(%arg26 : memref<!tpu.dma_semaphore, #tpu.memory_space<semaphore_mem>>)
    %dma_start3A_20 = arith.constant 0 : i32
    %dma_start3A_21 = tpu.memref_slice %arg3[%dma_start3A_20] : memref<100000xi32, #tpu.memory_space<hbm>> -> memref<100000xi32, #tpu.memory_space<hbm>>
    tpu.enqueue_indirect_dma source(%dma_start3A_21 : memref<100000xi32, #tpu.memory_space<hbm>>) target(%arg16 : memref<512xi32, #tpu.memory_space<vmem>>) offsets(%arg12 : memref<512xi32, #tpu.memory_space<vmem>>) semaphore(%arg26 : memref<!tpu.dma_semaphore, #tpu.memory_space<semaphore_mem>>)
    %dma_start3A_22 = arith.constant 0 : i32
    %dma_start3A_23 = tpu.memref_slice %arg7[%add3A_17, %dma_start3A_22] : memref<1600000x16xf32, #tpu.memory_space<hbm>> -> memref<512x16xf32, #tpu.memory_space<hbm>>
    %dma_start3A_24 = arith.constant 0 : i32
    %dma_start3A_25 = tpu.memref_slice %arg7[%add3A_17, %dma_start3A_24] : memref<1600000x16xf32, #tpu.memory_space<hbm>> -> memref<512x16xf32, #tpu.memory_space<hbm>>
    tpu.enqueue_dma source(%dma_start3A_25 : memref<512x16xf32, #tpu.memory_space<hbm>>) target(%arg18 : memref<512x16xf32, #tpu.memory_space<vmem>>) target_semaphore(%arg26 : memref<!tpu.dma_semaphore, #tpu.memory_space<semaphore_mem>>)
    %dma_start3A_26 = tpu.memref_slice %arg6[%add3A_17] : memref<1600000xf32, #tpu.memory_space<hbm>> -> memref<512xf32, #tpu.memory_space<hbm>>
    %dma_start3A_27 = tpu.memref_slice %arg6[%add3A_17] : memref<1600000xf32, #tpu.memory_space<hbm>> -> memref<512xf32, #tpu.memory_space<hbm>>
    tpu.enqueue_dma source(%dma_start3A_27 : memref<512xf32, #tpu.memory_space<hbm>>) target(%arg20 : memref<512xf32, #tpu.memory_space<vmem>>) target_semaphore(%arg26 : memref<!tpu.dma_semaphore, #tpu.memory_space<semaphore_mem>>)
    %add3A_28 = arith.constant 512 : i32
    %add3A_29 = arith.addi %mul3A_2, %add3A_28 : i32
    %dma_start3A_30 = tpu.memref_slice %arg4[%add3A_29] : memref<1600000xi32, #tpu.memory_space<hbm>> -> memref<512xi32, #tpu.memory_space<hbm>>
    %dma_start3A_31 = tpu.memref_slice %arg4[%add3A_29] : memref<1600000xi32, #tpu.memory_space<hbm>> -> memref<512xi32, #tpu.memory_space<hbm>>
    tpu.enqueue_dma source(%dma_start3A_31 : memref<512xi32, #tpu.memory_space<hbm>>) target(%arg11 : memref<512xi32, #tpu.memory_space<vmem>>) target_semaphore(%arg25 : memref<!tpu.dma_semaphore, #tpu.memory_space<semaphore_mem>>)
    %dma_start3A_32 = tpu.memref_slice %arg5[%add3A_29] : memref<1600000xi32, #tpu.memory_space<hbm>> -> memref<512xi32, #tpu.memory_space<hbm>>
    %dma_start3A_33 = tpu.memref_slice %arg5[%add3A_29] : memref<1600000xi32, #tpu.memory_space<hbm>> -> memref<512xi32, #tpu.memory_space<hbm>>
    tpu.enqueue_dma source(%dma_start3A_33 : memref<512xi32, #tpu.memory_space<hbm>>) target(%arg13 : memref<512xi32, #tpu.memory_space<vmem>>) target_semaphore(%arg25 : memref<!tpu.dma_semaphore, #tpu.memory_space<semaphore_mem>>)
    %dma_wait3A_34 = arith.constant 0 : i32
    %dma_wait3A_35 = tpu.memref_slice %arg3[%dma_wait3A_34] : memref<100000xi32, #tpu.memory_space<hbm>> -> memref<100000xi32, #tpu.memory_space<hbm>>
    tpu.wait_indirect_dma semaphore(%arg26 : memref<!tpu.dma_semaphore, #tpu.memory_space<semaphore_mem>>) src(%dma_wait3A_35 : memref<100000xi32, #tpu.memory_space<hbm>>) dst(%arg14 : memref<512xi32, #tpu.memory_space<vmem>>)
    %dma_wait3A_36 = arith.constant 0 : i32
    %dma_wait3A_37 = tpu.memref_slice %arg3[%dma_wait3A_36] : memref<100000xi32, #tpu.memory_space<hbm>> -> memref<100000xi32, #tpu.memory_space<hbm>>
    tpu.wait_indirect_dma semaphore(%arg26 : memref<!tpu.dma_semaphore, #tpu.memory_space<semaphore_mem>>) src(%dma_wait3A_37 : memref<100000xi32, #tpu.memory_space<hbm>>) dst(%arg16 : memref<512xi32, #tpu.memory_space<vmem>>)
    %dma_wait3A_38 = arith.constant 0 : i32
    %dma_wait3A_39 = tpu.memref_slice %arg7[%add3A_17, %dma_wait3A_38] : memref<1600000x16xf32, #tpu.memory_space<hbm>> -> memref<512x16xf32, #tpu.memory_space<hbm>>
    %dma_wait3A_40 = arith.constant 0 : i32
    %dma_wait3A_41 = tpu.memref_slice %arg7[%add3A_17, %dma_wait3A_40] : memref<1600000x16xf32, #tpu.memory_space<hbm>> -> memref<512x16xf32, #tpu.memory_space<hbm>>
    tpu.wait_dma2 semaphore(%arg26 : memref<!tpu.dma_semaphore, #tpu.memory_space<semaphore_mem>>) src(%dma_wait3A_41 : memref<512x16xf32, #tpu.memory_space<hbm>>) dst(%arg18 : memref<512x16xf32, #tpu.memory_space<vmem>>)
    %dma_wait3A_42 = tpu.memref_slice %arg6[%add3A_17] : memref<1600000xf32, #tpu.memory_space<hbm>> -> memref<512xf32, #tpu.memory_space<hbm>>
    %dma_wait3A_43 = tpu.memref_slice %arg6[%add3A_17] : memref<1600000xf32, #tpu.memory_space<hbm>> -> memref<512xf32, #tpu.memory_space<hbm>>
    tpu.wait_dma2 semaphore(%arg26 : memref<!tpu.dma_semaphore, #tpu.memory_space<semaphore_mem>>) src(%dma_wait3A_43 : memref<512xf32, #tpu.memory_space<hbm>>) dst(%arg20 : memref<512xf32, #tpu.memory_space<vmem>>)
    %scan3A = arith.constant 0 : i32
    %scan3A_44 = arith.constant 0 : i32
    %scan3A_45 = arith.constant 32 : i32
    %scan3A_46 = arith.addi %scan3A_44, %scan3A_45 : i32
    %scan3A_47 = arith.constant 1 : i32
    scf.for %scan3A_231 = %scan3A_44 to %scan3A_46 step %scan3A_47  : i32 {
      %mul3A_232 = arith.constant 16 : i32
      %mul3A_233 = arith.muli %scan3A_231, %mul3A_232 : i32
      %add3A_234 = vector.broadcast %mul3A_233 : i32 to vector<16xi32>
      %add3A_235 = arith.addi %add3A_234, %iota3A : vector<16xi32>
      %mul3A_236 = arith.constant 976 : i32
      %mul3A_237 = arith.muli %scan3A_231, %mul3A_236 : i32
      %add3A_238 = vector.broadcast %mul3A_237 : i32 to vector<16xi32>
      %add3A_239 = arith.addi %add3A_238, %mul3A_5 : vector<16xi32>
      %mul3A_240 = arith.constant 16 : i32
      %mul3A_241 = arith.muli %scan3A_231, %mul3A_240 : i32
      %get3A = arith.index_cast %mul3A_241 : i32 to index
      %get3A_242 = tpu.vector_load %arg14[%get3A] {strides = array<i32>} : memref<512xi32, #tpu.memory_space<vmem>>, vector<16xi32>,
      %mul3A_243 = arith.constant 16 : i32
      %mul3A_244 = arith.muli %scan3A_231, %mul3A_243 : i32
      %get3A_245 = arith.index_cast %mul3A_244 : i32 to index
      %get3A_246 = tpu.vector_load %arg16[%get3A_245] {strides = array<i32>} : memref<512xi32, #tpu.memory_space<vmem>>, vector<16xi32>,
      %add3A_247 = arith.constant 0 : i32
      %add3A_248 = vector.broadcast %add3A_247 : i32 to vector<16xi32>
      %add3A_249 = arith.addi %get3A_242, %add3A_248 : vector<16xi32>
      %gather3A = tpu.vector_load_idx %arg9[%add3A_249] : memref<2816xf32, #tpu.memory_space<vmem>>[vector<16xi32>], vector<16xf32>,
      %add3A_250 = arith.constant 0 : i32
      %add3A_251 = vector.broadcast %add3A_250 : i32 to vector<16xi32>
      %add3A_252 = arith.addi %add3A_239, %add3A_251 : vector<16xi32>
      tpu.vector_store_idx %arg22[%add3A_252], %gather3A : memref<31232xf32, #tpu.memory_space<vmem>>[vector<16xi32>], vector<16xf32>,
      %add3A_253 = arith.constant 0 : i32
      %add3A_254 = vector.broadcast %add3A_253 : i32 to vector<16xi32>
      %add3A_255 = arith.addi %get3A_246, %add3A_254 : vector<16xi32>
      %gather3A_256 = tpu.vector_load_idx %arg9[%add3A_255] : memref<2816xf32, #tpu.memory_space<vmem>>[vector<16xi32>], vector<16xf32>,
      %add3A_257 = arith.constant 22 : i32
      %add3A_258 = vector.broadcast %add3A_257 : i32 to vector<16xi32>
      %add3A_259 = arith.addi %add3A_239, %add3A_258 : vector<16xi32>
      tpu.vector_store_idx %arg22[%add3A_259], %gather3A_256 : memref<31232xf32, #tpu.memory_space<vmem>>[vector<16xi32>], vector<16xf32>,
      %add3A_260 = arith.constant 1 : i32
      %add3A_261 = vector.broadcast %add3A_260 : i32 to vector<16xi32>
      %add3A_262 = arith.addi %get3A_242, %add3A_261 : vector<16xi32>
      %gather3A_263 = tpu.vector_load_idx %arg9[%add3A_262] : memref<2816xf32, #tpu.memory_space<vmem>>[vector<16xi32>], vector<16xf32>,
      %add3A_264 = arith.constant 1 : i32
      %add3A_265 = vector.broadcast %add3A_264 : i32 to vector<16xi32>
      %add3A_266 = arith.addi %add3A_239, %add3A_265 : vector<16xi32>
      tpu.vector_store_idx %arg22[%add3A_266], %gather3A_263 : memref<31232xf32, #tpu.memory_space<vmem>>[vector<16xi32>], vector<16xf32>,
      %add3A_267 = arith.constant 1 : i32
      %add3A_268 = vector.broadcast %add3A_267 : i32 to vector<16xi32>
      %add3A_269 = arith.addi %get3A_246, %add3A_268 : vector<16xi32>
      %gather3A_270 = tpu.vector_load_idx %arg9[%add3A_269] : memref<2816xf32, #tpu.memory_space<vmem>>[vector<16xi32>], vector<16xf32>,
      %add3A_271 = arith.constant 23 : i32
      %add3A_272 = vector.broadcast %add3A_271 : i32 to vector<16xi32>
      %add3A_273 = arith.addi %add3A_239, %add3A_272 : vector<16xi32>
      tpu.vector_store_idx %arg22[%add3A_273], %gather3A_270 : memref<31232xf32, #tpu.memory_space<vmem>>[vector<16xi32>], vector<16xf32>,
      %add3A_274 = arith.constant 2 : i32
      %add3A_275 = vector.broadcast %add3A_274 : i32 to vector<16xi32>
      %add3A_276 = arith.addi %get3A_242, %add3A_275 : vector<16xi32>
      %gather3A_277 = tpu.vector_load_idx %arg9[%add3A_276] : memref<2816xf32, #tpu.memory_space<vmem>>[vector<16xi32>], vector<16xf32>,
      %add3A_278 = arith.constant 2 : i32
      %add3A_279 = vector.broadcast %add3A_278 : i32 to vector<16xi32>
      %add3A_280 = arith.addi %add3A_239, %add3A_279 : vector<16xi32>
      tpu.vector_store_idx %arg22[%add3A_280], %gather3A_277 : memref<31232xf32, #tpu.memory_space<vmem>>[vector<16xi32>], vector<16xf32>,
      %add3A_281 = arith.constant 2 : i32
      %add3A_282 = vector.broadcast %add3A_281 : i32 to vector<16xi32>
      %add3A_283 = arith.addi %get3A_246, %add3A_282 : vector<16xi32>
      %gather3A_284 = tpu.vector_load_idx %arg9[%add3A_283] : memref<2816xf32, #tpu.memory_space<vmem>>[vector<16xi32>], vector<16xf32>,
      %add3A_285 = arith.constant 24 : i32
      %add3A_286 = vector.broadcast %add3A_285 : i32 to vector<16xi32>
      %add3A_287 = arith.addi %add3A_239, %add3A_286 : vector<16xi32>
      tpu.vector_store_idx %arg22[%add3A_287], %gather3A_284 : memref<31232xf32, #tpu.memory_space<vmem>>[vector<16xi32>], vector<16xf32>,
      %add3A_288 = arith.constant 3 : i32
      %add3A_289 = vector.broadcast %add3A_288 : i32 to vector<16xi32>
      %add3A_290 = arith.addi %get3A_242, %add3A_289 : vector<16xi32>
      %gather3A_291 = tpu.vector_load_idx %arg9[%add3A_290] : memref<2816xf32, #tpu.memory_space<vmem>>[vector<16xi32>], vector<16xf32>,
      %add3A_292 = arith.constant 3 : i32
      %add3A_293 = vector.broadcast %add3A_292 : i32 to vector<16xi32>
      %add3A_294 = arith.addi %add3A_239, %add3A_293 : vector<16xi32>
      tpu.vector_store_idx %arg22[%add3A_294], %gather3A_291 : memref<31232xf32, #tpu.memory_space<vmem>>[vector<16xi32>], vector<16xf32>,
      %add3A_295 = arith.constant 3 : i32
      %add3A_296 = vector.broadcast %add3A_295 : i32 to vector<16xi32>
      %add3A_297 = arith.addi %get3A_246, %add3A_296 : vector<16xi32>
      %gather3A_298 = tpu.vector_load_idx %arg9[%add3A_297] : memref<2816xf32, #tpu.memory_space<vmem>>[vector<16xi32>], vector<16xf32>,
      %add3A_299 = arith.constant 25 : i32
      %add3A_300 = vector.broadcast %add3A_299 : i32 to vector<16xi32>
      %add3A_301 = arith.addi %add3A_239, %add3A_300 : vector<16xi32>
      tpu.vector_store_idx %arg22[%add3A_301], %gather3A_298 : memref<31232xf32, #tpu.memory_space<vmem>>[vector<16xi32>], vector<16xf32>,
      %add3A_302 = arith.constant 4 : i32
      %add3A_303 = vector.broadcast %add3A_302 : i32 to vector<16xi32>
      %add3A_304 = arith.addi %get3A_242, %add3A_303 : vector<16xi32>
      %gather3A_305 = tpu.vector_load_idx %arg9[%add3A_304] : memref<2816xf32, #tpu.memory_space<vmem>>[vector<16xi32>], vector<16xf32>,
      %add3A_306 = arith.constant 4 : i32
      %add3A_307 = vector.broadcast %add3A_306 : i32 to vector<16xi32>
      %add3A_308 = arith.addi %add3A_239, %add3A_307 : vector<16xi32>
      tpu.vector_store_idx %arg22[%add3A_308], %gather3A_305 : memref<31232xf32, #tpu.memory_space<vmem>>[vector<16xi32>], vector<16xf32>,
      %add3A_309 = arith.constant 4 : i32
      %add3A_310 = vector.broadcast %add3A_309 : i32 to vector<16xi32>
      %add3A_311 = arith.addi %get3A_246, %add3A_310 : vector<16xi32>
      %gather3A_312 = tpu.vector_load_idx %arg9[%add3A_311] : memref<2816xf32, #tpu.memory_space<vmem>>[vector<16xi32>], vector<16xf32>,
      %add3A_313 = arith.constant 26 : i32
      %add3A_314 = vector.broadcast %add3A_313 : i32 to vector<16xi32>
      %add3A_315 = arith.addi %add3A_239, %add3A_314 : vector<16xi32>
      tpu.vector_store_idx %arg22[%add3A_315], %gather3A_312 : memref<31232xf32, #tpu.memory_space<vmem>>[vector<16xi32>], vector<16xf32>,
      %add3A_316 = arith.constant 5 : i32
      %add3A_317 = vector.broadcast %add3A_316 : i32 to vector<16xi32>
      %add3A_318 = arith.addi %get3A_242, %add3A_317 : vector<16xi32>
      %gather3A_319 = tpu.vector_load_idx %arg9[%add3A_318] : memref<2816xf32, #tpu.memory_space<vmem>>[vector<16xi32>], vector<16xf32>,
      %add3A_320 = arith.constant 5 : i32
      %add3A_321 = vector.broadcast %add3A_320 : i32 to vector<16xi32>
      %add3A_322 = arith.addi %add3A_239, %add3A_321 : vector<16xi32>
      tpu.vector_store_idx %arg22[%add3A_322], %gather3A_319 : memref<31232xf32, #tpu.memory_space<vmem>>[vector<16xi32>], vector<16xf32>,
      %add3A_323 = arith.constant 5 : i32
      %add3A_324 = vector.broadcast %add3A_323 : i32 to vector<16xi32>
      %add3A_325 = arith.addi %get3A_246, %add3A_324 : vector<16xi32>
      %gather3A_326 = tpu.vector_load_idx %arg9[%add3A_325] : memref<2816xf32, #tpu.memory_space<vmem>>[vector<16xi32>], vector<16xf32>,
      %add3A_327 = arith.constant 27 : i32
      %add3A_328 = vector.broadcast %add3A_327 : i32 to vector<16xi32>
      %add3A_329 = arith.addi %add3A_239, %add3A_328 : vector<16xi32>
      tpu.vector_store_idx %arg22[%add3A_329], %gather3A_326 : memref<31232xf32, #tpu.memory_space<vmem>>[vector<16xi32>], vector<16xf32>,
      %add3A_330 = arith.constant 6 : i32
      %add3A_331 = vector.broadcast %add3A_330 : i32 to vector<16xi32>
      %add3A_332 = arith.addi %get3A_242, %add3A_331 : vector<16xi32>
      %gather3A_333 = tpu.vector_load_idx %arg9[%add3A_332] : memref<2816xf32, #tpu.memory_space<vmem>>[vector<16xi32>], vector<16xf32>,
      %add3A_334 = arith.constant 6 : i32
      %add3A_335 = vector.broadcast %add3A_334 : i32 to vector<16xi32>
      %add3A_336 = arith.addi %add3A_239, %add3A_335 : vector<16xi32>
      tpu.vector_store_idx %arg22[%add3A_336], %gather3A_333 : memref<31232xf32, #tpu.memory_space<vmem>>[vector<16xi32>], vector<16xf32>,
      %add3A_337 = arith.constant 6 : i32
      %add3A_338 = vector.broadcast %add3A_337 : i32 to vector<16xi32>
      %add3A_339 = arith.addi %get3A_246, %add3A_338 : vector<16xi32>
      %gather3A_340 = tpu.vector_load_idx %arg9[%add3A_339] : memref<2816xf32, #tpu.memory_space<vmem>>[vector<16xi32>], vector<16xf32>,
      %add3A_341 = arith.constant 28 : i32
      %add3A_342 = vector.broadcast %add3A_341 : i32 to vector<16xi32>
      %add3A_343 = arith.addi %add3A_239, %add3A_342 : vector<16xi32>
      tpu.vector_store_idx %arg22[%add3A_343], %gather3A_340 : memref<31232xf32, #tpu.memory_space<vmem>>[vector<16xi32>], vector<16xf32>,
      %add3A_344 = arith.constant 7 : i32
      %add3A_345 = vector.broadcast %add3A_344 : i32 to vector<16xi32>
      %add3A_346 = arith.addi %get3A_242, %add3A_345 : vector<16xi32>
      %gather3A_347 = tpu.vector_load_idx %arg9[%add3A_346] : memref<2816xf32, #tpu.memory_space<vmem>>[vector<16xi32>], vector<16xf32>,
      %add3A_348 = arith.constant 7 : i32
      %add3A_349 = vector.broadcast %add3A_348 : i32 to vector<16xi32>
      %add3A_350 = arith.addi %add3A_239, %add3A_349 : vector<16xi32>
      tpu.vector_store_idx %arg22[%add3A_350], %gather3A_347 : memref<31232xf32, #tpu.memory_space<vmem>>[vector<16xi32>], vector<16xf32>,
      %add3A_351 = arith.constant 7 : i32
      %add3A_352 = vector.broadcast %add3A_351 : i32 to vector<16xi32>
      %add3A_353 = arith.addi %get3A_246, %add3A_352 : vector<16xi32>
      %gather3A_354 = tpu.vector_load_idx %arg9[%add3A_353] : memref<2816xf32, #tpu.memory_space<vmem>>[vector<16xi32>], vector<16xf32>,
      %add3A_355 = arith.constant 29 : i32
      %add3A_356 = vector.broadcast %add3A_355 : i32 to vector<16xi32>
      %add3A_357 = arith.addi %add3A_239, %add3A_356 : vector<16xi32>
      tpu.vector_store_idx %arg22[%add3A_357], %gather3A_354 : memref<31232xf32, #tpu.memory_space<vmem>>[vector<16xi32>], vector<16xf32>,
      %add3A_358 = arith.constant 8 : i32
      %add3A_359 = vector.broadcast %add3A_358 : i32 to vector<16xi32>
      %add3A_360 = arith.addi %get3A_242, %add3A_359 : vector<16xi32>
      %gather3A_361 = tpu.vector_load_idx %arg9[%add3A_360] : memref<2816xf32, #tpu.memory_space<vmem>>[vector<16xi32>], vector<16xf32>,
      %add3A_362 = arith.constant 8 : i32
      %add3A_363 = vector.broadcast %add3A_362 : i32 to vector<16xi32>
      %add3A_364 = arith.addi %add3A_239, %add3A_363 : vector<16xi32>
      tpu.vector_store_idx %arg22[%add3A_364], %gather3A_361 : memref<31232xf32, #tpu.memory_space<vmem>>[vector<16xi32>], vector<16xf32>,
      %add3A_365 = arith.constant 8 : i32
      %add3A_366 = vector.broadcast %add3A_365 : i32 to vector<16xi32>
      %add3A_367 = arith.addi %get3A_246, %add3A_366 : vector<16xi32>
      %gather3A_368 = tpu.vector_load_idx %arg9[%add3A_367] : memref<2816xf32, #tpu.memory_space<vmem>>[vector<16xi32>], vector<16xf32>,
      %add3A_369 = arith.constant 30 : i32
      %add3A_370 = vector.broadcast %add3A_369 : i32 to vector<16xi32>
      %add3A_371 = arith.addi %add3A_239, %add3A_370 : vector<16xi32>
      tpu.vector_store_idx %arg22[%add3A_371], %gather3A_368 : memref<31232xf32, #tpu.memory_space<vmem>>[vector<16xi32>], vector<16xf32>,
      %add3A_372 = arith.constant 9 : i32
      %add3A_373 = vector.broadcast %add3A_372 : i32 to vector<16xi32>
      %add3A_374 = arith.addi %get3A_242, %add3A_373 : vector<16xi32>
      %gather3A_375 = tpu.vector_load_idx %arg9[%add3A_374] : memref<2816xf32, #tpu.memory_space<vmem>>[vector<16xi32>], vector<16xf32>,
      %add3A_376 = arith.constant 9 : i32
      %add3A_377 = vector.broadcast %add3A_376 : i32 to vector<16xi32>
      %add3A_378 = arith.addi %add3A_239, %add3A_377 : vector<16xi32>
      tpu.vector_store_idx %arg22[%add3A_378], %gather3A_375 : memref<31232xf32, #tpu.memory_space<vmem>>[vector<16xi32>], vector<16xf32>,
      %add3A_379 = arith.constant 9 : i32
      %add3A_380 = vector.broadcast %add3A_379 : i32 to vector<16xi32>
      %add3A_381 = arith.addi %get3A_246, %add3A_380 : vector<16xi32>
      %gather3A_382 = tpu.vector_load_idx %arg9[%add3A_381] : memref<2816xf32, #tpu.memory_space<vmem>>[vector<16xi32>], vector<16xf32>,
      %add3A_383 = arith.constant 31 : i32
      %add3A_384 = vector.broadcast %add3A_383 : i32 to vector<16xi32>
      %add3A_385 = arith.addi %add3A_239, %add3A_384 : vector<16xi32>
      tpu.vector_store_idx %arg22[%add3A_385], %gather3A_382 : memref<31232xf32, #tpu.memory_space<vmem>>[vector<16xi32>], vector<16xf32>,
      %add3A_386 = arith.constant 10 : i32
      %add3A_387 = vector.broadcast %add3A_386 : i32 to vector<16xi32>
      %add3A_388 = arith.addi %get3A_242, %add3A_387 : vector<16xi32>
      %gather3A_389 = tpu.vector_load_idx %arg9[%add3A_388] : memref<2816xf32, #tpu.memory_space<vmem>>[vector<16xi32>], vector<16xf32>,
      %add3A_390 = arith.constant 10 : i32
      %add3A_391 = vector.broadcast %add3A_390 : i32 to vector<16xi32>
      %add3A_392 = arith.addi %add3A_239, %add3A_391 : vector<16xi32>
      tpu.vector_store_idx %arg22[%add3A_392], %gather3A_389 : memref<31232xf32, #tpu.memory_space<vmem>>[vector<16xi32>], vector<16xf32>,
      %add3A_393 = arith.constant 10 : i32
      %add3A_394 = vector.broadcast %add3A_393 : i32 to vector<16xi32>
      %add3A_395 = arith.addi %get3A_246, %add3A_394 : vector<16xi32>
      %gather3A_396 = tpu.vector_load_idx %arg9[%add3A_395] : memref<2816xf32, #tpu.memory_space<vmem>>[vector<16xi32>], vector<16xf32>,
      %add3A_397 = arith.constant 32 : i32
      %add3A_398 = vector.broadcast %add3A_397 : i32 to vector<16xi32>
      %add3A_399 = arith.addi %add3A_239, %add3A_398 : vector<16xi32>
      tpu.vector_store_idx %arg22[%add3A_399], %gather3A_396 : memref<31232xf32, #tpu.memory_space<vmem>>[vector<16xi32>], vector<16xf32>,
      %add3A_400 = arith.constant 11 : i32
      %add3A_401 = vector.broadcast %add3A_400 : i32 to vector<16xi32>
      %add3A_402 = arith.addi %get3A_242, %add3A_401 : vector<16xi32>
      %gather3A_403 = tpu.vector_load_idx %arg9[%add3A_402] : memref<2816xf32, #tpu.memory_space<vmem>>[vector<16xi32>], vector<16xf32>,
      %add3A_404 = arith.constant 11 : i32
      %add3A_405 = vector.broadcast %add3A_404 : i32 to vector<16xi32>
      %add3A_406 = arith.addi %add3A_239, %add3A_405 : vector<16xi32>
      tpu.vector_store_idx %arg22[%add3A_406], %gather3A_403 : memref<31232xf32, #tpu.memory_space<vmem>>[vector<16xi32>], vector<16xf32>,
      %add3A_407 = arith.constant 11 : i32
      %add3A_408 = vector.broadcast %add3A_407 : i32 to vector<16xi32>
      %add3A_409 = arith.addi %get3A_246, %add3A_408 : vector<16xi32>
      %gather3A_410 = tpu.vector_load_idx %arg9[%add3A_409] : memref<2816xf32, #tpu.memory_space<vmem>>[vector<16xi32>], vector<16xf32>,
      %add3A_411 = arith.constant 33 : i32
      %add3A_412 = vector.broadcast %add3A_411 : i32 to vector<16xi32>
      %add3A_413 = arith.addi %add3A_239, %add3A_412 : vector<16xi32>
      tpu.vector_store_idx %arg22[%add3A_413], %gather3A_410 : memref<31232xf32, #tpu.memory_space<vmem>>[vector<16xi32>], vector<16xf32>,
      %add3A_414 = arith.constant 12 : i32
      %add3A_415 = vector.broadcast %add3A_414 : i32 to vector<16xi32>
      %add3A_416 = arith.addi %get3A_242, %add3A_415 : vector<16xi32>
      %gather3A_417 = tpu.vector_load_idx %arg9[%add3A_416] : memref<2816xf32, #tpu.memory_space<vmem>>[vector<16xi32>], vector<16xf32>,
      %add3A_418 = arith.constant 12 : i32
      %add3A_419 = vector.broadcast %add3A_418 : i32 to vector<16xi32>
      %add3A_420 = arith.addi %add3A_239, %add3A_419 : vector<16xi32>
      tpu.vector_store_idx %arg22[%add3A_420], %gather3A_417 : memref<31232xf32, #tpu.memory_space<vmem>>[vector<16xi32>], vector<16xf32>,
      %add3A_421 = arith.constant 12 : i32
      %add3A_422 = vector.broadcast %add3A_421 : i32 to vector<16xi32>
      %add3A_423 = arith.addi %get3A_246, %add3A_422 : vector<16xi32>
      %gather3A_424 = tpu.vector_load_idx %arg9[%add3A_423] : memref<2816xf32, #tpu.memory_space<vmem>>[vector<16xi32>], vector<16xf32>,
      %add3A_425 = arith.constant 34 : i32
      %add3A_426 = vector.broadcast %add3A_425 : i32 to vector<16xi32>
      %add3A_427 = arith.addi %add3A_239, %add3A_426 : vector<16xi32>
      tpu.vector_store_idx %arg22[%add3A_427], %gather3A_424 : memref<31232xf32, #tpu.memory_space<vmem>>[vector<16xi32>], vector<16xf32>,
      %add3A_428 = arith.constant 13 : i32
      %add3A_429 = vector.broadcast %add3A_428 : i32 to vector<16xi32>
      %add3A_430 = arith.addi %get3A_242, %add3A_429 : vector<16xi32>
      %gather3A_431 = tpu.vector_load_idx %arg9[%add3A_430] : memref<2816xf32, #tpu.memory_space<vmem>>[vector<16xi32>], vector<16xf32>,
      %add3A_432 = arith.constant 13 : i32
      %add3A_433 = vector.broadcast %add3A_432 : i32 to vector<16xi32>
      %add3A_434 = arith.addi %add3A_239, %add3A_433 : vector<16xi32>
      tpu.vector_store_idx %arg22[%add3A_434], %gather3A_431 : memref<31232xf32, #tpu.memory_space<vmem>>[vector<16xi32>], vector<16xf32>,
      %add3A_435 = arith.constant 13 : i32
      %add3A_436 = vector.broadcast %add3A_435 : i32 to vector<16xi32>
      %add3A_437 = arith.addi %get3A_246, %add3A_436 : vector<16xi32>
      %gather3A_438 = tpu.vector_load_idx %arg9[%add3A_437] : memref<2816xf32, #tpu.memory_space<vmem>>[vector<16xi32>], vector<16xf32>,
      %add3A_439 = arith.constant 35 : i32
      %add3A_440 = vector.broadcast %add3A_439 : i32 to vector<16xi32>
      %add3A_441 = arith.addi %add3A_239, %add3A_440 : vector<16xi32>
      tpu.vector_store_idx %arg22[%add3A_441], %gather3A_438 : memref<31232xf32, #tpu.memory_space<vmem>>[vector<16xi32>], vector<16xf32>,
      %add3A_442 = arith.constant 14 : i32
      %add3A_443 = vector.broadcast %add3A_442 : i32 to vector<16xi32>
      %add3A_444 = arith.addi %get3A_242, %add3A_443 : vector<16xi32>
      %gather3A_445 = tpu.vector_load_idx %arg9[%add3A_444] : memref<2816xf32, #tpu.memory_space<vmem>>[vector<16xi32>], vector<16xf32>,
      %add3A_446 = arith.constant 14 : i32
      %add3A_447 = vector.broadcast %add3A_446 : i32 to vector<16xi32>
      %add3A_448 = arith.addi %add3A_239, %add3A_447 : vector<16xi32>
      tpu.vector_store_idx %arg22[%add3A_448], %gather3A_445 : memref<31232xf32, #tpu.memory_space<vmem>>[vector<16xi32>], vector<16xf32>,
      %add3A_449 = arith.constant 14 : i32
      %add3A_450 = vector.broadcast %add3A_449 : i32 to vector<16xi32>
      %add3A_451 = arith.addi %get3A_246, %add3A_450 : vector<16xi32>
      %gather3A_452 = tpu.vector_load_idx %arg9[%add3A_451] : memref<2816xf32, #tpu.memory_space<vmem>>[vector<16xi32>], vector<16xf32>,
      %add3A_453 = arith.constant 36 : i32
      %add3A_454 = vector.broadcast %add3A_453 : i32 to vector<16xi32>
      %add3A_455 = arith.addi %add3A_239, %add3A_454 : vector<16xi32>
      tpu.vector_store_idx %arg22[%add3A_455], %gather3A_452 : memref<31232xf32, #tpu.memory_space<vmem>>[vector<16xi32>], vector<16xf32>,
      %add3A_456 = arith.constant 15 : i32
      %add3A_457 = vector.broadcast %add3A_456 : i32 to vector<16xi32>
      %add3A_458 = arith.addi %get3A_242, %add3A_457 : vector<16xi32>
      %gather3A_459 = tpu.vector_load_idx %arg9[%add3A_458] : memref<2816xf32, #tpu.memory_space<vmem>>[vector<16xi32>], vector<16xf32>,
      %add3A_460 = arith.constant 15 : i32
      %add3A_461 = vector.broadcast %add3A_460 : i32 to vector<16xi32>
      %add3A_462 = arith.addi %add3A_239, %add3A_461 : vector<16xi32>
      tpu.vector_store_idx %arg22[%add3A_462], %gather3A_459 : memref<31232xf32, #tpu.memory_space<vmem>>[vector<16xi32>], vector<16xf32>,
      %add3A_463 = arith.constant 15 : i32
      %add3A_464 = vector.broadcast %add3A_463 : i32 to vector<16xi32>
      %add3A_465 = arith.addi %get3A_246, %add3A_464 : vector<16xi32>
      %gather3A_466 = tpu.vector_load_idx %arg9[%add3A_465] : memref<2816xf32, #tpu.memory_space<vmem>>[vector<16xi32>], vector<16xf32>,
      %add3A_467 = arith.constant 37 : i32
      %add3A_468 = vector.broadcast %add3A_467 : i32 to vector<16xi32>
      %add3A_469 = arith.addi %add3A_239, %add3A_468 : vector<16xi32>
      tpu.vector_store_idx %arg22[%add3A_469], %gather3A_466 : memref<31232xf32, #tpu.memory_space<vmem>>[vector<16xi32>], vector<16xf32>,
      %add3A_470 = arith.constant 16 : i32
      %add3A_471 = vector.broadcast %add3A_470 : i32 to vector<16xi32>
      %add3A_472 = arith.addi %get3A_242, %add3A_471 : vector<16xi32>
      %gather3A_473 = tpu.vector_load_idx %arg9[%add3A_472] : memref<2816xf32, #tpu.memory_space<vmem>>[vector<16xi32>], vector<16xf32>,
      %add3A_474 = arith.constant 16 : i32
      %add3A_475 = vector.broadcast %add3A_474 : i32 to vector<16xi32>
      %add3A_476 = arith.addi %add3A_239, %add3A_475 : vector<16xi32>
      tpu.vector_store_idx %arg22[%add3A_476], %gather3A_473 : memref<31232xf32, #tpu.memory_space<vmem>>[vector<16xi32>], vector<16xf32>,
      %add3A_477 = arith.constant 16 : i32
      %add3A_478 = vector.broadcast %add3A_477 : i32 to vector<16xi32>
      %add3A_479 = arith.addi %get3A_246, %add3A_478 : vector<16xi32>
      %gather3A_480 = tpu.vector_load_idx %arg9[%add3A_479] : memref<2816xf32, #tpu.memory_space<vmem>>[vector<16xi32>], vector<16xf32>,
      %add3A_481 = arith.constant 38 : i32
      %add3A_482 = vector.broadcast %add3A_481 : i32 to vector<16xi32>
      %add3A_483 = arith.addi %add3A_239, %add3A_482 : vector<16xi32>
      tpu.vector_store_idx %arg22[%add3A_483], %gather3A_480 : memref<31232xf32, #tpu.memory_space<vmem>>[vector<16xi32>], vector<16xf32>,
      %add3A_484 = arith.constant 17 : i32
      %add3A_485 = vector.broadcast %add3A_484 : i32 to vector<16xi32>
      %add3A_486 = arith.addi %get3A_242, %add3A_485 : vector<16xi32>
      %gather3A_487 = tpu.vector_load_idx %arg9[%add3A_486] : memref<2816xf32, #tpu.memory_space<vmem>>[vector<16xi32>], vector<16xf32>,
      %add3A_488 = arith.constant 17 : i32
      %add3A_489 = vector.broadcast %add3A_488 : i32 to vector<16xi32>
      %add3A_490 = arith.addi %add3A_239, %add3A_489 : vector<16xi32>
      tpu.vector_store_idx %arg22[%add3A_490], %gather3A_487 : memref<31232xf32, #tpu.memory_space<vmem>>[vector<16xi32>], vector<16xf32>,
      %add3A_491 = arith.constant 17 : i32
      %add3A_492 = vector.broadcast %add3A_491 : i32 to vector<16xi32>
      %add3A_493 = arith.addi %get3A_246, %add3A_492 : vector<16xi32>
      %gather3A_494 = tpu.vector_load_idx %arg9[%add3A_493] : memref<2816xf32, #tpu.memory_space<vmem>>[vector<16xi32>], vector<16xf32>,
      %add3A_495 = arith.constant 39 : i32
      %add3A_496 = vector.broadcast %add3A_495 : i32 to vector<16xi32>
      %add3A_497 = arith.addi %add3A_239, %add3A_496 : vector<16xi32>
      tpu.vector_store_idx %arg22[%add3A_497], %gather3A_494 : memref<31232xf32, #tpu.memory_space<vmem>>[vector<16xi32>], vector<16xf32>,
      %add3A_498 = arith.constant 18 : i32
      %add3A_499 = vector.broadcast %add3A_498 : i32 to vector<16xi32>
      %add3A_500 = arith.addi %get3A_242, %add3A_499 : vector<16xi32>
      %gather3A_501 = tpu.vector_load_idx %arg9[%add3A_500] : memref<2816xf32, #tpu.memory_space<vmem>>[vector<16xi32>], vector<16xf32>,
      %add3A_502 = arith.constant 18 : i32
      %add3A_503 = vector.broadcast %add3A_502 : i32 to vector<16xi32>
      %add3A_504 = arith.addi %add3A_239, %add3A_503 : vector<16xi32>
      tpu.vector_store_idx %arg22[%add3A_504], %gather3A_501 : memref<31232xf32, #tpu.memory_space<vmem>>[vector<16xi32>], vector<16xf32>,
      %add3A_505 = arith.constant 18 : i32
      %add3A_506 = vector.broadcast %add3A_505 : i32 to vector<16xi32>
      %add3A_507 = arith.addi %get3A_246, %add3A_506 : vector<16xi32>
      %gather3A_508 = tpu.vector_load_idx %arg9[%add3A_507] : memref<2816xf32, #tpu.memory_space<vmem>>[vector<16xi32>], vector<16xf32>,
      %add3A_509 = arith.constant 40 : i32
      %add3A_510 = vector.broadcast %add3A_509 : i32 to vector<16xi32>
      %add3A_511 = arith.addi %add3A_239, %add3A_510 : vector<16xi32>
      tpu.vector_store_idx %arg22[%add3A_511], %gather3A_508 : memref<31232xf32, #tpu.memory_space<vmem>>[vector<16xi32>], vector<16xf32>,
      %add3A_512 = arith.constant 19 : i32
      %add3A_513 = vector.broadcast %add3A_512 : i32 to vector<16xi32>
      %add3A_514 = arith.addi %get3A_242, %add3A_513 : vector<16xi32>
      %gather3A_515 = tpu.vector_load_idx %arg9[%add3A_514] : memref<2816xf32, #tpu.memory_space<vmem>>[vector<16xi32>], vector<16xf32>,
      %add3A_516 = arith.constant 19 : i32
      %add3A_517 = vector.broadcast %add3A_516 : i32 to vector<16xi32>
      %add3A_518 = arith.addi %add3A_239, %add3A_517 : vector<16xi32>
      tpu.vector_store_idx %arg22[%add3A_518], %gather3A_515 : memref<31232xf32, #tpu.memory_space<vmem>>[vector<16xi32>], vector<16xf32>,
      %add3A_519 = arith.constant 19 : i32
      %add3A_520 = vector.broadcast %add3A_519 : i32 to vector<16xi32>
      %add3A_521 = arith.addi %get3A_246, %add3A_520 : vector<16xi32>
      %gather3A_522 = tpu.vector_load_idx %arg9[%add3A_521] : memref<2816xf32, #tpu.memory_space<vmem>>[vector<16xi32>], vector<16xf32>,
      %add3A_523 = arith.constant 41 : i32
      %add3A_524 = vector.broadcast %add3A_523 : i32 to vector<16xi32>
      %add3A_525 = arith.addi %add3A_239, %add3A_524 : vector<16xi32>
      tpu.vector_store_idx %arg22[%add3A_525], %gather3A_522 : memref<31232xf32, #tpu.memory_space<vmem>>[vector<16xi32>], vector<16xf32>,
      %add3A_526 = arith.constant 20 : i32
      %add3A_527 = vector.broadcast %add3A_526 : i32 to vector<16xi32>
      %add3A_528 = arith.addi %get3A_242, %add3A_527 : vector<16xi32>
      %gather3A_529 = tpu.vector_load_idx %arg9[%add3A_528] : memref<2816xf32, #tpu.memory_space<vmem>>[vector<16xi32>], vector<16xf32>,
      %add3A_530 = arith.constant 20 : i32
      %add3A_531 = vector.broadcast %add3A_530 : i32 to vector<16xi32>
      %add3A_532 = arith.addi %add3A_239, %add3A_531 : vector<16xi32>
      tpu.vector_store_idx %arg22[%add3A_532], %gather3A_529 : memref<31232xf32, #tpu.memory_space<vmem>>[vector<16xi32>], vector<16xf32>,
      %add3A_533 = arith.constant 20 : i32
      %add3A_534 = vector.broadcast %add3A_533 : i32 to vector<16xi32>
      %add3A_535 = arith.addi %get3A_246, %add3A_534 : vector<16xi32>
      %gather3A_536 = tpu.vector_load_idx %arg9[%add3A_535] : memref<2816xf32, #tpu.memory_space<vmem>>[vector<16xi32>], vector<16xf32>,
      %add3A_537 = arith.constant 42 : i32
      %add3A_538 = vector.broadcast %add3A_537 : i32 to vector<16xi32>
      %add3A_539 = arith.addi %add3A_239, %add3A_538 : vector<16xi32>
      tpu.vector_store_idx %arg22[%add3A_539], %gather3A_536 : memref<31232xf32, #tpu.memory_space<vmem>>[vector<16xi32>], vector<16xf32>,
      %add3A_540 = arith.constant 21 : i32
      %add3A_541 = vector.broadcast %add3A_540 : i32 to vector<16xi32>
      %add3A_542 = arith.addi %get3A_242, %add3A_541 : vector<16xi32>
      %gather3A_543 = tpu.vector_load_idx %arg9[%add3A_542] : memref<2816xf32, #tpu.memory_space<vmem>>[vector<16xi32>], vector<16xf32>,
      %add3A_544 = arith.constant 21 : i32
      %add3A_545 = vector.broadcast %add3A_544 : i32 to vector<16xi32>
      %add3A_546 = arith.addi %add3A_239, %add3A_545 : vector<16xi32>
      tpu.vector_store_idx %arg22[%add3A_546], %gather3A_543 : memref<31232xf32, #tpu.memory_space<vmem>>[vector<16xi32>], vector<16xf32>,
      %add3A_547 = arith.constant 21 : i32
      %add3A_548 = vector.broadcast %add3A_547 : i32 to vector<16xi32>
      %add3A_549 = arith.addi %get3A_246, %add3A_548 : vector<16xi32>
      %gather3A_550 = tpu.vector_load_idx %arg9[%add3A_549] : memref<2816xf32, #tpu.memory_space<vmem>>[vector<16xi32>], vector<16xf32>,
      %add3A_551 = arith.constant 43 : i32
      %add3A_552 = vector.broadcast %add3A_551 : i32 to vector<16xi32>
      %add3A_553 = arith.addi %add3A_239, %add3A_552 : vector<16xi32>
      tpu.vector_store_idx %arg22[%add3A_553], %gather3A_550 : memref<31232xf32, #tpu.memory_space<vmem>>[vector<16xi32>], vector<16xf32>,
      %broadcast_in_dim3A = arith.constant 0 : i32
      %broadcast_in_dim3A_554 = vector.broadcast %broadcast_in_dim3A : i32 to vector<16xi32>
      %add3A_555 = arith.constant 0 : i32
      %add3A_556 = vector.broadcast %add3A_555 : i32 to vector<16xi32>
      %add3A_557 = arith.addi %broadcast_in_dim3A_554, %add3A_556 : vector<16xi32>
      %gather3A_558 = tpu.vector_load_idx %arg18[%add3A_235, %add3A_557] : memref<512x16xf32, #tpu.memory_space<vmem>>[vector<16xi32>, vector<16xi32>], vector<16xf32>,
      %add3A_559 = arith.constant 44 : i32
      %add3A_560 = vector.broadcast %add3A_559 : i32 to vector<16xi32>
      %add3A_561 = arith.addi %add3A_239, %add3A_560 : vector<16xi32>
      tpu.vector_store_idx %arg22[%add3A_561], %gather3A_558 : memref<31232xf32, #tpu.memory_space<vmem>>[vector<16xi32>], vector<16xf32>,
      %add3A_562 = arith.constant 1 : i32
      %add3A_563 = vector.broadcast %add3A_562 : i32 to vector<16xi32>
      %add3A_564 = arith.addi %broadcast_in_dim3A_554, %add3A_563 : vector<16xi32>
      %gather3A_565 = tpu.vector_load_idx %arg18[%add3A_235, %add3A_564] : memref<512x16xf32, #tpu.memory_space<vmem>>[vector<16xi32>, vector<16xi32>], vector<16xf32>,
      %add3A_566 = arith.constant 45 : i32
      %add3A_567 = vector.broadcast %add3A_566 : i32 to vector<16xi32>
      %add3A_568 = arith.addi %add3A_239, %add3A_567 : vector<16xi32>
      tpu.vector_store_idx %arg22[%add3A_568], %gather3A_565 : memref<31232xf32, #tpu.memory_space<vmem>>[vector<16xi32>], vector<16xf32>,
      %add3A_569 = arith.constant 2 : i32
      %add3A_570 = vector.broadcast %add3A_569 : i32 to vector<16xi32>
      %add3A_571 = arith.addi %broadcast_in_dim3A_554, %add3A_570 : vector<16xi32>
      %gather3A_572 = tpu.vector_load_idx %arg18[%add3A_235, %add3A_571] : memref<512x16xf32, #tpu.memory_space<vmem>>[vector<16xi32>, vector<16xi32>], vector<16xf32>,
      %add3A_573 = arith.constant 46 : i32
      %add3A_574 = vector.broadcast %add3A_573 : i32 to vector<16xi32>
      %add3A_575 = arith.addi %add3A_239, %add3A_574 : vector<16xi32>
      tpu.vector_store_idx %arg22[%add3A_575], %gather3A_572 : memref<31232xf32, #tpu.memory_space<vmem>>[vector<16xi32>], vector<16xf32>,
      %add3A_576 = arith.constant 3 : i32
      %add3A_577 = vector.broadcast %add3A_576 : i32 to vector<16xi32>
      %add3A_578 = arith.addi %broadcast_in_dim3A_554, %add3A_577 : vector<16xi32>
      %gather3A_579 = tpu.vector_load_idx %arg18[%add3A_235, %add3A_578] : memref<512x16xf32, #tpu.memory_space<vmem>>[vector<16xi32>, vector<16xi32>], vector<16xf32>,
      %add3A_580 = arith.constant 47 : i32
      %add3A_581 = vector.broadcast %add3A_580 : i32 to vector<16xi32>
      %add3A_582 = arith.addi %add3A_239, %add3A_581 : vector<16xi32>
      tpu.vector_store_idx %arg22[%add3A_582], %gather3A_579 : memref<31232xf32, #tpu.memory_space<vmem>>[vector<16xi32>], vector<16xf32>,
      %add3A_583 = arith.constant 4 : i32
      %add3A_584 = vector.broadcast %add3A_583 : i32 to vector<16xi32>
      %add3A_585 = arith.addi %broadcast_in_dim3A_554, %add3A_584 : vector<16xi32>
      %gather3A_586 = tpu.vector_load_idx %arg18[%add3A_235, %add3A_585] : memref<512x16xf32, #tpu.memory_space<vmem>>[vector<16xi32>, vector<16xi32>], vector<16xf32>,
      %add3A_587 = arith.constant 48 : i32
      %add3A_588 = vector.broadcast %add3A_587 : i32 to vector<16xi32>
      %add3A_589 = arith.addi %add3A_239, %add3A_588 : vector<16xi32>
      tpu.vector_store_idx %arg22[%add3A_589], %gather3A_586 : memref<31232xf32, #tpu.memory_space<vmem>>[vector<16xi32>], vector<16xf32>,
      %add3A_590 = arith.constant 5 : i32
      %add3A_591 = vector.broadcast %add3A_590 : i32 to vector<16xi32>
      %add3A_592 = arith.addi %broadcast_in_dim3A_554, %add3A_591 : vector<16xi32>
      %gather3A_593 = tpu.vector_load_idx %arg18[%add3A_235, %add3A_592] : memref<512x16xf32, #tpu.memory_space<vmem>>[vector<16xi32>, vector<16xi32>], vector<16xf32>,
      %add3A_594 = arith.constant 49 : i32
      %add3A_595 = vector.broadcast %add3A_594 : i32 to vector<16xi32>
      %add3A_596 = arith.addi %add3A_239, %add3A_595 : vector<16xi32>
      tpu.vector_store_idx %arg22[%add3A_596], %gather3A_593 : memref<31232xf32, #tpu.memory_space<vmem>>[vector<16xi32>], vector<16xf32>,
      %add3A_597 = arith.constant 6 : i32
      %add3A_598 = vector.broadcast %add3A_597 : i32 to vector<16xi32>
      %add3A_599 = arith.addi %broadcast_in_dim3A_554, %add3A_598 : vector<16xi32>
      %gather3A_600 = tpu.vector_load_idx %arg18[%add3A_235, %add3A_599] : memref<512x16xf32, #tpu.memory_space<vmem>>[vector<16xi32>, vector<16xi32>], vector<16xf32>,
      %add3A_601 = arith.constant 50 : i32
      %add3A_602 = vector.broadcast %add3A_601 : i32 to vector<16xi32>
      %add3A_603 = arith.addi %add3A_239, %add3A_602 : vector<16xi32>
      tpu.vector_store_idx %arg22[%add3A_603], %gather3A_600 : memref<31232xf32, #tpu.memory_space<vmem>>[vector<16xi32>], vector<16xf32>,
      %add3A_604 = arith.constant 7 : i32
      %add3A_605 = vector.broadcast %add3A_604 : i32 to vector<16xi32>
      %add3A_606 = arith.addi %broadcast_in_dim3A_554, %add3A_605 : vector<16xi32>
      %gather3A_607 = tpu.vector_load_idx %arg18[%add3A_235, %add3A_606] : memref<512x16xf32, #tpu.memory_space<vmem>>[vector<16xi32>, vector<16xi32>], vector<16xf32>,
      %add3A_608 = arith.constant 51 : i32
      %add3A_609 = vector.broadcast %add3A_608 : i32 to vector<16xi32>
      %add3A_610 = arith.addi %add3A_239, %add3A_609 : vector<16xi32>
      tpu.vector_store_idx %arg22[%add3A_610], %gather3A_607 : memref<31232xf32, #tpu.memory_space<vmem>>[vector<16xi32>], vector<16xf32>,
      %add3A_611 = arith.constant 8 : i32
      %add3A_612 = vector.broadcast %add3A_611 : i32 to vector<16xi32>
      %add3A_613 = arith.addi %broadcast_in_dim3A_554, %add3A_612 : vector<16xi32>
      %gather3A_614 = tpu.vector_load_idx %arg18[%add3A_235, %add3A_613] : memref<512x16xf32, #tpu.memory_space<vmem>>[vector<16xi32>, vector<16xi32>], vector<16xf32>,
      %add3A_615 = arith.constant 52 : i32
      %add3A_616 = vector.broadcast %add3A_615 : i32 to vector<16xi32>
      %add3A_617 = arith.addi %add3A_239, %add3A_616 : vector<16xi32>
      tpu.vector_store_idx %arg22[%add3A_617], %gather3A_614 : memref<31232xf32, #tpu.memory_space<vmem>>[vector<16xi32>], vector<16xf32>,
      %add3A_618 = arith.constant 9 : i32
      %add3A_619 = vector.broadcast %add3A_618 : i32 to vector<16xi32>
      %add3A_620 = arith.addi %broadcast_in_dim3A_554, %add3A_619 : vector<16xi32>
      %gather3A_621 = tpu.vector_load_idx %arg18[%add3A_235, %add3A_620] : memref<512x16xf32, #tpu.memory_space<vmem>>[vector<16xi32>, vector<16xi32>], vector<16xf32>,
      %add3A_622 = arith.constant 53 : i32
      %add3A_623 = vector.broadcast %add3A_622 : i32 to vector<16xi32>
      %add3A_624 = arith.addi %add3A_239, %add3A_623 : vector<16xi32>
      tpu.vector_store_idx %arg22[%add3A_624], %gather3A_621 : memref<31232xf32, #tpu.memory_space<vmem>>[vector<16xi32>], vector<16xf32>,
      %add3A_625 = arith.constant 10 : i32
      %add3A_626 = vector.broadcast %add3A_625 : i32 to vector<16xi32>
      %add3A_627 = arith.addi %broadcast_in_dim3A_554, %add3A_626 : vector<16xi32>
      %gather3A_628 = tpu.vector_load_idx %arg18[%add3A_235, %add3A_627] : memref<512x16xf32, #tpu.memory_space<vmem>>[vector<16xi32>, vector<16xi32>], vector<16xf32>,
      %add3A_629 = arith.constant 54 : i32
      %add3A_630 = vector.broadcast %add3A_629 : i32 to vector<16xi32>
      %add3A_631 = arith.addi %add3A_239, %add3A_630 : vector<16xi32>
      tpu.vector_store_idx %arg22[%add3A_631], %gather3A_628 : memref<31232xf32, #tpu.memory_space<vmem>>[vector<16xi32>], vector<16xf32>,
      %add3A_632 = arith.constant 11 : i32
      %add3A_633 = vector.broadcast %add3A_632 : i32 to vector<16xi32>
      %add3A_634 = arith.addi %broadcast_in_dim3A_554, %add3A_633 : vector<16xi32>
      %gather3A_635 = tpu.vector_load_idx %arg18[%add3A_235, %add3A_634] : memref<512x16xf32, #tpu.memory_space<vmem>>[vector<16xi32>, vector<16xi32>], vector<16xf32>,
      %add3A_636 = arith.constant 55 : i32
      %add3A_637 = vector.broadcast %add3A_636 : i32 to vector<16xi32>
      %add3A_638 = arith.addi %add3A_239, %add3A_637 : vector<16xi32>
      tpu.vector_store_idx %arg22[%add3A_638], %gather3A_635 : memref<31232xf32, #tpu.memory_space<vmem>>[vector<16xi32>], vector<16xf32>,
      %add3A_639 = arith.constant 12 : i32
      %add3A_640 = vector.broadcast %add3A_639 : i32 to vector<16xi32>
      %add3A_641 = arith.addi %broadcast_in_dim3A_554, %add3A_640 : vector<16xi32>
      %gather3A_642 = tpu.vector_load_idx %arg18[%add3A_235, %add3A_641] : memref<512x16xf32, #tpu.memory_space<vmem>>[vector<16xi32>, vector<16xi32>], vector<16xf32>,
      %add3A_643 = arith.constant 56 : i32
      %add3A_644 = vector.broadcast %add3A_643 : i32 to vector<16xi32>
      %add3A_645 = arith.addi %add3A_239, %add3A_644 : vector<16xi32>
      tpu.vector_store_idx %arg22[%add3A_645], %gather3A_642 : memref<31232xf32, #tpu.memory_space<vmem>>[vector<16xi32>], vector<16xf32>,
      %add3A_646 = arith.constant 13 : i32
      %add3A_647 = vector.broadcast %add3A_646 : i32 to vector<16xi32>
      %add3A_648 = arith.addi %broadcast_in_dim3A_554, %add3A_647 : vector<16xi32>
      %gather3A_649 = tpu.vector_load_idx %arg18[%add3A_235, %add3A_648] : memref<512x16xf32, #tpu.memory_space<vmem>>[vector<16xi32>, vector<16xi32>], vector<16xf32>,
      %add3A_650 = arith.constant 57 : i32
      %add3A_651 = vector.broadcast %add3A_650 : i32 to vector<16xi32>
      %add3A_652 = arith.addi %add3A_239, %add3A_651 : vector<16xi32>
      tpu.vector_store_idx %arg22[%add3A_652], %gather3A_649 : memref<31232xf32, #tpu.memory_space<vmem>>[vector<16xi32>], vector<16xf32>,
      %add3A_653 = arith.constant 14 : i32
      %add3A_654 = vector.broadcast %add3A_653 : i32 to vector<16xi32>
      %add3A_655 = arith.addi %broadcast_in_dim3A_554, %add3A_654 : vector<16xi32>
      %gather3A_656 = tpu.vector_load_idx %arg18[%add3A_235, %add3A_655] : memref<512x16xf32, #tpu.memory_space<vmem>>[vector<16xi32>, vector<16xi32>], vector<16xf32>,
      %add3A_657 = arith.constant 58 : i32
      %add3A_658 = vector.broadcast %add3A_657 : i32 to vector<16xi32>
      %add3A_659 = arith.addi %add3A_239, %add3A_658 : vector<16xi32>
      tpu.vector_store_idx %arg22[%add3A_659], %gather3A_656 : memref<31232xf32, #tpu.memory_space<vmem>>[vector<16xi32>], vector<16xf32>,
      %add3A_660 = arith.constant 15 : i32
      %add3A_661 = vector.broadcast %add3A_660 : i32 to vector<16xi32>
      %add3A_662 = arith.addi %broadcast_in_dim3A_554, %add3A_661 : vector<16xi32>
      %gather3A_663 = tpu.vector_load_idx %arg18[%add3A_235, %add3A_662] : memref<512x16xf32, #tpu.memory_space<vmem>>[vector<16xi32>, vector<16xi32>], vector<16xf32>,
      %add3A_664 = arith.constant 59 : i32
      %add3A_665 = vector.broadcast %add3A_664 : i32 to vector<16xi32>
      %add3A_666 = arith.addi %add3A_239, %add3A_665 : vector<16xi32>
      tpu.vector_store_idx %arg22[%add3A_666], %gather3A_663 : memref<31232xf32, #tpu.memory_space<vmem>>[vector<16xi32>], vector<16xf32>,
      %mul3A_667 = arith.constant 16 : i32
      %mul3A_668 = arith.muli %scan3A_231, %mul3A_667 : i32
      %get3A_669 = arith.index_cast %mul3A_668 : i32 to index
      %get3A_670 = tpu.vector_load %arg20[%get3A_669] {strides = array<i32>} : memref<512xf32, #tpu.memory_space<vmem>>, vector<16xf32>,
      %add3A_671 = arith.constant 60 : i32
      %add3A_672 = vector.broadcast %add3A_671 : i32 to vector<16xi32>
      %add3A_673 = arith.addi %add3A_239, %add3A_672 : vector<16xi32>
      tpu.vector_store_idx %arg22[%add3A_673], %get3A_670 : memref<31232xf32, #tpu.memory_space<vmem>>[vector<16xi32>], vector<16xf32>,
    }
    %scan3A_48 = arith.constant 32 : i32
    %add3A_49 = arith.constant 0 : i32
    %add3A_50 = arith.addi %mul3A_2, %add3A_49 : i32
    %mul3A_51 = arith.constant 61 : i32
    %mul3A_52 = arith.muli %add3A_50, %mul3A_51 : i32
    %dma_start3A_53 = tpu.memref_slice %arg8[%mul3A_52] : memref<97600000xf32, #tpu.memory_space<hbm>> -> memref<31232xf32, #tpu.memory_space<hbm>>
    %dma_start3A_54 = tpu.memref_slice %arg8[%mul3A_52] : memref<97600000xf32, #tpu.memory_space<hbm>> -> memref<31232xf32, #tpu.memory_space<hbm>>
    tpu.enqueue_dma source(%arg22 : memref<31232xf32, #tpu.memory_space<vmem>>) target(%dma_start3A_54 : memref<31232xf32, #tpu.memory_space<hbm>>) target_semaphore(%arg28 : memref<!tpu.dma_semaphore, #tpu.memory_space<semaphore_mem>>)
    %add3A_55 = arith.constant 512 : i32
    %add3A_56 = arith.addi %mul3A_2, %add3A_55 : i32
    %dma_wait3A_57 = tpu.memref_slice %arg4[%add3A_56] : memref<1600000xi32, #tpu.memory_space<hbm>> -> memref<512xi32, #tpu.memory_space<hbm>>
    %dma_wait3A_58 = tpu.memref_slice %arg4[%add3A_56] : memref<1600000xi32, #tpu.memory_space<hbm>> -> memref<512xi32, #tpu.memory_space<hbm>>
    tpu.wait_dma2 semaphore(%arg25 : memref<!tpu.dma_semaphore, #tpu.memory_space<semaphore_mem>>) src(%dma_wait3A_58 : memref<512xi32, #tpu.memory_space<hbm>>) dst(%arg11 : memref<512xi32, #tpu.memory_space<vmem>>)
    %dma_wait3A_59 = tpu.memref_slice %arg5[%add3A_56] : memref<1600000xi32, #tpu.memory_space<hbm>> -> memref<512xi32, #tpu.memory_space<hbm>>
    %dma_wait3A_60 = tpu.memref_slice %arg5[%add3A_56] : memref<1600000xi32, #tpu.memory_space<hbm>> -> memref<512xi32, #tpu.memory_space<hbm>>
    tpu.wait_dma2 semaphore(%arg25 : memref<!tpu.dma_semaphore, #tpu.memory_space<semaphore_mem>>) src(%dma_wait3A_60 : memref<512xi32, #tpu.memory_space<hbm>>) dst(%arg13 : memref<512xi32, #tpu.memory_space<vmem>>)
    %add3A_61 = arith.constant 512 : i32
    %add3A_62 = arith.addi %mul3A_2, %add3A_61 : i32
    %dma_start3A_63 = arith.constant 0 : i32
    %dma_start3A_64 = tpu.memref_slice %arg3[%dma_start3A_63] : memref<100000xi32, #tpu.memory_space<hbm>> -> memref<100000xi32, #tpu.memory_space<hbm>>
    tpu.enqueue_indirect_dma source(%dma_start3A_64 : memref<100000xi32, #tpu.memory_space<hbm>>) target(%arg15 : memref<512xi32, #tpu.memory_space<vmem>>) offsets(%arg11 : memref<512xi32, #tpu.memory_space<vmem>>) semaphore(%arg27 : memref<!tpu.dma_semaphore, #tpu.memory_space<semaphore_mem>>)
    %dma_start3A_65 = arith.constant 0 : i32
    %dma_start3A_66 = tpu.memref_slice %arg3[%dma_start3A_65] : memref<100000xi32, #tpu.memory_space<hbm>> -> memref<100000xi32, #tpu.memory_space<hbm>>
    tpu.enqueue_indirect_dma source(%dma_start3A_66 : memref<100000xi32, #tpu.memory_space<hbm>>) target(%arg17 : memref<512xi32, #tpu.memory_space<vmem>>) offsets(%arg13 : memref<512xi32, #tpu.memory_space<vmem>>) semaphore(%arg27 : memref<!tpu.dma_semaphore, #tpu.memory_space<semaphore_mem>>)
    %dma_start3A_67 = arith.constant 0 : i32
    %dma_start3A_68 = tpu.memref_slice %arg7[%add3A_62, %dma_start3A_67] : memref<1600000x16xf32, #tpu.memory_space<hbm>> -> memref<512x16xf32, #tpu.memory_space<hbm>>
    %dma_start3A_69 = arith.constant 0 : i32
    %dma_start3A_70 = tpu.memref_slice %arg7[%add3A_62, %dma_start3A_69] : memref<1600000x16xf32, #tpu.memory_space<hbm>> -> memref<512x16xf32, #tpu.memory_space<hbm>>
    tpu.enqueue_dma source(%dma_start3A_70 : memref<512x16xf32, #tpu.memory_space<hbm>>) target(%arg19 : memref<512x16xf32, #tpu.memory_space<vmem>>) target_semaphore(%arg27 : memref<!tpu.dma_semaphore, #tpu.memory_space<semaphore_mem>>)
    %dma_start3A_71 = tpu.memref_slice %arg6[%add3A_62] : memref<1600000xf32, #tpu.memory_space<hbm>> -> memref<512xf32, #tpu.memory_space<hbm>>
    %dma_start3A_72 = tpu.memref_slice %arg6[%add3A_62] : memref<1600000xf32, #tpu.memory_space<hbm>> -> memref<512xf32, #tpu.memory_space<hbm>>
    tpu.enqueue_dma source(%dma_start3A_72 : memref<512xf32, #tpu.memory_space<hbm>>) target(%arg21 : memref<512xf32, #tpu.memory_space<vmem>>) target_semaphore(%arg27 : memref<!tpu.dma_semaphore, #tpu.memory_space<semaphore_mem>>)
    %add3A_73 = arith.constant 1024 : i32
    %add3A_74 = arith.addi %mul3A_2, %add3A_73 : i32
    %dma_start3A_75 = tpu.memref_slice %arg4[%add3A_74] : memref<1600000xi32, #tpu.memory_space<hbm>> -> memref<512xi32, #tpu.memory_space<hbm>>
    %dma_start3A_76 = tpu.memref_slice %arg4[%add3A_74] : memref<1600000xi32, #tpu.memory_space<hbm>> -> memref<512xi32, #tpu.memory_space<hbm>>
    tpu.enqueue_dma source(%dma_start3A_76 : memref<512xi32, #tpu.memory_space<hbm>>) target(%arg10 : memref<512xi32, #tpu.memory_space<vmem>>) target_semaphore(%arg24 : memref<!tpu.dma_semaphore, #tpu.memory_space<semaphore_mem>>)
    %dma_start3A_77 = tpu.memref_slice %arg5[%add3A_74] : memref<1600000xi32, #tpu.memory_space<hbm>> -> memref<512xi32, #tpu.memory_space<hbm>>
    %dma_start3A_78 = tpu.memref_slice %arg5[%add3A_74] : memref<1600000xi32, #tpu.memory_space<hbm>> -> memref<512xi32, #tpu.memory_space<hbm>>
    tpu.enqueue_dma source(%dma_start3A_78 : memref<512xi32, #tpu.memory_space<hbm>>) target(%arg12 : memref<512xi32, #tpu.memory_space<vmem>>) target_semaphore(%arg24 : memref<!tpu.dma_semaphore, #tpu.memory_space<semaphore_mem>>)
    %dma_wait3A_79 = arith.constant 0 : i32
    %dma_wait3A_80 = tpu.memref_slice %arg3[%dma_wait3A_79] : memref<100000xi32, #tpu.memory_space<hbm>> -> memref<100000xi32, #tpu.memory_space<hbm>>
    tpu.wait_indirect_dma semaphore(%arg27 : memref<!tpu.dma_semaphore, #tpu.memory_space<semaphore_mem>>) src(%dma_wait3A_80 : memref<100000xi32, #tpu.memory_space<hbm>>) dst(%arg15 : memref<512xi32, #tpu.memory_space<vmem>>)
    %dma_wait3A_81 = arith.constant 0 : i32
    %dma_wait3A_82 = tpu.memref_slice %arg3[%dma_wait3A_81] : memref<100000xi32, #tpu.memory_space<hbm>> -> memref<100000xi32, #tpu.memory_space<hbm>>
    tpu.wait_indirect_dma semaphore(%arg27 : memref<!tpu.dma_semaphore, #tpu.memory_space<semaphore_mem>>) src(%dma_wait3A_82 : memref<100000xi32, #tpu.memory_space<hbm>>) dst(%arg17 : memref<512xi32, #tpu.memory_space<vmem>>)
    %dma_wait3A_83 = arith.constant 0 : i32
    %dma_wait3A_84 = tpu.memref_slice %arg7[%add3A_62, %dma_wait3A_83] : memref<1600000x16xf32, #tpu.memory_space<hbm>> -> memref<512x16xf32, #tpu.memory_space<hbm>>
    %dma_wait3A_85 = arith.constant 0 : i32
    %dma_wait3A_86 = tpu.memref_slice %arg7[%add3A_62, %dma_wait3A_85] : memref<1600000x16xf32, #tpu.memory_space<hbm>> -> memref<512x16xf32, #tpu.memory_space<hbm>>
    tpu.wait_dma2 semaphore(%arg27 : memref<!tpu.dma_semaphore, #tpu.memory_space<semaphore_mem>>) src(%dma_wait3A_86 : memref<512x16xf32, #tpu.memory_space<hbm>>) dst(%arg19 : memref<512x16xf32, #tpu.memory_space<vmem>>)
    %dma_wait3A_87 = tpu.memref_slice %arg6[%add3A_62] : memref<1600000xf32, #tpu.memory_space<hbm>> -> memref<512xf32, #tpu.memory_space<hbm>>
    %dma_wait3A_88 = tpu.memref_slice %arg6[%add3A_62] : memref<1600000xf32, #tpu.memory_space<hbm>> -> memref<512xf32, #tpu.memory_space<hbm>>
    tpu.wait_dma2 semaphore(%arg27 : memref<!tpu.dma_semaphore, #tpu.memory_space<semaphore_mem>>) src(%dma_wait3A_88 : memref<512xf32, #tpu.memory_space<hbm>>) dst(%arg21 : memref<512xf32, #tpu.memory_space<vmem>>)
    %scan3A_89 = arith.constant 0 : i32
    %scan3A_90 = arith.constant 0 : i32
    %scan3A_91 = arith.constant 32 : i32
    %scan3A_92 = arith.addi %scan3A_90, %scan3A_91 : i32
    %scan3A_93 = arith.constant 1 : i32
    scf.for %scan3A_231 = %scan3A_90 to %scan3A_92 step %scan3A_93  : i32 {
      %mul3A_232 = arith.constant 16 : i32
      %mul3A_233 = arith.muli %scan3A_231, %mul3A_232 : i32
      %add3A_234 = vector.broadcast %mul3A_233 : i32 to vector<16xi32>
      %add3A_235 = arith.addi %add3A_234, %iota3A : vector<16xi32>
      %mul3A_236 = arith.constant 976 : i32
      %mul3A_237 = arith.muli %scan3A_231, %mul3A_236 : i32
      %add3A_238 = vector.broadcast %mul3A_237 : i32 to vector<16xi32>
      %add3A_239 = arith.addi %add3A_238, %mul3A_5 : vector<16xi32>
      %mul3A_240 = arith.constant 16 : i32
      %mul3A_241 = arith.muli %scan3A_231, %mul3A_240 : i32
      %get3A = arith.index_cast %mul3A_241 : i32 to index
      %get3A_242 = tpu.vector_load %arg15[%get3A] {strides = array<i32>} : memref<512xi32, #tpu.memory_space<vmem>>, vector<16xi32>,
      %mul3A_243 = arith.constant 16 : i32
      %mul3A_244 = arith.muli %scan3A_231, %mul3A_243 : i32
      %get3A_245 = arith.index_cast %mul3A_244 : i32 to index
      %get3A_246 = tpu.vector_load %arg17[%get3A_245] {strides = array<i32>} : memref<512xi32, #tpu.memory_space<vmem>>, vector<16xi32>,
      %add3A_247 = arith.constant 0 : i32
      %add3A_248 = vector.broadcast %add3A_247 : i32 to vector<16xi32>
      %add3A_249 = arith.addi %get3A_242, %add3A_248 : vector<16xi32>
      %gather3A = tpu.vector_load_idx %arg9[%add3A_249] : memref<2816xf32, #tpu.memory_space<vmem>>[vector<16xi32>], vector<16xf32>,
      %add3A_250 = arith.constant 0 : i32
      %add3A_251 = vector.broadcast %add3A_250 : i32 to vector<16xi32>
      %add3A_252 = arith.addi %add3A_239, %add3A_251 : vector<16xi32>
      tpu.vector_store_idx %arg23[%add3A_252], %gather3A : memref<31232xf32, #tpu.memory_space<vmem>>[vector<16xi32>], vector<16xf32>,
      %add3A_253 = arith.constant 0 : i32
      %add3A_254 = vector.broadcast %add3A_253 : i32 to vector<16xi32>
      %add3A_255 = arith.addi %get3A_246, %add3A_254 : vector<16xi32>
      %gather3A_256 = tpu.vector_load_idx %arg9[%add3A_255] : memref<2816xf32, #tpu.memory_space<vmem>>[vector<16xi32>], vector<16xf32>,
      %add3A_257 = arith.constant 22 : i32
      %add3A_258 = vector.broadcast %add3A_257 : i32 to vector<16xi32>
      %add3A_259 = arith.addi %add3A_239, %add3A_258 : vector<16xi32>
      tpu.vector_store_idx %arg23[%add3A_259], %gather3A_256 : memref<31232xf32, #tpu.memory_space<vmem>>[vector<16xi32>], vector<16xf32>,
      %add3A_260 = arith.constant 1 : i32
      %add3A_261 = vector.broadcast %add3A_260 : i32 to vector<16xi32>
      %add3A_262 = arith.addi %get3A_242, %add3A_261 : vector<16xi32>
      %gather3A_263 = tpu.vector_load_idx %arg9[%add3A_262] : memref<2816xf32, #tpu.memory_space<vmem>>[vector<16xi32>], vector<16xf32>,
      %add3A_264 = arith.constant 1 : i32
      %add3A_265 = vector.broadcast %add3A_264 : i32 to vector<16xi32>
      %add3A_266 = arith.addi %add3A_239, %add3A_265 : vector<16xi32>
      tpu.vector_store_idx %arg23[%add3A_266], %gather3A_263 : memref<31232xf32, #tpu.memory_space<vmem>>[vector<16xi32>], vector<16xf32>,
      %add3A_267 = arith.constant 1 : i32
      %add3A_268 = vector.broadcast %add3A_267 : i32 to vector<16xi32>
      %add3A_269 = arith.addi %get3A_246, %add3A_268 : vector<16xi32>
      %gather3A_270 = tpu.vector_load_idx %arg9[%add3A_269] : memref<2816xf32, #tpu.memory_space<vmem>>[vector<16xi32>], vector<16xf32>,
      %add3A_271 = arith.constant 23 : i32
      %add3A_272 = vector.broadcast %add3A_271 : i32 to vector<16xi32>
      %add3A_273 = arith.addi %add3A_239, %add3A_272 : vector<16xi32>
      tpu.vector_store_idx %arg23[%add3A_273], %gather3A_270 : memref<31232xf32, #tpu.memory_space<vmem>>[vector<16xi32>], vector<16xf32>,
      %add3A_274 = arith.constant 2 : i32
      %add3A_275 = vector.broadcast %add3A_274 : i32 to vector<16xi32>
      %add3A_276 = arith.addi %get3A_242, %add3A_275 : vector<16xi32>
      %gather3A_277 = tpu.vector_load_idx %arg9[%add3A_276] : memref<2816xf32, #tpu.memory_space<vmem>>[vector<16xi32>], vector<16xf32>,
      %add3A_278 = arith.constant 2 : i32
      %add3A_279 = vector.broadcast %add3A_278 : i32 to vector<16xi32>
      %add3A_280 = arith.addi %add3A_239, %add3A_279 : vector<16xi32>
      tpu.vector_store_idx %arg23[%add3A_280], %gather3A_277 : memref<31232xf32, #tpu.memory_space<vmem>>[vector<16xi32>], vector<16xf32>,
      %add3A_281 = arith.constant 2 : i32
      %add3A_282 = vector.broadcast %add3A_281 : i32 to vector<16xi32>
      %add3A_283 = arith.addi %get3A_246, %add3A_282 : vector<16xi32>
      %gather3A_284 = tpu.vector_load_idx %arg9[%add3A_283] : memref<2816xf32, #tpu.memory_space<vmem>>[vector<16xi32>], vector<16xf32>,
      %add3A_285 = arith.constant 24 : i32
      %add3A_286 = vector.broadcast %add3A_285 : i32 to vector<16xi32>
      %add3A_287 = arith.addi %add3A_239, %add3A_286 : vector<16xi32>
      tpu.vector_store_idx %arg23[%add3A_287], %gather3A_284 : memref<31232xf32, #tpu.memory_space<vmem>>[vector<16xi32>], vector<16xf32>,
      %add3A_288 = arith.constant 3 : i32
      %add3A_289 = vector.broadcast %add3A_288 : i32 to vector<16xi32>
      %add3A_290 = arith.addi %get3A_242, %add3A_289 : vector<16xi32>
      %gather3A_291 = tpu.vector_load_idx %arg9[%add3A_290] : memref<2816xf32, #tpu.memory_space<vmem>>[vector<16xi32>], vector<16xf32>,
      %add3A_292 = arith.constant 3 : i32
      %add3A_293 = vector.broadcast %add3A_292 : i32 to vector<16xi32>
      %add3A_294 = arith.addi %add3A_239, %add3A_293 : vector<16xi32>
      tpu.vector_store_idx %arg23[%add3A_294], %gather3A_291 : memref<31232xf32, #tpu.memory_space<vmem>>[vector<16xi32>], vector<16xf32>,
      %add3A_295 = arith.constant 3 : i32
      %add3A_296 = vector.broadcast %add3A_295 : i32 to vector<16xi32>
      %add3A_297 = arith.addi %get3A_246, %add3A_296 : vector<16xi32>
      %gather3A_298 = tpu.vector_load_idx %arg9[%add3A_297] : memref<2816xf32, #tpu.memory_space<vmem>>[vector<16xi32>], vector<16xf32>,
      %add3A_299 = arith.constant 25 : i32
      %add3A_300 = vector.broadcast %add3A_299 : i32 to vector<16xi32>
      %add3A_301 = arith.addi %add3A_239, %add3A_300 : vector<16xi32>
      tpu.vector_store_idx %arg23[%add3A_301], %gather3A_298 : memref<31232xf32, #tpu.memory_space<vmem>>[vector<16xi32>], vector<16xf32>,
      %add3A_302 = arith.constant 4 : i32
      %add3A_303 = vector.broadcast %add3A_302 : i32 to vector<16xi32>
      %add3A_304 = arith.addi %get3A_242, %add3A_303 : vector<16xi32>
      %gather3A_305 = tpu.vector_load_idx %arg9[%add3A_304] : memref<2816xf32, #tpu.memory_space<vmem>>[vector<16xi32>], vector<16xf32>,
      %add3A_306 = arith.constant 4 : i32
      %add3A_307 = vector.broadcast %add3A_306 : i32 to vector<16xi32>
      %add3A_308 = arith.addi %add3A_239, %add3A_307 : vector<16xi32>
      tpu.vector_store_idx %arg23[%add3A_308], %gather3A_305 : memref<31232xf32, #tpu.memory_space<vmem>>[vector<16xi32>], vector<16xf32>,
      %add3A_309 = arith.constant 4 : i32
      %add3A_310 = vector.broadcast %add3A_309 : i32 to vector<16xi32>
      %add3A_311 = arith.addi %get3A_246, %add3A_310 : vector<16xi32>
      %gather3A_312 = tpu.vector_load_idx %arg9[%add3A_311] : memref<2816xf32, #tpu.memory_space<vmem>>[vector<16xi32>], vector<16xf32>,
      %add3A_313 = arith.constant 26 : i32
      %add3A_314 = vector.broadcast %add3A_313 : i32 to vector<16xi32>
      %add3A_315 = arith.addi %add3A_239, %add3A_314 : vector<16xi32>
      tpu.vector_store_idx %arg23[%add3A_315], %gather3A_312 : memref<31232xf32, #tpu.memory_space<vmem>>[vector<16xi32>], vector<16xf32>,
      %add3A_316 = arith.constant 5 : i32
      %add3A_317 = vector.broadcast %add3A_316 : i32 to vector<16xi32>
      %add3A_318 = arith.addi %get3A_242, %add3A_317 : vector<16xi32>
      %gather3A_319 = tpu.vector_load_idx %arg9[%add3A_318] : memref<2816xf32, #tpu.memory_space<vmem>>[vector<16xi32>], vector<16xf32>,
      %add3A_320 = arith.constant 5 : i32
      %add3A_321 = vector.broadcast %add3A_320 : i32 to vector<16xi32>
      %add3A_322 = arith.addi %add3A_239, %add3A_321 : vector<16xi32>
      tpu.vector_store_idx %arg23[%add3A_322], %gather3A_319 : memref<31232xf32, #tpu.memory_space<vmem>>[vector<16xi32>], vector<16xf32>,
      %add3A_323 = arith.constant 5 : i32
      %add3A_324 = vector.broadcast %add3A_323 : i32 to vector<16xi32>
      %add3A_325 = arith.addi %get3A_246, %add3A_324 : vector<16xi32>
      %gather3A_326 = tpu.vector_load_idx %arg9[%add3A_325] : memref<2816xf32, #tpu.memory_space<vmem>>[vector<16xi32>], vector<16xf32>,
      %add3A_327 = arith.constant 27 : i32
      %add3A_328 = vector.broadcast %add3A_327 : i32 to vector<16xi32>
      %add3A_329 = arith.addi %add3A_239, %add3A_328 : vector<16xi32>
      tpu.vector_store_idx %arg23[%add3A_329], %gather3A_326 : memref<31232xf32, #tpu.memory_space<vmem>>[vector<16xi32>], vector<16xf32>,
      %add3A_330 = arith.constant 6 : i32
      %add3A_331 = vector.broadcast %add3A_330 : i32 to vector<16xi32>
      %add3A_332 = arith.addi %get3A_242, %add3A_331 : vector<16xi32>
      %gather3A_333 = tpu.vector_load_idx %arg9[%add3A_332] : memref<2816xf32, #tpu.memory_space<vmem>>[vector<16xi32>], vector<16xf32>,
      %add3A_334 = arith.constant 6 : i32
      %add3A_335 = vector.broadcast %add3A_334 : i32 to vector<16xi32>
      %add3A_336 = arith.addi %add3A_239, %add3A_335 : vector<16xi32>
      tpu.vector_store_idx %arg23[%add3A_336], %gather3A_333 : memref<31232xf32, #tpu.memory_space<vmem>>[vector<16xi32>], vector<16xf32>,
      %add3A_337 = arith.constant 6 : i32
      %add3A_338 = vector.broadcast %add3A_337 : i32 to vector<16xi32>
      %add3A_339 = arith.addi %get3A_246, %add3A_338 : vector<16xi32>
      %gather3A_340 = tpu.vector_load_idx %arg9[%add3A_339] : memref<2816xf32, #tpu.memory_space<vmem>>[vector<16xi32>], vector<16xf32>,
      %add3A_341 = arith.constant 28 : i32
      %add3A_342 = vector.broadcast %add3A_341 : i32 to vector<16xi32>
      %add3A_343 = arith.addi %add3A_239, %add3A_342 : vector<16xi32>
      tpu.vector_store_idx %arg23[%add3A_343], %gather3A_340 : memref<31232xf32, #tpu.memory_space<vmem>>[vector<16xi32>], vector<16xf32>,
      %add3A_344 = arith.constant 7 : i32
      %add3A_345 = vector.broadcast %add3A_344 : i32 to vector<16xi32>
      %add3A_346 = arith.addi %get3A_242, %add3A_345 : vector<16xi32>
      %gather3A_347 = tpu.vector_load_idx %arg9[%add3A_346] : memref<2816xf32, #tpu.memory_space<vmem>>[vector<16xi32>], vector<16xf32>,
      %add3A_348 = arith.constant 7 : i32
      %add3A_349 = vector.broadcast %add3A_348 : i32 to vector<16xi32>
      %add3A_350 = arith.addi %add3A_239, %add3A_349 : vector<16xi32>
      tpu.vector_store_idx %arg23[%add3A_350], %gather3A_347 : memref<31232xf32, #tpu.memory_space<vmem>>[vector<16xi32>], vector<16xf32>,
      %add3A_351 = arith.constant 7 : i32
      %add3A_352 = vector.broadcast %add3A_351 : i32 to vector<16xi32>
      %add3A_353 = arith.addi %get3A_246, %add3A_352 : vector<16xi32>
      %gather3A_354 = tpu.vector_load_idx %arg9[%add3A_353] : memref<2816xf32, #tpu.memory_space<vmem>>[vector<16xi32>], vector<16xf32>,
      %add3A_355 = arith.constant 29 : i32
      %add3A_356 = vector.broadcast %add3A_355 : i32 to vector<16xi32>
      %add3A_357 = arith.addi %add3A_239, %add3A_356 : vector<16xi32>
      tpu.vector_store_idx %arg23[%add3A_357], %gather3A_354 : memref<31232xf32, #tpu.memory_space<vmem>>[vector<16xi32>], vector<16xf32>,
      %add3A_358 = arith.constant 8 : i32
      %add3A_359 = vector.broadcast %add3A_358 : i32 to vector<16xi32>
      %add3A_360 = arith.addi %get3A_242, %add3A_359 : vector<16xi32>
      %gather3A_361 = tpu.vector_load_idx %arg9[%add3A_360] : memref<2816xf32, #tpu.memory_space<vmem>>[vector<16xi32>], vector<16xf32>,
      %add3A_362 = arith.constant 8 : i32
      %add3A_363 = vector.broadcast %add3A_362 : i32 to vector<16xi32>
      %add3A_364 = arith.addi %add3A_239, %add3A_363 : vector<16xi32>
      tpu.vector_store_idx %arg23[%add3A_364], %gather3A_361 : memref<31232xf32, #tpu.memory_space<vmem>>[vector<16xi32>], vector<16xf32>,
      %add3A_365 = arith.constant 8 : i32
      %add3A_366 = vector.broadcast %add3A_365 : i32 to vector<16xi32>
      %add3A_367 = arith.addi %get3A_246, %add3A_366 : vector<16xi32>
      %gather3A_368 = tpu.vector_load_idx %arg9[%add3A_367] : memref<2816xf32, #tpu.memory_space<vmem>>[vector<16xi32>], vector<16xf32>,
      %add3A_369 = arith.constant 30 : i32
      %add3A_370 = vector.broadcast %add3A_369 : i32 to vector<16xi32>
      %add3A_371 = arith.addi %add3A_239, %add3A_370 : vector<16xi32>
      tpu.vector_store_idx %arg23[%add3A_371], %gather3A_368 : memref<31232xf32, #tpu.memory_space<vmem>>[vector<16xi32>], vector<16xf32>,
      %add3A_372 = arith.constant 9 : i32
      %add3A_373 = vector.broadcast %add3A_372 : i32 to vector<16xi32>
      %add3A_374 = arith.addi %get3A_242, %add3A_373 : vector<16xi32>
      %gather3A_375 = tpu.vector_load_idx %arg9[%add3A_374] : memref<2816xf32, #tpu.memory_space<vmem>>[vector<16xi32>], vector<16xf32>,
      %add3A_376 = arith.constant 9 : i32
      %add3A_377 = vector.broadcast %add3A_376 : i32 to vector<16xi32>
      %add3A_378 = arith.addi %add3A_239, %add3A_377 : vector<16xi32>
      tpu.vector_store_idx %arg23[%add3A_378], %gather3A_375 : memref<31232xf32, #tpu.memory_space<vmem>>[vector<16xi32>], vector<16xf32>,
      %add3A_379 = arith.constant 9 : i32
      %add3A_380 = vector.broadcast %add3A_379 : i32 to vector<16xi32>
      %add3A_381 = arith.addi %get3A_246, %add3A_380 : vector<16xi32>
      %gather3A_382 = tpu.vector_load_idx %arg9[%add3A_381] : memref<2816xf32, #tpu.memory_space<vmem>>[vector<16xi32>], vector<16xf32>,
      %add3A_383 = arith.constant 31 : i32
      %add3A_384 = vector.broadcast %add3A_383 : i32 to vector<16xi32>
      %add3A_385 = arith.addi %add3A_239, %add3A_384 : vector<16xi32>
      tpu.vector_store_idx %arg23[%add3A_385], %gather3A_382 : memref<31232xf32, #tpu.memory_space<vmem>>[vector<16xi32>], vector<16xf32>,
      %add3A_386 = arith.constant 10 : i32
      %add3A_387 = vector.broadcast %add3A_386 : i32 to vector<16xi32>
      %add3A_388 = arith.addi %get3A_242, %add3A_387 : vector<16xi32>
      %gather3A_389 = tpu.vector_load_idx %arg9[%add3A_388] : memref<2816xf32, #tpu.memory_space<vmem>>[vector<16xi32>], vector<16xf32>,
      %add3A_390 = arith.constant 10 : i32
      %add3A_391 = vector.broadcast %add3A_390 : i32 to vector<16xi32>
      %add3A_392 = arith.addi %add3A_239, %add3A_391 : vector<16xi32>
      tpu.vector_store_idx %arg23[%add3A_392], %gather3A_389 : memref<31232xf32, #tpu.memory_space<vmem>>[vector<16xi32>], vector<16xf32>,
      %add3A_393 = arith.constant 10 : i32
      %add3A_394 = vector.broadcast %add3A_393 : i32 to vector<16xi32>
      %add3A_395 = arith.addi %get3A_246, %add3A_394 : vector<16xi32>
      %gather3A_396 = tpu.vector_load_idx %arg9[%add3A_395] : memref<2816xf32, #tpu.memory_space<vmem>>[vector<16xi32>], vector<16xf32>,
      %add3A_397 = arith.constant 32 : i32
      %add3A_398 = vector.broadcast %add3A_397 : i32 to vector<16xi32>
      %add3A_399 = arith.addi %add3A_239, %add3A_398 : vector<16xi32>
      tpu.vector_store_idx %arg23[%add3A_399], %gather3A_396 : memref<31232xf32, #tpu.memory_space<vmem>>[vector<16xi32>], vector<16xf32>,
      %add3A_400 = arith.constant 11 : i32
      %add3A_401 = vector.broadcast %add3A_400 : i32 to vector<16xi32>
      %add3A_402 = arith.addi %get3A_242, %add3A_401 : vector<16xi32>
      %gather3A_403 = tpu.vector_load_idx %arg9[%add3A_402] : memref<2816xf32, #tpu.memory_space<vmem>>[vector<16xi32>], vector<16xf32>,
      %add3A_404 = arith.constant 11 : i32
      %add3A_405 = vector.broadcast %add3A_404 : i32 to vector<16xi32>
      %add3A_406 = arith.addi %add3A_239, %add3A_405 : vector<16xi32>
      tpu.vector_store_idx %arg23[%add3A_406], %gather3A_403 : memref<31232xf32, #tpu.memory_space<vmem>>[vector<16xi32>], vector<16xf32>,
      %add3A_407 = arith.constant 11 : i32
      %add3A_408 = vector.broadcast %add3A_407 : i32 to vector<16xi32>
      %add3A_409 = arith.addi %get3A_246, %add3A_408 : vector<16xi32>
      %gather3A_410 = tpu.vector_load_idx %arg9[%add3A_409] : memref<2816xf32, #tpu.memory_space<vmem>>[vector<16xi32>], vector<16xf32>,
      %add3A_411 = arith.constant 33 : i32
      %add3A_412 = vector.broadcast %add3A_411 : i32 to vector<16xi32>
      %add3A_413 = arith.addi %add3A_239, %add3A_412 : vector<16xi32>
      tpu.vector_store_idx %arg23[%add3A_413], %gather3A_410 : memref<31232xf32, #tpu.memory_space<vmem>>[vector<16xi32>], vector<16xf32>,
      %add3A_414 = arith.constant 12 : i32
      %add3A_415 = vector.broadcast %add3A_414 : i32 to vector<16xi32>
      %add3A_416 = arith.addi %get3A_242, %add3A_415 : vector<16xi32>
      %gather3A_417 = tpu.vector_load_idx %arg9[%add3A_416] : memref<2816xf32, #tpu.memory_space<vmem>>[vector<16xi32>], vector<16xf32>,
      %add3A_418 = arith.constant 12 : i32
      %add3A_419 = vector.broadcast %add3A_418 : i32 to vector<16xi32>
      %add3A_420 = arith.addi %add3A_239, %add3A_419 : vector<16xi32>
      tpu.vector_store_idx %arg23[%add3A_420], %gather3A_417 : memref<31232xf32, #tpu.memory_space<vmem>>[vector<16xi32>], vector<16xf32>,
      %add3A_421 = arith.constant 12 : i32
      %add3A_422 = vector.broadcast %add3A_421 : i32 to vector<16xi32>
      %add3A_423 = arith.addi %get3A_246, %add3A_422 : vector<16xi32>
      %gather3A_424 = tpu.vector_load_idx %arg9[%add3A_423] : memref<2816xf32, #tpu.memory_space<vmem>>[vector<16xi32>], vector<16xf32>,
      %add3A_425 = arith.constant 34 : i32
      %add3A_426 = vector.broadcast %add3A_425 : i32 to vector<16xi32>
      %add3A_427 = arith.addi %add3A_239, %add3A_426 : vector<16xi32>
      tpu.vector_store_idx %arg23[%add3A_427], %gather3A_424 : memref<31232xf32, #tpu.memory_space<vmem>>[vector<16xi32>], vector<16xf32>,
      %add3A_428 = arith.constant 13 : i32
      %add3A_429 = vector.broadcast %add3A_428 : i32 to vector<16xi32>
      %add3A_430 = arith.addi %get3A_242, %add3A_429 : vector<16xi32>
      %gather3A_431 = tpu.vector_load_idx %arg9[%add3A_430] : memref<2816xf32, #tpu.memory_space<vmem>>[vector<16xi32>], vector<16xf32>,
      %add3A_432 = arith.constant 13 : i32
      %add3A_433 = vector.broadcast %add3A_432 : i32 to vector<16xi32>
      %add3A_434 = arith.addi %add3A_239, %add3A_433 : vector<16xi32>
      tpu.vector_store_idx %arg23[%add3A_434], %gather3A_431 : memref<31232xf32, #tpu.memory_space<vmem>>[vector<16xi32>], vector<16xf32>,
      %add3A_435 = arith.constant 13 : i32
      %add3A_436 = vector.broadcast %add3A_435 : i32 to vector<16xi32>
      %add3A_437 = arith.addi %get3A_246, %add3A_436 : vector<16xi32>
      %gather3A_438 = tpu.vector_load_idx %arg9[%add3A_437] : memref<2816xf32, #tpu.memory_space<vmem>>[vector<16xi32>], vector<16xf32>,
      %add3A_439 = arith.constant 35 : i32
      %add3A_440 = vector.broadcast %add3A_439 : i32 to vector<16xi32>
      %add3A_441 = arith.addi %add3A_239, %add3A_440 : vector<16xi32>
      tpu.vector_store_idx %arg23[%add3A_441], %gather3A_438 : memref<31232xf32, #tpu.memory_space<vmem>>[vector<16xi32>], vector<16xf32>,
      %add3A_442 = arith.constant 14 : i32
      %add3A_443 = vector.broadcast %add3A_442 : i32 to vector<16xi32>
      %add3A_444 = arith.addi %get3A_242, %add3A_443 : vector<16xi32>
      %gather3A_445 = tpu.vector_load_idx %arg9[%add3A_444] : memref<2816xf32, #tpu.memory_space<vmem>>[vector<16xi32>], vector<16xf32>,
      %add3A_446 = arith.constant 14 : i32
      %add3A_447 = vector.broadcast %add3A_446 : i32 to vector<16xi32>
      %add3A_448 = arith.addi %add3A_239, %add3A_447 : vector<16xi32>
      tpu.vector_store_idx %arg23[%add3A_448], %gather3A_445 : memref<31232xf32, #tpu.memory_space<vmem>>[vector<16xi32>], vector<16xf32>,
      %add3A_449 = arith.constant 14 : i32
      %add3A_450 = vector.broadcast %add3A_449 : i32 to vector<16xi32>
      %add3A_451 = arith.addi %get3A_246, %add3A_450 : vector<16xi32>
      %gather3A_452 = tpu.vector_load_idx %arg9[%add3A_451] : memref<2816xf32, #tpu.memory_space<vmem>>[vector<16xi32>], vector<16xf32>,
      %add3A_453 = arith.constant 36 : i32
      %add3A_454 = vector.broadcast %add3A_453 : i32 to vector<16xi32>
      %add3A_455 = arith.addi %add3A_239, %add3A_454 : vector<16xi32>
      tpu.vector_store_idx %arg23[%add3A_455], %gather3A_452 : memref<31232xf32, #tpu.memory_space<vmem>>[vector<16xi32>], vector<16xf32>,
      %add3A_456 = arith.constant 15 : i32
      %add3A_457 = vector.broadcast %add3A_456 : i32 to vector<16xi32>
      %add3A_458 = arith.addi %get3A_242, %add3A_457 : vector<16xi32>
      %gather3A_459 = tpu.vector_load_idx %arg9[%add3A_458] : memref<2816xf32, #tpu.memory_space<vmem>>[vector<16xi32>], vector<16xf32>,
      %add3A_460 = arith.constant 15 : i32
      %add3A_461 = vector.broadcast %add3A_460 : i32 to vector<16xi32>
      %add3A_462 = arith.addi %add3A_239, %add3A_461 : vector<16xi32>
      tpu.vector_store_idx %arg23[%add3A_462], %gather3A_459 : memref<31232xf32, #tpu.memory_space<vmem>>[vector<16xi32>], vector<16xf32>,
      %add3A_463 = arith.constant 15 : i32
      %add3A_464 = vector.broadcast %add3A_463 : i32 to vector<16xi32>
      %add3A_465 = arith.addi %get3A_246, %add3A_464 : vector<16xi32>
      %gather3A_466 = tpu.vector_load_idx %arg9[%add3A_465] : memref<2816xf32, #tpu.memory_space<vmem>>[vector<16xi32>], vector<16xf32>,
      %add3A_467 = arith.constant 37 : i32
      %add3A_468 = vector.broadcast %add3A_467 : i32 to vector<16xi32>
      %add3A_469 = arith.addi %add3A_239, %add3A_468 : vector<16xi32>
      tpu.vector_store_idx %arg23[%add3A_469], %gather3A_466 : memref<31232xf32, #tpu.memory_space<vmem>>[vector<16xi32>], vector<16xf32>,
      %add3A_470 = arith.constant 16 : i32
      %add3A_471 = vector.broadcast %add3A_470 : i32 to vector<16xi32>
      %add3A_472 = arith.addi %get3A_242, %add3A_471 : vector<16xi32>
      %gather3A_473 = tpu.vector_load_idx %arg9[%add3A_472] : memref<2816xf32, #tpu.memory_space<vmem>>[vector<16xi32>], vector<16xf32>,
      %add3A_474 = arith.constant 16 : i32
      %add3A_475 = vector.broadcast %add3A_474 : i32 to vector<16xi32>
      %add3A_476 = arith.addi %add3A_239, %add3A_475 : vector<16xi32>
      tpu.vector_store_idx %arg23[%add3A_476], %gather3A_473 : memref<31232xf32, #tpu.memory_space<vmem>>[vector<16xi32>], vector<16xf32>,
      %add3A_477 = arith.constant 16 : i32
      %add3A_478 = vector.broadcast %add3A_477 : i32 to vector<16xi32>
      %add3A_479 = arith.addi %get3A_246, %add3A_478 : vector<16xi32>
      %gather3A_480 = tpu.vector_load_idx %arg9[%add3A_479] : memref<2816xf32, #tpu.memory_space<vmem>>[vector<16xi32>], vector<16xf32>,
      %add3A_481 = arith.constant 38 : i32
      %add3A_482 = vector.broadcast %add3A_481 : i32 to vector<16xi32>
      %add3A_483 = arith.addi %add3A_239, %add3A_482 : vector<16xi32>
      tpu.vector_store_idx %arg23[%add3A_483], %gather3A_480 : memref<31232xf32, #tpu.memory_space<vmem>>[vector<16xi32>], vector<16xf32>,
      %add3A_484 = arith.constant 17 : i32
      %add3A_485 = vector.broadcast %add3A_484 : i32 to vector<16xi32>
      %add3A_486 = arith.addi %get3A_242, %add3A_485 : vector<16xi32>
      %gather3A_487 = tpu.vector_load_idx %arg9[%add3A_486] : memref<2816xf32, #tpu.memory_space<vmem>>[vector<16xi32>], vector<16xf32>,
      %add3A_488 = arith.constant 17 : i32
      %add3A_489 = vector.broadcast %add3A_488 : i32 to vector<16xi32>
      %add3A_490 = arith.addi %add3A_239, %add3A_489 : vector<16xi32>
      tpu.vector_store_idx %arg23[%add3A_490], %gather3A_487 : memref<31232xf32, #tpu.memory_space<vmem>>[vector<16xi32>], vector<16xf32>,
      %add3A_491 = arith.constant 17 : i32
      %add3A_492 = vector.broadcast %add3A_491 : i32 to vector<16xi32>
      %add3A_493 = arith.addi %get3A_246, %add3A_492 : vector<16xi32>
      %gather3A_494 = tpu.vector_load_idx %arg9[%add3A_493] : memref<2816xf32, #tpu.memory_space<vmem>>[vector<16xi32>], vector<16xf32>,
      %add3A_495 = arith.constant 39 : i32
      %add3A_496 = vector.broadcast %add3A_495 : i32 to vector<16xi32>
      %add3A_497 = arith.addi %add3A_239, %add3A_496 : vector<16xi32>
      tpu.vector_store_idx %arg23[%add3A_497], %gather3A_494 : memref<31232xf32, #tpu.memory_space<vmem>>[vector<16xi32>], vector<16xf32>,
      %add3A_498 = arith.constant 18 : i32
      %add3A_499 = vector.broadcast %add3A_498 : i32 to vector<16xi32>
      %add3A_500 = arith.addi %get3A_242, %add3A_499 : vector<16xi32>
      %gather3A_501 = tpu.vector_load_idx %arg9[%add3A_500] : memref<2816xf32, #tpu.memory_space<vmem>>[vector<16xi32>], vector<16xf32>,
      %add3A_502 = arith.constant 18 : i32
      %add3A_503 = vector.broadcast %add3A_502 : i32 to vector<16xi32>
      %add3A_504 = arith.addi %add3A_239, %add3A_503 : vector<16xi32>
      tpu.vector_store_idx %arg23[%add3A_504], %gather3A_501 : memref<31232xf32, #tpu.memory_space<vmem>>[vector<16xi32>], vector<16xf32>,
      %add3A_505 = arith.constant 18 : i32
      %add3A_506 = vector.broadcast %add3A_505 : i32 to vector<16xi32>
      %add3A_507 = arith.addi %get3A_246, %add3A_506 : vector<16xi32>
      %gather3A_508 = tpu.vector_load_idx %arg9[%add3A_507] : memref<2816xf32, #tpu.memory_space<vmem>>[vector<16xi32>], vector<16xf32>,
      %add3A_509 = arith.constant 40 : i32
      %add3A_510 = vector.broadcast %add3A_509 : i32 to vector<16xi32>
      %add3A_511 = arith.addi %add3A_239, %add3A_510 : vector<16xi32>
      tpu.vector_store_idx %arg23[%add3A_511], %gather3A_508 : memref<31232xf32, #tpu.memory_space<vmem>>[vector<16xi32>], vector<16xf32>,
      %add3A_512 = arith.constant 19 : i32
      %add3A_513 = vector.broadcast %add3A_512 : i32 to vector<16xi32>
      %add3A_514 = arith.addi %get3A_242, %add3A_513 : vector<16xi32>
      %gather3A_515 = tpu.vector_load_idx %arg9[%add3A_514] : memref<2816xf32, #tpu.memory_space<vmem>>[vector<16xi32>], vector<16xf32>,
      %add3A_516 = arith.constant 19 : i32
      %add3A_517 = vector.broadcast %add3A_516 : i32 to vector<16xi32>
      %add3A_518 = arith.addi %add3A_239, %add3A_517 : vector<16xi32>
      tpu.vector_store_idx %arg23[%add3A_518], %gather3A_515 : memref<31232xf32, #tpu.memory_space<vmem>>[vector<16xi32>], vector<16xf32>,
      %add3A_519 = arith.constant 19 : i32
      %add3A_520 = vector.broadcast %add3A_519 : i32 to vector<16xi32>
      %add3A_521 = arith.addi %get3A_246, %add3A_520 : vector<16xi32>
      %gather3A_522 = tpu.vector_load_idx %arg9[%add3A_521] : memref<2816xf32, #tpu.memory_space<vmem>>[vector<16xi32>], vector<16xf32>,
      %add3A_523 = arith.constant 41 : i32
      %add3A_524 = vector.broadcast %add3A_523 : i32 to vector<16xi32>
      %add3A_525 = arith.addi %add3A_239, %add3A_524 : vector<16xi32>
      tpu.vector_store_idx %arg23[%add3A_525], %gather3A_522 : memref<31232xf32, #tpu.memory_space<vmem>>[vector<16xi32>], vector<16xf32>,
      %add3A_526 = arith.constant 20 : i32
      %add3A_527 = vector.broadcast %add3A_526 : i32 to vector<16xi32>
      %add3A_528 = arith.addi %get3A_242, %add3A_527 : vector<16xi32>
      %gather3A_529 = tpu.vector_load_idx %arg9[%add3A_528] : memref<2816xf32, #tpu.memory_space<vmem>>[vector<16xi32>], vector<16xf32>,
      %add3A_530 = arith.constant 20 : i32
      %add3A_531 = vector.broadcast %add3A_530 : i32 to vector<16xi32>
      %add3A_532 = arith.addi %add3A_239, %add3A_531 : vector<16xi32>
      tpu.vector_store_idx %arg23[%add3A_532], %gather3A_529 : memref<31232xf32, #tpu.memory_space<vmem>>[vector<16xi32>], vector<16xf32>,
      %add3A_533 = arith.constant 20 : i32
      %add3A_534 = vector.broadcast %add3A_533 : i32 to vector<16xi32>
      %add3A_535 = arith.addi %get3A_246, %add3A_534 : vector<16xi32>
      %gather3A_536 = tpu.vector_load_idx %arg9[%add3A_535] : memref<2816xf32, #tpu.memory_space<vmem>>[vector<16xi32>], vector<16xf32>,
      %add3A_537 = arith.constant 42 : i32
      %add3A_538 = vector.broadcast %add3A_537 : i32 to vector<16xi32>
      %add3A_539 = arith.addi %add3A_239, %add3A_538 : vector<16xi32>
      tpu.vector_store_idx %arg23[%add3A_539], %gather3A_536 : memref<31232xf32, #tpu.memory_space<vmem>>[vector<16xi32>], vector<16xf32>,
      %add3A_540 = arith.constant 21 : i32
      %add3A_541 = vector.broadcast %add3A_540 : i32 to vector<16xi32>
      %add3A_542 = arith.addi %get3A_242, %add3A_541 : vector<16xi32>
      %gather3A_543 = tpu.vector_load_idx %arg9[%add3A_542] : memref<2816xf32, #tpu.memory_space<vmem>>[vector<16xi32>], vector<16xf32>,
      %add3A_544 = arith.constant 21 : i32
      %add3A_545 = vector.broadcast %add3A_544 : i32 to vector<16xi32>
      %add3A_546 = arith.addi %add3A_239, %add3A_545 : vector<16xi32>
      tpu.vector_store_idx %arg23[%add3A_546], %gather3A_543 : memref<31232xf32, #tpu.memory_space<vmem>>[vector<16xi32>], vector<16xf32>,
      %add3A_547 = arith.constant 21 : i32
      %add3A_548 = vector.broadcast %add3A_547 : i32 to vector<16xi32>
      %add3A_549 = arith.addi %get3A_246, %add3A_548 : vector<16xi32>
      %gather3A_550 = tpu.vector_load_idx %arg9[%add3A_549] : memref<2816xf32, #tpu.memory_space<vmem>>[vector<16xi32>], vector<16xf32>,
      %add3A_551 = arith.constant 43 : i32
      %add3A_552 = vector.broadcast %add3A_551 : i32 to vector<16xi32>
      %add3A_553 = arith.addi %add3A_239, %add3A_552 : vector<16xi32>
      tpu.vector_store_idx %arg23[%add3A_553], %gather3A_550 : memref<31232xf32, #tpu.memory_space<vmem>>[vector<16xi32>], vector<16xf32>,
      %broadcast_in_dim3A = arith.constant 0 : i32
      %broadcast_in_dim3A_554 = vector.broadcast %broadcast_in_dim3A : i32 to vector<16xi32>
      %add3A_555 = arith.constant 0 : i32
      %add3A_556 = vector.broadcast %add3A_555 : i32 to vector<16xi32>
      %add3A_557 = arith.addi %broadcast_in_dim3A_554, %add3A_556 : vector<16xi32>
      %gather3A_558 = tpu.vector_load_idx %arg19[%add3A_235, %add3A_557] : memref<512x16xf32, #tpu.memory_space<vmem>>[vector<16xi32>, vector<16xi32>], vector<16xf32>,
      %add3A_559 = arith.constant 44 : i32
      %add3A_560 = vector.broadcast %add3A_559 : i32 to vector<16xi32>
      %add3A_561 = arith.addi %add3A_239, %add3A_560 : vector<16xi32>
      tpu.vector_store_idx %arg23[%add3A_561], %gather3A_558 : memref<31232xf32, #tpu.memory_space<vmem>>[vector<16xi32>], vector<16xf32>,
      %add3A_562 = arith.constant 1 : i32
      %add3A_563 = vector.broadcast %add3A_562 : i32 to vector<16xi32>
      %add3A_564 = arith.addi %broadcast_in_dim3A_554, %add3A_563 : vector<16xi32>
      %gather3A_565 = tpu.vector_load_idx %arg19[%add3A_235, %add3A_564] : memref<512x16xf32, #tpu.memory_space<vmem>>[vector<16xi32>, vector<16xi32>], vector<16xf32>,
      %add3A_566 = arith.constant 45 : i32
      %add3A_567 = vector.broadcast %add3A_566 : i32 to vector<16xi32>
      %add3A_568 = arith.addi %add3A_239, %add3A_567 : vector<16xi32>
      tpu.vector_store_idx %arg23[%add3A_568], %gather3A_565 : memref<31232xf32, #tpu.memory_space<vmem>>[vector<16xi32>], vector<16xf32>,
      %add3A_569 = arith.constant 2 : i32
      %add3A_570 = vector.broadcast %add3A_569 : i32 to vector<16xi32>
      %add3A_571 = arith.addi %broadcast_in_dim3A_554, %add3A_570 : vector<16xi32>
      %gather3A_572 = tpu.vector_load_idx %arg19[%add3A_235, %add3A_571] : memref<512x16xf32, #tpu.memory_space<vmem>>[vector<16xi32>, vector<16xi32>], vector<16xf32>,
      %add3A_573 = arith.constant 46 : i32
      %add3A_574 = vector.broadcast %add3A_573 : i32 to vector<16xi32>
      %add3A_575 = arith.addi %add3A_239, %add3A_574 : vector<16xi32>
      tpu.vector_store_idx %arg23[%add3A_575], %gather3A_572 : memref<31232xf32, #tpu.memory_space<vmem>>[vector<16xi32>], vector<16xf32>,
      %add3A_576 = arith.constant 3 : i32
      %add3A_577 = vector.broadcast %add3A_576 : i32 to vector<16xi32>
      %add3A_578 = arith.addi %broadcast_in_dim3A_554, %add3A_577 : vector<16xi32>
      %gather3A_579 = tpu.vector_load_idx %arg19[%add3A_235, %add3A_578] : memref<512x16xf32, #tpu.memory_space<vmem>>[vector<16xi32>, vector<16xi32>], vector<16xf32>,
      %add3A_580 = arith.constant 47 : i32
      %add3A_581 = vector.broadcast %add3A_580 : i32 to vector<16xi32>
      %add3A_582 = arith.addi %add3A_239, %add3A_581 : vector<16xi32>
      tpu.vector_store_idx %arg23[%add3A_582], %gather3A_579 : memref<31232xf32, #tpu.memory_space<vmem>>[vector<16xi32>], vector<16xf32>,
      %add3A_583 = arith.constant 4 : i32
      %add3A_584 = vector.broadcast %add3A_583 : i32 to vector<16xi32>
      %add3A_585 = arith.addi %broadcast_in_dim3A_554, %add3A_584 : vector<16xi32>
      %gather3A_586 = tpu.vector_load_idx %arg19[%add3A_235, %add3A_585] : memref<512x16xf32, #tpu.memory_space<vmem>>[vector<16xi32>, vector<16xi32>], vector<16xf32>,
      %add3A_587 = arith.constant 48 : i32
      %add3A_588 = vector.broadcast %add3A_587 : i32 to vector<16xi32>
      %add3A_589 = arith.addi %add3A_239, %add3A_588 : vector<16xi32>
      tpu.vector_store_idx %arg23[%add3A_589], %gather3A_586 : memref<31232xf32, #tpu.memory_space<vmem>>[vector<16xi32>], vector<16xf32>,
      %add3A_590 = arith.constant 5 : i32
      %add3A_591 = vector.broadcast %add3A_590 : i32 to vector<16xi32>
      %add3A_592 = arith.addi %broadcast_in_dim3A_554, %add3A_591 : vector<16xi32>
      %gather3A_593 = tpu.vector_load_idx %arg19[%add3A_235, %add3A_592] : memref<512x16xf32, #tpu.memory_space<vmem>>[vector<16xi32>, vector<16xi32>], vector<16xf32>,
      %add3A_594 = arith.constant 49 : i32
      %add3A_595 = vector.broadcast %add3A_594 : i32 to vector<16xi32>
      %add3A_596 = arith.addi %add3A_239, %add3A_595 : vector<16xi32>
      tpu.vector_store_idx %arg23[%add3A_596], %gather3A_593 : memref<31232xf32, #tpu.memory_space<vmem>>[vector<16xi32>], vector<16xf32>,
      %add3A_597 = arith.constant 6 : i32
      %add3A_598 = vector.broadcast %add3A_597 : i32 to vector<16xi32>
      %add3A_599 = arith.addi %broadcast_in_dim3A_554, %add3A_598 : vector<16xi32>
      %gather3A_600 = tpu.vector_load_idx %arg19[%add3A_235, %add3A_599] : memref<512x16xf32, #tpu.memory_space<vmem>>[vector<16xi32>, vector<16xi32>], vector<16xf32>,
      %add3A_601 = arith.constant 50 : i32
      %add3A_602 = vector.broadcast %add3A_601 : i32 to vector<16xi32>
      %add3A_603 = arith.addi %add3A_239, %add3A_602 : vector<16xi32>
      tpu.vector_store_idx %arg23[%add3A_603], %gather3A_600 : memref<31232xf32, #tpu.memory_space<vmem>>[vector<16xi32>], vector<16xf32>,
      %add3A_604 = arith.constant 7 : i32
      %add3A_605 = vector.broadcast %add3A_604 : i32 to vector<16xi32>
      %add3A_606 = arith.addi %broadcast_in_dim3A_554, %add3A_605 : vector<16xi32>
      %gather3A_607 = tpu.vector_load_idx %arg19[%add3A_235, %add3A_606] : memref<512x16xf32, #tpu.memory_space<vmem>>[vector<16xi32>, vector<16xi32>], vector<16xf32>,
      %add3A_608 = arith.constant 51 : i32
      %add3A_609 = vector.broadcast %add3A_608 : i32 to vector<16xi32>
      %add3A_610 = arith.addi %add3A_239, %add3A_609 : vector<16xi32>
      tpu.vector_store_idx %arg23[%add3A_610], %gather3A_607 : memref<31232xf32, #tpu.memory_space<vmem>>[vector<16xi32>], vector<16xf32>,
      %add3A_611 = arith.constant 8 : i32
      %add3A_612 = vector.broadcast %add3A_611 : i32 to vector<16xi32>
      %add3A_613 = arith.addi %broadcast_in_dim3A_554, %add3A_612 : vector<16xi32>
      %gather3A_614 = tpu.vector_load_idx %arg19[%add3A_235, %add3A_613] : memref<512x16xf32, #tpu.memory_space<vmem>>[vector<16xi32>, vector<16xi32>], vector<16xf32>,
      %add3A_615 = arith.constant 52 : i32
      %add3A_616 = vector.broadcast %add3A_615 : i32 to vector<16xi32>
      %add3A_617 = arith.addi %add3A_239, %add3A_616 : vector<16xi32>
      tpu.vector_store_idx %arg23[%add3A_617], %gather3A_614 : memref<31232xf32, #tpu.memory_space<vmem>>[vector<16xi32>], vector<16xf32>,
      %add3A_618 = arith.constant 9 : i32
      %add3A_619 = vector.broadcast %add3A_618 : i32 to vector<16xi32>
      %add3A_620 = arith.addi %broadcast_in_dim3A_554, %add3A_619 : vector<16xi32>
      %gather3A_621 = tpu.vector_load_idx %arg19[%add3A_235, %add3A_620] : memref<512x16xf32, #tpu.memory_space<vmem>>[vector<16xi32>, vector<16xi32>], vector<16xf32>,
      %add3A_622 = arith.constant 53 : i32
      %add3A_623 = vector.broadcast %add3A_622 : i32 to vector<16xi32>
      %add3A_624 = arith.addi %add3A_239, %add3A_623 : vector<16xi32>
      tpu.vector_store_idx %arg23[%add3A_624], %gather3A_621 : memref<31232xf32, #tpu.memory_space<vmem>>[vector<16xi32>], vector<16xf32>,
      %add3A_625 = arith.constant 10 : i32
      %add3A_626 = vector.broadcast %add3A_625 : i32 to vector<16xi32>
      %add3A_627 = arith.addi %broadcast_in_dim3A_554, %add3A_626 : vector<16xi32>
      %gather3A_628 = tpu.vector_load_idx %arg19[%add3A_235, %add3A_627] : memref<512x16xf32, #tpu.memory_space<vmem>>[vector<16xi32>, vector<16xi32>], vector<16xf32>,
      %add3A_629 = arith.constant 54 : i32
      %add3A_630 = vector.broadcast %add3A_629 : i32 to vector<16xi32>
      %add3A_631 = arith.addi %add3A_239, %add3A_630 : vector<16xi32>
      tpu.vector_store_idx %arg23[%add3A_631], %gather3A_628 : memref<31232xf32, #tpu.memory_space<vmem>>[vector<16xi32>], vector<16xf32>,
      %add3A_632 = arith.constant 11 : i32
      %add3A_633 = vector.broadcast %add3A_632 : i32 to vector<16xi32>
      %add3A_634 = arith.addi %broadcast_in_dim3A_554, %add3A_633 : vector<16xi32>
      %gather3A_635 = tpu.vector_load_idx %arg19[%add3A_235, %add3A_634] : memref<512x16xf32, #tpu.memory_space<vmem>>[vector<16xi32>, vector<16xi32>], vector<16xf32>,
      %add3A_636 = arith.constant 55 : i32
      %add3A_637 = vector.broadcast %add3A_636 : i32 to vector<16xi32>
      %add3A_638 = arith.addi %add3A_239, %add3A_637 : vector<16xi32>
      tpu.vector_store_idx %arg23[%add3A_638], %gather3A_635 : memref<31232xf32, #tpu.memory_space<vmem>>[vector<16xi32>], vector<16xf32>,
      %add3A_639 = arith.constant 12 : i32
      %add3A_640 = vector.broadcast %add3A_639 : i32 to vector<16xi32>
      %add3A_641 = arith.addi %broadcast_in_dim3A_554, %add3A_640 : vector<16xi32>
      %gather3A_642 = tpu.vector_load_idx %arg19[%add3A_235, %add3A_641] : memref<512x16xf32, #tpu.memory_space<vmem>>[vector<16xi32>, vector<16xi32>], vector<16xf32>,
      %add3A_643 = arith.constant 56 : i32
      %add3A_644 = vector.broadcast %add3A_643 : i32 to vector<16xi32>
      %add3A_645 = arith.addi %add3A_239, %add3A_644 : vector<16xi32>
      tpu.vector_store_idx %arg23[%add3A_645], %gather3A_642 : memref<31232xf32, #tpu.memory_space<vmem>>[vector<16xi32>], vector<16xf32>,
      %add3A_646 = arith.constant 13 : i32
      %add3A_647 = vector.broadcast %add3A_646 : i32 to vector<16xi32>
      %add3A_648 = arith.addi %broadcast_in_dim3A_554, %add3A_647 : vector<16xi32>
      %gather3A_649 = tpu.vector_load_idx %arg19[%add3A_235, %add3A_648] : memref<512x16xf32, #tpu.memory_space<vmem>>[vector<16xi32>, vector<16xi32>], vector<16xf32>,
      %add3A_650 = arith.constant 57 : i32
      %add3A_651 = vector.broadcast %add3A_650 : i32 to vector<16xi32>
      %add3A_652 = arith.addi %add3A_239, %add3A_651 : vector<16xi32>
      tpu.vector_store_idx %arg23[%add3A_652], %gather3A_649 : memref<31232xf32, #tpu.memory_space<vmem>>[vector<16xi32>], vector<16xf32>,
      %add3A_653 = arith.constant 14 : i32
      %add3A_654 = vector.broadcast %add3A_653 : i32 to vector<16xi32>
      %add3A_655 = arith.addi %broadcast_in_dim3A_554, %add3A_654 : vector<16xi32>
      %gather3A_656 = tpu.vector_load_idx %arg19[%add3A_235, %add3A_655] : memref<512x16xf32, #tpu.memory_space<vmem>>[vector<16xi32>, vector<16xi32>], vector<16xf32>,
      %add3A_657 = arith.constant 58 : i32
      %add3A_658 = vector.broadcast %add3A_657 : i32 to vector<16xi32>
      %add3A_659 = arith.addi %add3A_239, %add3A_658 : vector<16xi32>
      tpu.vector_store_idx %arg23[%add3A_659], %gather3A_656 : memref<31232xf32, #tpu.memory_space<vmem>>[vector<16xi32>], vector<16xf32>,
      %add3A_660 = arith.constant 15 : i32
      %add3A_661 = vector.broadcast %add3A_660 : i32 to vector<16xi32>
      %add3A_662 = arith.addi %broadcast_in_dim3A_554, %add3A_661 : vector<16xi32>
      %gather3A_663 = tpu.vector_load_idx %arg19[%add3A_235, %add3A_662] : memref<512x16xf32, #tpu.memory_space<vmem>>[vector<16xi32>, vector<16xi32>], vector<16xf32>,
      %add3A_664 = arith.constant 59 : i32
      %add3A_665 = vector.broadcast %add3A_664 : i32 to vector<16xi32>
      %add3A_666 = arith.addi %add3A_239, %add3A_665 : vector<16xi32>
      tpu.vector_store_idx %arg23[%add3A_666], %gather3A_663 : memref<31232xf32, #tpu.memory_space<vmem>>[vector<16xi32>], vector<16xf32>,
      %mul3A_667 = arith.constant 16 : i32
      %mul3A_668 = arith.muli %scan3A_231, %mul3A_667 : i32
      %get3A_669 = arith.index_cast %mul3A_668 : i32 to index
      %get3A_670 = tpu.vector_load %arg21[%get3A_669] {strides = array<i32>} : memref<512xf32, #tpu.memory_space<vmem>>, vector<16xf32>,
      %add3A_671 = arith.constant 60 : i32
      %add3A_672 = vector.broadcast %add3A_671 : i32 to vector<16xi32>
      %add3A_673 = arith.addi %add3A_239, %add3A_672 : vector<16xi32>
      tpu.vector_store_idx %arg23[%add3A_673], %get3A_670 : memref<31232xf32, #tpu.memory_space<vmem>>[vector<16xi32>], vector<16xf32>,
    }
    %scan3A_94 = arith.constant 32 : i32
    %add3A_95 = arith.constant 512 : i32
    %add3A_96 = arith.addi %mul3A_2, %add3A_95 : i32
    %mul3A_97 = arith.constant 61 : i32
    %mul3A_98 = arith.muli %add3A_96, %mul3A_97 : i32
    %dma_start3A_99 = tpu.memref_slice %arg8[%mul3A_98] : memref<97600000xf32, #tpu.memory_space<hbm>> -> memref<31232xf32, #tpu.memory_space<hbm>>
    %dma_start3A_100 = tpu.memref_slice %arg8[%mul3A_98] : memref<97600000xf32, #tpu.memory_space<hbm>> -> memref<31232xf32, #tpu.memory_space<hbm>>
    tpu.enqueue_dma source(%arg23 : memref<31232xf32, #tpu.memory_space<vmem>>) target(%dma_start3A_100 : memref<31232xf32, #tpu.memory_space<hbm>>) target_semaphore(%arg29 : memref<!tpu.dma_semaphore, #tpu.memory_space<semaphore_mem>>)
    %scan3A_101 = arith.constant 0 : i32
    %scan3A_102 = arith.constant 1 : i32
    %scan3A_103 = arith.constant 47 : i32
    %scan3A_104 = arith.addi %scan3A_102, %scan3A_103 : i32
    %scan3A_105 = arith.constant 1 : i32
    scf.for %scan3A_231 = %scan3A_102 to %scan3A_104 step %scan3A_105  : i32 {
      %mul3A_232 = arith.constant 2 : i32
      %mul3A_233 = arith.muli %mul3A_232, %scan3A_231 : i32
      %add3A_234 = arith.constant 1 : i32
      %add3A_235 = arith.addi %mul3A_233, %add3A_234 : i32
      %sub3A = arith.constant 2 : i32
      %sub3A_236 = arith.subi %mul3A_233, %sub3A : i32
      %mul3A_237 = arith.constant 512 : i32
      %mul3A_238 = arith.muli %mul3A_233, %mul3A_237 : i32
      %add3A_239 = arith.addi %mul3A_2, %mul3A_238 : i32
      %dma_wait3A_240 = tpu.memref_slice %arg4[%add3A_239] : memref<1600000xi32, #tpu.memory_space<hbm>> -> memref<512xi32, #tpu.memory_space<hbm>>
      %dma_wait3A_241 = tpu.memref_slice %arg4[%add3A_239] : memref<1600000xi32, #tpu.memory_space<hbm>> -> memref<512xi32, #tpu.memory_space<hbm>>
      tpu.wait_dma2 semaphore(%arg24 : memref<!tpu.dma_semaphore, #tpu.memory_space<semaphore_mem>>) src(%dma_wait3A_241 : memref<512xi32, #tpu.memory_space<hbm>>) dst(%arg10 : memref<512xi32, #tpu.memory_space<vmem>>)
      %dma_wait3A_242 = tpu.memref_slice %arg5[%add3A_239] : memref<1600000xi32, #tpu.memory_space<hbm>> -> memref<512xi32, #tpu.memory_space<hbm>>
      %dma_wait3A_243 = tpu.memref_slice %arg5[%add3A_239] : memref<1600000xi32, #tpu.memory_space<hbm>> -> memref<512xi32, #tpu.memory_space<hbm>>
      tpu.wait_dma2 semaphore(%arg24 : memref<!tpu.dma_semaphore, #tpu.memory_space<semaphore_mem>>) src(%dma_wait3A_243 : memref<512xi32, #tpu.memory_space<hbm>>) dst(%arg12 : memref<512xi32, #tpu.memory_space<vmem>>)
      %mul3A_244 = arith.constant 512 : i32
      %mul3A_245 = arith.muli %mul3A_233, %mul3A_244 : i32
      %add3A_246 = arith.addi %mul3A_2, %mul3A_245 : i32
      %dma_start3A_247 = arith.constant 0 : i32
      %dma_start3A_248 = tpu.memref_slice %arg3[%dma_start3A_247] : memref<100000xi32, #tpu.memory_space<hbm>> -> memref<100000xi32, #tpu.memory_space<hbm>>
      tpu.enqueue_indirect_dma source(%dma_start3A_248 : memref<100000xi32, #tpu.memory_space<hbm>>) target(%arg14 : memref<512xi32, #tpu.memory_space<vmem>>) offsets(%arg10 : memref<512xi32, #tpu.memory_space<vmem>>) semaphore(%arg26 : memref<!tpu.dma_semaphore, #tpu.memory_space<semaphore_mem>>)
      %dma_start3A_249 = arith.constant 0 : i32
      %dma_start3A_250 = tpu.memref_slice %arg3[%dma_start3A_249] : memref<100000xi32, #tpu.memory_space<hbm>> -> memref<100000xi32, #tpu.memory_space<hbm>>
      tpu.enqueue_indirect_dma source(%dma_start3A_250 : memref<100000xi32, #tpu.memory_space<hbm>>) target(%arg16 : memref<512xi32, #tpu.memory_space<vmem>>) offsets(%arg12 : memref<512xi32, #tpu.memory_space<vmem>>) semaphore(%arg26 : memref<!tpu.dma_semaphore, #tpu.memory_space<semaphore_mem>>)
      %dma_start3A_251 = arith.constant 0 : i32
      %dma_start3A_252 = tpu.memref_slice %arg7[%add3A_246, %dma_start3A_251] : memref<1600000x16xf32, #tpu.memory_space<hbm>> -> memref<512x16xf32, #tpu.memory_space<hbm>>
      %dma_start3A_253 = arith.constant 0 : i32
      %dma_start3A_254 = tpu.memref_slice %arg7[%add3A_246, %dma_start3A_253] : memref<1600000x16xf32, #tpu.memory_space<hbm>> -> memref<512x16xf32, #tpu.memory_space<hbm>>
      tpu.enqueue_dma source(%dma_start3A_254 : memref<512x16xf32, #tpu.memory_space<hbm>>) target(%arg18 : memref<512x16xf32, #tpu.memory_space<vmem>>) target_semaphore(%arg26 : memref<!tpu.dma_semaphore, #tpu.memory_space<semaphore_mem>>)
      %dma_start3A_255 = tpu.memref_slice %arg6[%add3A_246] : memref<1600000xf32, #tpu.memory_space<hbm>> -> memref<512xf32, #tpu.memory_space<hbm>>
      %dma_start3A_256 = tpu.memref_slice %arg6[%add3A_246] : memref<1600000xf32, #tpu.memory_space<hbm>> -> memref<512xf32, #tpu.memory_space<hbm>>
      tpu.enqueue_dma source(%dma_start3A_256 : memref<512xf32, #tpu.memory_space<hbm>>) target(%arg20 : memref<512xf32, #tpu.memory_space<vmem>>) target_semaphore(%arg26 : memref<!tpu.dma_semaphore, #tpu.memory_space<semaphore_mem>>)
      %mul3A_257 = arith.constant 512 : i32
      %mul3A_258 = arith.muli %add3A_235, %mul3A_257 : i32
      %add3A_259 = arith.addi %mul3A_2, %mul3A_258 : i32
      %dma_start3A_260 = tpu.memref_slice %arg4[%add3A_259] : memref<1600000xi32, #tpu.memory_space<hbm>> -> memref<512xi32, #tpu.memory_space<hbm>>
      %dma_start3A_261 = tpu.memref_slice %arg4[%add3A_259] : memref<1600000xi32, #tpu.memory_space<hbm>> -> memref<512xi32, #tpu.memory_space<hbm>>
      tpu.enqueue_dma source(%dma_start3A_261 : memref<512xi32, #tpu.memory_space<hbm>>) target(%arg11 : memref<512xi32, #tpu.memory_space<vmem>>) target_semaphore(%arg25 : memref<!tpu.dma_semaphore, #tpu.memory_space<semaphore_mem>>)
      %dma_start3A_262 = tpu.memref_slice %arg5[%add3A_259] : memref<1600000xi32, #tpu.memory_space<hbm>> -> memref<512xi32, #tpu.memory_space<hbm>>
      %dma_start3A_263 = tpu.memref_slice %arg5[%add3A_259] : memref<1600000xi32, #tpu.memory_space<hbm>> -> memref<512xi32, #tpu.memory_space<hbm>>
      tpu.enqueue_dma source(%dma_start3A_263 : memref<512xi32, #tpu.memory_space<hbm>>) target(%arg13 : memref<512xi32, #tpu.memory_space<vmem>>) target_semaphore(%arg25 : memref<!tpu.dma_semaphore, #tpu.memory_space<semaphore_mem>>)
      %dma_wait3A_264 = arith.constant 0 : i32
      %dma_wait3A_265 = tpu.memref_slice %arg3[%dma_wait3A_264] : memref<100000xi32, #tpu.memory_space<hbm>> -> memref<100000xi32, #tpu.memory_space<hbm>>
      tpu.wait_indirect_dma semaphore(%arg26 : memref<!tpu.dma_semaphore, #tpu.memory_space<semaphore_mem>>) src(%dma_wait3A_265 : memref<100000xi32, #tpu.memory_space<hbm>>) dst(%arg14 : memref<512xi32, #tpu.memory_space<vmem>>)
      %dma_wait3A_266 = arith.constant 0 : i32
      %dma_wait3A_267 = tpu.memref_slice %arg3[%dma_wait3A_266] : memref<100000xi32, #tpu.memory_space<hbm>> -> memref<100000xi32, #tpu.memory_space<hbm>>
      tpu.wait_indirect_dma semaphore(%arg26 : memref<!tpu.dma_semaphore, #tpu.memory_space<semaphore_mem>>) src(%dma_wait3A_267 : memref<100000xi32, #tpu.memory_space<hbm>>) dst(%arg16 : memref<512xi32, #tpu.memory_space<vmem>>)
      %dma_wait3A_268 = arith.constant 0 : i32
      %dma_wait3A_269 = tpu.memref_slice %arg7[%add3A_246, %dma_wait3A_268] : memref<1600000x16xf32, #tpu.memory_space<hbm>> -> memref<512x16xf32, #tpu.memory_space<hbm>>
      %dma_wait3A_270 = arith.constant 0 : i32
      %dma_wait3A_271 = tpu.memref_slice %arg7[%add3A_246, %dma_wait3A_270] : memref<1600000x16xf32, #tpu.memory_space<hbm>> -> memref<512x16xf32, #tpu.memory_space<hbm>>
      tpu.wait_dma2 semaphore(%arg26 : memref<!tpu.dma_semaphore, #tpu.memory_space<semaphore_mem>>) src(%dma_wait3A_271 : memref<512x16xf32, #tpu.memory_space<hbm>>) dst(%arg18 : memref<512x16xf32, #tpu.memory_space<vmem>>)
      %dma_wait3A_272 = tpu.memref_slice %arg6[%add3A_246] : memref<1600000xf32, #tpu.memory_space<hbm>> -> memref<512xf32, #tpu.memory_space<hbm>>
      %dma_wait3A_273 = tpu.memref_slice %arg6[%add3A_246] : memref<1600000xf32, #tpu.memory_space<hbm>> -> memref<512xf32, #tpu.memory_space<hbm>>
      tpu.wait_dma2 semaphore(%arg26 : memref<!tpu.dma_semaphore, #tpu.memory_space<semaphore_mem>>) src(%dma_wait3A_273 : memref<512xf32, #tpu.memory_space<hbm>>) dst(%arg20 : memref<512xf32, #tpu.memory_space<vmem>>)
      %mul3A_274 = arith.constant 512 : i32
      %mul3A_275 = arith.muli %sub3A_236, %mul3A_274 : i32
      %add3A_276 = arith.addi %mul3A_2, %mul3A_275 : i32
      %mul3A_277 = arith.constant 61 : i32
      %mul3A_278 = arith.muli %add3A_276, %mul3A_277 : i32
      %dma_wait3A_279 = tpu.memref_slice %arg8[%mul3A_278] : memref<97600000xf32, #tpu.memory_space<hbm>> -> memref<31232xf32, #tpu.memory_space<hbm>>
      %dma_wait3A_280 = tpu.memref_slice %arg8[%mul3A_278] : memref<97600000xf32, #tpu.memory_space<hbm>> -> memref<31232xf32, #tpu.memory_space<hbm>>
      tpu.wait_dma2 semaphore(%arg28 : memref<!tpu.dma_semaphore, #tpu.memory_space<semaphore_mem>>) src(%arg22 : memref<31232xf32, #tpu.memory_space<vmem>>) dst(%dma_wait3A_280 : memref<31232xf32, #tpu.memory_space<hbm>>)
      %scan3A_281 = arith.constant 0 : i32
      %scan3A_282 = arith.constant 0 : i32
      %scan3A_283 = arith.constant 32 : i32
      %scan3A_284 = arith.addi %scan3A_282, %scan3A_283 : i32
      %scan3A_285 = arith.constant 1 : i32
      scf.for %scan3A_357 = %scan3A_282 to %scan3A_284 step %scan3A_285  : i32 {
        %mul3A_358 = arith.constant 16 : i32
        %mul3A_359 = arith.muli %scan3A_357, %mul3A_358 : i32
        %add3A_360 = vector.broadcast %mul3A_359 : i32 to vector<16xi32>
        %add3A_361 = arith.addi %add3A_360, %iota3A : vector<16xi32>
        %mul3A_362 = arith.constant 976 : i32
        %mul3A_363 = arith.muli %scan3A_357, %mul3A_362 : i32
        %add3A_364 = vector.broadcast %mul3A_363 : i32 to vector<16xi32>
        %add3A_365 = arith.addi %add3A_364, %mul3A_5 : vector<16xi32>
        %mul3A_366 = arith.constant 16 : i32
        %mul3A_367 = arith.muli %scan3A_357, %mul3A_366 : i32
        %get3A = arith.index_cast %mul3A_367 : i32 to index
        %get3A_368 = tpu.vector_load %arg14[%get3A] {strides = array<i32>} : memref<512xi32, #tpu.memory_space<vmem>>, vector<16xi32>,
        %mul3A_369 = arith.constant 16 : i32
        %mul3A_370 = arith.muli %scan3A_357, %mul3A_369 : i32
        %get3A_371 = arith.index_cast %mul3A_370 : i32 to index
        %get3A_372 = tpu.vector_load %arg16[%get3A_371] {strides = array<i32>} : memref<512xi32, #tpu.memory_space<vmem>>, vector<16xi32>,
        %add3A_373 = arith.constant 0 : i32
        %add3A_374 = vector.broadcast %add3A_373 : i32 to vector<16xi32>
        %add3A_375 = arith.addi %get3A_368, %add3A_374 : vector<16xi32>
        %gather3A = tpu.vector_load_idx %arg9[%add3A_375] : memref<2816xf32, #tpu.memory_space<vmem>>[vector<16xi32>], vector<16xf32>,
        %add3A_376 = arith.constant 0 : i32
        %add3A_377 = vector.broadcast %add3A_376 : i32 to vector<16xi32>
        %add3A_378 = arith.addi %add3A_365, %add3A_377 : vector<16xi32>
        tpu.vector_store_idx %arg22[%add3A_378], %gather3A : memref<31232xf32, #tpu.memory_space<vmem>>[vector<16xi32>], vector<16xf32>,
        %add3A_379 = arith.constant 0 : i32
        %add3A_380 = vector.broadcast %add3A_379 : i32 to vector<16xi32>
        %add3A_381 = arith.addi %get3A_372, %add3A_380 : vector<16xi32>
        %gather3A_382 = tpu.vector_load_idx %arg9[%add3A_381] : memref<2816xf32, #tpu.memory_space<vmem>>[vector<16xi32>], vector<16xf32>,
        %add3A_383 = arith.constant 22 : i32
        %add3A_384 = vector.broadcast %add3A_383 : i32 to vector<16xi32>
        %add3A_385 = arith.addi %add3A_365, %add3A_384 : vector<16xi32>
        tpu.vector_store_idx %arg22[%add3A_385], %gather3A_382 : memref<31232xf32, #tpu.memory_space<vmem>>[vector<16xi32>], vector<16xf32>,
        %add3A_386 = arith.constant 1 : i32
        %add3A_387 = vector.broadcast %add3A_386 : i32 to vector<16xi32>
        %add3A_388 = arith.addi %get3A_368, %add3A_387 : vector<16xi32>
        %gather3A_389 = tpu.vector_load_idx %arg9[%add3A_388] : memref<2816xf32, #tpu.memory_space<vmem>>[vector<16xi32>], vector<16xf32>,
        %add3A_390 = arith.constant 1 : i32
        %add3A_391 = vector.broadcast %add3A_390 : i32 to vector<16xi32>
        %add3A_392 = arith.addi %add3A_365, %add3A_391 : vector<16xi32>
        tpu.vector_store_idx %arg22[%add3A_392], %gather3A_389 : memref<31232xf32, #tpu.memory_space<vmem>>[vector<16xi32>], vector<16xf32>,
        %add3A_393 = arith.constant 1 : i32
        %add3A_394 = vector.broadcast %add3A_393 : i32 to vector<16xi32>
        %add3A_395 = arith.addi %get3A_372, %add3A_394 : vector<16xi32>
        %gather3A_396 = tpu.vector_load_idx %arg9[%add3A_395] : memref<2816xf32, #tpu.memory_space<vmem>>[vector<16xi32>], vector<16xf32>,
        %add3A_397 = arith.constant 23 : i32
        %add3A_398 = vector.broadcast %add3A_397 : i32 to vector<16xi32>
        %add3A_399 = arith.addi %add3A_365, %add3A_398 : vector<16xi32>
        tpu.vector_store_idx %arg22[%add3A_399], %gather3A_396 : memref<31232xf32, #tpu.memory_space<vmem>>[vector<16xi32>], vector<16xf32>,
        %add3A_400 = arith.constant 2 : i32
        %add3A_401 = vector.broadcast %add3A_400 : i32 to vector<16xi32>
        %add3A_402 = arith.addi %get3A_368, %add3A_401 : vector<16xi32>
        %gather3A_403 = tpu.vector_load_idx %arg9[%add3A_402] : memref<2816xf32, #tpu.memory_space<vmem>>[vector<16xi32>], vector<16xf32>,
        %add3A_404 = arith.constant 2 : i32
        %add3A_405 = vector.broadcast %add3A_404 : i32 to vector<16xi32>
        %add3A_406 = arith.addi %add3A_365, %add3A_405 : vector<16xi32>
        tpu.vector_store_idx %arg22[%add3A_406], %gather3A_403 : memref<31232xf32, #tpu.memory_space<vmem>>[vector<16xi32>], vector<16xf32>,
        %add3A_407 = arith.constant 2 : i32
        %add3A_408 = vector.broadcast %add3A_407 : i32 to vector<16xi32>
        %add3A_409 = arith.addi %get3A_372, %add3A_408 : vector<16xi32>
        %gather3A_410 = tpu.vector_load_idx %arg9[%add3A_409] : memref<2816xf32, #tpu.memory_space<vmem>>[vector<16xi32>], vector<16xf32>,
        %add3A_411 = arith.constant 24 : i32
        %add3A_412 = vector.broadcast %add3A_411 : i32 to vector<16xi32>
        %add3A_413 = arith.addi %add3A_365, %add3A_412 : vector<16xi32>
        tpu.vector_store_idx %arg22[%add3A_413], %gather3A_410 : memref<31232xf32, #tpu.memory_space<vmem>>[vector<16xi32>], vector<16xf32>,
        %add3A_414 = arith.constant 3 : i32
        %add3A_415 = vector.broadcast %add3A_414 : i32 to vector<16xi32>
        %add3A_416 = arith.addi %get3A_368, %add3A_415 : vector<16xi32>
        %gather3A_417 = tpu.vector_load_idx %arg9[%add3A_416] : memref<2816xf32, #tpu.memory_space<vmem>>[vector<16xi32>], vector<16xf32>,
        %add3A_418 = arith.constant 3 : i32
        %add3A_419 = vector.broadcast %add3A_418 : i32 to vector<16xi32>
        %add3A_420 = arith.addi %add3A_365, %add3A_419 : vector<16xi32>
        tpu.vector_store_idx %arg22[%add3A_420], %gather3A_417 : memref<31232xf32, #tpu.memory_space<vmem>>[vector<16xi32>], vector<16xf32>,
        %add3A_421 = arith.constant 3 : i32
        %add3A_422 = vector.broadcast %add3A_421 : i32 to vector<16xi32>
        %add3A_423 = arith.addi %get3A_372, %add3A_422 : vector<16xi32>
        %gather3A_424 = tpu.vector_load_idx %arg9[%add3A_423] : memref<2816xf32, #tpu.memory_space<vmem>>[vector<16xi32>], vector<16xf32>,
        %add3A_425 = arith.constant 25 : i32
        %add3A_426 = vector.broadcast %add3A_425 : i32 to vector<16xi32>
        %add3A_427 = arith.addi %add3A_365, %add3A_426 : vector<16xi32>
        tpu.vector_store_idx %arg22[%add3A_427], %gather3A_424 : memref<31232xf32, #tpu.memory_space<vmem>>[vector<16xi32>], vector<16xf32>,
        %add3A_428 = arith.constant 4 : i32
        %add3A_429 = vector.broadcast %add3A_428 : i32 to vector<16xi32>
        %add3A_430 = arith.addi %get3A_368, %add3A_429 : vector<16xi32>
        %gather3A_431 = tpu.vector_load_idx %arg9[%add3A_430] : memref<2816xf32, #tpu.memory_space<vmem>>[vector<16xi32>], vector<16xf32>,
        %add3A_432 = arith.constant 4 : i32
        %add3A_433 = vector.broadcast %add3A_432 : i32 to vector<16xi32>
        %add3A_434 = arith.addi %add3A_365, %add3A_433 : vector<16xi32>
        tpu.vector_store_idx %arg22[%add3A_434], %gather3A_431 : memref<31232xf32, #tpu.memory_space<vmem>>[vector<16xi32>], vector<16xf32>,
        %add3A_435 = arith.constant 4 : i32
        %add3A_436 = vector.broadcast %add3A_435 : i32 to vector<16xi32>
        %add3A_437 = arith.addi %get3A_372, %add3A_436 : vector<16xi32>
        %gather3A_438 = tpu.vector_load_idx %arg9[%add3A_437] : memref<2816xf32, #tpu.memory_space<vmem>>[vector<16xi32>], vector<16xf32>,
        %add3A_439 = arith.constant 26 : i32
        %add3A_440 = vector.broadcast %add3A_439 : i32 to vector<16xi32>
        %add3A_441 = arith.addi %add3A_365, %add3A_440 : vector<16xi32>
        tpu.vector_store_idx %arg22[%add3A_441], %gather3A_438 : memref<31232xf32, #tpu.memory_space<vmem>>[vector<16xi32>], vector<16xf32>,
        %add3A_442 = arith.constant 5 : i32
        %add3A_443 = vector.broadcast %add3A_442 : i32 to vector<16xi32>
        %add3A_444 = arith.addi %get3A_368, %add3A_443 : vector<16xi32>
        %gather3A_445 = tpu.vector_load_idx %arg9[%add3A_444] : memref<2816xf32, #tpu.memory_space<vmem>>[vector<16xi32>], vector<16xf32>,
        %add3A_446 = arith.constant 5 : i32
        %add3A_447 = vector.broadcast %add3A_446 : i32 to vector<16xi32>
        %add3A_448 = arith.addi %add3A_365, %add3A_447 : vector<16xi32>
        tpu.vector_store_idx %arg22[%add3A_448], %gather3A_445 : memref<31232xf32, #tpu.memory_space<vmem>>[vector<16xi32>], vector<16xf32>,
        %add3A_449 = arith.constant 5 : i32
        %add3A_450 = vector.broadcast %add3A_449 : i32 to vector<16xi32>
        %add3A_451 = arith.addi %get3A_372, %add3A_450 : vector<16xi32>
        %gather3A_452 = tpu.vector_load_idx %arg9[%add3A_451] : memref<2816xf32, #tpu.memory_space<vmem>>[vector<16xi32>], vector<16xf32>,
        %add3A_453 = arith.constant 27 : i32
        %add3A_454 = vector.broadcast %add3A_453 : i32 to vector<16xi32>
        %add3A_455 = arith.addi %add3A_365, %add3A_454 : vector<16xi32>
        tpu.vector_store_idx %arg22[%add3A_455], %gather3A_452 : memref<31232xf32, #tpu.memory_space<vmem>>[vector<16xi32>], vector<16xf32>,
        %add3A_456 = arith.constant 6 : i32
        %add3A_457 = vector.broadcast %add3A_456 : i32 to vector<16xi32>
        %add3A_458 = arith.addi %get3A_368, %add3A_457 : vector<16xi32>
        %gather3A_459 = tpu.vector_load_idx %arg9[%add3A_458] : memref<2816xf32, #tpu.memory_space<vmem>>[vector<16xi32>], vector<16xf32>,
        %add3A_460 = arith.constant 6 : i32
        %add3A_461 = vector.broadcast %add3A_460 : i32 to vector<16xi32>
        %add3A_462 = arith.addi %add3A_365, %add3A_461 : vector<16xi32>
        tpu.vector_store_idx %arg22[%add3A_462], %gather3A_459 : memref<31232xf32, #tpu.memory_space<vmem>>[vector<16xi32>], vector<16xf32>,
        %add3A_463 = arith.constant 6 : i32
        %add3A_464 = vector.broadcast %add3A_463 : i32 to vector<16xi32>
        %add3A_465 = arith.addi %get3A_372, %add3A_464 : vector<16xi32>
        %gather3A_466 = tpu.vector_load_idx %arg9[%add3A_465] : memref<2816xf32, #tpu.memory_space<vmem>>[vector<16xi32>], vector<16xf32>,
        %add3A_467 = arith.constant 28 : i32
        %add3A_468 = vector.broadcast %add3A_467 : i32 to vector<16xi32>
        %add3A_469 = arith.addi %add3A_365, %add3A_468 : vector<16xi32>
        tpu.vector_store_idx %arg22[%add3A_469], %gather3A_466 : memref<31232xf32, #tpu.memory_space<vmem>>[vector<16xi32>], vector<16xf32>,
        %add3A_470 = arith.constant 7 : i32
        %add3A_471 = vector.broadcast %add3A_470 : i32 to vector<16xi32>
        %add3A_472 = arith.addi %get3A_368, %add3A_471 : vector<16xi32>
        %gather3A_473 = tpu.vector_load_idx %arg9[%add3A_472] : memref<2816xf32, #tpu.memory_space<vmem>>[vector<16xi32>], vector<16xf32>,
        %add3A_474 = arith.constant 7 : i32
        %add3A_475 = vector.broadcast %add3A_474 : i32 to vector<16xi32>
        %add3A_476 = arith.addi %add3A_365, %add3A_475 : vector<16xi32>
        tpu.vector_store_idx %arg22[%add3A_476], %gather3A_473 : memref<31232xf32, #tpu.memory_space<vmem>>[vector<16xi32>], vector<16xf32>,
        %add3A_477 = arith.constant 7 : i32
        %add3A_478 = vector.broadcast %add3A_477 : i32 to vector<16xi32>
        %add3A_479 = arith.addi %get3A_372, %add3A_478 : vector<16xi32>
        %gather3A_480 = tpu.vector_load_idx %arg9[%add3A_479] : memref<2816xf32, #tpu.memory_space<vmem>>[vector<16xi32>], vector<16xf32>,
        %add3A_481 = arith.constant 29 : i32
        %add3A_482 = vector.broadcast %add3A_481 : i32 to vector<16xi32>
        %add3A_483 = arith.addi %add3A_365, %add3A_482 : vector<16xi32>
        tpu.vector_store_idx %arg22[%add3A_483], %gather3A_480 : memref<31232xf32, #tpu.memory_space<vmem>>[vector<16xi32>], vector<16xf32>,
        %add3A_484 = arith.constant 8 : i32
        %add3A_485 = vector.broadcast %add3A_484 : i32 to vector<16xi32>
        %add3A_486 = arith.addi %get3A_368, %add3A_485 : vector<16xi32>
        %gather3A_487 = tpu.vector_load_idx %arg9[%add3A_486] : memref<2816xf32, #tpu.memory_space<vmem>>[vector<16xi32>], vector<16xf32>,
        %add3A_488 = arith.constant 8 : i32
        %add3A_489 = vector.broadcast %add3A_488 : i32 to vector<16xi32>
        %add3A_490 = arith.addi %add3A_365, %add3A_489 : vector<16xi32>
        tpu.vector_store_idx %arg22[%add3A_490], %gather3A_487 : memref<31232xf32, #tpu.memory_space<vmem>>[vector<16xi32>], vector<16xf32>,
        %add3A_491 = arith.constant 8 : i32
        %add3A_492 = vector.broadcast %add3A_491 : i32 to vector<16xi32>
        %add3A_493 = arith.addi %get3A_372, %add3A_492 : vector<16xi32>
        %gather3A_494 = tpu.vector_load_idx %arg9[%add3A_493] : memref<2816xf32, #tpu.memory_space<vmem>>[vector<16xi32>], vector<16xf32>,
        %add3A_495 = arith.constant 30 : i32
        %add3A_496 = vector.broadcast %add3A_495 : i32 to vector<16xi32>
        %add3A_497 = arith.addi %add3A_365, %add3A_496 : vector<16xi32>
        tpu.vector_store_idx %arg22[%add3A_497], %gather3A_494 : memref<31232xf32, #tpu.memory_space<vmem>>[vector<16xi32>], vector<16xf32>,
        %add3A_498 = arith.constant 9 : i32
        %add3A_499 = vector.broadcast %add3A_498 : i32 to vector<16xi32>
        %add3A_500 = arith.addi %get3A_368, %add3A_499 : vector<16xi32>
        %gather3A_501 = tpu.vector_load_idx %arg9[%add3A_500] : memref<2816xf32, #tpu.memory_space<vmem>>[vector<16xi32>], vector<16xf32>,
        %add3A_502 = arith.constant 9 : i32
        %add3A_503 = vector.broadcast %add3A_502 : i32 to vector<16xi32>
        %add3A_504 = arith.addi %add3A_365, %add3A_503 : vector<16xi32>
        tpu.vector_store_idx %arg22[%add3A_504], %gather3A_501 : memref<31232xf32, #tpu.memory_space<vmem>>[vector<16xi32>], vector<16xf32>,
        %add3A_505 = arith.constant 9 : i32
        %add3A_506 = vector.broadcast %add3A_505 : i32 to vector<16xi32>
        %add3A_507 = arith.addi %get3A_372, %add3A_506 : vector<16xi32>
        %gather3A_508 = tpu.vector_load_idx %arg9[%add3A_507] : memref<2816xf32, #tpu.memory_space<vmem>>[vector<16xi32>], vector<16xf32>,
        %add3A_509 = arith.constant 31 : i32
        %add3A_510 = vector.broadcast %add3A_509 : i32 to vector<16xi32>
        %add3A_511 = arith.addi %add3A_365, %add3A_510 : vector<16xi32>
        tpu.vector_store_idx %arg22[%add3A_511], %gather3A_508 : memref<31232xf32, #tpu.memory_space<vmem>>[vector<16xi32>], vector<16xf32>,
        %add3A_512 = arith.constant 10 : i32
        %add3A_513 = vector.broadcast %add3A_512 : i32 to vector<16xi32>
        %add3A_514 = arith.addi %get3A_368, %add3A_513 : vector<16xi32>
        %gather3A_515 = tpu.vector_load_idx %arg9[%add3A_514] : memref<2816xf32, #tpu.memory_space<vmem>>[vector<16xi32>], vector<16xf32>,
        %add3A_516 = arith.constant 10 : i32
        %add3A_517 = vector.broadcast %add3A_516 : i32 to vector<16xi32>
        %add3A_518 = arith.addi %add3A_365, %add3A_517 : vector<16xi32>
        tpu.vector_store_idx %arg22[%add3A_518], %gather3A_515 : memref<31232xf32, #tpu.memory_space<vmem>>[vector<16xi32>], vector<16xf32>,
        %add3A_519 = arith.constant 10 : i32
        %add3A_520 = vector.broadcast %add3A_519 : i32 to vector<16xi32>
        %add3A_521 = arith.addi %get3A_372, %add3A_520 : vector<16xi32>
        %gather3A_522 = tpu.vector_load_idx %arg9[%add3A_521] : memref<2816xf32, #tpu.memory_space<vmem>>[vector<16xi32>], vector<16xf32>,
        %add3A_523 = arith.constant 32 : i32
        %add3A_524 = vector.broadcast %add3A_523 : i32 to vector<16xi32>
        %add3A_525 = arith.addi %add3A_365, %add3A_524 : vector<16xi32>
        tpu.vector_store_idx %arg22[%add3A_525], %gather3A_522 : memref<31232xf32, #tpu.memory_space<vmem>>[vector<16xi32>], vector<16xf32>,
        %add3A_526 = arith.constant 11 : i32
        %add3A_527 = vector.broadcast %add3A_526 : i32 to vector<16xi32>
        %add3A_528 = arith.addi %get3A_368, %add3A_527 : vector<16xi32>
        %gather3A_529 = tpu.vector_load_idx %arg9[%add3A_528] : memref<2816xf32, #tpu.memory_space<vmem>>[vector<16xi32>], vector<16xf32>,
        %add3A_530 = arith.constant 11 : i32
        %add3A_531 = vector.broadcast %add3A_530 : i32 to vector<16xi32>
        %add3A_532 = arith.addi %add3A_365, %add3A_531 : vector<16xi32>
        tpu.vector_store_idx %arg22[%add3A_532], %gather3A_529 : memref<31232xf32, #tpu.memory_space<vmem>>[vector<16xi32>], vector<16xf32>,
        %add3A_533 = arith.constant 11 : i32
        %add3A_534 = vector.broadcast %add3A_533 : i32 to vector<16xi32>
        %add3A_535 = arith.addi %get3A_372, %add3A_534 : vector<16xi32>
        %gather3A_536 = tpu.vector_load_idx %arg9[%add3A_535] : memref<2816xf32, #tpu.memory_space<vmem>>[vector<16xi32>], vector<16xf32>,
        %add3A_537 = arith.constant 33 : i32
        %add3A_538 = vector.broadcast %add3A_537 : i32 to vector<16xi32>
        %add3A_539 = arith.addi %add3A_365, %add3A_538 : vector<16xi32>
        tpu.vector_store_idx %arg22[%add3A_539], %gather3A_536 : memref<31232xf32, #tpu.memory_space<vmem>>[vector<16xi32>], vector<16xf32>,
        %add3A_540 = arith.constant 12 : i32
        %add3A_541 = vector.broadcast %add3A_540 : i32 to vector<16xi32>
        %add3A_542 = arith.addi %get3A_368, %add3A_541 : vector<16xi32>
        %gather3A_543 = tpu.vector_load_idx %arg9[%add3A_542] : memref<2816xf32, #tpu.memory_space<vmem>>[vector<16xi32>], vector<16xf32>,
        %add3A_544 = arith.constant 12 : i32
        %add3A_545 = vector.broadcast %add3A_544 : i32 to vector<16xi32>
        %add3A_546 = arith.addi %add3A_365, %add3A_545 : vector<16xi32>
        tpu.vector_store_idx %arg22[%add3A_546], %gather3A_543 : memref<31232xf32, #tpu.memory_space<vmem>>[vector<16xi32>], vector<16xf32>,
        %add3A_547 = arith.constant 12 : i32
        %add3A_548 = vector.broadcast %add3A_547 : i32 to vector<16xi32>
        %add3A_549 = arith.addi %get3A_372, %add3A_548 : vector<16xi32>
        %gather3A_550 = tpu.vector_load_idx %arg9[%add3A_549] : memref<2816xf32, #tpu.memory_space<vmem>>[vector<16xi32>], vector<16xf32>,
        %add3A_551 = arith.constant 34 : i32
        %add3A_552 = vector.broadcast %add3A_551 : i32 to vector<16xi32>
        %add3A_553 = arith.addi %add3A_365, %add3A_552 : vector<16xi32>
        tpu.vector_store_idx %arg22[%add3A_553], %gather3A_550 : memref<31232xf32, #tpu.memory_space<vmem>>[vector<16xi32>], vector<16xf32>,
        %add3A_554 = arith.constant 13 : i32
        %add3A_555 = vector.broadcast %add3A_554 : i32 to vector<16xi32>
        %add3A_556 = arith.addi %get3A_368, %add3A_555 : vector<16xi32>
        %gather3A_557 = tpu.vector_load_idx %arg9[%add3A_556] : memref<2816xf32, #tpu.memory_space<vmem>>[vector<16xi32>], vector<16xf32>,
        %add3A_558 = arith.constant 13 : i32
        %add3A_559 = vector.broadcast %add3A_558 : i32 to vector<16xi32>
        %add3A_560 = arith.addi %add3A_365, %add3A_559 : vector<16xi32>
        tpu.vector_store_idx %arg22[%add3A_560], %gather3A_557 : memref<31232xf32, #tpu.memory_space<vmem>>[vector<16xi32>], vector<16xf32>,
        %add3A_561 = arith.constant 13 : i32
        %add3A_562 = vector.broadcast %add3A_561 : i32 to vector<16xi32>
        %add3A_563 = arith.addi %get3A_372, %add3A_562 : vector<16xi32>
        %gather3A_564 = tpu.vector_load_idx %arg9[%add3A_563] : memref<2816xf32, #tpu.memory_space<vmem>>[vector<16xi32>], vector<16xf32>,
        %add3A_565 = arith.constant 35 : i32
        %add3A_566 = vector.broadcast %add3A_565 : i32 to vector<16xi32>
        %add3A_567 = arith.addi %add3A_365, %add3A_566 : vector<16xi32>
        tpu.vector_store_idx %arg22[%add3A_567], %gather3A_564 : memref<31232xf32, #tpu.memory_space<vmem>>[vector<16xi32>], vector<16xf32>,
        %add3A_568 = arith.constant 14 : i32
        %add3A_569 = vector.broadcast %add3A_568 : i32 to vector<16xi32>
        %add3A_570 = arith.addi %get3A_368, %add3A_569 : vector<16xi32>
        %gather3A_571 = tpu.vector_load_idx %arg9[%add3A_570] : memref<2816xf32, #tpu.memory_space<vmem>>[vector<16xi32>], vector<16xf32>,
        %add3A_572 = arith.constant 14 : i32
        %add3A_573 = vector.broadcast %add3A_572 : i32 to vector<16xi32>
        %add3A_574 = arith.addi %add3A_365, %add3A_573 : vector<16xi32>
        tpu.vector_store_idx %arg22[%add3A_574], %gather3A_571 : memref<31232xf32, #tpu.memory_space<vmem>>[vector<16xi32>], vector<16xf32>,
        %add3A_575 = arith.constant 14 : i32
        %add3A_576 = vector.broadcast %add3A_575 : i32 to vector<16xi32>
        %add3A_577 = arith.addi %get3A_372, %add3A_576 : vector<16xi32>
        %gather3A_578 = tpu.vector_load_idx %arg9[%add3A_577] : memref<2816xf32, #tpu.memory_space<vmem>>[vector<16xi32>], vector<16xf32>,
        %add3A_579 = arith.constant 36 : i32
        %add3A_580 = vector.broadcast %add3A_579 : i32 to vector<16xi32>
        %add3A_581 = arith.addi %add3A_365, %add3A_580 : vector<16xi32>
        tpu.vector_store_idx %arg22[%add3A_581], %gather3A_578 : memref<31232xf32, #tpu.memory_space<vmem>>[vector<16xi32>], vector<16xf32>,
        %add3A_582 = arith.constant 15 : i32
        %add3A_583 = vector.broadcast %add3A_582 : i32 to vector<16xi32>
        %add3A_584 = arith.addi %get3A_368, %add3A_583 : vector<16xi32>
        %gather3A_585 = tpu.vector_load_idx %arg9[%add3A_584] : memref<2816xf32, #tpu.memory_space<vmem>>[vector<16xi32>], vector<16xf32>,
        %add3A_586 = arith.constant 15 : i32
        %add3A_587 = vector.broadcast %add3A_586 : i32 to vector<16xi32>
        %add3A_588 = arith.addi %add3A_365, %add3A_587 : vector<16xi32>
        tpu.vector_store_idx %arg22[%add3A_588], %gather3A_585 : memref<31232xf32, #tpu.memory_space<vmem>>[vector<16xi32>], vector<16xf32>,
        %add3A_589 = arith.constant 15 : i32
        %add3A_590 = vector.broadcast %add3A_589 : i32 to vector<16xi32>
        %add3A_591 = arith.addi %get3A_372, %add3A_590 : vector<16xi32>
        %gather3A_592 = tpu.vector_load_idx %arg9[%add3A_591] : memref<2816xf32, #tpu.memory_space<vmem>>[vector<16xi32>], vector<16xf32>,
        %add3A_593 = arith.constant 37 : i32
        %add3A_594 = vector.broadcast %add3A_593 : i32 to vector<16xi32>
        %add3A_595 = arith.addi %add3A_365, %add3A_594 : vector<16xi32>
        tpu.vector_store_idx %arg22[%add3A_595], %gather3A_592 : memref<31232xf32, #tpu.memory_space<vmem>>[vector<16xi32>], vector<16xf32>,
        %add3A_596 = arith.constant 16 : i32
        %add3A_597 = vector.broadcast %add3A_596 : i32 to vector<16xi32>
        %add3A_598 = arith.addi %get3A_368, %add3A_597 : vector<16xi32>
        %gather3A_599 = tpu.vector_load_idx %arg9[%add3A_598] : memref<2816xf32, #tpu.memory_space<vmem>>[vector<16xi32>], vector<16xf32>,
        %add3A_600 = arith.constant 16 : i32
        %add3A_601 = vector.broadcast %add3A_600 : i32 to vector<16xi32>
        %add3A_602 = arith.addi %add3A_365, %add3A_601 : vector<16xi32>
        tpu.vector_store_idx %arg22[%add3A_602], %gather3A_599 : memref<31232xf32, #tpu.memory_space<vmem>>[vector<16xi32>], vector<16xf32>,
        %add3A_603 = arith.constant 16 : i32
        %add3A_604 = vector.broadcast %add3A_603 : i32 to vector<16xi32>
        %add3A_605 = arith.addi %get3A_372, %add3A_604 : vector<16xi32>
        %gather3A_606 = tpu.vector_load_idx %arg9[%add3A_605] : memref<2816xf32, #tpu.memory_space<vmem>>[vector<16xi32>], vector<16xf32>,
        %add3A_607 = arith.constant 38 : i32
        %add3A_608 = vector.broadcast %add3A_607 : i32 to vector<16xi32>
        %add3A_609 = arith.addi %add3A_365, %add3A_608 : vector<16xi32>
        tpu.vector_store_idx %arg22[%add3A_609], %gather3A_606 : memref<31232xf32, #tpu.memory_space<vmem>>[vector<16xi32>], vector<16xf32>,
        %add3A_610 = arith.constant 17 : i32
        %add3A_611 = vector.broadcast %add3A_610 : i32 to vector<16xi32>
        %add3A_612 = arith.addi %get3A_368, %add3A_611 : vector<16xi32>
        %gather3A_613 = tpu.vector_load_idx %arg9[%add3A_612] : memref<2816xf32, #tpu.memory_space<vmem>>[vector<16xi32>], vector<16xf32>,
        %add3A_614 = arith.constant 17 : i32
        %add3A_615 = vector.broadcast %add3A_614 : i32 to vector<16xi32>
        %add3A_616 = arith.addi %add3A_365, %add3A_615 : vector<16xi32>
        tpu.vector_store_idx %arg22[%add3A_616], %gather3A_613 : memref<31232xf32, #tpu.memory_space<vmem>>[vector<16xi32>], vector<16xf32>,
        %add3A_617 = arith.constant 17 : i32
        %add3A_618 = vector.broadcast %add3A_617 : i32 to vector<16xi32>
        %add3A_619 = arith.addi %get3A_372, %add3A_618 : vector<16xi32>
        %gather3A_620 = tpu.vector_load_idx %arg9[%add3A_619] : memref<2816xf32, #tpu.memory_space<vmem>>[vector<16xi32>], vector<16xf32>,
        %add3A_621 = arith.constant 39 : i32
        %add3A_622 = vector.broadcast %add3A_621 : i32 to vector<16xi32>
        %add3A_623 = arith.addi %add3A_365, %add3A_622 : vector<16xi32>
        tpu.vector_store_idx %arg22[%add3A_623], %gather3A_620 : memref<31232xf32, #tpu.memory_space<vmem>>[vector<16xi32>], vector<16xf32>,
        %add3A_624 = arith.constant 18 : i32
        %add3A_625 = vector.broadcast %add3A_624 : i32 to vector<16xi32>
        %add3A_626 = arith.addi %get3A_368, %add3A_625 : vector<16xi32>
        %gather3A_627 = tpu.vector_load_idx %arg9[%add3A_626] : memref<2816xf32, #tpu.memory_space<vmem>>[vector<16xi32>], vector<16xf32>,
        %add3A_628 = arith.constant 18 : i32
        %add3A_629 = vector.broadcast %add3A_628 : i32 to vector<16xi32>
        %add3A_630 = arith.addi %add3A_365, %add3A_629 : vector<16xi32>
        tpu.vector_store_idx %arg22[%add3A_630], %gather3A_627 : memref<31232xf32, #tpu.memory_space<vmem>>[vector<16xi32>], vector<16xf32>,
        %add3A_631 = arith.constant 18 : i32
        %add3A_632 = vector.broadcast %add3A_631 : i32 to vector<16xi32>
        %add3A_633 = arith.addi %get3A_372, %add3A_632 : vector<16xi32>
        %gather3A_634 = tpu.vector_load_idx %arg9[%add3A_633] : memref<2816xf32, #tpu.memory_space<vmem>>[vector<16xi32>], vector<16xf32>,
        %add3A_635 = arith.constant 40 : i32
        %add3A_636 = vector.broadcast %add3A_635 : i32 to vector<16xi32>
        %add3A_637 = arith.addi %add3A_365, %add3A_636 : vector<16xi32>
        tpu.vector_store_idx %arg22[%add3A_637], %gather3A_634 : memref<31232xf32, #tpu.memory_space<vmem>>[vector<16xi32>], vector<16xf32>,
        %add3A_638 = arith.constant 19 : i32
        %add3A_639 = vector.broadcast %add3A_638 : i32 to vector<16xi32>
        %add3A_640 = arith.addi %get3A_368, %add3A_639 : vector<16xi32>
        %gather3A_641 = tpu.vector_load_idx %arg9[%add3A_640] : memref<2816xf32, #tpu.memory_space<vmem>>[vector<16xi32>], vector<16xf32>,
        %add3A_642 = arith.constant 19 : i32
        %add3A_643 = vector.broadcast %add3A_642 : i32 to vector<16xi32>
        %add3A_644 = arith.addi %add3A_365, %add3A_643 : vector<16xi32>
        tpu.vector_store_idx %arg22[%add3A_644], %gather3A_641 : memref<31232xf32, #tpu.memory_space<vmem>>[vector<16xi32>], vector<16xf32>,
        %add3A_645 = arith.constant 19 : i32
        %add3A_646 = vector.broadcast %add3A_645 : i32 to vector<16xi32>
        %add3A_647 = arith.addi %get3A_372, %add3A_646 : vector<16xi32>
        %gather3A_648 = tpu.vector_load_idx %arg9[%add3A_647] : memref<2816xf32, #tpu.memory_space<vmem>>[vector<16xi32>], vector<16xf32>,
        %add3A_649 = arith.constant 41 : i32
        %add3A_650 = vector.broadcast %add3A_649 : i32 to vector<16xi32>
        %add3A_651 = arith.addi %add3A_365, %add3A_650 : vector<16xi32>
        tpu.vector_store_idx %arg22[%add3A_651], %gather3A_648 : memref<31232xf32, #tpu.memory_space<vmem>>[vector<16xi32>], vector<16xf32>,
        %add3A_652 = arith.constant 20 : i32
        %add3A_653 = vector.broadcast %add3A_652 : i32 to vector<16xi32>
        %add3A_654 = arith.addi %get3A_368, %add3A_653 : vector<16xi32>
        %gather3A_655 = tpu.vector_load_idx %arg9[%add3A_654] : memref<2816xf32, #tpu.memory_space<vmem>>[vector<16xi32>], vector<16xf32>,
        %add3A_656 = arith.constant 20 : i32
        %add3A_657 = vector.broadcast %add3A_656 : i32 to vector<16xi32>
        %add3A_658 = arith.addi %add3A_365, %add3A_657 : vector<16xi32>
        tpu.vector_store_idx %arg22[%add3A_658], %gather3A_655 : memref<31232xf32, #tpu.memory_space<vmem>>[vector<16xi32>], vector<16xf32>,
        %add3A_659 = arith.constant 20 : i32
        %add3A_660 = vector.broadcast %add3A_659 : i32 to vector<16xi32>
        %add3A_661 = arith.addi %get3A_372, %add3A_660 : vector<16xi32>
        %gather3A_662 = tpu.vector_load_idx %arg9[%add3A_661] : memref<2816xf32, #tpu.memory_space<vmem>>[vector<16xi32>], vector<16xf32>,
        %add3A_663 = arith.constant 42 : i32
        %add3A_664 = vector.broadcast %add3A_663 : i32 to vector<16xi32>
        %add3A_665 = arith.addi %add3A_365, %add3A_664 : vector<16xi32>
        tpu.vector_store_idx %arg22[%add3A_665], %gather3A_662 : memref<31232xf32, #tpu.memory_space<vmem>>[vector<16xi32>], vector<16xf32>,
        %add3A_666 = arith.constant 21 : i32
        %add3A_667 = vector.broadcast %add3A_666 : i32 to vector<16xi32>
        %add3A_668 = arith.addi %get3A_368, %add3A_667 : vector<16xi32>
        %gather3A_669 = tpu.vector_load_idx %arg9[%add3A_668] : memref<2816xf32, #tpu.memory_space<vmem>>[vector<16xi32>], vector<16xf32>,
        %add3A_670 = arith.constant 21 : i32
        %add3A_671 = vector.broadcast %add3A_670 : i32 to vector<16xi32>
        %add3A_672 = arith.addi %add3A_365, %add3A_671 : vector<16xi32>
        tpu.vector_store_idx %arg22[%add3A_672], %gather3A_669 : memref<31232xf32, #tpu.memory_space<vmem>>[vector<16xi32>], vector<16xf32>,
        %add3A_673 = arith.constant 21 : i32
        %add3A_674 = vector.broadcast %add3A_673 : i32 to vector<16xi32>
        %add3A_675 = arith.addi %get3A_372, %add3A_674 : vector<16xi32>
        %gather3A_676 = tpu.vector_load_idx %arg9[%add3A_675] : memref<2816xf32, #tpu.memory_space<vmem>>[vector<16xi32>], vector<16xf32>,
        %add3A_677 = arith.constant 43 : i32
        %add3A_678 = vector.broadcast %add3A_677 : i32 to vector<16xi32>
        %add3A_679 = arith.addi %add3A_365, %add3A_678 : vector<16xi32>
        tpu.vector_store_idx %arg22[%add3A_679], %gather3A_676 : memref<31232xf32, #tpu.memory_space<vmem>>[vector<16xi32>], vector<16xf32>,
        %broadcast_in_dim3A = arith.constant 0 : i32
        %broadcast_in_dim3A_680 = vector.broadcast %broadcast_in_dim3A : i32 to vector<16xi32>
        %add3A_681 = arith.constant 0 : i32
        %add3A_682 = vector.broadcast %add3A_681 : i32 to vector<16xi32>
        %add3A_683 = arith.addi %broadcast_in_dim3A_680, %add3A_682 : vector<16xi32>
        %gather3A_684 = tpu.vector_load_idx %arg18[%add3A_361, %add3A_683] : memref<512x16xf32, #tpu.memory_space<vmem>>[vector<16xi32>, vector<16xi32>], vector<16xf32>,
        %add3A_685 = arith.constant 44 : i32
        %add3A_686 = vector.broadcast %add3A_685 : i32 to vector<16xi32>
        %add3A_687 = arith.addi %add3A_365, %add3A_686 : vector<16xi32>
        tpu.vector_store_idx %arg22[%add3A_687], %gather3A_684 : memref<31232xf32, #tpu.memory_space<vmem>>[vector<16xi32>], vector<16xf32>,
        %add3A_688 = arith.constant 1 : i32
        %add3A_689 = vector.broadcast %add3A_688 : i32 to vector<16xi32>
        %add3A_690 = arith.addi %broadcast_in_dim3A_680, %add3A_689 : vector<16xi32>
        %gather3A_691 = tpu.vector_load_idx %arg18[%add3A_361, %add3A_690] : memref<512x16xf32, #tpu.memory_space<vmem>>[vector<16xi32>, vector<16xi32>], vector<16xf32>,
        %add3A_692 = arith.constant 45 : i32
        %add3A_693 = vector.broadcast %add3A_692 : i32 to vector<16xi32>
        %add3A_694 = arith.addi %add3A_365, %add3A_693 : vector<16xi32>
        tpu.vector_store_idx %arg22[%add3A_694], %gather3A_691 : memref<31232xf32, #tpu.memory_space<vmem>>[vector<16xi32>], vector<16xf32>,
        %add3A_695 = arith.constant 2 : i32
        %add3A_696 = vector.broadcast %add3A_695 : i32 to vector<16xi32>
        %add3A_697 = arith.addi %broadcast_in_dim3A_680, %add3A_696 : vector<16xi32>
        %gather3A_698 = tpu.vector_load_idx %arg18[%add3A_361, %add3A_697] : memref<512x16xf32, #tpu.memory_space<vmem>>[vector<16xi32>, vector<16xi32>], vector<16xf32>,
        %add3A_699 = arith.constant 46 : i32
        %add3A_700 = vector.broadcast %add3A_699 : i32 to vector<16xi32>
        %add3A_701 = arith.addi %add3A_365, %add3A_700 : vector<16xi32>
        tpu.vector_store_idx %arg22[%add3A_701], %gather3A_698 : memref<31232xf32, #tpu.memory_space<vmem>>[vector<16xi32>], vector<16xf32>,
        %add3A_702 = arith.constant 3 : i32
        %add3A_703 = vector.broadcast %add3A_702 : i32 to vector<16xi32>
        %add3A_704 = arith.addi %broadcast_in_dim3A_680, %add3A_703 : vector<16xi32>
        %gather3A_705 = tpu.vector_load_idx %arg18[%add3A_361, %add3A_704] : memref<512x16xf32, #tpu.memory_space<vmem>>[vector<16xi32>, vector<16xi32>], vector<16xf32>,
        %add3A_706 = arith.constant 47 : i32
        %add3A_707 = vector.broadcast %add3A_706 : i32 to vector<16xi32>
        %add3A_708 = arith.addi %add3A_365, %add3A_707 : vector<16xi32>
        tpu.vector_store_idx %arg22[%add3A_708], %gather3A_705 : memref<31232xf32, #tpu.memory_space<vmem>>[vector<16xi32>], vector<16xf32>,
        %add3A_709 = arith.constant 4 : i32
        %add3A_710 = vector.broadcast %add3A_709 : i32 to vector<16xi32>
        %add3A_711 = arith.addi %broadcast_in_dim3A_680, %add3A_710 : vector<16xi32>
        %gather3A_712 = tpu.vector_load_idx %arg18[%add3A_361, %add3A_711] : memref<512x16xf32, #tpu.memory_space<vmem>>[vector<16xi32>, vector<16xi32>], vector<16xf32>,
        %add3A_713 = arith.constant 48 : i32
        %add3A_714 = vector.broadcast %add3A_713 : i32 to vector<16xi32>
        %add3A_715 = arith.addi %add3A_365, %add3A_714 : vector<16xi32>
        tpu.vector_store_idx %arg22[%add3A_715], %gather3A_712 : memref<31232xf32, #tpu.memory_space<vmem>>[vector<16xi32>], vector<16xf32>,
        %add3A_716 = arith.constant 5 : i32
        %add3A_717 = vector.broadcast %add3A_716 : i32 to vector<16xi32>
        %add3A_718 = arith.addi %broadcast_in_dim3A_680, %add3A_717 : vector<16xi32>
        %gather3A_719 = tpu.vector_load_idx %arg18[%add3A_361, %add3A_718] : memref<512x16xf32, #tpu.memory_space<vmem>>[vector<16xi32>, vector<16xi32>], vector<16xf32>,
        %add3A_720 = arith.constant 49 : i32
        %add3A_721 = vector.broadcast %add3A_720 : i32 to vector<16xi32>
        %add3A_722 = arith.addi %add3A_365, %add3A_721 : vector<16xi32>
        tpu.vector_store_idx %arg22[%add3A_722], %gather3A_719 : memref<31232xf32, #tpu.memory_space<vmem>>[vector<16xi32>], vector<16xf32>,
        %add3A_723 = arith.constant 6 : i32
        %add3A_724 = vector.broadcast %add3A_723 : i32 to vector<16xi32>
        %add3A_725 = arith.addi %broadcast_in_dim3A_680, %add3A_724 : vector<16xi32>
        %gather3A_726 = tpu.vector_load_idx %arg18[%add3A_361, %add3A_725] : memref<512x16xf32, #tpu.memory_space<vmem>>[vector<16xi32>, vector<16xi32>], vector<16xf32>,
        %add3A_727 = arith.constant 50 : i32
        %add3A_728 = vector.broadcast %add3A_727 : i32 to vector<16xi32>
        %add3A_729 = arith.addi %add3A_365, %add3A_728 : vector<16xi32>
        tpu.vector_store_idx %arg22[%add3A_729], %gather3A_726 : memref<31232xf32, #tpu.memory_space<vmem>>[vector<16xi32>], vector<16xf32>,
        %add3A_730 = arith.constant 7 : i32
        %add3A_731 = vector.broadcast %add3A_730 : i32 to vector<16xi32>
        %add3A_732 = arith.addi %broadcast_in_dim3A_680, %add3A_731 : vector<16xi32>
        %gather3A_733 = tpu.vector_load_idx %arg18[%add3A_361, %add3A_732] : memref<512x16xf32, #tpu.memory_space<vmem>>[vector<16xi32>, vector<16xi32>], vector<16xf32>,
        %add3A_734 = arith.constant 51 : i32
        %add3A_735 = vector.broadcast %add3A_734 : i32 to vector<16xi32>
        %add3A_736 = arith.addi %add3A_365, %add3A_735 : vector<16xi32>
        tpu.vector_store_idx %arg22[%add3A_736], %gather3A_733 : memref<31232xf32, #tpu.memory_space<vmem>>[vector<16xi32>], vector<16xf32>,
        %add3A_737 = arith.constant 8 : i32
        %add3A_738 = vector.broadcast %add3A_737 : i32 to vector<16xi32>
        %add3A_739 = arith.addi %broadcast_in_dim3A_680, %add3A_738 : vector<16xi32>
        %gather3A_740 = tpu.vector_load_idx %arg18[%add3A_361, %add3A_739] : memref<512x16xf32, #tpu.memory_space<vmem>>[vector<16xi32>, vector<16xi32>], vector<16xf32>,
        %add3A_741 = arith.constant 52 : i32
        %add3A_742 = vector.broadcast %add3A_741 : i32 to vector<16xi32>
        %add3A_743 = arith.addi %add3A_365, %add3A_742 : vector<16xi32>
        tpu.vector_store_idx %arg22[%add3A_743], %gather3A_740 : memref<31232xf32, #tpu.memory_space<vmem>>[vector<16xi32>], vector<16xf32>,
        %add3A_744 = arith.constant 9 : i32
        %add3A_745 = vector.broadcast %add3A_744 : i32 to vector<16xi32>
        %add3A_746 = arith.addi %broadcast_in_dim3A_680, %add3A_745 : vector<16xi32>
        %gather3A_747 = tpu.vector_load_idx %arg18[%add3A_361, %add3A_746] : memref<512x16xf32, #tpu.memory_space<vmem>>[vector<16xi32>, vector<16xi32>], vector<16xf32>,
        %add3A_748 = arith.constant 53 : i32
        %add3A_749 = vector.broadcast %add3A_748 : i32 to vector<16xi32>
        %add3A_750 = arith.addi %add3A_365, %add3A_749 : vector<16xi32>
        tpu.vector_store_idx %arg22[%add3A_750], %gather3A_747 : memref<31232xf32, #tpu.memory_space<vmem>>[vector<16xi32>], vector<16xf32>,
        %add3A_751 = arith.constant 10 : i32
        %add3A_752 = vector.broadcast %add3A_751 : i32 to vector<16xi32>
        %add3A_753 = arith.addi %broadcast_in_dim3A_680, %add3A_752 : vector<16xi32>
        %gather3A_754 = tpu.vector_load_idx %arg18[%add3A_361, %add3A_753] : memref<512x16xf32, #tpu.memory_space<vmem>>[vector<16xi32>, vector<16xi32>], vector<16xf32>,
        %add3A_755 = arith.constant 54 : i32
        %add3A_756 = vector.broadcast %add3A_755 : i32 to vector<16xi32>
        %add3A_757 = arith.addi %add3A_365, %add3A_756 : vector<16xi32>
        tpu.vector_store_idx %arg22[%add3A_757], %gather3A_754 : memref<31232xf32, #tpu.memory_space<vmem>>[vector<16xi32>], vector<16xf32>,
        %add3A_758 = arith.constant 11 : i32
        %add3A_759 = vector.broadcast %add3A_758 : i32 to vector<16xi32>
        %add3A_760 = arith.addi %broadcast_in_dim3A_680, %add3A_759 : vector<16xi32>
        %gather3A_761 = tpu.vector_load_idx %arg18[%add3A_361, %add3A_760] : memref<512x16xf32, #tpu.memory_space<vmem>>[vector<16xi32>, vector<16xi32>], vector<16xf32>,
        %add3A_762 = arith.constant 55 : i32
        %add3A_763 = vector.broadcast %add3A_762 : i32 to vector<16xi32>
        %add3A_764 = arith.addi %add3A_365, %add3A_763 : vector<16xi32>
        tpu.vector_store_idx %arg22[%add3A_764], %gather3A_761 : memref<31232xf32, #tpu.memory_space<vmem>>[vector<16xi32>], vector<16xf32>,
        %add3A_765 = arith.constant 12 : i32
        %add3A_766 = vector.broadcast %add3A_765 : i32 to vector<16xi32>
        %add3A_767 = arith.addi %broadcast_in_dim3A_680, %add3A_766 : vector<16xi32>
        %gather3A_768 = tpu.vector_load_idx %arg18[%add3A_361, %add3A_767] : memref<512x16xf32, #tpu.memory_space<vmem>>[vector<16xi32>, vector<16xi32>], vector<16xf32>,
        %add3A_769 = arith.constant 56 : i32
        %add3A_770 = vector.broadcast %add3A_769 : i32 to vector<16xi32>
        %add3A_771 = arith.addi %add3A_365, %add3A_770 : vector<16xi32>
        tpu.vector_store_idx %arg22[%add3A_771], %gather3A_768 : memref<31232xf32, #tpu.memory_space<vmem>>[vector<16xi32>], vector<16xf32>,
        %add3A_772 = arith.constant 13 : i32
        %add3A_773 = vector.broadcast %add3A_772 : i32 to vector<16xi32>
        %add3A_774 = arith.addi %broadcast_in_dim3A_680, %add3A_773 : vector<16xi32>
        %gather3A_775 = tpu.vector_load_idx %arg18[%add3A_361, %add3A_774] : memref<512x16xf32, #tpu.memory_space<vmem>>[vector<16xi32>, vector<16xi32>], vector<16xf32>,
        %add3A_776 = arith.constant 57 : i32
        %add3A_777 = vector.broadcast %add3A_776 : i32 to vector<16xi32>
        %add3A_778 = arith.addi %add3A_365, %add3A_777 : vector<16xi32>
        tpu.vector_store_idx %arg22[%add3A_778], %gather3A_775 : memref<31232xf32, #tpu.memory_space<vmem>>[vector<16xi32>], vector<16xf32>,
        %add3A_779 = arith.constant 14 : i32
        %add3A_780 = vector.broadcast %add3A_779 : i32 to vector<16xi32>
        %add3A_781 = arith.addi %broadcast_in_dim3A_680, %add3A_780 : vector<16xi32>
        %gather3A_782 = tpu.vector_load_idx %arg18[%add3A_361, %add3A_781] : memref<512x16xf32, #tpu.memory_space<vmem>>[vector<16xi32>, vector<16xi32>], vector<16xf32>,
        %add3A_783 = arith.constant 58 : i32
        %add3A_784 = vector.broadcast %add3A_783 : i32 to vector<16xi32>
        %add3A_785 = arith.addi %add3A_365, %add3A_784 : vector<16xi32>
        tpu.vector_store_idx %arg22[%add3A_785], %gather3A_782 : memref<31232xf32, #tpu.memory_space<vmem>>[vector<16xi32>], vector<16xf32>,
        %add3A_786 = arith.constant 15 : i32
        %add3A_787 = vector.broadcast %add3A_786 : i32 to vector<16xi32>
        %add3A_788 = arith.addi %broadcast_in_dim3A_680, %add3A_787 : vector<16xi32>
        %gather3A_789 = tpu.vector_load_idx %arg18[%add3A_361, %add3A_788] : memref<512x16xf32, #tpu.memory_space<vmem>>[vector<16xi32>, vector<16xi32>], vector<16xf32>,
        %add3A_790 = arith.constant 59 : i32
        %add3A_791 = vector.broadcast %add3A_790 : i32 to vector<16xi32>
        %add3A_792 = arith.addi %add3A_365, %add3A_791 : vector<16xi32>
        tpu.vector_store_idx %arg22[%add3A_792], %gather3A_789 : memref<31232xf32, #tpu.memory_space<vmem>>[vector<16xi32>], vector<16xf32>,
        %mul3A_793 = arith.constant 16 : i32
        %mul3A_794 = arith.muli %scan3A_357, %mul3A_793 : i32
        %get3A_795 = arith.index_cast %mul3A_794 : i32 to index
        %get3A_796 = tpu.vector_load %arg20[%get3A_795] {strides = array<i32>} : memref<512xf32, #tpu.memory_space<vmem>>, vector<16xf32>,
        %add3A_797 = arith.constant 60 : i32
        %add3A_798 = vector.broadcast %add3A_797 : i32 to vector<16xi32>
        %add3A_799 = arith.addi %add3A_365, %add3A_798 : vector<16xi32>
        tpu.vector_store_idx %arg22[%add3A_799], %get3A_796 : memref<31232xf32, #tpu.memory_space<vmem>>[vector<16xi32>], vector<16xf32>,
      }
      %scan3A_286 = arith.constant 32 : i32
      %mul3A_287 = arith.constant 512 : i32
      %mul3A_288 = arith.muli %mul3A_233, %mul3A_287 : i32
      %add3A_289 = arith.addi %mul3A_2, %mul3A_288 : i32
      %mul3A_290 = arith.constant 61 : i32
      %mul3A_291 = arith.muli %add3A_289, %mul3A_290 : i32
      %dma_start3A_292 = tpu.memref_slice %arg8[%mul3A_291] : memref<97600000xf32, #tpu.memory_space<hbm>> -> memref<31232xf32, #tpu.memory_space<hbm>>
      %dma_start3A_293 = tpu.memref_slice %arg8[%mul3A_291] : memref<97600000xf32, #tpu.memory_space<hbm>> -> memref<31232xf32, #tpu.memory_space<hbm>>
      tpu.enqueue_dma source(%arg22 : memref<31232xf32, #tpu.memory_space<vmem>>) target(%dma_start3A_293 : memref<31232xf32, #tpu.memory_space<hbm>>) target_semaphore(%arg28 : memref<!tpu.dma_semaphore, #tpu.memory_space<semaphore_mem>>)
      %add3A_294 = arith.constant 1 : i32
      %add3A_295 = arith.addi %mul3A_233, %add3A_294 : i32
      %add3A_296 = arith.constant 2 : i32
      %add3A_297 = arith.addi %mul3A_233, %add3A_296 : i32
      %sub3A_298 = arith.constant 1 : i32
      %sub3A_299 = arith.subi %mul3A_233, %sub3A_298 : i32
      %mul3A_300 = arith.constant 512 : i32
      %mul3A_301 = arith.muli %add3A_295, %mul3A_300 : i32
      %add3A_302 = arith.addi %mul3A_2, %mul3A_301 : i32
      %dma_wait3A_303 = tpu.memref_slice %arg4[%add3A_302] : memref<1600000xi32, #tpu.memory_space<hbm>> -> memref<512xi32, #tpu.memory_space<hbm>>
      %dma_wait3A_304 = tpu.memref_slice %arg4[%add3A_302] : memref<1600000xi32, #tpu.memory_space<hbm>> -> memref<512xi32, #tpu.memory_space<hbm>>
      tpu.wait_dma2 semaphore(%arg25 : memref<!tpu.dma_semaphore, #tpu.memory_space<semaphore_mem>>) src(%dma_wait3A_304 : memref<512xi32, #tpu.memory_space<hbm>>) dst(%arg11 : memref<512xi32, #tpu.memory_space<vmem>>)
      %dma_wait3A_305 = tpu.memref_slice %arg5[%add3A_302] : memref<1600000xi32, #tpu.memory_space<hbm>> -> memref<512xi32, #tpu.memory_space<hbm>>
      %dma_wait3A_306 = tpu.memref_slice %arg5[%add3A_302] : memref<1600000xi32, #tpu.memory_space<hbm>> -> memref<512xi32, #tpu.memory_space<hbm>>
      tpu.wait_dma2 semaphore(%arg25 : memref<!tpu.dma_semaphore, #tpu.memory_space<semaphore_mem>>) src(%dma_wait3A_306 : memref<512xi32, #tpu.memory_space<hbm>>) dst(%arg13 : memref<512xi32, #tpu.memory_space<vmem>>)
      %mul3A_307 = arith.constant 512 : i32
      %mul3A_308 = arith.muli %add3A_295, %mul3A_307 : i32
      %add3A_309 = arith.addi %mul3A_2, %mul3A_308 : i32
      %dma_start3A_310 = arith.constant 0 : i32
      %dma_start3A_311 = tpu.memref_slice %arg3[%dma_start3A_310] : memref<100000xi32, #tpu.memory_space<hbm>> -> memref<100000xi32, #tpu.memory_space<hbm>>
      tpu.enqueue_indirect_dma source(%dma_start3A_311 : memref<100000xi32, #tpu.memory_space<hbm>>) target(%arg15 : memref<512xi32, #tpu.memory_space<vmem>>) offsets(%arg11 : memref<512xi32, #tpu.memory_space<vmem>>) semaphore(%arg27 : memref<!tpu.dma_semaphore, #tpu.memory_space<semaphore_mem>>)
      %dma_start3A_312 = arith.constant 0 : i32
      %dma_start3A_313 = tpu.memref_slice %arg3[%dma_start3A_312] : memref<100000xi32, #tpu.memory_space<hbm>> -> memref<100000xi32, #tpu.memory_space<hbm>>
      tpu.enqueue_indirect_dma source(%dma_start3A_313 : memref<100000xi32, #tpu.memory_space<hbm>>) target(%arg17 : memref<512xi32, #tpu.memory_space<vmem>>) offsets(%arg13 : memref<512xi32, #tpu.memory_space<vmem>>) semaphore(%arg27 : memref<!tpu.dma_semaphore, #tpu.memory_space<semaphore_mem>>)
      %dma_start3A_314 = arith.constant 0 : i32
      %dma_start3A_315 = tpu.memref_slice %arg7[%add3A_309, %dma_start3A_314] : memref<1600000x16xf32, #tpu.memory_space<hbm>> -> memref<512x16xf32, #tpu.memory_space<hbm>>
      %dma_start3A_316 = arith.constant 0 : i32
      %dma_start3A_317 = tpu.memref_slice %arg7[%add3A_309, %dma_start3A_316] : memref<1600000x16xf32, #tpu.memory_space<hbm>> -> memref<512x16xf32, #tpu.memory_space<hbm>>
      tpu.enqueue_dma source(%dma_start3A_317 : memref<512x16xf32, #tpu.memory_space<hbm>>) target(%arg19 : memref<512x16xf32, #tpu.memory_space<vmem>>) target_semaphore(%arg27 : memref<!tpu.dma_semaphore, #tpu.memory_space<semaphore_mem>>)
      %dma_start3A_318 = tpu.memref_slice %arg6[%add3A_309] : memref<1600000xf32, #tpu.memory_space<hbm>> -> memref<512xf32, #tpu.memory_space<hbm>>
      %dma_start3A_319 = tpu.memref_slice %arg6[%add3A_309] : memref<1600000xf32, #tpu.memory_space<hbm>> -> memref<512xf32, #tpu.memory_space<hbm>>
      tpu.enqueue_dma source(%dma_start3A_319 : memref<512xf32, #tpu.memory_space<hbm>>) target(%arg21 : memref<512xf32, #tpu.memory_space<vmem>>) target_semaphore(%arg27 : memref<!tpu.dma_semaphore, #tpu.memory_space<semaphore_mem>>)
      %mul3A_320 = arith.constant 512 : i32
      %mul3A_321 = arith.muli %add3A_297, %mul3A_320 : i32
      %add3A_322 = arith.addi %mul3A_2, %mul3A_321 : i32
      %dma_start3A_323 = tpu.memref_slice %arg4[%add3A_322] : memref<1600000xi32, #tpu.memory_space<hbm>> -> memref<512xi32, #tpu.memory_space<hbm>>
      %dma_start3A_324 = tpu.memref_slice %arg4[%add3A_322] : memref<1600000xi32, #tpu.memory_space<hbm>> -> memref<512xi32, #tpu.memory_space<hbm>>
      tpu.enqueue_dma source(%dma_start3A_324 : memref<512xi32, #tpu.memory_space<hbm>>) target(%arg10 : memref<512xi32, #tpu.memory_space<vmem>>) target_semaphore(%arg24 : memref<!tpu.dma_semaphore, #tpu.memory_space<semaphore_mem>>)
      %dma_start3A_325 = tpu.memref_slice %arg5[%add3A_322] : memref<1600000xi32, #tpu.memory_space<hbm>> -> memref<512xi32, #tpu.memory_space<hbm>>
      %dma_start3A_326 = tpu.memref_slice %arg5[%add3A_322] : memref<1600000xi32, #tpu.memory_space<hbm>> -> memref<512xi32, #tpu.memory_space<hbm>>
      tpu.enqueue_dma source(%dma_start3A_326 : memref<512xi32, #tpu.memory_space<hbm>>) target(%arg12 : memref<512xi32, #tpu.memory_space<vmem>>) target_semaphore(%arg24 : memref<!tpu.dma_semaphore, #tpu.memory_space<semaphore_mem>>)
      %dma_wait3A_327 = arith.constant 0 : i32
      %dma_wait3A_328 = tpu.memref_slice %arg3[%dma_wait3A_327] : memref<100000xi32, #tpu.memory_space<hbm>> -> memref<100000xi32, #tpu.memory_space<hbm>>
      tpu.wait_indirect_dma semaphore(%arg27 : memref<!tpu.dma_semaphore, #tpu.memory_space<semaphore_mem>>) src(%dma_wait3A_328 : memref<100000xi32, #tpu.memory_space<hbm>>) dst(%arg15 : memref<512xi32, #tpu.memory_space<vmem>>)
      %dma_wait3A_329 = arith.constant 0 : i32
      %dma_wait3A_330 = tpu.memref_slice %arg3[%dma_wait3A_329] : memref<100000xi32, #tpu.memory_space<hbm>> -> memref<100000xi32, #tpu.memory_space<hbm>>
      tpu.wait_indirect_dma semaphore(%arg27 : memref<!tpu.dma_semaphore, #tpu.memory_space<semaphore_mem>>) src(%dma_wait3A_330 : memref<100000xi32, #tpu.memory_space<hbm>>) dst(%arg17 : memref<512xi32, #tpu.memory_space<vmem>>)
      %dma_wait3A_331 = arith.constant 0 : i32
      %dma_wait3A_332 = tpu.memref_slice %arg7[%add3A_309, %dma_wait3A_331] : memref<1600000x16xf32, #tpu.memory_space<hbm>> -> memref<512x16xf32, #tpu.memory_space<hbm>>
      %dma_wait3A_333 = arith.constant 0 : i32
      %dma_wait3A_334 = tpu.memref_slice %arg7[%add3A_309, %dma_wait3A_333] : memref<1600000x16xf32, #tpu.memory_space<hbm>> -> memref<512x16xf32, #tpu.memory_space<hbm>>
      tpu.wait_dma2 semaphore(%arg27 : memref<!tpu.dma_semaphore, #tpu.memory_space<semaphore_mem>>) src(%dma_wait3A_334 : memref<512x16xf32, #tpu.memory_space<hbm>>) dst(%arg19 : memref<512x16xf32, #tpu.memory_space<vmem>>)
      %dma_wait3A_335 = tpu.memref_slice %arg6[%add3A_309] : memref<1600000xf32, #tpu.memory_space<hbm>> -> memref<512xf32, #tpu.memory_space<hbm>>
      %dma_wait3A_336 = tpu.memref_slice %arg6[%add3A_309] : memref<1600000xf32, #tpu.memory_space<hbm>> -> memref<512xf32, #tpu.memory_space<hbm>>
      tpu.wait_dma2 semaphore(%arg27 : memref<!tpu.dma_semaphore, #tpu.memory_space<semaphore_mem>>) src(%dma_wait3A_336 : memref<512xf32, #tpu.memory_space<hbm>>) dst(%arg21 : memref<512xf32, #tpu.memory_space<vmem>>)
      %mul3A_337 = arith.constant 512 : i32
      %mul3A_338 = arith.muli %sub3A_299, %mul3A_337 : i32
      %add3A_339 = arith.addi %mul3A_2, %mul3A_338 : i32
      %mul3A_340 = arith.constant 61 : i32
      %mul3A_341 = arith.muli %add3A_339, %mul3A_340 : i32
      %dma_wait3A_342 = tpu.memref_slice %arg8[%mul3A_341] : memref<97600000xf32, #tpu.memory_space<hbm>> -> memref<31232xf32, #tpu.memory_space<hbm>>
      %dma_wait3A_343 = tpu.memref_slice %arg8[%mul3A_341] : memref<97600000xf32, #tpu.memory_space<hbm>> -> memref<31232xf32, #tpu.memory_space<hbm>>
      tpu.wait_dma2 semaphore(%arg29 : memref<!tpu.dma_semaphore, #tpu.memory_space<semaphore_mem>>) src(%arg23 : memref<31232xf32, #tpu.memory_space<vmem>>) dst(%dma_wait3A_343 : memref<31232xf32, #tpu.memory_space<hbm>>)
      %scan3A_344 = arith.constant 0 : i32
      %scan3A_345 = arith.constant 0 : i32
      %scan3A_346 = arith.constant 32 : i32
      %scan3A_347 = arith.addi %scan3A_345, %scan3A_346 : i32
      %scan3A_348 = arith.constant 1 : i32
      scf.for %scan3A_357 = %scan3A_345 to %scan3A_347 step %scan3A_348  : i32 {
        %mul3A_358 = arith.constant 16 : i32
        %mul3A_359 = arith.muli %scan3A_357, %mul3A_358 : i32
        %add3A_360 = vector.broadcast %mul3A_359 : i32 to vector<16xi32>
        %add3A_361 = arith.addi %add3A_360, %iota3A : vector<16xi32>
        %mul3A_362 = arith.constant 976 : i32
        %mul3A_363 = arith.muli %scan3A_357, %mul3A_362 : i32
        %add3A_364 = vector.broadcast %mul3A_363 : i32 to vector<16xi32>
        %add3A_365 = arith.addi %add3A_364, %mul3A_5 : vector<16xi32>
        %mul3A_366 = arith.constant 16 : i32
        %mul3A_367 = arith.muli %scan3A_357, %mul3A_366 : i32
        %get3A = arith.index_cast %mul3A_367 : i32 to index
        %get3A_368 = tpu.vector_load %arg15[%get3A] {strides = array<i32>} : memref<512xi32, #tpu.memory_space<vmem>>, vector<16xi32>,
        %mul3A_369 = arith.constant 16 : i32
        %mul3A_370 = arith.muli %scan3A_357, %mul3A_369 : i32
        %get3A_371 = arith.index_cast %mul3A_370 : i32 to index
        %get3A_372 = tpu.vector_load %arg17[%get3A_371] {strides = array<i32>} : memref<512xi32, #tpu.memory_space<vmem>>, vector<16xi32>,
        %add3A_373 = arith.constant 0 : i32
        %add3A_374 = vector.broadcast %add3A_373 : i32 to vector<16xi32>
        %add3A_375 = arith.addi %get3A_368, %add3A_374 : vector<16xi32>
        %gather3A = tpu.vector_load_idx %arg9[%add3A_375] : memref<2816xf32, #tpu.memory_space<vmem>>[vector<16xi32>], vector<16xf32>,
        %add3A_376 = arith.constant 0 : i32
        %add3A_377 = vector.broadcast %add3A_376 : i32 to vector<16xi32>
        %add3A_378 = arith.addi %add3A_365, %add3A_377 : vector<16xi32>
        tpu.vector_store_idx %arg23[%add3A_378], %gather3A : memref<31232xf32, #tpu.memory_space<vmem>>[vector<16xi32>], vector<16xf32>,
        %add3A_379 = arith.constant 0 : i32
        %add3A_380 = vector.broadcast %add3A_379 : i32 to vector<16xi32>
        %add3A_381 = arith.addi %get3A_372, %add3A_380 : vector<16xi32>
        %gather3A_382 = tpu.vector_load_idx %arg9[%add3A_381] : memref<2816xf32, #tpu.memory_space<vmem>>[vector<16xi32>], vector<16xf32>,
        %add3A_383 = arith.constant 22 : i32
        %add3A_384 = vector.broadcast %add3A_383 : i32 to vector<16xi32>
        %add3A_385 = arith.addi %add3A_365, %add3A_384 : vector<16xi32>
        tpu.vector_store_idx %arg23[%add3A_385], %gather3A_382 : memref<31232xf32, #tpu.memory_space<vmem>>[vector<16xi32>], vector<16xf32>,
        %add3A_386 = arith.constant 1 : i32
        %add3A_387 = vector.broadcast %add3A_386 : i32 to vector<16xi32>
        %add3A_388 = arith.addi %get3A_368, %add3A_387 : vector<16xi32>
        %gather3A_389 = tpu.vector_load_idx %arg9[%add3A_388] : memref<2816xf32, #tpu.memory_space<vmem>>[vector<16xi32>], vector<16xf32>,
        %add3A_390 = arith.constant 1 : i32
        %add3A_391 = vector.broadcast %add3A_390 : i32 to vector<16xi32>
        %add3A_392 = arith.addi %add3A_365, %add3A_391 : vector<16xi32>
        tpu.vector_store_idx %arg23[%add3A_392], %gather3A_389 : memref<31232xf32, #tpu.memory_space<vmem>>[vector<16xi32>], vector<16xf32>,
        %add3A_393 = arith.constant 1 : i32
        %add3A_394 = vector.broadcast %add3A_393 : i32 to vector<16xi32>
        %add3A_395 = arith.addi %get3A_372, %add3A_394 : vector<16xi32>
        %gather3A_396 = tpu.vector_load_idx %arg9[%add3A_395] : memref<2816xf32, #tpu.memory_space<vmem>>[vector<16xi32>], vector<16xf32>,
        %add3A_397 = arith.constant 23 : i32
        %add3A_398 = vector.broadcast %add3A_397 : i32 to vector<16xi32>
        %add3A_399 = arith.addi %add3A_365, %add3A_398 : vector<16xi32>
        tpu.vector_store_idx %arg23[%add3A_399], %gather3A_396 : memref<31232xf32, #tpu.memory_space<vmem>>[vector<16xi32>], vector<16xf32>,
        %add3A_400 = arith.constant 2 : i32
        %add3A_401 = vector.broadcast %add3A_400 : i32 to vector<16xi32>
        %add3A_402 = arith.addi %get3A_368, %add3A_401 : vector<16xi32>
        %gather3A_403 = tpu.vector_load_idx %arg9[%add3A_402] : memref<2816xf32, #tpu.memory_space<vmem>>[vector<16xi32>], vector<16xf32>,
        %add3A_404 = arith.constant 2 : i32
        %add3A_405 = vector.broadcast %add3A_404 : i32 to vector<16xi32>
        %add3A_406 = arith.addi %add3A_365, %add3A_405 : vector<16xi32>
        tpu.vector_store_idx %arg23[%add3A_406], %gather3A_403 : memref<31232xf32, #tpu.memory_space<vmem>>[vector<16xi32>], vector<16xf32>,
        %add3A_407 = arith.constant 2 : i32
        %add3A_408 = vector.broadcast %add3A_407 : i32 to vector<16xi32>
        %add3A_409 = arith.addi %get3A_372, %add3A_408 : vector<16xi32>
        %gather3A_410 = tpu.vector_load_idx %arg9[%add3A_409] : memref<2816xf32, #tpu.memory_space<vmem>>[vector<16xi32>], vector<16xf32>,
        %add3A_411 = arith.constant 24 : i32
        %add3A_412 = vector.broadcast %add3A_411 : i32 to vector<16xi32>
        %add3A_413 = arith.addi %add3A_365, %add3A_412 : vector<16xi32>
        tpu.vector_store_idx %arg23[%add3A_413], %gather3A_410 : memref<31232xf32, #tpu.memory_space<vmem>>[vector<16xi32>], vector<16xf32>,
        %add3A_414 = arith.constant 3 : i32
        %add3A_415 = vector.broadcast %add3A_414 : i32 to vector<16xi32>
        %add3A_416 = arith.addi %get3A_368, %add3A_415 : vector<16xi32>
        %gather3A_417 = tpu.vector_load_idx %arg9[%add3A_416] : memref<2816xf32, #tpu.memory_space<vmem>>[vector<16xi32>], vector<16xf32>,
        %add3A_418 = arith.constant 3 : i32
        %add3A_419 = vector.broadcast %add3A_418 : i32 to vector<16xi32>
        %add3A_420 = arith.addi %add3A_365, %add3A_419 : vector<16xi32>
        tpu.vector_store_idx %arg23[%add3A_420], %gather3A_417 : memref<31232xf32, #tpu.memory_space<vmem>>[vector<16xi32>], vector<16xf32>,
        %add3A_421 = arith.constant 3 : i32
        %add3A_422 = vector.broadcast %add3A_421 : i32 to vector<16xi32>
        %add3A_423 = arith.addi %get3A_372, %add3A_422 : vector<16xi32>
        %gather3A_424 = tpu.vector_load_idx %arg9[%add3A_423] : memref<2816xf32, #tpu.memory_space<vmem>>[vector<16xi32>], vector<16xf32>,
        %add3A_425 = arith.constant 25 : i32
        %add3A_426 = vector.broadcast %add3A_425 : i32 to vector<16xi32>
        %add3A_427 = arith.addi %add3A_365, %add3A_426 : vector<16xi32>
        tpu.vector_store_idx %arg23[%add3A_427], %gather3A_424 : memref<31232xf32, #tpu.memory_space<vmem>>[vector<16xi32>], vector<16xf32>,
        %add3A_428 = arith.constant 4 : i32
        %add3A_429 = vector.broadcast %add3A_428 : i32 to vector<16xi32>
        %add3A_430 = arith.addi %get3A_368, %add3A_429 : vector<16xi32>
        %gather3A_431 = tpu.vector_load_idx %arg9[%add3A_430] : memref<2816xf32, #tpu.memory_space<vmem>>[vector<16xi32>], vector<16xf32>,
        %add3A_432 = arith.constant 4 : i32
        %add3A_433 = vector.broadcast %add3A_432 : i32 to vector<16xi32>
        %add3A_434 = arith.addi %add3A_365, %add3A_433 : vector<16xi32>
        tpu.vector_store_idx %arg23[%add3A_434], %gather3A_431 : memref<31232xf32, #tpu.memory_space<vmem>>[vector<16xi32>], vector<16xf32>,
        %add3A_435 = arith.constant 4 : i32
        %add3A_436 = vector.broadcast %add3A_435 : i32 to vector<16xi32>
        %add3A_437 = arith.addi %get3A_372, %add3A_436 : vector<16xi32>
        %gather3A_438 = tpu.vector_load_idx %arg9[%add3A_437] : memref<2816xf32, #tpu.memory_space<vmem>>[vector<16xi32>], vector<16xf32>,
        %add3A_439 = arith.constant 26 : i32
        %add3A_440 = vector.broadcast %add3A_439 : i32 to vector<16xi32>
        %add3A_441 = arith.addi %add3A_365, %add3A_440 : vector<16xi32>
        tpu.vector_store_idx %arg23[%add3A_441], %gather3A_438 : memref<31232xf32, #tpu.memory_space<vmem>>[vector<16xi32>], vector<16xf32>,
        %add3A_442 = arith.constant 5 : i32
        %add3A_443 = vector.broadcast %add3A_442 : i32 to vector<16xi32>
        %add3A_444 = arith.addi %get3A_368, %add3A_443 : vector<16xi32>
        %gather3A_445 = tpu.vector_load_idx %arg9[%add3A_444] : memref<2816xf32, #tpu.memory_space<vmem>>[vector<16xi32>], vector<16xf32>,
        %add3A_446 = arith.constant 5 : i32
        %add3A_447 = vector.broadcast %add3A_446 : i32 to vector<16xi32>
        %add3A_448 = arith.addi %add3A_365, %add3A_447 : vector<16xi32>
        tpu.vector_store_idx %arg23[%add3A_448], %gather3A_445 : memref<31232xf32, #tpu.memory_space<vmem>>[vector<16xi32>], vector<16xf32>,
        %add3A_449 = arith.constant 5 : i32
        %add3A_450 = vector.broadcast %add3A_449 : i32 to vector<16xi32>
        %add3A_451 = arith.addi %get3A_372, %add3A_450 : vector<16xi32>
        %gather3A_452 = tpu.vector_load_idx %arg9[%add3A_451] : memref<2816xf32, #tpu.memory_space<vmem>>[vector<16xi32>], vector<16xf32>,
        %add3A_453 = arith.constant 27 : i32
        %add3A_454 = vector.broadcast %add3A_453 : i32 to vector<16xi32>
        %add3A_455 = arith.addi %add3A_365, %add3A_454 : vector<16xi32>
        tpu.vector_store_idx %arg23[%add3A_455], %gather3A_452 : memref<31232xf32, #tpu.memory_space<vmem>>[vector<16xi32>], vector<16xf32>,
        %add3A_456 = arith.constant 6 : i32
        %add3A_457 = vector.broadcast %add3A_456 : i32 to vector<16xi32>
        %add3A_458 = arith.addi %get3A_368, %add3A_457 : vector<16xi32>
        %gather3A_459 = tpu.vector_load_idx %arg9[%add3A_458] : memref<2816xf32, #tpu.memory_space<vmem>>[vector<16xi32>], vector<16xf32>,
        %add3A_460 = arith.constant 6 : i32
        %add3A_461 = vector.broadcast %add3A_460 : i32 to vector<16xi32>
        %add3A_462 = arith.addi %add3A_365, %add3A_461 : vector<16xi32>
        tpu.vector_store_idx %arg23[%add3A_462], %gather3A_459 : memref<31232xf32, #tpu.memory_space<vmem>>[vector<16xi32>], vector<16xf32>,
        %add3A_463 = arith.constant 6 : i32
        %add3A_464 = vector.broadcast %add3A_463 : i32 to vector<16xi32>
        %add3A_465 = arith.addi %get3A_372, %add3A_464 : vector<16xi32>
        %gather3A_466 = tpu.vector_load_idx %arg9[%add3A_465] : memref<2816xf32, #tpu.memory_space<vmem>>[vector<16xi32>], vector<16xf32>,
        %add3A_467 = arith.constant 28 : i32
        %add3A_468 = vector.broadcast %add3A_467 : i32 to vector<16xi32>
        %add3A_469 = arith.addi %add3A_365, %add3A_468 : vector<16xi32>
        tpu.vector_store_idx %arg23[%add3A_469], %gather3A_466 : memref<31232xf32, #tpu.memory_space<vmem>>[vector<16xi32>], vector<16xf32>,
        %add3A_470 = arith.constant 7 : i32
        %add3A_471 = vector.broadcast %add3A_470 : i32 to vector<16xi32>
        %add3A_472 = arith.addi %get3A_368, %add3A_471 : vector<16xi32>
        %gather3A_473 = tpu.vector_load_idx %arg9[%add3A_472] : memref<2816xf32, #tpu.memory_space<vmem>>[vector<16xi32>], vector<16xf32>,
        %add3A_474 = arith.constant 7 : i32
        %add3A_475 = vector.broadcast %add3A_474 : i32 to vector<16xi32>
        %add3A_476 = arith.addi %add3A_365, %add3A_475 : vector<16xi32>
        tpu.vector_store_idx %arg23[%add3A_476], %gather3A_473 : memref<31232xf32, #tpu.memory_space<vmem>>[vector<16xi32>], vector<16xf32>,
        %add3A_477 = arith.constant 7 : i32
        %add3A_478 = vector.broadcast %add3A_477 : i32 to vector<16xi32>
        %add3A_479 = arith.addi %get3A_372, %add3A_478 : vector<16xi32>
        %gather3A_480 = tpu.vector_load_idx %arg9[%add3A_479] : memref<2816xf32, #tpu.memory_space<vmem>>[vector<16xi32>], vector<16xf32>,
        %add3A_481 = arith.constant 29 : i32
        %add3A_482 = vector.broadcast %add3A_481 : i32 to vector<16xi32>
        %add3A_483 = arith.addi %add3A_365, %add3A_482 : vector<16xi32>
        tpu.vector_store_idx %arg23[%add3A_483], %gather3A_480 : memref<31232xf32, #tpu.memory_space<vmem>>[vector<16xi32>], vector<16xf32>,
        %add3A_484 = arith.constant 8 : i32
        %add3A_485 = vector.broadcast %add3A_484 : i32 to vector<16xi32>
        %add3A_486 = arith.addi %get3A_368, %add3A_485 : vector<16xi32>
        %gather3A_487 = tpu.vector_load_idx %arg9[%add3A_486] : memref<2816xf32, #tpu.memory_space<vmem>>[vector<16xi32>], vector<16xf32>,
        %add3A_488 = arith.constant 8 : i32
        %add3A_489 = vector.broadcast %add3A_488 : i32 to vector<16xi32>
        %add3A_490 = arith.addi %add3A_365, %add3A_489 : vector<16xi32>
        tpu.vector_store_idx %arg23[%add3A_490], %gather3A_487 : memref<31232xf32, #tpu.memory_space<vmem>>[vector<16xi32>], vector<16xf32>,
        %add3A_491 = arith.constant 8 : i32
        %add3A_492 = vector.broadcast %add3A_491 : i32 to vector<16xi32>
        %add3A_493 = arith.addi %get3A_372, %add3A_492 : vector<16xi32>
        %gather3A_494 = tpu.vector_load_idx %arg9[%add3A_493] : memref<2816xf32, #tpu.memory_space<vmem>>[vector<16xi32>], vector<16xf32>,
        %add3A_495 = arith.constant 30 : i32
        %add3A_496 = vector.broadcast %add3A_495 : i32 to vector<16xi32>
        %add3A_497 = arith.addi %add3A_365, %add3A_496 : vector<16xi32>
        tpu.vector_store_idx %arg23[%add3A_497], %gather3A_494 : memref<31232xf32, #tpu.memory_space<vmem>>[vector<16xi32>], vector<16xf32>,
        %add3A_498 = arith.constant 9 : i32
        %add3A_499 = vector.broadcast %add3A_498 : i32 to vector<16xi32>
        %add3A_500 = arith.addi %get3A_368, %add3A_499 : vector<16xi32>
        %gather3A_501 = tpu.vector_load_idx %arg9[%add3A_500] : memref<2816xf32, #tpu.memory_space<vmem>>[vector<16xi32>], vector<16xf32>,
        %add3A_502 = arith.constant 9 : i32
        %add3A_503 = vector.broadcast %add3A_502 : i32 to vector<16xi32>
        %add3A_504 = arith.addi %add3A_365, %add3A_503 : vector<16xi32>
        tpu.vector_store_idx %arg23[%add3A_504], %gather3A_501 : memref<31232xf32, #tpu.memory_space<vmem>>[vector<16xi32>], vector<16xf32>,
        %add3A_505 = arith.constant 9 : i32
        %add3A_506 = vector.broadcast %add3A_505 : i32 to vector<16xi32>
        %add3A_507 = arith.addi %get3A_372, %add3A_506 : vector<16xi32>
        %gather3A_508 = tpu.vector_load_idx %arg9[%add3A_507] : memref<2816xf32, #tpu.memory_space<vmem>>[vector<16xi32>], vector<16xf32>,
        %add3A_509 = arith.constant 31 : i32
        %add3A_510 = vector.broadcast %add3A_509 : i32 to vector<16xi32>
        %add3A_511 = arith.addi %add3A_365, %add3A_510 : vector<16xi32>
        tpu.vector_store_idx %arg23[%add3A_511], %gather3A_508 : memref<31232xf32, #tpu.memory_space<vmem>>[vector<16xi32>], vector<16xf32>,
        %add3A_512 = arith.constant 10 : i32
        %add3A_513 = vector.broadcast %add3A_512 : i32 to vector<16xi32>
        %add3A_514 = arith.addi %get3A_368, %add3A_513 : vector<16xi32>
        %gather3A_515 = tpu.vector_load_idx %arg9[%add3A_514] : memref<2816xf32, #tpu.memory_space<vmem>>[vector<16xi32>], vector<16xf32>,
        %add3A_516 = arith.constant 10 : i32
        %add3A_517 = vector.broadcast %add3A_516 : i32 to vector<16xi32>
        %add3A_518 = arith.addi %add3A_365, %add3A_517 : vector<16xi32>
        tpu.vector_store_idx %arg23[%add3A_518], %gather3A_515 : memref<31232xf32, #tpu.memory_space<vmem>>[vector<16xi32>], vector<16xf32>,
        %add3A_519 = arith.constant 10 : i32
        %add3A_520 = vector.broadcast %add3A_519 : i32 to vector<16xi32>
        %add3A_521 = arith.addi %get3A_372, %add3A_520 : vector<16xi32>
        %gather3A_522 = tpu.vector_load_idx %arg9[%add3A_521] : memref<2816xf32, #tpu.memory_space<vmem>>[vector<16xi32>], vector<16xf32>,
        %add3A_523 = arith.constant 32 : i32
        %add3A_524 = vector.broadcast %add3A_523 : i32 to vector<16xi32>
        %add3A_525 = arith.addi %add3A_365, %add3A_524 : vector<16xi32>
        tpu.vector_store_idx %arg23[%add3A_525], %gather3A_522 : memref<31232xf32, #tpu.memory_space<vmem>>[vector<16xi32>], vector<16xf32>,
        %add3A_526 = arith.constant 11 : i32
        %add3A_527 = vector.broadcast %add3A_526 : i32 to vector<16xi32>
        %add3A_528 = arith.addi %get3A_368, %add3A_527 : vector<16xi32>
        %gather3A_529 = tpu.vector_load_idx %arg9[%add3A_528] : memref<2816xf32, #tpu.memory_space<vmem>>[vector<16xi32>], vector<16xf32>,
        %add3A_530 = arith.constant 11 : i32
        %add3A_531 = vector.broadcast %add3A_530 : i32 to vector<16xi32>
        %add3A_532 = arith.addi %add3A_365, %add3A_531 : vector<16xi32>
        tpu.vector_store_idx %arg23[%add3A_532], %gather3A_529 : memref<31232xf32, #tpu.memory_space<vmem>>[vector<16xi32>], vector<16xf32>,
        %add3A_533 = arith.constant 11 : i32
        %add3A_534 = vector.broadcast %add3A_533 : i32 to vector<16xi32>
        %add3A_535 = arith.addi %get3A_372, %add3A_534 : vector<16xi32>
        %gather3A_536 = tpu.vector_load_idx %arg9[%add3A_535] : memref<2816xf32, #tpu.memory_space<vmem>>[vector<16xi32>], vector<16xf32>,
        %add3A_537 = arith.constant 33 : i32
        %add3A_538 = vector.broadcast %add3A_537 : i32 to vector<16xi32>
        %add3A_539 = arith.addi %add3A_365, %add3A_538 : vector<16xi32>
        tpu.vector_store_idx %arg23[%add3A_539], %gather3A_536 : memref<31232xf32, #tpu.memory_space<vmem>>[vector<16xi32>], vector<16xf32>,
        %add3A_540 = arith.constant 12 : i32
        %add3A_541 = vector.broadcast %add3A_540 : i32 to vector<16xi32>
        %add3A_542 = arith.addi %get3A_368, %add3A_541 : vector<16xi32>
        %gather3A_543 = tpu.vector_load_idx %arg9[%add3A_542] : memref<2816xf32, #tpu.memory_space<vmem>>[vector<16xi32>], vector<16xf32>,
        %add3A_544 = arith.constant 12 : i32
        %add3A_545 = vector.broadcast %add3A_544 : i32 to vector<16xi32>
        %add3A_546 = arith.addi %add3A_365, %add3A_545 : vector<16xi32>
        tpu.vector_store_idx %arg23[%add3A_546], %gather3A_543 : memref<31232xf32, #tpu.memory_space<vmem>>[vector<16xi32>], vector<16xf32>,
        %add3A_547 = arith.constant 12 : i32
        %add3A_548 = vector.broadcast %add3A_547 : i32 to vector<16xi32>
        %add3A_549 = arith.addi %get3A_372, %add3A_548 : vector<16xi32>
        %gather3A_550 = tpu.vector_load_idx %arg9[%add3A_549] : memref<2816xf32, #tpu.memory_space<vmem>>[vector<16xi32>], vector<16xf32>,
        %add3A_551 = arith.constant 34 : i32
        %add3A_552 = vector.broadcast %add3A_551 : i32 to vector<16xi32>
        %add3A_553 = arith.addi %add3A_365, %add3A_552 : vector<16xi32>
        tpu.vector_store_idx %arg23[%add3A_553], %gather3A_550 : memref<31232xf32, #tpu.memory_space<vmem>>[vector<16xi32>], vector<16xf32>,
        %add3A_554 = arith.constant 13 : i32
        %add3A_555 = vector.broadcast %add3A_554 : i32 to vector<16xi32>
        %add3A_556 = arith.addi %get3A_368, %add3A_555 : vector<16xi32>
        %gather3A_557 = tpu.vector_load_idx %arg9[%add3A_556] : memref<2816xf32, #tpu.memory_space<vmem>>[vector<16xi32>], vector<16xf32>,
        %add3A_558 = arith.constant 13 : i32
        %add3A_559 = vector.broadcast %add3A_558 : i32 to vector<16xi32>
        %add3A_560 = arith.addi %add3A_365, %add3A_559 : vector<16xi32>
        tpu.vector_store_idx %arg23[%add3A_560], %gather3A_557 : memref<31232xf32, #tpu.memory_space<vmem>>[vector<16xi32>], vector<16xf32>,
        %add3A_561 = arith.constant 13 : i32
        %add3A_562 = vector.broadcast %add3A_561 : i32 to vector<16xi32>
        %add3A_563 = arith.addi %get3A_372, %add3A_562 : vector<16xi32>
        %gather3A_564 = tpu.vector_load_idx %arg9[%add3A_563] : memref<2816xf32, #tpu.memory_space<vmem>>[vector<16xi32>], vector<16xf32>,
        %add3A_565 = arith.constant 35 : i32
        %add3A_566 = vector.broadcast %add3A_565 : i32 to vector<16xi32>
        %add3A_567 = arith.addi %add3A_365, %add3A_566 : vector<16xi32>
        tpu.vector_store_idx %arg23[%add3A_567], %gather3A_564 : memref<31232xf32, #tpu.memory_space<vmem>>[vector<16xi32>], vector<16xf32>,
        %add3A_568 = arith.constant 14 : i32
        %add3A_569 = vector.broadcast %add3A_568 : i32 to vector<16xi32>
        %add3A_570 = arith.addi %get3A_368, %add3A_569 : vector<16xi32>
        %gather3A_571 = tpu.vector_load_idx %arg9[%add3A_570] : memref<2816xf32, #tpu.memory_space<vmem>>[vector<16xi32>], vector<16xf32>,
        %add3A_572 = arith.constant 14 : i32
        %add3A_573 = vector.broadcast %add3A_572 : i32 to vector<16xi32>
        %add3A_574 = arith.addi %add3A_365, %add3A_573 : vector<16xi32>
        tpu.vector_store_idx %arg23[%add3A_574], %gather3A_571 : memref<31232xf32, #tpu.memory_space<vmem>>[vector<16xi32>], vector<16xf32>,
        %add3A_575 = arith.constant 14 : i32
        %add3A_576 = vector.broadcast %add3A_575 : i32 to vector<16xi32>
        %add3A_577 = arith.addi %get3A_372, %add3A_576 : vector<16xi32>
        %gather3A_578 = tpu.vector_load_idx %arg9[%add3A_577] : memref<2816xf32, #tpu.memory_space<vmem>>[vector<16xi32>], vector<16xf32>,
        %add3A_579 = arith.constant 36 : i32
        %add3A_580 = vector.broadcast %add3A_579 : i32 to vector<16xi32>
        %add3A_581 = arith.addi %add3A_365, %add3A_580 : vector<16xi32>
        tpu.vector_store_idx %arg23[%add3A_581], %gather3A_578 : memref<31232xf32, #tpu.memory_space<vmem>>[vector<16xi32>], vector<16xf32>,
        %add3A_582 = arith.constant 15 : i32
        %add3A_583 = vector.broadcast %add3A_582 : i32 to vector<16xi32>
        %add3A_584 = arith.addi %get3A_368, %add3A_583 : vector<16xi32>
        %gather3A_585 = tpu.vector_load_idx %arg9[%add3A_584] : memref<2816xf32, #tpu.memory_space<vmem>>[vector<16xi32>], vector<16xf32>,
        %add3A_586 = arith.constant 15 : i32
        %add3A_587 = vector.broadcast %add3A_586 : i32 to vector<16xi32>
        %add3A_588 = arith.addi %add3A_365, %add3A_587 : vector<16xi32>
        tpu.vector_store_idx %arg23[%add3A_588], %gather3A_585 : memref<31232xf32, #tpu.memory_space<vmem>>[vector<16xi32>], vector<16xf32>,
        %add3A_589 = arith.constant 15 : i32
        %add3A_590 = vector.broadcast %add3A_589 : i32 to vector<16xi32>
        %add3A_591 = arith.addi %get3A_372, %add3A_590 : vector<16xi32>
        %gather3A_592 = tpu.vector_load_idx %arg9[%add3A_591] : memref<2816xf32, #tpu.memory_space<vmem>>[vector<16xi32>], vector<16xf32>,
        %add3A_593 = arith.constant 37 : i32
        %add3A_594 = vector.broadcast %add3A_593 : i32 to vector<16xi32>
        %add3A_595 = arith.addi %add3A_365, %add3A_594 : vector<16xi32>
        tpu.vector_store_idx %arg23[%add3A_595], %gather3A_592 : memref<31232xf32, #tpu.memory_space<vmem>>[vector<16xi32>], vector<16xf32>,
        %add3A_596 = arith.constant 16 : i32
        %add3A_597 = vector.broadcast %add3A_596 : i32 to vector<16xi32>
        %add3A_598 = arith.addi %get3A_368, %add3A_597 : vector<16xi32>
        %gather3A_599 = tpu.vector_load_idx %arg9[%add3A_598] : memref<2816xf32, #tpu.memory_space<vmem>>[vector<16xi32>], vector<16xf32>,
        %add3A_600 = arith.constant 16 : i32
        %add3A_601 = vector.broadcast %add3A_600 : i32 to vector<16xi32>
        %add3A_602 = arith.addi %add3A_365, %add3A_601 : vector<16xi32>
        tpu.vector_store_idx %arg23[%add3A_602], %gather3A_599 : memref<31232xf32, #tpu.memory_space<vmem>>[vector<16xi32>], vector<16xf32>,
        %add3A_603 = arith.constant 16 : i32
        %add3A_604 = vector.broadcast %add3A_603 : i32 to vector<16xi32>
        %add3A_605 = arith.addi %get3A_372, %add3A_604 : vector<16xi32>
        %gather3A_606 = tpu.vector_load_idx %arg9[%add3A_605] : memref<2816xf32, #tpu.memory_space<vmem>>[vector<16xi32>], vector<16xf32>,
        %add3A_607 = arith.constant 38 : i32
        %add3A_608 = vector.broadcast %add3A_607 : i32 to vector<16xi32>
        %add3A_609 = arith.addi %add3A_365, %add3A_608 : vector<16xi32>
        tpu.vector_store_idx %arg23[%add3A_609], %gather3A_606 : memref<31232xf32, #tpu.memory_space<vmem>>[vector<16xi32>], vector<16xf32>,
        %add3A_610 = arith.constant 17 : i32
        %add3A_611 = vector.broadcast %add3A_610 : i32 to vector<16xi32>
        %add3A_612 = arith.addi %get3A_368, %add3A_611 : vector<16xi32>
        %gather3A_613 = tpu.vector_load_idx %arg9[%add3A_612] : memref<2816xf32, #tpu.memory_space<vmem>>[vector<16xi32>], vector<16xf32>,
        %add3A_614 = arith.constant 17 : i32
        %add3A_615 = vector.broadcast %add3A_614 : i32 to vector<16xi32>
        %add3A_616 = arith.addi %add3A_365, %add3A_615 : vector<16xi32>
        tpu.vector_store_idx %arg23[%add3A_616], %gather3A_613 : memref<31232xf32, #tpu.memory_space<vmem>>[vector<16xi32>], vector<16xf32>,
        %add3A_617 = arith.constant 17 : i32
        %add3A_618 = vector.broadcast %add3A_617 : i32 to vector<16xi32>
        %add3A_619 = arith.addi %get3A_372, %add3A_618 : vector<16xi32>
        %gather3A_620 = tpu.vector_load_idx %arg9[%add3A_619] : memref<2816xf32, #tpu.memory_space<vmem>>[vector<16xi32>], vector<16xf32>,
        %add3A_621 = arith.constant 39 : i32
        %add3A_622 = vector.broadcast %add3A_621 : i32 to vector<16xi32>
        %add3A_623 = arith.addi %add3A_365, %add3A_622 : vector<16xi32>
        tpu.vector_store_idx %arg23[%add3A_623], %gather3A_620 : memref<31232xf32, #tpu.memory_space<vmem>>[vector<16xi32>], vector<16xf32>,
        %add3A_624 = arith.constant 18 : i32
        %add3A_625 = vector.broadcast %add3A_624 : i32 to vector<16xi32>
        %add3A_626 = arith.addi %get3A_368, %add3A_625 : vector<16xi32>
        %gather3A_627 = tpu.vector_load_idx %arg9[%add3A_626] : memref<2816xf32, #tpu.memory_space<vmem>>[vector<16xi32>], vector<16xf32>,
        %add3A_628 = arith.constant 18 : i32
        %add3A_629 = vector.broadcast %add3A_628 : i32 to vector<16xi32>
        %add3A_630 = arith.addi %add3A_365, %add3A_629 : vector<16xi32>
        tpu.vector_store_idx %arg23[%add3A_630], %gather3A_627 : memref<31232xf32, #tpu.memory_space<vmem>>[vector<16xi32>], vector<16xf32>,
        %add3A_631 = arith.constant 18 : i32
        %add3A_632 = vector.broadcast %add3A_631 : i32 to vector<16xi32>
        %add3A_633 = arith.addi %get3A_372, %add3A_632 : vector<16xi32>
        %gather3A_634 = tpu.vector_load_idx %arg9[%add3A_633] : memref<2816xf32, #tpu.memory_space<vmem>>[vector<16xi32>], vector<16xf32>,
        %add3A_635 = arith.constant 40 : i32
        %add3A_636 = vector.broadcast %add3A_635 : i32 to vector<16xi32>
        %add3A_637 = arith.addi %add3A_365, %add3A_636 : vector<16xi32>
        tpu.vector_store_idx %arg23[%add3A_637], %gather3A_634 : memref<31232xf32, #tpu.memory_space<vmem>>[vector<16xi32>], vector<16xf32>,
        %add3A_638 = arith.constant 19 : i32
        %add3A_639 = vector.broadcast %add3A_638 : i32 to vector<16xi32>
        %add3A_640 = arith.addi %get3A_368, %add3A_639 : vector<16xi32>
        %gather3A_641 = tpu.vector_load_idx %arg9[%add3A_640] : memref<2816xf32, #tpu.memory_space<vmem>>[vector<16xi32>], vector<16xf32>,
        %add3A_642 = arith.constant 19 : i32
        %add3A_643 = vector.broadcast %add3A_642 : i32 to vector<16xi32>
        %add3A_644 = arith.addi %add3A_365, %add3A_643 : vector<16xi32>
        tpu.vector_store_idx %arg23[%add3A_644], %gather3A_641 : memref<31232xf32, #tpu.memory_space<vmem>>[vector<16xi32>], vector<16xf32>,
        %add3A_645 = arith.constant 19 : i32
        %add3A_646 = vector.broadcast %add3A_645 : i32 to vector<16xi32>
        %add3A_647 = arith.addi %get3A_372, %add3A_646 : vector<16xi32>
        %gather3A_648 = tpu.vector_load_idx %arg9[%add3A_647] : memref<2816xf32, #tpu.memory_space<vmem>>[vector<16xi32>], vector<16xf32>,
        %add3A_649 = arith.constant 41 : i32
        %add3A_650 = vector.broadcast %add3A_649 : i32 to vector<16xi32>
        %add3A_651 = arith.addi %add3A_365, %add3A_650 : vector<16xi32>
        tpu.vector_store_idx %arg23[%add3A_651], %gather3A_648 : memref<31232xf32, #tpu.memory_space<vmem>>[vector<16xi32>], vector<16xf32>,
        %add3A_652 = arith.constant 20 : i32
        %add3A_653 = vector.broadcast %add3A_652 : i32 to vector<16xi32>
        %add3A_654 = arith.addi %get3A_368, %add3A_653 : vector<16xi32>
        %gather3A_655 = tpu.vector_load_idx %arg9[%add3A_654] : memref<2816xf32, #tpu.memory_space<vmem>>[vector<16xi32>], vector<16xf32>,
        %add3A_656 = arith.constant 20 : i32
        %add3A_657 = vector.broadcast %add3A_656 : i32 to vector<16xi32>
        %add3A_658 = arith.addi %add3A_365, %add3A_657 : vector<16xi32>
        tpu.vector_store_idx %arg23[%add3A_658], %gather3A_655 : memref<31232xf32, #tpu.memory_space<vmem>>[vector<16xi32>], vector<16xf32>,
        %add3A_659 = arith.constant 20 : i32
        %add3A_660 = vector.broadcast %add3A_659 : i32 to vector<16xi32>
        %add3A_661 = arith.addi %get3A_372, %add3A_660 : vector<16xi32>
        %gather3A_662 = tpu.vector_load_idx %arg9[%add3A_661] : memref<2816xf32, #tpu.memory_space<vmem>>[vector<16xi32>], vector<16xf32>,
        %add3A_663 = arith.constant 42 : i32
        %add3A_664 = vector.broadcast %add3A_663 : i32 to vector<16xi32>
        %add3A_665 = arith.addi %add3A_365, %add3A_664 : vector<16xi32>
        tpu.vector_store_idx %arg23[%add3A_665], %gather3A_662 : memref<31232xf32, #tpu.memory_space<vmem>>[vector<16xi32>], vector<16xf32>,
        %add3A_666 = arith.constant 21 : i32
        %add3A_667 = vector.broadcast %add3A_666 : i32 to vector<16xi32>
        %add3A_668 = arith.addi %get3A_368, %add3A_667 : vector<16xi32>
        %gather3A_669 = tpu.vector_load_idx %arg9[%add3A_668] : memref<2816xf32, #tpu.memory_space<vmem>>[vector<16xi32>], vector<16xf32>,
        %add3A_670 = arith.constant 21 : i32
        %add3A_671 = vector.broadcast %add3A_670 : i32 to vector<16xi32>
        %add3A_672 = arith.addi %add3A_365, %add3A_671 : vector<16xi32>
        tpu.vector_store_idx %arg23[%add3A_672], %gather3A_669 : memref<31232xf32, #tpu.memory_space<vmem>>[vector<16xi32>], vector<16xf32>,
        %add3A_673 = arith.constant 21 : i32
        %add3A_674 = vector.broadcast %add3A_673 : i32 to vector<16xi32>
        %add3A_675 = arith.addi %get3A_372, %add3A_674 : vector<16xi32>
        %gather3A_676 = tpu.vector_load_idx %arg9[%add3A_675] : memref<2816xf32, #tpu.memory_space<vmem>>[vector<16xi32>], vector<16xf32>,
        %add3A_677 = arith.constant 43 : i32
        %add3A_678 = vector.broadcast %add3A_677 : i32 to vector<16xi32>
        %add3A_679 = arith.addi %add3A_365, %add3A_678 : vector<16xi32>
        tpu.vector_store_idx %arg23[%add3A_679], %gather3A_676 : memref<31232xf32, #tpu.memory_space<vmem>>[vector<16xi32>], vector<16xf32>,
        %broadcast_in_dim3A = arith.constant 0 : i32
        %broadcast_in_dim3A_680 = vector.broadcast %broadcast_in_dim3A : i32 to vector<16xi32>
        %add3A_681 = arith.constant 0 : i32
        %add3A_682 = vector.broadcast %add3A_681 : i32 to vector<16xi32>
        %add3A_683 = arith.addi %broadcast_in_dim3A_680, %add3A_682 : vector<16xi32>
        %gather3A_684 = tpu.vector_load_idx %arg19[%add3A_361, %add3A_683] : memref<512x16xf32, #tpu.memory_space<vmem>>[vector<16xi32>, vector<16xi32>], vector<16xf32>,
        %add3A_685 = arith.constant 44 : i32
        %add3A_686 = vector.broadcast %add3A_685 : i32 to vector<16xi32>
        %add3A_687 = arith.addi %add3A_365, %add3A_686 : vector<16xi32>
        tpu.vector_store_idx %arg23[%add3A_687], %gather3A_684 : memref<31232xf32, #tpu.memory_space<vmem>>[vector<16xi32>], vector<16xf32>,
        %add3A_688 = arith.constant 1 : i32
        %add3A_689 = vector.broadcast %add3A_688 : i32 to vector<16xi32>
        %add3A_690 = arith.addi %broadcast_in_dim3A_680, %add3A_689 : vector<16xi32>
        %gather3A_691 = tpu.vector_load_idx %arg19[%add3A_361, %add3A_690] : memref<512x16xf32, #tpu.memory_space<vmem>>[vector<16xi32>, vector<16xi32>], vector<16xf32>,
        %add3A_692 = arith.constant 45 : i32
        %add3A_693 = vector.broadcast %add3A_692 : i32 to vector<16xi32>
        %add3A_694 = arith.addi %add3A_365, %add3A_693 : vector<16xi32>
        tpu.vector_store_idx %arg23[%add3A_694], %gather3A_691 : memref<31232xf32, #tpu.memory_space<vmem>>[vector<16xi32>], vector<16xf32>,
        %add3A_695 = arith.constant 2 : i32
        %add3A_696 = vector.broadcast %add3A_695 : i32 to vector<16xi32>
        %add3A_697 = arith.addi %broadcast_in_dim3A_680, %add3A_696 : vector<16xi32>
        %gather3A_698 = tpu.vector_load_idx %arg19[%add3A_361, %add3A_697] : memref<512x16xf32, #tpu.memory_space<vmem>>[vector<16xi32>, vector<16xi32>], vector<16xf32>,
        %add3A_699 = arith.constant 46 : i32
        %add3A_700 = vector.broadcast %add3A_699 : i32 to vector<16xi32>
        %add3A_701 = arith.addi %add3A_365, %add3A_700 : vector<16xi32>
        tpu.vector_store_idx %arg23[%add3A_701], %gather3A_698 : memref<31232xf32, #tpu.memory_space<vmem>>[vector<16xi32>], vector<16xf32>,
        %add3A_702 = arith.constant 3 : i32
        %add3A_703 = vector.broadcast %add3A_702 : i32 to vector<16xi32>
        %add3A_704 = arith.addi %broadcast_in_dim3A_680, %add3A_703 : vector<16xi32>
        %gather3A_705 = tpu.vector_load_idx %arg19[%add3A_361, %add3A_704] : memref<512x16xf32, #tpu.memory_space<vmem>>[vector<16xi32>, vector<16xi32>], vector<16xf32>,
        %add3A_706 = arith.constant 47 : i32
        %add3A_707 = vector.broadcast %add3A_706 : i32 to vector<16xi32>
        %add3A_708 = arith.addi %add3A_365, %add3A_707 : vector<16xi32>
        tpu.vector_store_idx %arg23[%add3A_708], %gather3A_705 : memref<31232xf32, #tpu.memory_space<vmem>>[vector<16xi32>], vector<16xf32>,
        %add3A_709 = arith.constant 4 : i32
        %add3A_710 = vector.broadcast %add3A_709 : i32 to vector<16xi32>
        %add3A_711 = arith.addi %broadcast_in_dim3A_680, %add3A_710 : vector<16xi32>
        %gather3A_712 = tpu.vector_load_idx %arg19[%add3A_361, %add3A_711] : memref<512x16xf32, #tpu.memory_space<vmem>>[vector<16xi32>, vector<16xi32>], vector<16xf32>,
        %add3A_713 = arith.constant 48 : i32
        %add3A_714 = vector.broadcast %add3A_713 : i32 to vector<16xi32>
        %add3A_715 = arith.addi %add3A_365, %add3A_714 : vector<16xi32>
        tpu.vector_store_idx %arg23[%add3A_715], %gather3A_712 : memref<31232xf32, #tpu.memory_space<vmem>>[vector<16xi32>], vector<16xf32>,
        %add3A_716 = arith.constant 5 : i32
        %add3A_717 = vector.broadcast %add3A_716 : i32 to vector<16xi32>
        %add3A_718 = arith.addi %broadcast_in_dim3A_680, %add3A_717 : vector<16xi32>
        %gather3A_719 = tpu.vector_load_idx %arg19[%add3A_361, %add3A_718] : memref<512x16xf32, #tpu.memory_space<vmem>>[vector<16xi32>, vector<16xi32>], vector<16xf32>,
        %add3A_720 = arith.constant 49 : i32
        %add3A_721 = vector.broadcast %add3A_720 : i32 to vector<16xi32>
        %add3A_722 = arith.addi %add3A_365, %add3A_721 : vector<16xi32>
        tpu.vector_store_idx %arg23[%add3A_722], %gather3A_719 : memref<31232xf32, #tpu.memory_space<vmem>>[vector<16xi32>], vector<16xf32>,
        %add3A_723 = arith.constant 6 : i32
        %add3A_724 = vector.broadcast %add3A_723 : i32 to vector<16xi32>
        %add3A_725 = arith.addi %broadcast_in_dim3A_680, %add3A_724 : vector<16xi32>
        %gather3A_726 = tpu.vector_load_idx %arg19[%add3A_361, %add3A_725] : memref<512x16xf32, #tpu.memory_space<vmem>>[vector<16xi32>, vector<16xi32>], vector<16xf32>,
        %add3A_727 = arith.constant 50 : i32
        %add3A_728 = vector.broadcast %add3A_727 : i32 to vector<16xi32>
        %add3A_729 = arith.addi %add3A_365, %add3A_728 : vector<16xi32>
        tpu.vector_store_idx %arg23[%add3A_729], %gather3A_726 : memref<31232xf32, #tpu.memory_space<vmem>>[vector<16xi32>], vector<16xf32>,
        %add3A_730 = arith.constant 7 : i32
        %add3A_731 = vector.broadcast %add3A_730 : i32 to vector<16xi32>
        %add3A_732 = arith.addi %broadcast_in_dim3A_680, %add3A_731 : vector<16xi32>
        %gather3A_733 = tpu.vector_load_idx %arg19[%add3A_361, %add3A_732] : memref<512x16xf32, #tpu.memory_space<vmem>>[vector<16xi32>, vector<16xi32>], vector<16xf32>,
        %add3A_734 = arith.constant 51 : i32
        %add3A_735 = vector.broadcast %add3A_734 : i32 to vector<16xi32>
        %add3A_736 = arith.addi %add3A_365, %add3A_735 : vector<16xi32>
        tpu.vector_store_idx %arg23[%add3A_736], %gather3A_733 : memref<31232xf32, #tpu.memory_space<vmem>>[vector<16xi32>], vector<16xf32>,
        %add3A_737 = arith.constant 8 : i32
        %add3A_738 = vector.broadcast %add3A_737 : i32 to vector<16xi32>
        %add3A_739 = arith.addi %broadcast_in_dim3A_680, %add3A_738 : vector<16xi32>
        %gather3A_740 = tpu.vector_load_idx %arg19[%add3A_361, %add3A_739] : memref<512x16xf32, #tpu.memory_space<vmem>>[vector<16xi32>, vector<16xi32>], vector<16xf32>,
        %add3A_741 = arith.constant 52 : i32
        %add3A_742 = vector.broadcast %add3A_741 : i32 to vector<16xi32>
        %add3A_743 = arith.addi %add3A_365, %add3A_742 : vector<16xi32>
        tpu.vector_store_idx %arg23[%add3A_743], %gather3A_740 : memref<31232xf32, #tpu.memory_space<vmem>>[vector<16xi32>], vector<16xf32>,
        %add3A_744 = arith.constant 9 : i32
        %add3A_745 = vector.broadcast %add3A_744 : i32 to vector<16xi32>
        %add3A_746 = arith.addi %broadcast_in_dim3A_680, %add3A_745 : vector<16xi32>
        %gather3A_747 = tpu.vector_load_idx %arg19[%add3A_361, %add3A_746] : memref<512x16xf32, #tpu.memory_space<vmem>>[vector<16xi32>, vector<16xi32>], vector<16xf32>,
        %add3A_748 = arith.constant 53 : i32
        %add3A_749 = vector.broadcast %add3A_748 : i32 to vector<16xi32>
        %add3A_750 = arith.addi %add3A_365, %add3A_749 : vector<16xi32>
        tpu.vector_store_idx %arg23[%add3A_750], %gather3A_747 : memref<31232xf32, #tpu.memory_space<vmem>>[vector<16xi32>], vector<16xf32>,
        %add3A_751 = arith.constant 10 : i32
        %add3A_752 = vector.broadcast %add3A_751 : i32 to vector<16xi32>
        %add3A_753 = arith.addi %broadcast_in_dim3A_680, %add3A_752 : vector<16xi32>
        %gather3A_754 = tpu.vector_load_idx %arg19[%add3A_361, %add3A_753] : memref<512x16xf32, #tpu.memory_space<vmem>>[vector<16xi32>, vector<16xi32>], vector<16xf32>,
        %add3A_755 = arith.constant 54 : i32
        %add3A_756 = vector.broadcast %add3A_755 : i32 to vector<16xi32>
        %add3A_757 = arith.addi %add3A_365, %add3A_756 : vector<16xi32>
        tpu.vector_store_idx %arg23[%add3A_757], %gather3A_754 : memref<31232xf32, #tpu.memory_space<vmem>>[vector<16xi32>], vector<16xf32>,
        %add3A_758 = arith.constant 11 : i32
        %add3A_759 = vector.broadcast %add3A_758 : i32 to vector<16xi32>
        %add3A_760 = arith.addi %broadcast_in_dim3A_680, %add3A_759 : vector<16xi32>
        %gather3A_761 = tpu.vector_load_idx %arg19[%add3A_361, %add3A_760] : memref<512x16xf32, #tpu.memory_space<vmem>>[vector<16xi32>, vector<16xi32>], vector<16xf32>,
        %add3A_762 = arith.constant 55 : i32
        %add3A_763 = vector.broadcast %add3A_762 : i32 to vector<16xi32>
        %add3A_764 = arith.addi %add3A_365, %add3A_763 : vector<16xi32>
        tpu.vector_store_idx %arg23[%add3A_764], %gather3A_761 : memref<31232xf32, #tpu.memory_space<vmem>>[vector<16xi32>], vector<16xf32>,
        %add3A_765 = arith.constant 12 : i32
        %add3A_766 = vector.broadcast %add3A_765 : i32 to vector<16xi32>
        %add3A_767 = arith.addi %broadcast_in_dim3A_680, %add3A_766 : vector<16xi32>
        %gather3A_768 = tpu.vector_load_idx %arg19[%add3A_361, %add3A_767] : memref<512x16xf32, #tpu.memory_space<vmem>>[vector<16xi32>, vector<16xi32>], vector<16xf32>,
        %add3A_769 = arith.constant 56 : i32
        %add3A_770 = vector.broadcast %add3A_769 : i32 to vector<16xi32>
        %add3A_771 = arith.addi %add3A_365, %add3A_770 : vector<16xi32>
        tpu.vector_store_idx %arg23[%add3A_771], %gather3A_768 : memref<31232xf32, #tpu.memory_space<vmem>>[vector<16xi32>], vector<16xf32>,
        %add3A_772 = arith.constant 13 : i32
        %add3A_773 = vector.broadcast %add3A_772 : i32 to vector<16xi32>
        %add3A_774 = arith.addi %broadcast_in_dim3A_680, %add3A_773 : vector<16xi32>
        %gather3A_775 = tpu.vector_load_idx %arg19[%add3A_361, %add3A_774] : memref<512x16xf32, #tpu.memory_space<vmem>>[vector<16xi32>, vector<16xi32>], vector<16xf32>,
        %add3A_776 = arith.constant 57 : i32
        %add3A_777 = vector.broadcast %add3A_776 : i32 to vector<16xi32>
        %add3A_778 = arith.addi %add3A_365, %add3A_777 : vector<16xi32>
        tpu.vector_store_idx %arg23[%add3A_778], %gather3A_775 : memref<31232xf32, #tpu.memory_space<vmem>>[vector<16xi32>], vector<16xf32>,
        %add3A_779 = arith.constant 14 : i32
        %add3A_780 = vector.broadcast %add3A_779 : i32 to vector<16xi32>
        %add3A_781 = arith.addi %broadcast_in_dim3A_680, %add3A_780 : vector<16xi32>
        %gather3A_782 = tpu.vector_load_idx %arg19[%add3A_361, %add3A_781] : memref<512x16xf32, #tpu.memory_space<vmem>>[vector<16xi32>, vector<16xi32>], vector<16xf32>,
        %add3A_783 = arith.constant 58 : i32
        %add3A_784 = vector.broadcast %add3A_783 : i32 to vector<16xi32>
        %add3A_785 = arith.addi %add3A_365, %add3A_784 : vector<16xi32>
        tpu.vector_store_idx %arg23[%add3A_785], %gather3A_782 : memref<31232xf32, #tpu.memory_space<vmem>>[vector<16xi32>], vector<16xf32>,
        %add3A_786 = arith.constant 15 : i32
        %add3A_787 = vector.broadcast %add3A_786 : i32 to vector<16xi32>
        %add3A_788 = arith.addi %broadcast_in_dim3A_680, %add3A_787 : vector<16xi32>
        %gather3A_789 = tpu.vector_load_idx %arg19[%add3A_361, %add3A_788] : memref<512x16xf32, #tpu.memory_space<vmem>>[vector<16xi32>, vector<16xi32>], vector<16xf32>,
        %add3A_790 = arith.constant 59 : i32
        %add3A_791 = vector.broadcast %add3A_790 : i32 to vector<16xi32>
        %add3A_792 = arith.addi %add3A_365, %add3A_791 : vector<16xi32>
        tpu.vector_store_idx %arg23[%add3A_792], %gather3A_789 : memref<31232xf32, #tpu.memory_space<vmem>>[vector<16xi32>], vector<16xf32>,
        %mul3A_793 = arith.constant 16 : i32
        %mul3A_794 = arith.muli %scan3A_357, %mul3A_793 : i32
        %get3A_795 = arith.index_cast %mul3A_794 : i32 to index
        %get3A_796 = tpu.vector_load %arg21[%get3A_795] {strides = array<i32>} : memref<512xf32, #tpu.memory_space<vmem>>, vector<16xf32>,
        %add3A_797 = arith.constant 60 : i32
        %add3A_798 = vector.broadcast %add3A_797 : i32 to vector<16xi32>
        %add3A_799 = arith.addi %add3A_365, %add3A_798 : vector<16xi32>
        tpu.vector_store_idx %arg23[%add3A_799], %get3A_796 : memref<31232xf32, #tpu.memory_space<vmem>>[vector<16xi32>], vector<16xf32>,
      }
      %scan3A_349 = arith.constant 32 : i32
      %mul3A_350 = arith.constant 512 : i32
      %mul3A_351 = arith.muli %add3A_295, %mul3A_350 : i32
      %add3A_352 = arith.addi %mul3A_2, %mul3A_351 : i32
      %mul3A_353 = arith.constant 61 : i32
      %mul3A_354 = arith.muli %add3A_352, %mul3A_353 : i32
      %dma_start3A_355 = tpu.memref_slice %arg8[%mul3A_354] : memref<97600000xf32, #tpu.memory_space<hbm>> -> memref<31232xf32, #tpu.memory_space<hbm>>
      %dma_start3A_356 = tpu.memref_slice %arg8[%mul3A_354] : memref<97600000xf32, #tpu.memory_space<hbm>> -> memref<31232xf32, #tpu.memory_space<hbm>>
      tpu.enqueue_dma source(%arg23 : memref<31232xf32, #tpu.memory_space<vmem>>) target(%dma_start3A_356 : memref<31232xf32, #tpu.memory_space<hbm>>) target_semaphore(%arg29 : memref<!tpu.dma_semaphore, #tpu.memory_space<semaphore_mem>>)
    }
    %scan3A_106 = arith.constant 47 : i32
    %add3A_107 = arith.constant 49152 : i32
    %add3A_108 = arith.addi %mul3A_2, %add3A_107 : i32
    %dma_wait3A_109 = tpu.memref_slice %arg4[%add3A_108] : memref<1600000xi32, #tpu.memory_space<hbm>> -> memref<512xi32, #tpu.memory_space<hbm>>
    %dma_wait3A_110 = tpu.memref_slice %arg4[%add3A_108] : memref<1600000xi32, #tpu.memory_space<hbm>> -> memref<512xi32, #tpu.memory_space<hbm>>
    tpu.wait_dma2 semaphore(%arg24 : memref<!tpu.dma_semaphore, #tpu.memory_space<semaphore_mem>>) src(%dma_wait3A_110 : memref<512xi32, #tpu.memory_space<hbm>>) dst(%arg10 : memref<512xi32, #tpu.memory_space<vmem>>)
    %dma_wait3A_111 = tpu.memref_slice %arg5[%add3A_108] : memref<1600000xi32, #tpu.memory_space<hbm>> -> memref<512xi32, #tpu.memory_space<hbm>>
    %dma_wait3A_112 = tpu.memref_slice %arg5[%add3A_108] : memref<1600000xi32, #tpu.memory_space<hbm>> -> memref<512xi32, #tpu.memory_space<hbm>>
    tpu.wait_dma2 semaphore(%arg24 : memref<!tpu.dma_semaphore, #tpu.memory_space<semaphore_mem>>) src(%dma_wait3A_112 : memref<512xi32, #tpu.memory_space<hbm>>) dst(%arg12 : memref<512xi32, #tpu.memory_space<vmem>>)
    %add3A_113 = arith.constant 49152 : i32
    %add3A_114 = arith.addi %mul3A_2, %add3A_113 : i32
    %dma_start3A_115 = arith.constant 0 : i32
    %dma_start3A_116 = tpu.memref_slice %arg3[%dma_start3A_115] : memref<100000xi32, #tpu.memory_space<hbm>> -> memref<100000xi32, #tpu.memory_space<hbm>>
    tpu.enqueue_indirect_dma source(%dma_start3A_116 : memref<100000xi32, #tpu.memory_space<hbm>>) target(%arg14 : memref<512xi32, #tpu.memory_space<vmem>>) offsets(%arg10 : memref<512xi32, #tpu.memory_space<vmem>>) semaphore(%arg26 : memref<!tpu.dma_semaphore, #tpu.memory_space<semaphore_mem>>)
    %dma_start3A_117 = arith.constant 0 : i32
    %dma_start3A_118 = tpu.memref_slice %arg3[%dma_start3A_117] : memref<100000xi32, #tpu.memory_space<hbm>> -> memref<100000xi32, #tpu.memory_space<hbm>>
    tpu.enqueue_indirect_dma source(%dma_start3A_118 : memref<100000xi32, #tpu.memory_space<hbm>>) target(%arg16 : memref<512xi32, #tpu.memory_space<vmem>>) offsets(%arg12 : memref<512xi32, #tpu.memory_space<vmem>>) semaphore(%arg26 : memref<!tpu.dma_semaphore, #tpu.memory_space<semaphore_mem>>)
    %dma_start3A_119 = arith.constant 0 : i32
    %dma_start3A_120 = tpu.memref_slice %arg7[%add3A_114, %dma_start3A_119] : memref<1600000x16xf32, #tpu.memory_space<hbm>> -> memref<512x16xf32, #tpu.memory_space<hbm>>
    %dma_start3A_121 = arith.constant 0 : i32
    %dma_start3A_122 = tpu.memref_slice %arg7[%add3A_114, %dma_start3A_121] : memref<1600000x16xf32, #tpu.memory_space<hbm>> -> memref<512x16xf32, #tpu.memory_space<hbm>>
    tpu.enqueue_dma source(%dma_start3A_122 : memref<512x16xf32, #tpu.memory_space<hbm>>) target(%arg18 : memref<512x16xf32, #tpu.memory_space<vmem>>) target_semaphore(%arg26 : memref<!tpu.dma_semaphore, #tpu.memory_space<semaphore_mem>>)
    %dma_start3A_123 = tpu.memref_slice %arg6[%add3A_114] : memref<1600000xf32, #tpu.memory_space<hbm>> -> memref<512xf32, #tpu.memory_space<hbm>>
    %dma_start3A_124 = tpu.memref_slice %arg6[%add3A_114] : memref<1600000xf32, #tpu.memory_space<hbm>> -> memref<512xf32, #tpu.memory_space<hbm>>
    tpu.enqueue_dma source(%dma_start3A_124 : memref<512xf32, #tpu.memory_space<hbm>>) target(%arg20 : memref<512xf32, #tpu.memory_space<vmem>>) target_semaphore(%arg26 : memref<!tpu.dma_semaphore, #tpu.memory_space<semaphore_mem>>)
    %dma_wait3A_125 = arith.constant 0 : i32
    %dma_wait3A_126 = tpu.memref_slice %arg3[%dma_wait3A_125] : memref<100000xi32, #tpu.memory_space<hbm>> -> memref<100000xi32, #tpu.memory_space<hbm>>
    tpu.wait_indirect_dma semaphore(%arg26 : memref<!tpu.dma_semaphore, #tpu.memory_space<semaphore_mem>>) src(%dma_wait3A_126 : memref<100000xi32, #tpu.memory_space<hbm>>) dst(%arg14 : memref<512xi32, #tpu.memory_space<vmem>>)
    %dma_wait3A_127 = arith.constant 0 : i32
    %dma_wait3A_128 = tpu.memref_slice %arg3[%dma_wait3A_127] : memref<100000xi32, #tpu.memory_space<hbm>> -> memref<100000xi32, #tpu.memory_space<hbm>>
    tpu.wait_indirect_dma semaphore(%arg26 : memref<!tpu.dma_semaphore, #tpu.memory_space<semaphore_mem>>) src(%dma_wait3A_128 : memref<100000xi32, #tpu.memory_space<hbm>>) dst(%arg16 : memref<512xi32, #tpu.memory_space<vmem>>)
    %dma_wait3A_129 = arith.constant 0 : i32
    %dma_wait3A_130 = tpu.memref_slice %arg7[%add3A_114, %dma_wait3A_129] : memref<1600000x16xf32, #tpu.memory_space<hbm>> -> memref<512x16xf32, #tpu.memory_space<hbm>>
    %dma_wait3A_131 = arith.constant 0 : i32
    %dma_wait3A_132 = tpu.memref_slice %arg7[%add3A_114, %dma_wait3A_131] : memref<1600000x16xf32, #tpu.memory_space<hbm>> -> memref<512x16xf32, #tpu.memory_space<hbm>>
    tpu.wait_dma2 semaphore(%arg26 : memref<!tpu.dma_semaphore, #tpu.memory_space<semaphore_mem>>) src(%dma_wait3A_132 : memref<512x16xf32, #tpu.memory_space<hbm>>) dst(%arg18 : memref<512x16xf32, #tpu.memory_space<vmem>>)
    %dma_wait3A_133 = tpu.memref_slice %arg6[%add3A_114] : memref<1600000xf32, #tpu.memory_space<hbm>> -> memref<512xf32, #tpu.memory_space<hbm>>
    %dma_wait3A_134 = tpu.memref_slice %arg6[%add3A_114] : memref<1600000xf32, #tpu.memory_space<hbm>> -> memref<512xf32, #tpu.memory_space<hbm>>
    tpu.wait_dma2 semaphore(%arg26 : memref<!tpu.dma_semaphore, #tpu.memory_space<semaphore_mem>>) src(%dma_wait3A_134 : memref<512xf32, #tpu.memory_space<hbm>>) dst(%arg20 : memref<512xf32, #tpu.memory_space<vmem>>)
    %add3A_135 = arith.constant 48128 : i32
    %add3A_136 = arith.addi %mul3A_2, %add3A_135 : i32
    %mul3A_137 = arith.constant 61 : i32
    %mul3A_138 = arith.muli %add3A_136, %mul3A_137 : i32
    %dma_wait3A_139 = tpu.memref_slice %arg8[%mul3A_138] : memref<97600000xf32, #tpu.memory_space<hbm>> -> memref<31232xf32, #tpu.memory_space<hbm>>
    %dma_wait3A_140 = tpu.memref_slice %arg8[%mul3A_138] : memref<97600000xf32, #tpu.memory_space<hbm>> -> memref<31232xf32, #tpu.memory_space<hbm>>
    tpu.wait_dma2 semaphore(%arg28 : memref<!tpu.dma_semaphore, #tpu.memory_space<semaphore_mem>>) src(%arg22 : memref<31232xf32, #tpu.memory_space<vmem>>) dst(%dma_wait3A_140 : memref<31232xf32, #tpu.memory_space<hbm>>)
    %scan3A_141 = arith.constant 0 : i32
    %scan3A_142 = arith.constant 0 : i32
    %scan3A_143 = arith.constant 32 : i32
    %scan3A_144 = arith.addi %scan3A_142, %scan3A_143 : i32
    %scan3A_145 = arith.constant 1 : i32
    scf.for %scan3A_231 = %scan3A_142 to %scan3A_144 step %scan3A_145  : i32 {
      %mul3A_232 = arith.constant 16 : i32
      %mul3A_233 = arith.muli %scan3A_231, %mul3A_232 : i32
      %add3A_234 = vector.broadcast %mul3A_233 : i32 to vector<16xi32>
      %add3A_235 = arith.addi %add3A_234, %iota3A : vector<16xi32>
      %mul3A_236 = arith.constant 976 : i32
      %mul3A_237 = arith.muli %scan3A_231, %mul3A_236 : i32
      %add3A_238 = vector.broadcast %mul3A_237 : i32 to vector<16xi32>
      %add3A_239 = arith.addi %add3A_238, %mul3A_5 : vector<16xi32>
      %mul3A_240 = arith.constant 16 : i32
      %mul3A_241 = arith.muli %scan3A_231, %mul3A_240 : i32
      %get3A = arith.index_cast %mul3A_241 : i32 to index
      %get3A_242 = tpu.vector_load %arg14[%get3A] {strides = array<i32>} : memref<512xi32, #tpu.memory_space<vmem>>, vector<16xi32>,
      %mul3A_243 = arith.constant 16 : i32
      %mul3A_244 = arith.muli %scan3A_231, %mul3A_243 : i32
      %get3A_245 = arith.index_cast %mul3A_244 : i32 to index
      %get3A_246 = tpu.vector_load %arg16[%get3A_245] {strides = array<i32>} : memref<512xi32, #tpu.memory_space<vmem>>, vector<16xi32>,
      %add3A_247 = arith.constant 0 : i32
      %add3A_248 = vector.broadcast %add3A_247 : i32 to vector<16xi32>
      %add3A_249 = arith.addi %get3A_242, %add3A_248 : vector<16xi32>
      %gather3A = tpu.vector_load_idx %arg9[%add3A_249] : memref<2816xf32, #tpu.memory_space<vmem>>[vector<16xi32>], vector<16xf32>,
      %add3A_250 = arith.constant 0 : i32
      %add3A_251 = vector.broadcast %add3A_250 : i32 to vector<16xi32>
      %add3A_252 = arith.addi %add3A_239, %add3A_251 : vector<16xi32>
      tpu.vector_store_idx %arg22[%add3A_252], %gather3A : memref<31232xf32, #tpu.memory_space<vmem>>[vector<16xi32>], vector<16xf32>,
      %add3A_253 = arith.constant 0 : i32
      %add3A_254 = vector.broadcast %add3A_253 : i32 to vector<16xi32>
      %add3A_255 = arith.addi %get3A_246, %add3A_254 : vector<16xi32>
      %gather3A_256 = tpu.vector_load_idx %arg9[%add3A_255] : memref<2816xf32, #tpu.memory_space<vmem>>[vector<16xi32>], vector<16xf32>,
      %add3A_257 = arith.constant 22 : i32
      %add3A_258 = vector.broadcast %add3A_257 : i32 to vector<16xi32>
      %add3A_259 = arith.addi %add3A_239, %add3A_258 : vector<16xi32>
      tpu.vector_store_idx %arg22[%add3A_259], %gather3A_256 : memref<31232xf32, #tpu.memory_space<vmem>>[vector<16xi32>], vector<16xf32>,
      %add3A_260 = arith.constant 1 : i32
      %add3A_261 = vector.broadcast %add3A_260 : i32 to vector<16xi32>
      %add3A_262 = arith.addi %get3A_242, %add3A_261 : vector<16xi32>
      %gather3A_263 = tpu.vector_load_idx %arg9[%add3A_262] : memref<2816xf32, #tpu.memory_space<vmem>>[vector<16xi32>], vector<16xf32>,
      %add3A_264 = arith.constant 1 : i32
      %add3A_265 = vector.broadcast %add3A_264 : i32 to vector<16xi32>
      %add3A_266 = arith.addi %add3A_239, %add3A_265 : vector<16xi32>
      tpu.vector_store_idx %arg22[%add3A_266], %gather3A_263 : memref<31232xf32, #tpu.memory_space<vmem>>[vector<16xi32>], vector<16xf32>,
      %add3A_267 = arith.constant 1 : i32
      %add3A_268 = vector.broadcast %add3A_267 : i32 to vector<16xi32>
      %add3A_269 = arith.addi %get3A_246, %add3A_268 : vector<16xi32>
      %gather3A_270 = tpu.vector_load_idx %arg9[%add3A_269] : memref<2816xf32, #tpu.memory_space<vmem>>[vector<16xi32>], vector<16xf32>,
      %add3A_271 = arith.constant 23 : i32
      %add3A_272 = vector.broadcast %add3A_271 : i32 to vector<16xi32>
      %add3A_273 = arith.addi %add3A_239, %add3A_272 : vector<16xi32>
      tpu.vector_store_idx %arg22[%add3A_273], %gather3A_270 : memref<31232xf32, #tpu.memory_space<vmem>>[vector<16xi32>], vector<16xf32>,
      %add3A_274 = arith.constant 2 : i32
      %add3A_275 = vector.broadcast %add3A_274 : i32 to vector<16xi32>
      %add3A_276 = arith.addi %get3A_242, %add3A_275 : vector<16xi32>
      %gather3A_277 = tpu.vector_load_idx %arg9[%add3A_276] : memref<2816xf32, #tpu.memory_space<vmem>>[vector<16xi32>], vector<16xf32>,
      %add3A_278 = arith.constant 2 : i32
      %add3A_279 = vector.broadcast %add3A_278 : i32 to vector<16xi32>
      %add3A_280 = arith.addi %add3A_239, %add3A_279 : vector<16xi32>
      tpu.vector_store_idx %arg22[%add3A_280], %gather3A_277 : memref<31232xf32, #tpu.memory_space<vmem>>[vector<16xi32>], vector<16xf32>,
      %add3A_281 = arith.constant 2 : i32
      %add3A_282 = vector.broadcast %add3A_281 : i32 to vector<16xi32>
      %add3A_283 = arith.addi %get3A_246, %add3A_282 : vector<16xi32>
      %gather3A_284 = tpu.vector_load_idx %arg9[%add3A_283] : memref<2816xf32, #tpu.memory_space<vmem>>[vector<16xi32>], vector<16xf32>,
      %add3A_285 = arith.constant 24 : i32
      %add3A_286 = vector.broadcast %add3A_285 : i32 to vector<16xi32>
      %add3A_287 = arith.addi %add3A_239, %add3A_286 : vector<16xi32>
      tpu.vector_store_idx %arg22[%add3A_287], %gather3A_284 : memref<31232xf32, #tpu.memory_space<vmem>>[vector<16xi32>], vector<16xf32>,
      %add3A_288 = arith.constant 3 : i32
      %add3A_289 = vector.broadcast %add3A_288 : i32 to vector<16xi32>
      %add3A_290 = arith.addi %get3A_242, %add3A_289 : vector<16xi32>
      %gather3A_291 = tpu.vector_load_idx %arg9[%add3A_290] : memref<2816xf32, #tpu.memory_space<vmem>>[vector<16xi32>], vector<16xf32>,
      %add3A_292 = arith.constant 3 : i32
      %add3A_293 = vector.broadcast %add3A_292 : i32 to vector<16xi32>
      %add3A_294 = arith.addi %add3A_239, %add3A_293 : vector<16xi32>
      tpu.vector_store_idx %arg22[%add3A_294], %gather3A_291 : memref<31232xf32, #tpu.memory_space<vmem>>[vector<16xi32>], vector<16xf32>,
      %add3A_295 = arith.constant 3 : i32
      %add3A_296 = vector.broadcast %add3A_295 : i32 to vector<16xi32>
      %add3A_297 = arith.addi %get3A_246, %add3A_296 : vector<16xi32>
      %gather3A_298 = tpu.vector_load_idx %arg9[%add3A_297] : memref<2816xf32, #tpu.memory_space<vmem>>[vector<16xi32>], vector<16xf32>,
      %add3A_299 = arith.constant 25 : i32
      %add3A_300 = vector.broadcast %add3A_299 : i32 to vector<16xi32>
      %add3A_301 = arith.addi %add3A_239, %add3A_300 : vector<16xi32>
      tpu.vector_store_idx %arg22[%add3A_301], %gather3A_298 : memref<31232xf32, #tpu.memory_space<vmem>>[vector<16xi32>], vector<16xf32>,
      %add3A_302 = arith.constant 4 : i32
      %add3A_303 = vector.broadcast %add3A_302 : i32 to vector<16xi32>
      %add3A_304 = arith.addi %get3A_242, %add3A_303 : vector<16xi32>
      %gather3A_305 = tpu.vector_load_idx %arg9[%add3A_304] : memref<2816xf32, #tpu.memory_space<vmem>>[vector<16xi32>], vector<16xf32>,
      %add3A_306 = arith.constant 4 : i32
      %add3A_307 = vector.broadcast %add3A_306 : i32 to vector<16xi32>
      %add3A_308 = arith.addi %add3A_239, %add3A_307 : vector<16xi32>
      tpu.vector_store_idx %arg22[%add3A_308], %gather3A_305 : memref<31232xf32, #tpu.memory_space<vmem>>[vector<16xi32>], vector<16xf32>,
      %add3A_309 = arith.constant 4 : i32
      %add3A_310 = vector.broadcast %add3A_309 : i32 to vector<16xi32>
      %add3A_311 = arith.addi %get3A_246, %add3A_310 : vector<16xi32>
      %gather3A_312 = tpu.vector_load_idx %arg9[%add3A_311] : memref<2816xf32, #tpu.memory_space<vmem>>[vector<16xi32>], vector<16xf32>,
      %add3A_313 = arith.constant 26 : i32
      %add3A_314 = vector.broadcast %add3A_313 : i32 to vector<16xi32>
      %add3A_315 = arith.addi %add3A_239, %add3A_314 : vector<16xi32>
      tpu.vector_store_idx %arg22[%add3A_315], %gather3A_312 : memref<31232xf32, #tpu.memory_space<vmem>>[vector<16xi32>], vector<16xf32>,
      %add3A_316 = arith.constant 5 : i32
      %add3A_317 = vector.broadcast %add3A_316 : i32 to vector<16xi32>
      %add3A_318 = arith.addi %get3A_242, %add3A_317 : vector<16xi32>
      %gather3A_319 = tpu.vector_load_idx %arg9[%add3A_318] : memref<2816xf32, #tpu.memory_space<vmem>>[vector<16xi32>], vector<16xf32>,
      %add3A_320 = arith.constant 5 : i32
      %add3A_321 = vector.broadcast %add3A_320 : i32 to vector<16xi32>
      %add3A_322 = arith.addi %add3A_239, %add3A_321 : vector<16xi32>
      tpu.vector_store_idx %arg22[%add3A_322], %gather3A_319 : memref<31232xf32, #tpu.memory_space<vmem>>[vector<16xi32>], vector<16xf32>,
      %add3A_323 = arith.constant 5 : i32
      %add3A_324 = vector.broadcast %add3A_323 : i32 to vector<16xi32>
      %add3A_325 = arith.addi %get3A_246, %add3A_324 : vector<16xi32>
      %gather3A_326 = tpu.vector_load_idx %arg9[%add3A_325] : memref<2816xf32, #tpu.memory_space<vmem>>[vector<16xi32>], vector<16xf32>,
      %add3A_327 = arith.constant 27 : i32
      %add3A_328 = vector.broadcast %add3A_327 : i32 to vector<16xi32>
      %add3A_329 = arith.addi %add3A_239, %add3A_328 : vector<16xi32>
      tpu.vector_store_idx %arg22[%add3A_329], %gather3A_326 : memref<31232xf32, #tpu.memory_space<vmem>>[vector<16xi32>], vector<16xf32>,
      %add3A_330 = arith.constant 6 : i32
      %add3A_331 = vector.broadcast %add3A_330 : i32 to vector<16xi32>
      %add3A_332 = arith.addi %get3A_242, %add3A_331 : vector<16xi32>
      %gather3A_333 = tpu.vector_load_idx %arg9[%add3A_332] : memref<2816xf32, #tpu.memory_space<vmem>>[vector<16xi32>], vector<16xf32>,
      %add3A_334 = arith.constant 6 : i32
      %add3A_335 = vector.broadcast %add3A_334 : i32 to vector<16xi32>
      %add3A_336 = arith.addi %add3A_239, %add3A_335 : vector<16xi32>
      tpu.vector_store_idx %arg22[%add3A_336], %gather3A_333 : memref<31232xf32, #tpu.memory_space<vmem>>[vector<16xi32>], vector<16xf32>,
      %add3A_337 = arith.constant 6 : i32
      %add3A_338 = vector.broadcast %add3A_337 : i32 to vector<16xi32>
      %add3A_339 = arith.addi %get3A_246, %add3A_338 : vector<16xi32>
      %gather3A_340 = tpu.vector_load_idx %arg9[%add3A_339] : memref<2816xf32, #tpu.memory_space<vmem>>[vector<16xi32>], vector<16xf32>,
      %add3A_341 = arith.constant 28 : i32
      %add3A_342 = vector.broadcast %add3A_341 : i32 to vector<16xi32>
      %add3A_343 = arith.addi %add3A_239, %add3A_342 : vector<16xi32>
      tpu.vector_store_idx %arg22[%add3A_343], %gather3A_340 : memref<31232xf32, #tpu.memory_space<vmem>>[vector<16xi32>], vector<16xf32>,
      %add3A_344 = arith.constant 7 : i32
      %add3A_345 = vector.broadcast %add3A_344 : i32 to vector<16xi32>
      %add3A_346 = arith.addi %get3A_242, %add3A_345 : vector<16xi32>
      %gather3A_347 = tpu.vector_load_idx %arg9[%add3A_346] : memref<2816xf32, #tpu.memory_space<vmem>>[vector<16xi32>], vector<16xf32>,
      %add3A_348 = arith.constant 7 : i32
      %add3A_349 = vector.broadcast %add3A_348 : i32 to vector<16xi32>
      %add3A_350 = arith.addi %add3A_239, %add3A_349 : vector<16xi32>
      tpu.vector_store_idx %arg22[%add3A_350], %gather3A_347 : memref<31232xf32, #tpu.memory_space<vmem>>[vector<16xi32>], vector<16xf32>,
      %add3A_351 = arith.constant 7 : i32
      %add3A_352 = vector.broadcast %add3A_351 : i32 to vector<16xi32>
      %add3A_353 = arith.addi %get3A_246, %add3A_352 : vector<16xi32>
      %gather3A_354 = tpu.vector_load_idx %arg9[%add3A_353] : memref<2816xf32, #tpu.memory_space<vmem>>[vector<16xi32>], vector<16xf32>,
      %add3A_355 = arith.constant 29 : i32
      %add3A_356 = vector.broadcast %add3A_355 : i32 to vector<16xi32>
      %add3A_357 = arith.addi %add3A_239, %add3A_356 : vector<16xi32>
      tpu.vector_store_idx %arg22[%add3A_357], %gather3A_354 : memref<31232xf32, #tpu.memory_space<vmem>>[vector<16xi32>], vector<16xf32>,
      %add3A_358 = arith.constant 8 : i32
      %add3A_359 = vector.broadcast %add3A_358 : i32 to vector<16xi32>
      %add3A_360 = arith.addi %get3A_242, %add3A_359 : vector<16xi32>
      %gather3A_361 = tpu.vector_load_idx %arg9[%add3A_360] : memref<2816xf32, #tpu.memory_space<vmem>>[vector<16xi32>], vector<16xf32>,
      %add3A_362 = arith.constant 8 : i32
      %add3A_363 = vector.broadcast %add3A_362 : i32 to vector<16xi32>
      %add3A_364 = arith.addi %add3A_239, %add3A_363 : vector<16xi32>
      tpu.vector_store_idx %arg22[%add3A_364], %gather3A_361 : memref<31232xf32, #tpu.memory_space<vmem>>[vector<16xi32>], vector<16xf32>,
      %add3A_365 = arith.constant 8 : i32
      %add3A_366 = vector.broadcast %add3A_365 : i32 to vector<16xi32>
      %add3A_367 = arith.addi %get3A_246, %add3A_366 : vector<16xi32>
      %gather3A_368 = tpu.vector_load_idx %arg9[%add3A_367] : memref<2816xf32, #tpu.memory_space<vmem>>[vector<16xi32>], vector<16xf32>,
      %add3A_369 = arith.constant 30 : i32
      %add3A_370 = vector.broadcast %add3A_369 : i32 to vector<16xi32>
      %add3A_371 = arith.addi %add3A_239, %add3A_370 : vector<16xi32>
      tpu.vector_store_idx %arg22[%add3A_371], %gather3A_368 : memref<31232xf32, #tpu.memory_space<vmem>>[vector<16xi32>], vector<16xf32>,
      %add3A_372 = arith.constant 9 : i32
      %add3A_373 = vector.broadcast %add3A_372 : i32 to vector<16xi32>
      %add3A_374 = arith.addi %get3A_242, %add3A_373 : vector<16xi32>
      %gather3A_375 = tpu.vector_load_idx %arg9[%add3A_374] : memref<2816xf32, #tpu.memory_space<vmem>>[vector<16xi32>], vector<16xf32>,
      %add3A_376 = arith.constant 9 : i32
      %add3A_377 = vector.broadcast %add3A_376 : i32 to vector<16xi32>
      %add3A_378 = arith.addi %add3A_239, %add3A_377 : vector<16xi32>
      tpu.vector_store_idx %arg22[%add3A_378], %gather3A_375 : memref<31232xf32, #tpu.memory_space<vmem>>[vector<16xi32>], vector<16xf32>,
      %add3A_379 = arith.constant 9 : i32
      %add3A_380 = vector.broadcast %add3A_379 : i32 to vector<16xi32>
      %add3A_381 = arith.addi %get3A_246, %add3A_380 : vector<16xi32>
      %gather3A_382 = tpu.vector_load_idx %arg9[%add3A_381] : memref<2816xf32, #tpu.memory_space<vmem>>[vector<16xi32>], vector<16xf32>,
      %add3A_383 = arith.constant 31 : i32
      %add3A_384 = vector.broadcast %add3A_383 : i32 to vector<16xi32>
      %add3A_385 = arith.addi %add3A_239, %add3A_384 : vector<16xi32>
      tpu.vector_store_idx %arg22[%add3A_385], %gather3A_382 : memref<31232xf32, #tpu.memory_space<vmem>>[vector<16xi32>], vector<16xf32>,
      %add3A_386 = arith.constant 10 : i32
      %add3A_387 = vector.broadcast %add3A_386 : i32 to vector<16xi32>
      %add3A_388 = arith.addi %get3A_242, %add3A_387 : vector<16xi32>
      %gather3A_389 = tpu.vector_load_idx %arg9[%add3A_388] : memref<2816xf32, #tpu.memory_space<vmem>>[vector<16xi32>], vector<16xf32>,
      %add3A_390 = arith.constant 10 : i32
      %add3A_391 = vector.broadcast %add3A_390 : i32 to vector<16xi32>
      %add3A_392 = arith.addi %add3A_239, %add3A_391 : vector<16xi32>
      tpu.vector_store_idx %arg22[%add3A_392], %gather3A_389 : memref<31232xf32, #tpu.memory_space<vmem>>[vector<16xi32>], vector<16xf32>,
      %add3A_393 = arith.constant 10 : i32
      %add3A_394 = vector.broadcast %add3A_393 : i32 to vector<16xi32>
      %add3A_395 = arith.addi %get3A_246, %add3A_394 : vector<16xi32>
      %gather3A_396 = tpu.vector_load_idx %arg9[%add3A_395] : memref<2816xf32, #tpu.memory_space<vmem>>[vector<16xi32>], vector<16xf32>,
      %add3A_397 = arith.constant 32 : i32
      %add3A_398 = vector.broadcast %add3A_397 : i32 to vector<16xi32>
      %add3A_399 = arith.addi %add3A_239, %add3A_398 : vector<16xi32>
      tpu.vector_store_idx %arg22[%add3A_399], %gather3A_396 : memref<31232xf32, #tpu.memory_space<vmem>>[vector<16xi32>], vector<16xf32>,
      %add3A_400 = arith.constant 11 : i32
      %add3A_401 = vector.broadcast %add3A_400 : i32 to vector<16xi32>
      %add3A_402 = arith.addi %get3A_242, %add3A_401 : vector<16xi32>
      %gather3A_403 = tpu.vector_load_idx %arg9[%add3A_402] : memref<2816xf32, #tpu.memory_space<vmem>>[vector<16xi32>], vector<16xf32>,
      %add3A_404 = arith.constant 11 : i32
      %add3A_405 = vector.broadcast %add3A_404 : i32 to vector<16xi32>
      %add3A_406 = arith.addi %add3A_239, %add3A_405 : vector<16xi32>
      tpu.vector_store_idx %arg22[%add3A_406], %gather3A_403 : memref<31232xf32, #tpu.memory_space<vmem>>[vector<16xi32>], vector<16xf32>,
      %add3A_407 = arith.constant 11 : i32
      %add3A_408 = vector.broadcast %add3A_407 : i32 to vector<16xi32>
      %add3A_409 = arith.addi %get3A_246, %add3A_408 : vector<16xi32>
      %gather3A_410 = tpu.vector_load_idx %arg9[%add3A_409] : memref<2816xf32, #tpu.memory_space<vmem>>[vector<16xi32>], vector<16xf32>,
      %add3A_411 = arith.constant 33 : i32
      %add3A_412 = vector.broadcast %add3A_411 : i32 to vector<16xi32>
      %add3A_413 = arith.addi %add3A_239, %add3A_412 : vector<16xi32>
      tpu.vector_store_idx %arg22[%add3A_413], %gather3A_410 : memref<31232xf32, #tpu.memory_space<vmem>>[vector<16xi32>], vector<16xf32>,
      %add3A_414 = arith.constant 12 : i32
      %add3A_415 = vector.broadcast %add3A_414 : i32 to vector<16xi32>
      %add3A_416 = arith.addi %get3A_242, %add3A_415 : vector<16xi32>
      %gather3A_417 = tpu.vector_load_idx %arg9[%add3A_416] : memref<2816xf32, #tpu.memory_space<vmem>>[vector<16xi32>], vector<16xf32>,
      %add3A_418 = arith.constant 12 : i32
      %add3A_419 = vector.broadcast %add3A_418 : i32 to vector<16xi32>
      %add3A_420 = arith.addi %add3A_239, %add3A_419 : vector<16xi32>
      tpu.vector_store_idx %arg22[%add3A_420], %gather3A_417 : memref<31232xf32, #tpu.memory_space<vmem>>[vector<16xi32>], vector<16xf32>,
      %add3A_421 = arith.constant 12 : i32
      %add3A_422 = vector.broadcast %add3A_421 : i32 to vector<16xi32>
      %add3A_423 = arith.addi %get3A_246, %add3A_422 : vector<16xi32>
      %gather3A_424 = tpu.vector_load_idx %arg9[%add3A_423] : memref<2816xf32, #tpu.memory_space<vmem>>[vector<16xi32>], vector<16xf32>,
      %add3A_425 = arith.constant 34 : i32
      %add3A_426 = vector.broadcast %add3A_425 : i32 to vector<16xi32>
      %add3A_427 = arith.addi %add3A_239, %add3A_426 : vector<16xi32>
      tpu.vector_store_idx %arg22[%add3A_427], %gather3A_424 : memref<31232xf32, #tpu.memory_space<vmem>>[vector<16xi32>], vector<16xf32>,
      %add3A_428 = arith.constant 13 : i32
      %add3A_429 = vector.broadcast %add3A_428 : i32 to vector<16xi32>
      %add3A_430 = arith.addi %get3A_242, %add3A_429 : vector<16xi32>
      %gather3A_431 = tpu.vector_load_idx %arg9[%add3A_430] : memref<2816xf32, #tpu.memory_space<vmem>>[vector<16xi32>], vector<16xf32>,
      %add3A_432 = arith.constant 13 : i32
      %add3A_433 = vector.broadcast %add3A_432 : i32 to vector<16xi32>
      %add3A_434 = arith.addi %add3A_239, %add3A_433 : vector<16xi32>
      tpu.vector_store_idx %arg22[%add3A_434], %gather3A_431 : memref<31232xf32, #tpu.memory_space<vmem>>[vector<16xi32>], vector<16xf32>,
      %add3A_435 = arith.constant 13 : i32
      %add3A_436 = vector.broadcast %add3A_435 : i32 to vector<16xi32>
      %add3A_437 = arith.addi %get3A_246, %add3A_436 : vector<16xi32>
      %gather3A_438 = tpu.vector_load_idx %arg9[%add3A_437] : memref<2816xf32, #tpu.memory_space<vmem>>[vector<16xi32>], vector<16xf32>,
      %add3A_439 = arith.constant 35 : i32
      %add3A_440 = vector.broadcast %add3A_439 : i32 to vector<16xi32>
      %add3A_441 = arith.addi %add3A_239, %add3A_440 : vector<16xi32>
      tpu.vector_store_idx %arg22[%add3A_441], %gather3A_438 : memref<31232xf32, #tpu.memory_space<vmem>>[vector<16xi32>], vector<16xf32>,
      %add3A_442 = arith.constant 14 : i32
      %add3A_443 = vector.broadcast %add3A_442 : i32 to vector<16xi32>
      %add3A_444 = arith.addi %get3A_242, %add3A_443 : vector<16xi32>
      %gather3A_445 = tpu.vector_load_idx %arg9[%add3A_444] : memref<2816xf32, #tpu.memory_space<vmem>>[vector<16xi32>], vector<16xf32>,
      %add3A_446 = arith.constant 14 : i32
      %add3A_447 = vector.broadcast %add3A_446 : i32 to vector<16xi32>
      %add3A_448 = arith.addi %add3A_239, %add3A_447 : vector<16xi32>
      tpu.vector_store_idx %arg22[%add3A_448], %gather3A_445 : memref<31232xf32, #tpu.memory_space<vmem>>[vector<16xi32>], vector<16xf32>,
      %add3A_449 = arith.constant 14 : i32
      %add3A_450 = vector.broadcast %add3A_449 : i32 to vector<16xi32>
      %add3A_451 = arith.addi %get3A_246, %add3A_450 : vector<16xi32>
      %gather3A_452 = tpu.vector_load_idx %arg9[%add3A_451] : memref<2816xf32, #tpu.memory_space<vmem>>[vector<16xi32>], vector<16xf32>,
      %add3A_453 = arith.constant 36 : i32
      %add3A_454 = vector.broadcast %add3A_453 : i32 to vector<16xi32>
      %add3A_455 = arith.addi %add3A_239, %add3A_454 : vector<16xi32>
      tpu.vector_store_idx %arg22[%add3A_455], %gather3A_452 : memref<31232xf32, #tpu.memory_space<vmem>>[vector<16xi32>], vector<16xf32>,
      %add3A_456 = arith.constant 15 : i32
      %add3A_457 = vector.broadcast %add3A_456 : i32 to vector<16xi32>
      %add3A_458 = arith.addi %get3A_242, %add3A_457 : vector<16xi32>
      %gather3A_459 = tpu.vector_load_idx %arg9[%add3A_458] : memref<2816xf32, #tpu.memory_space<vmem>>[vector<16xi32>], vector<16xf32>,
      %add3A_460 = arith.constant 15 : i32
      %add3A_461 = vector.broadcast %add3A_460 : i32 to vector<16xi32>
      %add3A_462 = arith.addi %add3A_239, %add3A_461 : vector<16xi32>
      tpu.vector_store_idx %arg22[%add3A_462], %gather3A_459 : memref<31232xf32, #tpu.memory_space<vmem>>[vector<16xi32>], vector<16xf32>,
      %add3A_463 = arith.constant 15 : i32
      %add3A_464 = vector.broadcast %add3A_463 : i32 to vector<16xi32>
      %add3A_465 = arith.addi %get3A_246, %add3A_464 : vector<16xi32>
      %gather3A_466 = tpu.vector_load_idx %arg9[%add3A_465] : memref<2816xf32, #tpu.memory_space<vmem>>[vector<16xi32>], vector<16xf32>,
      %add3A_467 = arith.constant 37 : i32
      %add3A_468 = vector.broadcast %add3A_467 : i32 to vector<16xi32>
      %add3A_469 = arith.addi %add3A_239, %add3A_468 : vector<16xi32>
      tpu.vector_store_idx %arg22[%add3A_469], %gather3A_466 : memref<31232xf32, #tpu.memory_space<vmem>>[vector<16xi32>], vector<16xf32>,
      %add3A_470 = arith.constant 16 : i32
      %add3A_471 = vector.broadcast %add3A_470 : i32 to vector<16xi32>
      %add3A_472 = arith.addi %get3A_242, %add3A_471 : vector<16xi32>
      %gather3A_473 = tpu.vector_load_idx %arg9[%add3A_472] : memref<2816xf32, #tpu.memory_space<vmem>>[vector<16xi32>], vector<16xf32>,
      %add3A_474 = arith.constant 16 : i32
      %add3A_475 = vector.broadcast %add3A_474 : i32 to vector<16xi32>
      %add3A_476 = arith.addi %add3A_239, %add3A_475 : vector<16xi32>
      tpu.vector_store_idx %arg22[%add3A_476], %gather3A_473 : memref<31232xf32, #tpu.memory_space<vmem>>[vector<16xi32>], vector<16xf32>,
      %add3A_477 = arith.constant 16 : i32
      %add3A_478 = vector.broadcast %add3A_477 : i32 to vector<16xi32>
      %add3A_479 = arith.addi %get3A_246, %add3A_478 : vector<16xi32>
      %gather3A_480 = tpu.vector_load_idx %arg9[%add3A_479] : memref<2816xf32, #tpu.memory_space<vmem>>[vector<16xi32>], vector<16xf32>,
      %add3A_481 = arith.constant 38 : i32
      %add3A_482 = vector.broadcast %add3A_481 : i32 to vector<16xi32>
      %add3A_483 = arith.addi %add3A_239, %add3A_482 : vector<16xi32>
      tpu.vector_store_idx %arg22[%add3A_483], %gather3A_480 : memref<31232xf32, #tpu.memory_space<vmem>>[vector<16xi32>], vector<16xf32>,
      %add3A_484 = arith.constant 17 : i32
      %add3A_485 = vector.broadcast %add3A_484 : i32 to vector<16xi32>
      %add3A_486 = arith.addi %get3A_242, %add3A_485 : vector<16xi32>
      %gather3A_487 = tpu.vector_load_idx %arg9[%add3A_486] : memref<2816xf32, #tpu.memory_space<vmem>>[vector<16xi32>], vector<16xf32>,
      %add3A_488 = arith.constant 17 : i32
      %add3A_489 = vector.broadcast %add3A_488 : i32 to vector<16xi32>
      %add3A_490 = arith.addi %add3A_239, %add3A_489 : vector<16xi32>
      tpu.vector_store_idx %arg22[%add3A_490], %gather3A_487 : memref<31232xf32, #tpu.memory_space<vmem>>[vector<16xi32>], vector<16xf32>,
      %add3A_491 = arith.constant 17 : i32
      %add3A_492 = vector.broadcast %add3A_491 : i32 to vector<16xi32>
      %add3A_493 = arith.addi %get3A_246, %add3A_492 : vector<16xi32>
      %gather3A_494 = tpu.vector_load_idx %arg9[%add3A_493] : memref<2816xf32, #tpu.memory_space<vmem>>[vector<16xi32>], vector<16xf32>,
      %add3A_495 = arith.constant 39 : i32
      %add3A_496 = vector.broadcast %add3A_495 : i32 to vector<16xi32>
      %add3A_497 = arith.addi %add3A_239, %add3A_496 : vector<16xi32>
      tpu.vector_store_idx %arg22[%add3A_497], %gather3A_494 : memref<31232xf32, #tpu.memory_space<vmem>>[vector<16xi32>], vector<16xf32>,
      %add3A_498 = arith.constant 18 : i32
      %add3A_499 = vector.broadcast %add3A_498 : i32 to vector<16xi32>
      %add3A_500 = arith.addi %get3A_242, %add3A_499 : vector<16xi32>
      %gather3A_501 = tpu.vector_load_idx %arg9[%add3A_500] : memref<2816xf32, #tpu.memory_space<vmem>>[vector<16xi32>], vector<16xf32>,
      %add3A_502 = arith.constant 18 : i32
      %add3A_503 = vector.broadcast %add3A_502 : i32 to vector<16xi32>
      %add3A_504 = arith.addi %add3A_239, %add3A_503 : vector<16xi32>
      tpu.vector_store_idx %arg22[%add3A_504], %gather3A_501 : memref<31232xf32, #tpu.memory_space<vmem>>[vector<16xi32>], vector<16xf32>,
      %add3A_505 = arith.constant 18 : i32
      %add3A_506 = vector.broadcast %add3A_505 : i32 to vector<16xi32>
      %add3A_507 = arith.addi %get3A_246, %add3A_506 : vector<16xi32>
      %gather3A_508 = tpu.vector_load_idx %arg9[%add3A_507] : memref<2816xf32, #tpu.memory_space<vmem>>[vector<16xi32>], vector<16xf32>,
      %add3A_509 = arith.constant 40 : i32
      %add3A_510 = vector.broadcast %add3A_509 : i32 to vector<16xi32>
      %add3A_511 = arith.addi %add3A_239, %add3A_510 : vector<16xi32>
      tpu.vector_store_idx %arg22[%add3A_511], %gather3A_508 : memref<31232xf32, #tpu.memory_space<vmem>>[vector<16xi32>], vector<16xf32>,
      %add3A_512 = arith.constant 19 : i32
      %add3A_513 = vector.broadcast %add3A_512 : i32 to vector<16xi32>
      %add3A_514 = arith.addi %get3A_242, %add3A_513 : vector<16xi32>
      %gather3A_515 = tpu.vector_load_idx %arg9[%add3A_514] : memref<2816xf32, #tpu.memory_space<vmem>>[vector<16xi32>], vector<16xf32>,
      %add3A_516 = arith.constant 19 : i32
      %add3A_517 = vector.broadcast %add3A_516 : i32 to vector<16xi32>
      %add3A_518 = arith.addi %add3A_239, %add3A_517 : vector<16xi32>
      tpu.vector_store_idx %arg22[%add3A_518], %gather3A_515 : memref<31232xf32, #tpu.memory_space<vmem>>[vector<16xi32>], vector<16xf32>,
      %add3A_519 = arith.constant 19 : i32
      %add3A_520 = vector.broadcast %add3A_519 : i32 to vector<16xi32>
      %add3A_521 = arith.addi %get3A_246, %add3A_520 : vector<16xi32>
      %gather3A_522 = tpu.vector_load_idx %arg9[%add3A_521] : memref<2816xf32, #tpu.memory_space<vmem>>[vector<16xi32>], vector<16xf32>,
      %add3A_523 = arith.constant 41 : i32
      %add3A_524 = vector.broadcast %add3A_523 : i32 to vector<16xi32>
      %add3A_525 = arith.addi %add3A_239, %add3A_524 : vector<16xi32>
      tpu.vector_store_idx %arg22[%add3A_525], %gather3A_522 : memref<31232xf32, #tpu.memory_space<vmem>>[vector<16xi32>], vector<16xf32>,
      %add3A_526 = arith.constant 20 : i32
      %add3A_527 = vector.broadcast %add3A_526 : i32 to vector<16xi32>
      %add3A_528 = arith.addi %get3A_242, %add3A_527 : vector<16xi32>
      %gather3A_529 = tpu.vector_load_idx %arg9[%add3A_528] : memref<2816xf32, #tpu.memory_space<vmem>>[vector<16xi32>], vector<16xf32>,
      %add3A_530 = arith.constant 20 : i32
      %add3A_531 = vector.broadcast %add3A_530 : i32 to vector<16xi32>
      %add3A_532 = arith.addi %add3A_239, %add3A_531 : vector<16xi32>
      tpu.vector_store_idx %arg22[%add3A_532], %gather3A_529 : memref<31232xf32, #tpu.memory_space<vmem>>[vector<16xi32>], vector<16xf32>,
      %add3A_533 = arith.constant 20 : i32
      %add3A_534 = vector.broadcast %add3A_533 : i32 to vector<16xi32>
      %add3A_535 = arith.addi %get3A_246, %add3A_534 : vector<16xi32>
      %gather3A_536 = tpu.vector_load_idx %arg9[%add3A_535] : memref<2816xf32, #tpu.memory_space<vmem>>[vector<16xi32>], vector<16xf32>,
      %add3A_537 = arith.constant 42 : i32
      %add3A_538 = vector.broadcast %add3A_537 : i32 to vector<16xi32>
      %add3A_539 = arith.addi %add3A_239, %add3A_538 : vector<16xi32>
      tpu.vector_store_idx %arg22[%add3A_539], %gather3A_536 : memref<31232xf32, #tpu.memory_space<vmem>>[vector<16xi32>], vector<16xf32>,
      %add3A_540 = arith.constant 21 : i32
      %add3A_541 = vector.broadcast %add3A_540 : i32 to vector<16xi32>
      %add3A_542 = arith.addi %get3A_242, %add3A_541 : vector<16xi32>
      %gather3A_543 = tpu.vector_load_idx %arg9[%add3A_542] : memref<2816xf32, #tpu.memory_space<vmem>>[vector<16xi32>], vector<16xf32>,
      %add3A_544 = arith.constant 21 : i32
      %add3A_545 = vector.broadcast %add3A_544 : i32 to vector<16xi32>
      %add3A_546 = arith.addi %add3A_239, %add3A_545 : vector<16xi32>
      tpu.vector_store_idx %arg22[%add3A_546], %gather3A_543 : memref<31232xf32, #tpu.memory_space<vmem>>[vector<16xi32>], vector<16xf32>,
      %add3A_547 = arith.constant 21 : i32
      %add3A_548 = vector.broadcast %add3A_547 : i32 to vector<16xi32>
      %add3A_549 = arith.addi %get3A_246, %add3A_548 : vector<16xi32>
      %gather3A_550 = tpu.vector_load_idx %arg9[%add3A_549] : memref<2816xf32, #tpu.memory_space<vmem>>[vector<16xi32>], vector<16xf32>,
      %add3A_551 = arith.constant 43 : i32
      %add3A_552 = vector.broadcast %add3A_551 : i32 to vector<16xi32>
      %add3A_553 = arith.addi %add3A_239, %add3A_552 : vector<16xi32>
      tpu.vector_store_idx %arg22[%add3A_553], %gather3A_550 : memref<31232xf32, #tpu.memory_space<vmem>>[vector<16xi32>], vector<16xf32>,
      %broadcast_in_dim3A = arith.constant 0 : i32
      %broadcast_in_dim3A_554 = vector.broadcast %broadcast_in_dim3A : i32 to vector<16xi32>
      %add3A_555 = arith.constant 0 : i32
      %add3A_556 = vector.broadcast %add3A_555 : i32 to vector<16xi32>
      %add3A_557 = arith.addi %broadcast_in_dim3A_554, %add3A_556 : vector<16xi32>
      %gather3A_558 = tpu.vector_load_idx %arg18[%add3A_235, %add3A_557] : memref<512x16xf32, #tpu.memory_space<vmem>>[vector<16xi32>, vector<16xi32>], vector<16xf32>,
      %add3A_559 = arith.constant 44 : i32
      %add3A_560 = vector.broadcast %add3A_559 : i32 to vector<16xi32>
      %add3A_561 = arith.addi %add3A_239, %add3A_560 : vector<16xi32>
      tpu.vector_store_idx %arg22[%add3A_561], %gather3A_558 : memref<31232xf32, #tpu.memory_space<vmem>>[vector<16xi32>], vector<16xf32>,
      %add3A_562 = arith.constant 1 : i32
      %add3A_563 = vector.broadcast %add3A_562 : i32 to vector<16xi32>
      %add3A_564 = arith.addi %broadcast_in_dim3A_554, %add3A_563 : vector<16xi32>
      %gather3A_565 = tpu.vector_load_idx %arg18[%add3A_235, %add3A_564] : memref<512x16xf32, #tpu.memory_space<vmem>>[vector<16xi32>, vector<16xi32>], vector<16xf32>,
      %add3A_566 = arith.constant 45 : i32
      %add3A_567 = vector.broadcast %add3A_566 : i32 to vector<16xi32>
      %add3A_568 = arith.addi %add3A_239, %add3A_567 : vector<16xi32>
      tpu.vector_store_idx %arg22[%add3A_568], %gather3A_565 : memref<31232xf32, #tpu.memory_space<vmem>>[vector<16xi32>], vector<16xf32>,
      %add3A_569 = arith.constant 2 : i32
      %add3A_570 = vector.broadcast %add3A_569 : i32 to vector<16xi32>
      %add3A_571 = arith.addi %broadcast_in_dim3A_554, %add3A_570 : vector<16xi32>
      %gather3A_572 = tpu.vector_load_idx %arg18[%add3A_235, %add3A_571] : memref<512x16xf32, #tpu.memory_space<vmem>>[vector<16xi32>, vector<16xi32>], vector<16xf32>,
      %add3A_573 = arith.constant 46 : i32
      %add3A_574 = vector.broadcast %add3A_573 : i32 to vector<16xi32>
      %add3A_575 = arith.addi %add3A_239, %add3A_574 : vector<16xi32>
      tpu.vector_store_idx %arg22[%add3A_575], %gather3A_572 : memref<31232xf32, #tpu.memory_space<vmem>>[vector<16xi32>], vector<16xf32>,
      %add3A_576 = arith.constant 3 : i32
      %add3A_577 = vector.broadcast %add3A_576 : i32 to vector<16xi32>
      %add3A_578 = arith.addi %broadcast_in_dim3A_554, %add3A_577 : vector<16xi32>
      %gather3A_579 = tpu.vector_load_idx %arg18[%add3A_235, %add3A_578] : memref<512x16xf32, #tpu.memory_space<vmem>>[vector<16xi32>, vector<16xi32>], vector<16xf32>,
      %add3A_580 = arith.constant 47 : i32
      %add3A_581 = vector.broadcast %add3A_580 : i32 to vector<16xi32>
      %add3A_582 = arith.addi %add3A_239, %add3A_581 : vector<16xi32>
      tpu.vector_store_idx %arg22[%add3A_582], %gather3A_579 : memref<31232xf32, #tpu.memory_space<vmem>>[vector<16xi32>], vector<16xf32>,
      %add3A_583 = arith.constant 4 : i32
      %add3A_584 = vector.broadcast %add3A_583 : i32 to vector<16xi32>
      %add3A_585 = arith.addi %broadcast_in_dim3A_554, %add3A_584 : vector<16xi32>
      %gather3A_586 = tpu.vector_load_idx %arg18[%add3A_235, %add3A_585] : memref<512x16xf32, #tpu.memory_space<vmem>>[vector<16xi32>, vector<16xi32>], vector<16xf32>,
      %add3A_587 = arith.constant 48 : i32
      %add3A_588 = vector.broadcast %add3A_587 : i32 to vector<16xi32>
      %add3A_589 = arith.addi %add3A_239, %add3A_588 : vector<16xi32>
      tpu.vector_store_idx %arg22[%add3A_589], %gather3A_586 : memref<31232xf32, #tpu.memory_space<vmem>>[vector<16xi32>], vector<16xf32>,
      %add3A_590 = arith.constant 5 : i32
      %add3A_591 = vector.broadcast %add3A_590 : i32 to vector<16xi32>
      %add3A_592 = arith.addi %broadcast_in_dim3A_554, %add3A_591 : vector<16xi32>
      %gather3A_593 = tpu.vector_load_idx %arg18[%add3A_235, %add3A_592] : memref<512x16xf32, #tpu.memory_space<vmem>>[vector<16xi32>, vector<16xi32>], vector<16xf32>,
      %add3A_594 = arith.constant 49 : i32
      %add3A_595 = vector.broadcast %add3A_594 : i32 to vector<16xi32>
      %add3A_596 = arith.addi %add3A_239, %add3A_595 : vector<16xi32>
      tpu.vector_store_idx %arg22[%add3A_596], %gather3A_593 : memref<31232xf32, #tpu.memory_space<vmem>>[vector<16xi32>], vector<16xf32>,
      %add3A_597 = arith.constant 6 : i32
      %add3A_598 = vector.broadcast %add3A_597 : i32 to vector<16xi32>
      %add3A_599 = arith.addi %broadcast_in_dim3A_554, %add3A_598 : vector<16xi32>
      %gather3A_600 = tpu.vector_load_idx %arg18[%add3A_235, %add3A_599] : memref<512x16xf32, #tpu.memory_space<vmem>>[vector<16xi32>, vector<16xi32>], vector<16xf32>,
      %add3A_601 = arith.constant 50 : i32
      %add3A_602 = vector.broadcast %add3A_601 : i32 to vector<16xi32>
      %add3A_603 = arith.addi %add3A_239, %add3A_602 : vector<16xi32>
      tpu.vector_store_idx %arg22[%add3A_603], %gather3A_600 : memref<31232xf32, #tpu.memory_space<vmem>>[vector<16xi32>], vector<16xf32>,
      %add3A_604 = arith.constant 7 : i32
      %add3A_605 = vector.broadcast %add3A_604 : i32 to vector<16xi32>
      %add3A_606 = arith.addi %broadcast_in_dim3A_554, %add3A_605 : vector<16xi32>
      %gather3A_607 = tpu.vector_load_idx %arg18[%add3A_235, %add3A_606] : memref<512x16xf32, #tpu.memory_space<vmem>>[vector<16xi32>, vector<16xi32>], vector<16xf32>,
      %add3A_608 = arith.constant 51 : i32
      %add3A_609 = vector.broadcast %add3A_608 : i32 to vector<16xi32>
      %add3A_610 = arith.addi %add3A_239, %add3A_609 : vector<16xi32>
      tpu.vector_store_idx %arg22[%add3A_610], %gather3A_607 : memref<31232xf32, #tpu.memory_space<vmem>>[vector<16xi32>], vector<16xf32>,
      %add3A_611 = arith.constant 8 : i32
      %add3A_612 = vector.broadcast %add3A_611 : i32 to vector<16xi32>
      %add3A_613 = arith.addi %broadcast_in_dim3A_554, %add3A_612 : vector<16xi32>
      %gather3A_614 = tpu.vector_load_idx %arg18[%add3A_235, %add3A_613] : memref<512x16xf32, #tpu.memory_space<vmem>>[vector<16xi32>, vector<16xi32>], vector<16xf32>,
      %add3A_615 = arith.constant 52 : i32
      %add3A_616 = vector.broadcast %add3A_615 : i32 to vector<16xi32>
      %add3A_617 = arith.addi %add3A_239, %add3A_616 : vector<16xi32>
      tpu.vector_store_idx %arg22[%add3A_617], %gather3A_614 : memref<31232xf32, #tpu.memory_space<vmem>>[vector<16xi32>], vector<16xf32>,
      %add3A_618 = arith.constant 9 : i32
      %add3A_619 = vector.broadcast %add3A_618 : i32 to vector<16xi32>
      %add3A_620 = arith.addi %broadcast_in_dim3A_554, %add3A_619 : vector<16xi32>
      %gather3A_621 = tpu.vector_load_idx %arg18[%add3A_235, %add3A_620] : memref<512x16xf32, #tpu.memory_space<vmem>>[vector<16xi32>, vector<16xi32>], vector<16xf32>,
      %add3A_622 = arith.constant 53 : i32
      %add3A_623 = vector.broadcast %add3A_622 : i32 to vector<16xi32>
      %add3A_624 = arith.addi %add3A_239, %add3A_623 : vector<16xi32>
      tpu.vector_store_idx %arg22[%add3A_624], %gather3A_621 : memref<31232xf32, #tpu.memory_space<vmem>>[vector<16xi32>], vector<16xf32>,
      %add3A_625 = arith.constant 10 : i32
      %add3A_626 = vector.broadcast %add3A_625 : i32 to vector<16xi32>
      %add3A_627 = arith.addi %broadcast_in_dim3A_554, %add3A_626 : vector<16xi32>
      %gather3A_628 = tpu.vector_load_idx %arg18[%add3A_235, %add3A_627] : memref<512x16xf32, #tpu.memory_space<vmem>>[vector<16xi32>, vector<16xi32>], vector<16xf32>,
      %add3A_629 = arith.constant 54 : i32
      %add3A_630 = vector.broadcast %add3A_629 : i32 to vector<16xi32>
      %add3A_631 = arith.addi %add3A_239, %add3A_630 : vector<16xi32>
      tpu.vector_store_idx %arg22[%add3A_631], %gather3A_628 : memref<31232xf32, #tpu.memory_space<vmem>>[vector<16xi32>], vector<16xf32>,
      %add3A_632 = arith.constant 11 : i32
      %add3A_633 = vector.broadcast %add3A_632 : i32 to vector<16xi32>
      %add3A_634 = arith.addi %broadcast_in_dim3A_554, %add3A_633 : vector<16xi32>
      %gather3A_635 = tpu.vector_load_idx %arg18[%add3A_235, %add3A_634] : memref<512x16xf32, #tpu.memory_space<vmem>>[vector<16xi32>, vector<16xi32>], vector<16xf32>,
      %add3A_636 = arith.constant 55 : i32
      %add3A_637 = vector.broadcast %add3A_636 : i32 to vector<16xi32>
      %add3A_638 = arith.addi %add3A_239, %add3A_637 : vector<16xi32>
      tpu.vector_store_idx %arg22[%add3A_638], %gather3A_635 : memref<31232xf32, #tpu.memory_space<vmem>>[vector<16xi32>], vector<16xf32>,
      %add3A_639 = arith.constant 12 : i32
      %add3A_640 = vector.broadcast %add3A_639 : i32 to vector<16xi32>
      %add3A_641 = arith.addi %broadcast_in_dim3A_554, %add3A_640 : vector<16xi32>
      %gather3A_642 = tpu.vector_load_idx %arg18[%add3A_235, %add3A_641] : memref<512x16xf32, #tpu.memory_space<vmem>>[vector<16xi32>, vector<16xi32>], vector<16xf32>,
      %add3A_643 = arith.constant 56 : i32
      %add3A_644 = vector.broadcast %add3A_643 : i32 to vector<16xi32>
      %add3A_645 = arith.addi %add3A_239, %add3A_644 : vector<16xi32>
      tpu.vector_store_idx %arg22[%add3A_645], %gather3A_642 : memref<31232xf32, #tpu.memory_space<vmem>>[vector<16xi32>], vector<16xf32>,
      %add3A_646 = arith.constant 13 : i32
      %add3A_647 = vector.broadcast %add3A_646 : i32 to vector<16xi32>
      %add3A_648 = arith.addi %broadcast_in_dim3A_554, %add3A_647 : vector<16xi32>
      %gather3A_649 = tpu.vector_load_idx %arg18[%add3A_235, %add3A_648] : memref<512x16xf32, #tpu.memory_space<vmem>>[vector<16xi32>, vector<16xi32>], vector<16xf32>,
      %add3A_650 = arith.constant 57 : i32
      %add3A_651 = vector.broadcast %add3A_650 : i32 to vector<16xi32>
      %add3A_652 = arith.addi %add3A_239, %add3A_651 : vector<16xi32>
      tpu.vector_store_idx %arg22[%add3A_652], %gather3A_649 : memref<31232xf32, #tpu.memory_space<vmem>>[vector<16xi32>], vector<16xf32>,
      %add3A_653 = arith.constant 14 : i32
      %add3A_654 = vector.broadcast %add3A_653 : i32 to vector<16xi32>
      %add3A_655 = arith.addi %broadcast_in_dim3A_554, %add3A_654 : vector<16xi32>
      %gather3A_656 = tpu.vector_load_idx %arg18[%add3A_235, %add3A_655] : memref<512x16xf32, #tpu.memory_space<vmem>>[vector<16xi32>, vector<16xi32>], vector<16xf32>,
      %add3A_657 = arith.constant 58 : i32
      %add3A_658 = vector.broadcast %add3A_657 : i32 to vector<16xi32>
      %add3A_659 = arith.addi %add3A_239, %add3A_658 : vector<16xi32>
      tpu.vector_store_idx %arg22[%add3A_659], %gather3A_656 : memref<31232xf32, #tpu.memory_space<vmem>>[vector<16xi32>], vector<16xf32>,
      %add3A_660 = arith.constant 15 : i32
      %add3A_661 = vector.broadcast %add3A_660 : i32 to vector<16xi32>
      %add3A_662 = arith.addi %broadcast_in_dim3A_554, %add3A_661 : vector<16xi32>
      %gather3A_663 = tpu.vector_load_idx %arg18[%add3A_235, %add3A_662] : memref<512x16xf32, #tpu.memory_space<vmem>>[vector<16xi32>, vector<16xi32>], vector<16xf32>,
      %add3A_664 = arith.constant 59 : i32
      %add3A_665 = vector.broadcast %add3A_664 : i32 to vector<16xi32>
      %add3A_666 = arith.addi %add3A_239, %add3A_665 : vector<16xi32>
      tpu.vector_store_idx %arg22[%add3A_666], %gather3A_663 : memref<31232xf32, #tpu.memory_space<vmem>>[vector<16xi32>], vector<16xf32>,
      %mul3A_667 = arith.constant 16 : i32
      %mul3A_668 = arith.muli %scan3A_231, %mul3A_667 : i32
      %get3A_669 = arith.index_cast %mul3A_668 : i32 to index
      %get3A_670 = tpu.vector_load %arg20[%get3A_669] {strides = array<i32>} : memref<512xf32, #tpu.memory_space<vmem>>, vector<16xf32>,
      %add3A_671 = arith.constant 60 : i32
      %add3A_672 = vector.broadcast %add3A_671 : i32 to vector<16xi32>
      %add3A_673 = arith.addi %add3A_239, %add3A_672 : vector<16xi32>
      tpu.vector_store_idx %arg22[%add3A_673], %get3A_670 : memref<31232xf32, #tpu.memory_space<vmem>>[vector<16xi32>], vector<16xf32>,
    }
    %scan3A_146 = arith.constant 32 : i32
    %add3A_147 = arith.constant 49152 : i32
    %add3A_148 = arith.addi %mul3A_2, %add3A_147 : i32
    %mul3A_149 = arith.constant 61 : i32
    %mul3A_150 = arith.muli %add3A_148, %mul3A_149 : i32
    %dma_start3A_151 = tpu.memref_slice %arg8[%mul3A_150] : memref<97600000xf32, #tpu.memory_space<hbm>> -> memref<31232xf32, #tpu.memory_space<hbm>>
    %dma_start3A_152 = tpu.memref_slice %arg8[%mul3A_150] : memref<97600000xf32, #tpu.memory_space<hbm>> -> memref<31232xf32, #tpu.memory_space<hbm>>
    tpu.enqueue_dma source(%arg22 : memref<31232xf32, #tpu.memory_space<vmem>>) target(%dma_start3A_152 : memref<31232xf32, #tpu.memory_space<hbm>>) target_semaphore(%arg28 : memref<!tpu.dma_semaphore, #tpu.memory_space<semaphore_mem>>)
    %add3A_153 = arith.constant 48640 : i32
    %add3A_154 = arith.addi %mul3A_2, %add3A_153 : i32
    %mul3A_155 = arith.constant 61 : i32
    %mul3A_156 = arith.muli %add3A_154, %mul3A_155 : i32
    %dma_wait3A_157 = tpu.memref_slice %arg8[%mul3A_156] : memref<97600000xf32, #tpu.memory_space<hbm>> -> memref<31232xf32, #tpu.memory_space<hbm>>
    %dma_wait3A_158 = tpu.memref_slice %arg8[%mul3A_156] : memref<97600000xf32, #tpu.memory_space<hbm>> -> memref<31232xf32, #tpu.memory_space<hbm>>
    tpu.wait_dma2 semaphore(%arg29 : memref<!tpu.dma_semaphore, #tpu.memory_space<semaphore_mem>>) src(%arg23 : memref<31232xf32, #tpu.memory_space<vmem>>) dst(%dma_wait3A_158 : memref<31232xf32, #tpu.memory_space<hbm>>)
    %add3A_159 = arith.constant 49664 : i32
    %add3A_160 = arith.addi %mul3A_2, %add3A_159 : i32
    "tpu.region"() ({
      %run_scoped3A = tpu.sem_alloc : memref<!tpu.dma_semaphore, #tpu.memory_space<semaphore_mem>>
      %dma_start3A_231 = arith.constant 0 : i32
      %dma_start3A_232 = tpu.memref_slice %arg11[%dma_start3A_231] : memref<512xi32, #tpu.memory_space<vmem>> -> memref<336xi32, #tpu.memory_space<vmem>>
      %dma_start3A_233 = tpu.memref_slice %arg4[%add3A_160] : memref<1600000xi32, #tpu.memory_space<hbm>> -> memref<336xi32, #tpu.memory_space<hbm>>
      %dma_start3A_234 = arith.constant 0 : i32
      %dma_start3A_235 = tpu.memref_slice %arg11[%dma_start3A_234] : memref<512xi32, #tpu.memory_space<vmem>> -> memref<336xi32, #tpu.memory_space<vmem>>
      %dma_start3A_236 = tpu.memref_slice %arg4[%add3A_160] : memref<1600000xi32, #tpu.memory_space<hbm>> -> memref<336xi32, #tpu.memory_space<hbm>>
      tpu.enqueue_dma source(%dma_start3A_236 : memref<336xi32, #tpu.memory_space<hbm>>) target(%dma_start3A_235 : memref<336xi32, #tpu.memory_space<vmem>>) target_semaphore(%run_scoped3A : memref<!tpu.dma_semaphore, #tpu.memory_space<semaphore_mem>>)
      %dma_wait3A_237 = arith.constant 0 : i32
      %dma_wait3A_238 = tpu.memref_slice %arg11[%dma_wait3A_237] : memref<512xi32, #tpu.memory_space<vmem>> -> memref<336xi32, #tpu.memory_space<vmem>>
      %dma_wait3A_239 = tpu.memref_slice %arg4[%add3A_160] : memref<1600000xi32, #tpu.memory_space<hbm>> -> memref<336xi32, #tpu.memory_space<hbm>>
      %dma_wait3A_240 = arith.constant 0 : i32
      %dma_wait3A_241 = tpu.memref_slice %arg11[%dma_wait3A_240] : memref<512xi32, #tpu.memory_space<vmem>> -> memref<336xi32, #tpu.memory_space<vmem>>
      %dma_wait3A_242 = tpu.memref_slice %arg4[%add3A_160] : memref<1600000xi32, #tpu.memory_space<hbm>> -> memref<336xi32, #tpu.memory_space<hbm>>
      tpu.wait_dma2 semaphore(%run_scoped3A : memref<!tpu.dma_semaphore, #tpu.memory_space<semaphore_mem>>) src(%dma_wait3A_242 : memref<336xi32, #tpu.memory_space<hbm>>) dst(%dma_wait3A_241 : memref<336xi32, #tpu.memory_space<vmem>>)
      tpu.yield
    }) : () -> ()
    "tpu.region"() ({
      %run_scoped3A = tpu.sem_alloc : memref<!tpu.dma_semaphore, #tpu.memory_space<semaphore_mem>>
      %dma_start3A_231 = arith.constant 0 : i32
      %dma_start3A_232 = tpu.memref_slice %arg13[%dma_start3A_231] : memref<512xi32, #tpu.memory_space<vmem>> -> memref<336xi32, #tpu.memory_space<vmem>>
      %dma_start3A_233 = tpu.memref_slice %arg5[%add3A_160] : memref<1600000xi32, #tpu.memory_space<hbm>> -> memref<336xi32, #tpu.memory_space<hbm>>
      %dma_start3A_234 = arith.constant 0 : i32
      %dma_start3A_235 = tpu.memref_slice %arg13[%dma_start3A_234] : memref<512xi32, #tpu.memory_space<vmem>> -> memref<336xi32, #tpu.memory_space<vmem>>
      %dma_start3A_236 = tpu.memref_slice %arg5[%add3A_160] : memref<1600000xi32, #tpu.memory_space<hbm>> -> memref<336xi32, #tpu.memory_space<hbm>>
      tpu.enqueue_dma source(%dma_start3A_236 : memref<336xi32, #tpu.memory_space<hbm>>) target(%dma_start3A_235 : memref<336xi32, #tpu.memory_space<vmem>>) target_semaphore(%run_scoped3A : memref<!tpu.dma_semaphore, #tpu.memory_space<semaphore_mem>>)
      %dma_wait3A_237 = arith.constant 0 : i32
      %dma_wait3A_238 = tpu.memref_slice %arg13[%dma_wait3A_237] : memref<512xi32, #tpu.memory_space<vmem>> -> memref<336xi32, #tpu.memory_space<vmem>>
      %dma_wait3A_239 = tpu.memref_slice %arg5[%add3A_160] : memref<1600000xi32, #tpu.memory_space<hbm>> -> memref<336xi32, #tpu.memory_space<hbm>>
      %dma_wait3A_240 = arith.constant 0 : i32
      %dma_wait3A_241 = tpu.memref_slice %arg13[%dma_wait3A_240] : memref<512xi32, #tpu.memory_space<vmem>> -> memref<336xi32, #tpu.memory_space<vmem>>
      %dma_wait3A_242 = tpu.memref_slice %arg5[%add3A_160] : memref<1600000xi32, #tpu.memory_space<hbm>> -> memref<336xi32, #tpu.memory_space<hbm>>
      tpu.wait_dma2 semaphore(%run_scoped3A : memref<!tpu.dma_semaphore, #tpu.memory_space<semaphore_mem>>) src(%dma_wait3A_242 : memref<336xi32, #tpu.memory_space<hbm>>) dst(%dma_wait3A_241 : memref<336xi32, #tpu.memory_space<vmem>>)
      tpu.yield
    }) : () -> ()
    %dma_start3A_161 = arith.constant 0 : i32
    %dma_start3A_162 = tpu.memref_slice %arg15[%dma_start3A_161] : memref<512xi32, #tpu.memory_space<vmem>> -> memref<336xi32, #tpu.memory_space<vmem>>
    %dma_start3A_163 = arith.constant 0 : i32
    %dma_start3A_164 = tpu.memref_slice %arg11[%dma_start3A_163] : memref<512xi32, #tpu.memory_space<vmem>> -> memref<336xi32, #tpu.memory_space<vmem>>
    %dma_start3A_165 = arith.constant 0 : i32
    %dma_start3A_166 = tpu.memref_slice %arg3[%dma_start3A_165] : memref<100000xi32, #tpu.memory_space<hbm>> -> memref<100000xi32, #tpu.memory_space<hbm>>
    tpu.enqueue_indirect_dma source(%dma_start3A_166 : memref<100000xi32, #tpu.memory_space<hbm>>) target(%dma_start3A_162 : memref<336xi32, #tpu.memory_space<vmem>>) offsets(%dma_start3A_164 : memref<336xi32, #tpu.memory_space<vmem>>) semaphore(%arg27 : memref<!tpu.dma_semaphore, #tpu.memory_space<semaphore_mem>>)
    %dma_start3A_167 = arith.constant 0 : i32
    %dma_start3A_168 = tpu.memref_slice %arg17[%dma_start3A_167] : memref<512xi32, #tpu.memory_space<vmem>> -> memref<336xi32, #tpu.memory_space<vmem>>
    %dma_start3A_169 = arith.constant 0 : i32
    %dma_start3A_170 = tpu.memref_slice %arg13[%dma_start3A_169] : memref<512xi32, #tpu.memory_space<vmem>> -> memref<336xi32, #tpu.memory_space<vmem>>
    %dma_start3A_171 = arith.constant 0 : i32
    %dma_start3A_172 = tpu.memref_slice %arg3[%dma_start3A_171] : memref<100000xi32, #tpu.memory_space<hbm>> -> memref<100000xi32, #tpu.memory_space<hbm>>
    tpu.enqueue_indirect_dma source(%dma_start3A_172 : memref<100000xi32, #tpu.memory_space<hbm>>) target(%dma_start3A_168 : memref<336xi32, #tpu.memory_space<vmem>>) offsets(%dma_start3A_170 : memref<336xi32, #tpu.memory_space<vmem>>) semaphore(%arg27 : memref<!tpu.dma_semaphore, #tpu.memory_space<semaphore_mem>>)
    %dma_start3A_173 = arith.constant 0 : i32
    %dma_start3A_174 = arith.constant 0 : i32
    %dma_start3A_175 = tpu.memref_slice %arg19[%dma_start3A_173, %dma_start3A_174] : memref<512x16xf32, #tpu.memory_space<vmem>> -> memref<336x16xf32, #tpu.memory_space<vmem>>
    %dma_start3A_176 = arith.constant 0 : i32
    %dma_start3A_177 = tpu.memref_slice %arg7[%add3A_160, %dma_start3A_176] : memref<1600000x16xf32, #tpu.memory_space<hbm>> -> memref<336x16xf32, #tpu.memory_space<hbm>>
    %dma_start3A_178 = arith.constant 0 : i32
    %dma_start3A_179 = arith.constant 0 : i32
    %dma_start3A_180 = tpu.memref_slice %arg19[%dma_start3A_178, %dma_start3A_179] : memref<512x16xf32, #tpu.memory_space<vmem>> -> memref<336x16xf32, #tpu.memory_space<vmem>>
    %dma_start3A_181 = arith.constant 0 : i32
    %dma_start3A_182 = tpu.memref_slice %arg7[%add3A_160, %dma_start3A_181] : memref<1600000x16xf32, #tpu.memory_space<hbm>> -> memref<336x16xf32, #tpu.memory_space<hbm>>
    tpu.enqueue_dma source(%dma_start3A_182 : memref<336x16xf32, #tpu.memory_space<hbm>>) target(%dma_start3A_180 : memref<336x16xf32, #tpu.memory_space<vmem>>) target_semaphore(%arg27 : memref<!tpu.dma_semaphore, #tpu.memory_space<semaphore_mem>>)
    %dma_start3A_183 = arith.constant 0 : i32
    %dma_start3A_184 = tpu.memref_slice %arg21[%dma_start3A_183] : memref<512xf32, #tpu.memory_space<vmem>> -> memref<336xf32, #tpu.memory_space<vmem>>
    %dma_start3A_185 = tpu.memref_slice %arg6[%add3A_160] : memref<1600000xf32, #tpu.memory_space<hbm>> -> memref<336xf32, #tpu.memory_space<hbm>>
    %dma_start3A_186 = arith.constant 0 : i32
    %dma_start3A_187 = tpu.memref_slice %arg21[%dma_start3A_186] : memref<512xf32, #tpu.memory_space<vmem>> -> memref<336xf32, #tpu.memory_space<vmem>>
    %dma_start3A_188 = tpu.memref_slice %arg6[%add3A_160] : memref<1600000xf32, #tpu.memory_space<hbm>> -> memref<336xf32, #tpu.memory_space<hbm>>
    tpu.enqueue_dma source(%dma_start3A_188 : memref<336xf32, #tpu.memory_space<hbm>>) target(%dma_start3A_187 : memref<336xf32, #tpu.memory_space<vmem>>) target_semaphore(%arg27 : memref<!tpu.dma_semaphore, #tpu.memory_space<semaphore_mem>>)
    %dma_wait3A_189 = arith.constant 0 : i32
    %dma_wait3A_190 = tpu.memref_slice %arg15[%dma_wait3A_189] : memref<512xi32, #tpu.memory_space<vmem>> -> memref<336xi32, #tpu.memory_space<vmem>>
    %dma_wait3A_191 = arith.constant 0 : i32
    %dma_wait3A_192 = tpu.memref_slice %arg11[%dma_wait3A_191] : memref<512xi32, #tpu.memory_space<vmem>> -> memref<336xi32, #tpu.memory_space<vmem>>
    %dma_wait3A_193 = arith.constant 0 : i32
    %dma_wait3A_194 = tpu.memref_slice %arg3[%dma_wait3A_193] : memref<100000xi32, #tpu.memory_space<hbm>> -> memref<100000xi32, #tpu.memory_space<hbm>>
    tpu.wait_indirect_dma semaphore(%arg27 : memref<!tpu.dma_semaphore, #tpu.memory_space<semaphore_mem>>) src(%dma_wait3A_194 : memref<100000xi32, #tpu.memory_space<hbm>>) dst(%dma_wait3A_190 : memref<336xi32, #tpu.memory_space<vmem>>)
    %dma_wait3A_195 = arith.constant 0 : i32
    %dma_wait3A_196 = tpu.memref_slice %arg17[%dma_wait3A_195] : memref<512xi32, #tpu.memory_space<vmem>> -> memref<336xi32, #tpu.memory_space<vmem>>
    %dma_wait3A_197 = arith.constant 0 : i32
    %dma_wait3A_198 = tpu.memref_slice %arg13[%dma_wait3A_197] : memref<512xi32, #tpu.memory_space<vmem>> -> memref<336xi32, #tpu.memory_space<vmem>>
    %dma_wait3A_199 = arith.constant 0 : i32
    %dma_wait3A_200 = tpu.memref_slice %arg3[%dma_wait3A_199] : memref<100000xi32, #tpu.memory_space<hbm>> -> memref<100000xi32, #tpu.memory_space<hbm>>
    tpu.wait_indirect_dma semaphore(%arg27 : memref<!tpu.dma_semaphore, #tpu.memory_space<semaphore_mem>>) src(%dma_wait3A_200 : memref<100000xi32, #tpu.memory_space<hbm>>) dst(%dma_wait3A_196 : memref<336xi32, #tpu.memory_space<vmem>>)
    %dma_wait3A_201 = arith.constant 0 : i32
    %dma_wait3A_202 = arith.constant 0 : i32
    %dma_wait3A_203 = tpu.memref_slice %arg19[%dma_wait3A_201, %dma_wait3A_202] : memref<512x16xf32, #tpu.memory_space<vmem>> -> memref<336x16xf32, #tpu.memory_space<vmem>>
    %dma_wait3A_204 = arith.constant 0 : i32
    %dma_wait3A_205 = tpu.memref_slice %arg7[%add3A_160, %dma_wait3A_204] : memref<1600000x16xf32, #tpu.memory_space<hbm>> -> memref<336x16xf32, #tpu.memory_space<hbm>>
    %dma_wait3A_206 = arith.constant 0 : i32
    %dma_wait3A_207 = arith.constant 0 : i32
    %dma_wait3A_208 = tpu.memref_slice %arg19[%dma_wait3A_206, %dma_wait3A_207] : memref<512x16xf32, #tpu.memory_space<vmem>> -> memref<336x16xf32, #tpu.memory_space<vmem>>
    %dma_wait3A_209 = arith.constant 0 : i32
    %dma_wait3A_210 = tpu.memref_slice %arg7[%add3A_160, %dma_wait3A_209] : memref<1600000x16xf32, #tpu.memory_space<hbm>> -> memref<336x16xf32, #tpu.memory_space<hbm>>
    tpu.wait_dma2 semaphore(%arg27 : memref<!tpu.dma_semaphore, #tpu.memory_space<semaphore_mem>>) src(%dma_wait3A_210 : memref<336x16xf32, #tpu.memory_space<hbm>>) dst(%dma_wait3A_208 : memref<336x16xf32, #tpu.memory_space<vmem>>)
    %dma_wait3A_211 = arith.constant 0 : i32
    %dma_wait3A_212 = tpu.memref_slice %arg21[%dma_wait3A_211] : memref<512xf32, #tpu.memory_space<vmem>> -> memref<336xf32, #tpu.memory_space<vmem>>
    %dma_wait3A_213 = tpu.memref_slice %arg6[%add3A_160] : memref<1600000xf32, #tpu.memory_space<hbm>> -> memref<336xf32, #tpu.memory_space<hbm>>
    %dma_wait3A_214 = arith.constant 0 : i32
    %dma_wait3A_215 = tpu.memref_slice %arg21[%dma_wait3A_214] : memref<512xf32, #tpu.memory_space<vmem>> -> memref<336xf32, #tpu.memory_space<vmem>>
    %dma_wait3A_216 = tpu.memref_slice %arg6[%add3A_160] : memref<1600000xf32, #tpu.memory_space<hbm>> -> memref<336xf32, #tpu.memory_space<hbm>>
    tpu.wait_dma2 semaphore(%arg27 : memref<!tpu.dma_semaphore, #tpu.memory_space<semaphore_mem>>) src(%dma_wait3A_216 : memref<336xf32, #tpu.memory_space<hbm>>) dst(%dma_wait3A_215 : memref<336xf32, #tpu.memory_space<vmem>>)
    %scan3A_217 = arith.constant 0 : i32
    %scan3A_218 = arith.constant 0 : i32
    %scan3A_219 = arith.constant 21 : i32
    %scan3A_220 = arith.addi %scan3A_218, %scan3A_219 : i32
    %scan3A_221 = arith.constant 1 : i32
    scf.for %scan3A_231 = %scan3A_218 to %scan3A_220 step %scan3A_221  : i32 {
      %mul3A_232 = arith.constant 16 : i32
      %mul3A_233 = arith.muli %scan3A_231, %mul3A_232 : i32
      %add3A_234 = vector.broadcast %mul3A_233 : i32 to vector<16xi32>
      %add3A_235 = arith.addi %add3A_234, %iota3A : vector<16xi32>
      %mul3A_236 = arith.constant 976 : i32
      %mul3A_237 = arith.muli %scan3A_231, %mul3A_236 : i32
      %add3A_238 = vector.broadcast %mul3A_237 : i32 to vector<16xi32>
      %add3A_239 = arith.addi %add3A_238, %mul3A_5 : vector<16xi32>
      %mul3A_240 = arith.constant 16 : i32
      %mul3A_241 = arith.muli %scan3A_231, %mul3A_240 : i32
      %get3A = arith.index_cast %mul3A_241 : i32 to index
      %get3A_242 = tpu.vector_load %arg15[%get3A] {strides = array<i32>} : memref<512xi32, #tpu.memory_space<vmem>>, vector<16xi32>,
      %mul3A_243 = arith.constant 16 : i32
      %mul3A_244 = arith.muli %scan3A_231, %mul3A_243 : i32
      %get3A_245 = arith.index_cast %mul3A_244 : i32 to index
      %get3A_246 = tpu.vector_load %arg17[%get3A_245] {strides = array<i32>} : memref<512xi32, #tpu.memory_space<vmem>>, vector<16xi32>,
      %add3A_247 = arith.constant 0 : i32
      %add3A_248 = vector.broadcast %add3A_247 : i32 to vector<16xi32>
      %add3A_249 = arith.addi %get3A_242, %add3A_248 : vector<16xi32>
      %gather3A = tpu.vector_load_idx %arg9[%add3A_249] : memref<2816xf32, #tpu.memory_space<vmem>>[vector<16xi32>], vector<16xf32>,
      %add3A_250 = arith.constant 0 : i32
      %add3A_251 = vector.broadcast %add3A_250 : i32 to vector<16xi32>
      %add3A_252 = arith.addi %add3A_239, %add3A_251 : vector<16xi32>
      tpu.vector_store_idx %arg23[%add3A_252], %gather3A : memref<31232xf32, #tpu.memory_space<vmem>>[vector<16xi32>], vector<16xf32>,
      %add3A_253 = arith.constant 0 : i32
      %add3A_254 = vector.broadcast %add3A_253 : i32 to vector<16xi32>
      %add3A_255 = arith.addi %get3A_246, %add3A_254 : vector<16xi32>
      %gather3A_256 = tpu.vector_load_idx %arg9[%add3A_255] : memref<2816xf32, #tpu.memory_space<vmem>>[vector<16xi32>], vector<16xf32>,
      %add3A_257 = arith.constant 22 : i32
      %add3A_258 = vector.broadcast %add3A_257 : i32 to vector<16xi32>
      %add3A_259 = arith.addi %add3A_239, %add3A_258 : vector<16xi32>
      tpu.vector_store_idx %arg23[%add3A_259], %gather3A_256 : memref<31232xf32, #tpu.memory_space<vmem>>[vector<16xi32>], vector<16xf32>,
      %add3A_260 = arith.constant 1 : i32
      %add3A_261 = vector.broadcast %add3A_260 : i32 to vector<16xi32>
      %add3A_262 = arith.addi %get3A_242, %add3A_261 : vector<16xi32>
      %gather3A_263 = tpu.vector_load_idx %arg9[%add3A_262] : memref<2816xf32, #tpu.memory_space<vmem>>[vector<16xi32>], vector<16xf32>,
      %add3A_264 = arith.constant 1 : i32
      %add3A_265 = vector.broadcast %add3A_264 : i32 to vector<16xi32>
      %add3A_266 = arith.addi %add3A_239, %add3A_265 : vector<16xi32>
      tpu.vector_store_idx %arg23[%add3A_266], %gather3A_263 : memref<31232xf32, #tpu.memory_space<vmem>>[vector<16xi32>], vector<16xf32>,
      %add3A_267 = arith.constant 1 : i32
      %add3A_268 = vector.broadcast %add3A_267 : i32 to vector<16xi32>
      %add3A_269 = arith.addi %get3A_246, %add3A_268 : vector<16xi32>
      %gather3A_270 = tpu.vector_load_idx %arg9[%add3A_269] : memref<2816xf32, #tpu.memory_space<vmem>>[vector<16xi32>], vector<16xf32>,
      %add3A_271 = arith.constant 23 : i32
      %add3A_272 = vector.broadcast %add3A_271 : i32 to vector<16xi32>
      %add3A_273 = arith.addi %add3A_239, %add3A_272 : vector<16xi32>
      tpu.vector_store_idx %arg23[%add3A_273], %gather3A_270 : memref<31232xf32, #tpu.memory_space<vmem>>[vector<16xi32>], vector<16xf32>,
      %add3A_274 = arith.constant 2 : i32
      %add3A_275 = vector.broadcast %add3A_274 : i32 to vector<16xi32>
      %add3A_276 = arith.addi %get3A_242, %add3A_275 : vector<16xi32>
      %gather3A_277 = tpu.vector_load_idx %arg9[%add3A_276] : memref<2816xf32, #tpu.memory_space<vmem>>[vector<16xi32>], vector<16xf32>,
      %add3A_278 = arith.constant 2 : i32
      %add3A_279 = vector.broadcast %add3A_278 : i32 to vector<16xi32>
      %add3A_280 = arith.addi %add3A_239, %add3A_279 : vector<16xi32>
      tpu.vector_store_idx %arg23[%add3A_280], %gather3A_277 : memref<31232xf32, #tpu.memory_space<vmem>>[vector<16xi32>], vector<16xf32>,
      %add3A_281 = arith.constant 2 : i32
      %add3A_282 = vector.broadcast %add3A_281 : i32 to vector<16xi32>
      %add3A_283 = arith.addi %get3A_246, %add3A_282 : vector<16xi32>
      %gather3A_284 = tpu.vector_load_idx %arg9[%add3A_283] : memref<2816xf32, #tpu.memory_space<vmem>>[vector<16xi32>], vector<16xf32>,
      %add3A_285 = arith.constant 24 : i32
      %add3A_286 = vector.broadcast %add3A_285 : i32 to vector<16xi32>
      %add3A_287 = arith.addi %add3A_239, %add3A_286 : vector<16xi32>
      tpu.vector_store_idx %arg23[%add3A_287], %gather3A_284 : memref<31232xf32, #tpu.memory_space<vmem>>[vector<16xi32>], vector<16xf32>,
      %add3A_288 = arith.constant 3 : i32
      %add3A_289 = vector.broadcast %add3A_288 : i32 to vector<16xi32>
      %add3A_290 = arith.addi %get3A_242, %add3A_289 : vector<16xi32>
      %gather3A_291 = tpu.vector_load_idx %arg9[%add3A_290] : memref<2816xf32, #tpu.memory_space<vmem>>[vector<16xi32>], vector<16xf32>,
      %add3A_292 = arith.constant 3 : i32
      %add3A_293 = vector.broadcast %add3A_292 : i32 to vector<16xi32>
      %add3A_294 = arith.addi %add3A_239, %add3A_293 : vector<16xi32>
      tpu.vector_store_idx %arg23[%add3A_294], %gather3A_291 : memref<31232xf32, #tpu.memory_space<vmem>>[vector<16xi32>], vector<16xf32>,
      %add3A_295 = arith.constant 3 : i32
      %add3A_296 = vector.broadcast %add3A_295 : i32 to vector<16xi32>
      %add3A_297 = arith.addi %get3A_246, %add3A_296 : vector<16xi32>
      %gather3A_298 = tpu.vector_load_idx %arg9[%add3A_297] : memref<2816xf32, #tpu.memory_space<vmem>>[vector<16xi32>], vector<16xf32>,
      %add3A_299 = arith.constant 25 : i32
      %add3A_300 = vector.broadcast %add3A_299 : i32 to vector<16xi32>
      %add3A_301 = arith.addi %add3A_239, %add3A_300 : vector<16xi32>
      tpu.vector_store_idx %arg23[%add3A_301], %gather3A_298 : memref<31232xf32, #tpu.memory_space<vmem>>[vector<16xi32>], vector<16xf32>,
      %add3A_302 = arith.constant 4 : i32
      %add3A_303 = vector.broadcast %add3A_302 : i32 to vector<16xi32>
      %add3A_304 = arith.addi %get3A_242, %add3A_303 : vector<16xi32>
      %gather3A_305 = tpu.vector_load_idx %arg9[%add3A_304] : memref<2816xf32, #tpu.memory_space<vmem>>[vector<16xi32>], vector<16xf32>,
      %add3A_306 = arith.constant 4 : i32
      %add3A_307 = vector.broadcast %add3A_306 : i32 to vector<16xi32>
      %add3A_308 = arith.addi %add3A_239, %add3A_307 : vector<16xi32>
      tpu.vector_store_idx %arg23[%add3A_308], %gather3A_305 : memref<31232xf32, #tpu.memory_space<vmem>>[vector<16xi32>], vector<16xf32>,
      %add3A_309 = arith.constant 4 : i32
      %add3A_310 = vector.broadcast %add3A_309 : i32 to vector<16xi32>
      %add3A_311 = arith.addi %get3A_246, %add3A_310 : vector<16xi32>
      %gather3A_312 = tpu.vector_load_idx %arg9[%add3A_311] : memref<2816xf32, #tpu.memory_space<vmem>>[vector<16xi32>], vector<16xf32>,
      %add3A_313 = arith.constant 26 : i32
      %add3A_314 = vector.broadcast %add3A_313 : i32 to vector<16xi32>
      %add3A_315 = arith.addi %add3A_239, %add3A_314 : vector<16xi32>
      tpu.vector_store_idx %arg23[%add3A_315], %gather3A_312 : memref<31232xf32, #tpu.memory_space<vmem>>[vector<16xi32>], vector<16xf32>,
      %add3A_316 = arith.constant 5 : i32
      %add3A_317 = vector.broadcast %add3A_316 : i32 to vector<16xi32>
      %add3A_318 = arith.addi %get3A_242, %add3A_317 : vector<16xi32>
      %gather3A_319 = tpu.vector_load_idx %arg9[%add3A_318] : memref<2816xf32, #tpu.memory_space<vmem>>[vector<16xi32>], vector<16xf32>,
      %add3A_320 = arith.constant 5 : i32
      %add3A_321 = vector.broadcast %add3A_320 : i32 to vector<16xi32>
      %add3A_322 = arith.addi %add3A_239, %add3A_321 : vector<16xi32>
      tpu.vector_store_idx %arg23[%add3A_322], %gather3A_319 : memref<31232xf32, #tpu.memory_space<vmem>>[vector<16xi32>], vector<16xf32>,
      %add3A_323 = arith.constant 5 : i32
      %add3A_324 = vector.broadcast %add3A_323 : i32 to vector<16xi32>
      %add3A_325 = arith.addi %get3A_246, %add3A_324 : vector<16xi32>
      %gather3A_326 = tpu.vector_load_idx %arg9[%add3A_325] : memref<2816xf32, #tpu.memory_space<vmem>>[vector<16xi32>], vector<16xf32>,
      %add3A_327 = arith.constant 27 : i32
      %add3A_328 = vector.broadcast %add3A_327 : i32 to vector<16xi32>
      %add3A_329 = arith.addi %add3A_239, %add3A_328 : vector<16xi32>
      tpu.vector_store_idx %arg23[%add3A_329], %gather3A_326 : memref<31232xf32, #tpu.memory_space<vmem>>[vector<16xi32>], vector<16xf32>,
      %add3A_330 = arith.constant 6 : i32
      %add3A_331 = vector.broadcast %add3A_330 : i32 to vector<16xi32>
      %add3A_332 = arith.addi %get3A_242, %add3A_331 : vector<16xi32>
      %gather3A_333 = tpu.vector_load_idx %arg9[%add3A_332] : memref<2816xf32, #tpu.memory_space<vmem>>[vector<16xi32>], vector<16xf32>,
      %add3A_334 = arith.constant 6 : i32
      %add3A_335 = vector.broadcast %add3A_334 : i32 to vector<16xi32>
      %add3A_336 = arith.addi %add3A_239, %add3A_335 : vector<16xi32>
      tpu.vector_store_idx %arg23[%add3A_336], %gather3A_333 : memref<31232xf32, #tpu.memory_space<vmem>>[vector<16xi32>], vector<16xf32>,
      %add3A_337 = arith.constant 6 : i32
      %add3A_338 = vector.broadcast %add3A_337 : i32 to vector<16xi32>
      %add3A_339 = arith.addi %get3A_246, %add3A_338 : vector<16xi32>
      %gather3A_340 = tpu.vector_load_idx %arg9[%add3A_339] : memref<2816xf32, #tpu.memory_space<vmem>>[vector<16xi32>], vector<16xf32>,
      %add3A_341 = arith.constant 28 : i32
      %add3A_342 = vector.broadcast %add3A_341 : i32 to vector<16xi32>
      %add3A_343 = arith.addi %add3A_239, %add3A_342 : vector<16xi32>
      tpu.vector_store_idx %arg23[%add3A_343], %gather3A_340 : memref<31232xf32, #tpu.memory_space<vmem>>[vector<16xi32>], vector<16xf32>,
      %add3A_344 = arith.constant 7 : i32
      %add3A_345 = vector.broadcast %add3A_344 : i32 to vector<16xi32>
      %add3A_346 = arith.addi %get3A_242, %add3A_345 : vector<16xi32>
      %gather3A_347 = tpu.vector_load_idx %arg9[%add3A_346] : memref<2816xf32, #tpu.memory_space<vmem>>[vector<16xi32>], vector<16xf32>,
      %add3A_348 = arith.constant 7 : i32
      %add3A_349 = vector.broadcast %add3A_348 : i32 to vector<16xi32>
      %add3A_350 = arith.addi %add3A_239, %add3A_349 : vector<16xi32>
      tpu.vector_store_idx %arg23[%add3A_350], %gather3A_347 : memref<31232xf32, #tpu.memory_space<vmem>>[vector<16xi32>], vector<16xf32>,
      %add3A_351 = arith.constant 7 : i32
      %add3A_352 = vector.broadcast %add3A_351 : i32 to vector<16xi32>
      %add3A_353 = arith.addi %get3A_246, %add3A_352 : vector<16xi32>
      %gather3A_354 = tpu.vector_load_idx %arg9[%add3A_353] : memref<2816xf32, #tpu.memory_space<vmem>>[vector<16xi32>], vector<16xf32>,
      %add3A_355 = arith.constant 29 : i32
      %add3A_356 = vector.broadcast %add3A_355 : i32 to vector<16xi32>
      %add3A_357 = arith.addi %add3A_239, %add3A_356 : vector<16xi32>
      tpu.vector_store_idx %arg23[%add3A_357], %gather3A_354 : memref<31232xf32, #tpu.memory_space<vmem>>[vector<16xi32>], vector<16xf32>,
      %add3A_358 = arith.constant 8 : i32
      %add3A_359 = vector.broadcast %add3A_358 : i32 to vector<16xi32>
      %add3A_360 = arith.addi %get3A_242, %add3A_359 : vector<16xi32>
      %gather3A_361 = tpu.vector_load_idx %arg9[%add3A_360] : memref<2816xf32, #tpu.memory_space<vmem>>[vector<16xi32>], vector<16xf32>,
      %add3A_362 = arith.constant 8 : i32
      %add3A_363 = vector.broadcast %add3A_362 : i32 to vector<16xi32>
      %add3A_364 = arith.addi %add3A_239, %add3A_363 : vector<16xi32>
      tpu.vector_store_idx %arg23[%add3A_364], %gather3A_361 : memref<31232xf32, #tpu.memory_space<vmem>>[vector<16xi32>], vector<16xf32>,
      %add3A_365 = arith.constant 8 : i32
      %add3A_366 = vector.broadcast %add3A_365 : i32 to vector<16xi32>
      %add3A_367 = arith.addi %get3A_246, %add3A_366 : vector<16xi32>
      %gather3A_368 = tpu.vector_load_idx %arg9[%add3A_367] : memref<2816xf32, #tpu.memory_space<vmem>>[vector<16xi32>], vector<16xf32>,
      %add3A_369 = arith.constant 30 : i32
      %add3A_370 = vector.broadcast %add3A_369 : i32 to vector<16xi32>
      %add3A_371 = arith.addi %add3A_239, %add3A_370 : vector<16xi32>
      tpu.vector_store_idx %arg23[%add3A_371], %gather3A_368 : memref<31232xf32, #tpu.memory_space<vmem>>[vector<16xi32>], vector<16xf32>,
      %add3A_372 = arith.constant 9 : i32
      %add3A_373 = vector.broadcast %add3A_372 : i32 to vector<16xi32>
      %add3A_374 = arith.addi %get3A_242, %add3A_373 : vector<16xi32>
      %gather3A_375 = tpu.vector_load_idx %arg9[%add3A_374] : memref<2816xf32, #tpu.memory_space<vmem>>[vector<16xi32>], vector<16xf32>,
      %add3A_376 = arith.constant 9 : i32
      %add3A_377 = vector.broadcast %add3A_376 : i32 to vector<16xi32>
      %add3A_378 = arith.addi %add3A_239, %add3A_377 : vector<16xi32>
      tpu.vector_store_idx %arg23[%add3A_378], %gather3A_375 : memref<31232xf32, #tpu.memory_space<vmem>>[vector<16xi32>], vector<16xf32>,
      %add3A_379 = arith.constant 9 : i32
      %add3A_380 = vector.broadcast %add3A_379 : i32 to vector<16xi32>
      %add3A_381 = arith.addi %get3A_246, %add3A_380 : vector<16xi32>
      %gather3A_382 = tpu.vector_load_idx %arg9[%add3A_381] : memref<2816xf32, #tpu.memory_space<vmem>>[vector<16xi32>], vector<16xf32>,
      %add3A_383 = arith.constant 31 : i32
      %add3A_384 = vector.broadcast %add3A_383 : i32 to vector<16xi32>
      %add3A_385 = arith.addi %add3A_239, %add3A_384 : vector<16xi32>
      tpu.vector_store_idx %arg23[%add3A_385], %gather3A_382 : memref<31232xf32, #tpu.memory_space<vmem>>[vector<16xi32>], vector<16xf32>,
      %add3A_386 = arith.constant 10 : i32
      %add3A_387 = vector.broadcast %add3A_386 : i32 to vector<16xi32>
      %add3A_388 = arith.addi %get3A_242, %add3A_387 : vector<16xi32>
      %gather3A_389 = tpu.vector_load_idx %arg9[%add3A_388] : memref<2816xf32, #tpu.memory_space<vmem>>[vector<16xi32>], vector<16xf32>,
      %add3A_390 = arith.constant 10 : i32
      %add3A_391 = vector.broadcast %add3A_390 : i32 to vector<16xi32>
      %add3A_392 = arith.addi %add3A_239, %add3A_391 : vector<16xi32>
      tpu.vector_store_idx %arg23[%add3A_392], %gather3A_389 : memref<31232xf32, #tpu.memory_space<vmem>>[vector<16xi32>], vector<16xf32>,
      %add3A_393 = arith.constant 10 : i32
      %add3A_394 = vector.broadcast %add3A_393 : i32 to vector<16xi32>
      %add3A_395 = arith.addi %get3A_246, %add3A_394 : vector<16xi32>
      %gather3A_396 = tpu.vector_load_idx %arg9[%add3A_395] : memref<2816xf32, #tpu.memory_space<vmem>>[vector<16xi32>], vector<16xf32>,
      %add3A_397 = arith.constant 32 : i32
      %add3A_398 = vector.broadcast %add3A_397 : i32 to vector<16xi32>
      %add3A_399 = arith.addi %add3A_239, %add3A_398 : vector<16xi32>
      tpu.vector_store_idx %arg23[%add3A_399], %gather3A_396 : memref<31232xf32, #tpu.memory_space<vmem>>[vector<16xi32>], vector<16xf32>,
      %add3A_400 = arith.constant 11 : i32
      %add3A_401 = vector.broadcast %add3A_400 : i32 to vector<16xi32>
      %add3A_402 = arith.addi %get3A_242, %add3A_401 : vector<16xi32>
      %gather3A_403 = tpu.vector_load_idx %arg9[%add3A_402] : memref<2816xf32, #tpu.memory_space<vmem>>[vector<16xi32>], vector<16xf32>,
      %add3A_404 = arith.constant 11 : i32
      %add3A_405 = vector.broadcast %add3A_404 : i32 to vector<16xi32>
      %add3A_406 = arith.addi %add3A_239, %add3A_405 : vector<16xi32>
      tpu.vector_store_idx %arg23[%add3A_406], %gather3A_403 : memref<31232xf32, #tpu.memory_space<vmem>>[vector<16xi32>], vector<16xf32>,
      %add3A_407 = arith.constant 11 : i32
      %add3A_408 = vector.broadcast %add3A_407 : i32 to vector<16xi32>
      %add3A_409 = arith.addi %get3A_246, %add3A_408 : vector<16xi32>
      %gather3A_410 = tpu.vector_load_idx %arg9[%add3A_409] : memref<2816xf32, #tpu.memory_space<vmem>>[vector<16xi32>], vector<16xf32>,
      %add3A_411 = arith.constant 33 : i32
      %add3A_412 = vector.broadcast %add3A_411 : i32 to vector<16xi32>
      %add3A_413 = arith.addi %add3A_239, %add3A_412 : vector<16xi32>
      tpu.vector_store_idx %arg23[%add3A_413], %gather3A_410 : memref<31232xf32, #tpu.memory_space<vmem>>[vector<16xi32>], vector<16xf32>,
      %add3A_414 = arith.constant 12 : i32
      %add3A_415 = vector.broadcast %add3A_414 : i32 to vector<16xi32>
      %add3A_416 = arith.addi %get3A_242, %add3A_415 : vector<16xi32>
      %gather3A_417 = tpu.vector_load_idx %arg9[%add3A_416] : memref<2816xf32, #tpu.memory_space<vmem>>[vector<16xi32>], vector<16xf32>,
      %add3A_418 = arith.constant 12 : i32
      %add3A_419 = vector.broadcast %add3A_418 : i32 to vector<16xi32>
      %add3A_420 = arith.addi %add3A_239, %add3A_419 : vector<16xi32>
      tpu.vector_store_idx %arg23[%add3A_420], %gather3A_417 : memref<31232xf32, #tpu.memory_space<vmem>>[vector<16xi32>], vector<16xf32>,
      %add3A_421 = arith.constant 12 : i32
      %add3A_422 = vector.broadcast %add3A_421 : i32 to vector<16xi32>
      %add3A_423 = arith.addi %get3A_246, %add3A_422 : vector<16xi32>
      %gather3A_424 = tpu.vector_load_idx %arg9[%add3A_423] : memref<2816xf32, #tpu.memory_space<vmem>>[vector<16xi32>], vector<16xf32>,
      %add3A_425 = arith.constant 34 : i32
      %add3A_426 = vector.broadcast %add3A_425 : i32 to vector<16xi32>
      %add3A_427 = arith.addi %add3A_239, %add3A_426 : vector<16xi32>
      tpu.vector_store_idx %arg23[%add3A_427], %gather3A_424 : memref<31232xf32, #tpu.memory_space<vmem>>[vector<16xi32>], vector<16xf32>,
      %add3A_428 = arith.constant 13 : i32
      %add3A_429 = vector.broadcast %add3A_428 : i32 to vector<16xi32>
      %add3A_430 = arith.addi %get3A_242, %add3A_429 : vector<16xi32>
      %gather3A_431 = tpu.vector_load_idx %arg9[%add3A_430] : memref<2816xf32, #tpu.memory_space<vmem>>[vector<16xi32>], vector<16xf32>,
      %add3A_432 = arith.constant 13 : i32
      %add3A_433 = vector.broadcast %add3A_432 : i32 to vector<16xi32>
      %add3A_434 = arith.addi %add3A_239, %add3A_433 : vector<16xi32>
      tpu.vector_store_idx %arg23[%add3A_434], %gather3A_431 : memref<31232xf32, #tpu.memory_space<vmem>>[vector<16xi32>], vector<16xf32>,
      %add3A_435 = arith.constant 13 : i32
      %add3A_436 = vector.broadcast %add3A_435 : i32 to vector<16xi32>
      %add3A_437 = arith.addi %get3A_246, %add3A_436 : vector<16xi32>
      %gather3A_438 = tpu.vector_load_idx %arg9[%add3A_437] : memref<2816xf32, #tpu.memory_space<vmem>>[vector<16xi32>], vector<16xf32>,
      %add3A_439 = arith.constant 35 : i32
      %add3A_440 = vector.broadcast %add3A_439 : i32 to vector<16xi32>
      %add3A_441 = arith.addi %add3A_239, %add3A_440 : vector<16xi32>
      tpu.vector_store_idx %arg23[%add3A_441], %gather3A_438 : memref<31232xf32, #tpu.memory_space<vmem>>[vector<16xi32>], vector<16xf32>,
      %add3A_442 = arith.constant 14 : i32
      %add3A_443 = vector.broadcast %add3A_442 : i32 to vector<16xi32>
      %add3A_444 = arith.addi %get3A_242, %add3A_443 : vector<16xi32>
      %gather3A_445 = tpu.vector_load_idx %arg9[%add3A_444] : memref<2816xf32, #tpu.memory_space<vmem>>[vector<16xi32>], vector<16xf32>,
      %add3A_446 = arith.constant 14 : i32
      %add3A_447 = vector.broadcast %add3A_446 : i32 to vector<16xi32>
      %add3A_448 = arith.addi %add3A_239, %add3A_447 : vector<16xi32>
      tpu.vector_store_idx %arg23[%add3A_448], %gather3A_445 : memref<31232xf32, #tpu.memory_space<vmem>>[vector<16xi32>], vector<16xf32>,
      %add3A_449 = arith.constant 14 : i32
      %add3A_450 = vector.broadcast %add3A_449 : i32 to vector<16xi32>
      %add3A_451 = arith.addi %get3A_246, %add3A_450 : vector<16xi32>
      %gather3A_452 = tpu.vector_load_idx %arg9[%add3A_451] : memref<2816xf32, #tpu.memory_space<vmem>>[vector<16xi32>], vector<16xf32>,
      %add3A_453 = arith.constant 36 : i32
      %add3A_454 = vector.broadcast %add3A_453 : i32 to vector<16xi32>
      %add3A_455 = arith.addi %add3A_239, %add3A_454 : vector<16xi32>
      tpu.vector_store_idx %arg23[%add3A_455], %gather3A_452 : memref<31232xf32, #tpu.memory_space<vmem>>[vector<16xi32>], vector<16xf32>,
      %add3A_456 = arith.constant 15 : i32
      %add3A_457 = vector.broadcast %add3A_456 : i32 to vector<16xi32>
      %add3A_458 = arith.addi %get3A_242, %add3A_457 : vector<16xi32>
      %gather3A_459 = tpu.vector_load_idx %arg9[%add3A_458] : memref<2816xf32, #tpu.memory_space<vmem>>[vector<16xi32>], vector<16xf32>,
      %add3A_460 = arith.constant 15 : i32
      %add3A_461 = vector.broadcast %add3A_460 : i32 to vector<16xi32>
      %add3A_462 = arith.addi %add3A_239, %add3A_461 : vector<16xi32>
      tpu.vector_store_idx %arg23[%add3A_462], %gather3A_459 : memref<31232xf32, #tpu.memory_space<vmem>>[vector<16xi32>], vector<16xf32>,
      %add3A_463 = arith.constant 15 : i32
      %add3A_464 = vector.broadcast %add3A_463 : i32 to vector<16xi32>
      %add3A_465 = arith.addi %get3A_246, %add3A_464 : vector<16xi32>
      %gather3A_466 = tpu.vector_load_idx %arg9[%add3A_465] : memref<2816xf32, #tpu.memory_space<vmem>>[vector<16xi32>], vector<16xf32>,
      %add3A_467 = arith.constant 37 : i32
      %add3A_468 = vector.broadcast %add3A_467 : i32 to vector<16xi32>
      %add3A_469 = arith.addi %add3A_239, %add3A_468 : vector<16xi32>
      tpu.vector_store_idx %arg23[%add3A_469], %gather3A_466 : memref<31232xf32, #tpu.memory_space<vmem>>[vector<16xi32>], vector<16xf32>,
      %add3A_470 = arith.constant 16 : i32
      %add3A_471 = vector.broadcast %add3A_470 : i32 to vector<16xi32>
      %add3A_472 = arith.addi %get3A_242, %add3A_471 : vector<16xi32>
      %gather3A_473 = tpu.vector_load_idx %arg9[%add3A_472] : memref<2816xf32, #tpu.memory_space<vmem>>[vector<16xi32>], vector<16xf32>,
      %add3A_474 = arith.constant 16 : i32
      %add3A_475 = vector.broadcast %add3A_474 : i32 to vector<16xi32>
      %add3A_476 = arith.addi %add3A_239, %add3A_475 : vector<16xi32>
      tpu.vector_store_idx %arg23[%add3A_476], %gather3A_473 : memref<31232xf32, #tpu.memory_space<vmem>>[vector<16xi32>], vector<16xf32>,
      %add3A_477 = arith.constant 16 : i32
      %add3A_478 = vector.broadcast %add3A_477 : i32 to vector<16xi32>
      %add3A_479 = arith.addi %get3A_246, %add3A_478 : vector<16xi32>
      %gather3A_480 = tpu.vector_load_idx %arg9[%add3A_479] : memref<2816xf32, #tpu.memory_space<vmem>>[vector<16xi32>], vector<16xf32>,
      %add3A_481 = arith.constant 38 : i32
      %add3A_482 = vector.broadcast %add3A_481 : i32 to vector<16xi32>
      %add3A_483 = arith.addi %add3A_239, %add3A_482 : vector<16xi32>
      tpu.vector_store_idx %arg23[%add3A_483], %gather3A_480 : memref<31232xf32, #tpu.memory_space<vmem>>[vector<16xi32>], vector<16xf32>,
      %add3A_484 = arith.constant 17 : i32
      %add3A_485 = vector.broadcast %add3A_484 : i32 to vector<16xi32>
      %add3A_486 = arith.addi %get3A_242, %add3A_485 : vector<16xi32>
      %gather3A_487 = tpu.vector_load_idx %arg9[%add3A_486] : memref<2816xf32, #tpu.memory_space<vmem>>[vector<16xi32>], vector<16xf32>,
      %add3A_488 = arith.constant 17 : i32
      %add3A_489 = vector.broadcast %add3A_488 : i32 to vector<16xi32>
      %add3A_490 = arith.addi %add3A_239, %add3A_489 : vector<16xi32>
      tpu.vector_store_idx %arg23[%add3A_490], %gather3A_487 : memref<31232xf32, #tpu.memory_space<vmem>>[vector<16xi32>], vector<16xf32>,
      %add3A_491 = arith.constant 17 : i32
      %add3A_492 = vector.broadcast %add3A_491 : i32 to vector<16xi32>
      %add3A_493 = arith.addi %get3A_246, %add3A_492 : vector<16xi32>
      %gather3A_494 = tpu.vector_load_idx %arg9[%add3A_493] : memref<2816xf32, #tpu.memory_space<vmem>>[vector<16xi32>], vector<16xf32>,
      %add3A_495 = arith.constant 39 : i32
      %add3A_496 = vector.broadcast %add3A_495 : i32 to vector<16xi32>
      %add3A_497 = arith.addi %add3A_239, %add3A_496 : vector<16xi32>
      tpu.vector_store_idx %arg23[%add3A_497], %gather3A_494 : memref<31232xf32, #tpu.memory_space<vmem>>[vector<16xi32>], vector<16xf32>,
      %add3A_498 = arith.constant 18 : i32
      %add3A_499 = vector.broadcast %add3A_498 : i32 to vector<16xi32>
      %add3A_500 = arith.addi %get3A_242, %add3A_499 : vector<16xi32>
      %gather3A_501 = tpu.vector_load_idx %arg9[%add3A_500] : memref<2816xf32, #tpu.memory_space<vmem>>[vector<16xi32>], vector<16xf32>,
      %add3A_502 = arith.constant 18 : i32
      %add3A_503 = vector.broadcast %add3A_502 : i32 to vector<16xi32>
      %add3A_504 = arith.addi %add3A_239, %add3A_503 : vector<16xi32>
      tpu.vector_store_idx %arg23[%add3A_504], %gather3A_501 : memref<31232xf32, #tpu.memory_space<vmem>>[vector<16xi32>], vector<16xf32>,
      %add3A_505 = arith.constant 18 : i32
      %add3A_506 = vector.broadcast %add3A_505 : i32 to vector<16xi32>
      %add3A_507 = arith.addi %get3A_246, %add3A_506 : vector<16xi32>
      %gather3A_508 = tpu.vector_load_idx %arg9[%add3A_507] : memref<2816xf32, #tpu.memory_space<vmem>>[vector<16xi32>], vector<16xf32>,
      %add3A_509 = arith.constant 40 : i32
      %add3A_510 = vector.broadcast %add3A_509 : i32 to vector<16xi32>
      %add3A_511 = arith.addi %add3A_239, %add3A_510 : vector<16xi32>
      tpu.vector_store_idx %arg23[%add3A_511], %gather3A_508 : memref<31232xf32, #tpu.memory_space<vmem>>[vector<16xi32>], vector<16xf32>,
      %add3A_512 = arith.constant 19 : i32
      %add3A_513 = vector.broadcast %add3A_512 : i32 to vector<16xi32>
      %add3A_514 = arith.addi %get3A_242, %add3A_513 : vector<16xi32>
      %gather3A_515 = tpu.vector_load_idx %arg9[%add3A_514] : memref<2816xf32, #tpu.memory_space<vmem>>[vector<16xi32>], vector<16xf32>,
      %add3A_516 = arith.constant 19 : i32
      %add3A_517 = vector.broadcast %add3A_516 : i32 to vector<16xi32>
      %add3A_518 = arith.addi %add3A_239, %add3A_517 : vector<16xi32>
      tpu.vector_store_idx %arg23[%add3A_518], %gather3A_515 : memref<31232xf32, #tpu.memory_space<vmem>>[vector<16xi32>], vector<16xf32>,
      %add3A_519 = arith.constant 19 : i32
      %add3A_520 = vector.broadcast %add3A_519 : i32 to vector<16xi32>
      %add3A_521 = arith.addi %get3A_246, %add3A_520 : vector<16xi32>
      %gather3A_522 = tpu.vector_load_idx %arg9[%add3A_521] : memref<2816xf32, #tpu.memory_space<vmem>>[vector<16xi32>], vector<16xf32>,
      %add3A_523 = arith.constant 41 : i32
      %add3A_524 = vector.broadcast %add3A_523 : i32 to vector<16xi32>
      %add3A_525 = arith.addi %add3A_239, %add3A_524 : vector<16xi32>
      tpu.vector_store_idx %arg23[%add3A_525], %gather3A_522 : memref<31232xf32, #tpu.memory_space<vmem>>[vector<16xi32>], vector<16xf32>,
      %add3A_526 = arith.constant 20 : i32
      %add3A_527 = vector.broadcast %add3A_526 : i32 to vector<16xi32>
      %add3A_528 = arith.addi %get3A_242, %add3A_527 : vector<16xi32>
      %gather3A_529 = tpu.vector_load_idx %arg9[%add3A_528] : memref<2816xf32, #tpu.memory_space<vmem>>[vector<16xi32>], vector<16xf32>,
      %add3A_530 = arith.constant 20 : i32
      %add3A_531 = vector.broadcast %add3A_530 : i32 to vector<16xi32>
      %add3A_532 = arith.addi %add3A_239, %add3A_531 : vector<16xi32>
      tpu.vector_store_idx %arg23[%add3A_532], %gather3A_529 : memref<31232xf32, #tpu.memory_space<vmem>>[vector<16xi32>], vector<16xf32>,
      %add3A_533 = arith.constant 20 : i32
      %add3A_534 = vector.broadcast %add3A_533 : i32 to vector<16xi32>
      %add3A_535 = arith.addi %get3A_246, %add3A_534 : vector<16xi32>
      %gather3A_536 = tpu.vector_load_idx %arg9[%add3A_535] : memref<2816xf32, #tpu.memory_space<vmem>>[vector<16xi32>], vector<16xf32>,
      %add3A_537 = arith.constant 42 : i32
      %add3A_538 = vector.broadcast %add3A_537 : i32 to vector<16xi32>
      %add3A_539 = arith.addi %add3A_239, %add3A_538 : vector<16xi32>
      tpu.vector_store_idx %arg23[%add3A_539], %gather3A_536 : memref<31232xf32, #tpu.memory_space<vmem>>[vector<16xi32>], vector<16xf32>,
      %add3A_540 = arith.constant 21 : i32
      %add3A_541 = vector.broadcast %add3A_540 : i32 to vector<16xi32>
      %add3A_542 = arith.addi %get3A_242, %add3A_541 : vector<16xi32>
      %gather3A_543 = tpu.vector_load_idx %arg9[%add3A_542] : memref<2816xf32, #tpu.memory_space<vmem>>[vector<16xi32>], vector<16xf32>,
      %add3A_544 = arith.constant 21 : i32
      %add3A_545 = vector.broadcast %add3A_544 : i32 to vector<16xi32>
      %add3A_546 = arith.addi %add3A_239, %add3A_545 : vector<16xi32>
      tpu.vector_store_idx %arg23[%add3A_546], %gather3A_543 : memref<31232xf32, #tpu.memory_space<vmem>>[vector<16xi32>], vector<16xf32>,
      %add3A_547 = arith.constant 21 : i32
      %add3A_548 = vector.broadcast %add3A_547 : i32 to vector<16xi32>
      %add3A_549 = arith.addi %get3A_246, %add3A_548 : vector<16xi32>
      %gather3A_550 = tpu.vector_load_idx %arg9[%add3A_549] : memref<2816xf32, #tpu.memory_space<vmem>>[vector<16xi32>], vector<16xf32>,
      %add3A_551 = arith.constant 43 : i32
      %add3A_552 = vector.broadcast %add3A_551 : i32 to vector<16xi32>
      %add3A_553 = arith.addi %add3A_239, %add3A_552 : vector<16xi32>
      tpu.vector_store_idx %arg23[%add3A_553], %gather3A_550 : memref<31232xf32, #tpu.memory_space<vmem>>[vector<16xi32>], vector<16xf32>,
      %broadcast_in_dim3A = arith.constant 0 : i32
      %broadcast_in_dim3A_554 = vector.broadcast %broadcast_in_dim3A : i32 to vector<16xi32>
      %add3A_555 = arith.constant 0 : i32
      %add3A_556 = vector.broadcast %add3A_555 : i32 to vector<16xi32>
      %add3A_557 = arith.addi %broadcast_in_dim3A_554, %add3A_556 : vector<16xi32>
      %gather3A_558 = tpu.vector_load_idx %arg19[%add3A_235, %add3A_557] : memref<512x16xf32, #tpu.memory_space<vmem>>[vector<16xi32>, vector<16xi32>], vector<16xf32>,
      %add3A_559 = arith.constant 44 : i32
      %add3A_560 = vector.broadcast %add3A_559 : i32 to vector<16xi32>
      %add3A_561 = arith.addi %add3A_239, %add3A_560 : vector<16xi32>
      tpu.vector_store_idx %arg23[%add3A_561], %gather3A_558 : memref<31232xf32, #tpu.memory_space<vmem>>[vector<16xi32>], vector<16xf32>,
      %add3A_562 = arith.constant 1 : i32
      %add3A_563 = vector.broadcast %add3A_562 : i32 to vector<16xi32>
      %add3A_564 = arith.addi %broadcast_in_dim3A_554, %add3A_563 : vector<16xi32>
      %gather3A_565 = tpu.vector_load_idx %arg19[%add3A_235, %add3A_564] : memref<512x16xf32, #tpu.memory_space<vmem>>[vector<16xi32>, vector<16xi32>], vector<16xf32>,
      %add3A_566 = arith.constant 45 : i32
      %add3A_567 = vector.broadcast %add3A_566 : i32 to vector<16xi32>
      %add3A_568 = arith.addi %add3A_239, %add3A_567 : vector<16xi32>
      tpu.vector_store_idx %arg23[%add3A_568], %gather3A_565 : memref<31232xf32, #tpu.memory_space<vmem>>[vector<16xi32>], vector<16xf32>,
      %add3A_569 = arith.constant 2 : i32
      %add3A_570 = vector.broadcast %add3A_569 : i32 to vector<16xi32>
      %add3A_571 = arith.addi %broadcast_in_dim3A_554, %add3A_570 : vector<16xi32>
      %gather3A_572 = tpu.vector_load_idx %arg19[%add3A_235, %add3A_571] : memref<512x16xf32, #tpu.memory_space<vmem>>[vector<16xi32>, vector<16xi32>], vector<16xf32>,
      %add3A_573 = arith.constant 46 : i32
      %add3A_574 = vector.broadcast %add3A_573 : i32 to vector<16xi32>
      %add3A_575 = arith.addi %add3A_239, %add3A_574 : vector<16xi32>
      tpu.vector_store_idx %arg23[%add3A_575], %gather3A_572 : memref<31232xf32, #tpu.memory_space<vmem>>[vector<16xi32>], vector<16xf32>,
      %add3A_576 = arith.constant 3 : i32
      %add3A_577 = vector.broadcast %add3A_576 : i32 to vector<16xi32>
      %add3A_578 = arith.addi %broadcast_in_dim3A_554, %add3A_577 : vector<16xi32>
      %gather3A_579 = tpu.vector_load_idx %arg19[%add3A_235, %add3A_578] : memref<512x16xf32, #tpu.memory_space<vmem>>[vector<16xi32>, vector<16xi32>], vector<16xf32>,
      %add3A_580 = arith.constant 47 : i32
      %add3A_581 = vector.broadcast %add3A_580 : i32 to vector<16xi32>
      %add3A_582 = arith.addi %add3A_239, %add3A_581 : vector<16xi32>
      tpu.vector_store_idx %arg23[%add3A_582], %gather3A_579 : memref<31232xf32, #tpu.memory_space<vmem>>[vector<16xi32>], vector<16xf32>,
      %add3A_583 = arith.constant 4 : i32
      %add3A_584 = vector.broadcast %add3A_583 : i32 to vector<16xi32>
      %add3A_585 = arith.addi %broadcast_in_dim3A_554, %add3A_584 : vector<16xi32>
      %gather3A_586 = tpu.vector_load_idx %arg19[%add3A_235, %add3A_585] : memref<512x16xf32, #tpu.memory_space<vmem>>[vector<16xi32>, vector<16xi32>], vector<16xf32>,
      %add3A_587 = arith.constant 48 : i32
      %add3A_588 = vector.broadcast %add3A_587 : i32 to vector<16xi32>
      %add3A_589 = arith.addi %add3A_239, %add3A_588 : vector<16xi32>
      tpu.vector_store_idx %arg23[%add3A_589], %gather3A_586 : memref<31232xf32, #tpu.memory_space<vmem>>[vector<16xi32>], vector<16xf32>,
      %add3A_590 = arith.constant 5 : i32
      %add3A_591 = vector.broadcast %add3A_590 : i32 to vector<16xi32>
      %add3A_592 = arith.addi %broadcast_in_dim3A_554, %add3A_591 : vector<16xi32>
      %gather3A_593 = tpu.vector_load_idx %arg19[%add3A_235, %add3A_592] : memref<512x16xf32, #tpu.memory_space<vmem>>[vector<16xi32>, vector<16xi32>], vector<16xf32>,
      %add3A_594 = arith.constant 49 : i32
      %add3A_595 = vector.broadcast %add3A_594 : i32 to vector<16xi32>
      %add3A_596 = arith.addi %add3A_239, %add3A_595 : vector<16xi32>
      tpu.vector_store_idx %arg23[%add3A_596], %gather3A_593 : memref<31232xf32, #tpu.memory_space<vmem>>[vector<16xi32>], vector<16xf32>,
      %add3A_597 = arith.constant 6 : i32
      %add3A_598 = vector.broadcast %add3A_597 : i32 to vector<16xi32>
      %add3A_599 = arith.addi %broadcast_in_dim3A_554, %add3A_598 : vector<16xi32>
      %gather3A_600 = tpu.vector_load_idx %arg19[%add3A_235, %add3A_599] : memref<512x16xf32, #tpu.memory_space<vmem>>[vector<16xi32>, vector<16xi32>], vector<16xf32>,
      %add3A_601 = arith.constant 50 : i32
      %add3A_602 = vector.broadcast %add3A_601 : i32 to vector<16xi32>
      %add3A_603 = arith.addi %add3A_239, %add3A_602 : vector<16xi32>
      tpu.vector_store_idx %arg23[%add3A_603], %gather3A_600 : memref<31232xf32, #tpu.memory_space<vmem>>[vector<16xi32>], vector<16xf32>,
      %add3A_604 = arith.constant 7 : i32
      %add3A_605 = vector.broadcast %add3A_604 : i32 to vector<16xi32>
      %add3A_606 = arith.addi %broadcast_in_dim3A_554, %add3A_605 : vector<16xi32>
      %gather3A_607 = tpu.vector_load_idx %arg19[%add3A_235, %add3A_606] : memref<512x16xf32, #tpu.memory_space<vmem>>[vector<16xi32>, vector<16xi32>], vector<16xf32>,
      %add3A_608 = arith.constant 51 : i32
      %add3A_609 = vector.broadcast %add3A_608 : i32 to vector<16xi32>
      %add3A_610 = arith.addi %add3A_239, %add3A_609 : vector<16xi32>
      tpu.vector_store_idx %arg23[%add3A_610], %gather3A_607 : memref<31232xf32, #tpu.memory_space<vmem>>[vector<16xi32>], vector<16xf32>,
      %add3A_611 = arith.constant 8 : i32
      %add3A_612 = vector.broadcast %add3A_611 : i32 to vector<16xi32>
      %add3A_613 = arith.addi %broadcast_in_dim3A_554, %add3A_612 : vector<16xi32>
      %gather3A_614 = tpu.vector_load_idx %arg19[%add3A_235, %add3A_613] : memref<512x16xf32, #tpu.memory_space<vmem>>[vector<16xi32>, vector<16xi32>], vector<16xf32>,
      %add3A_615 = arith.constant 52 : i32
      %add3A_616 = vector.broadcast %add3A_615 : i32 to vector<16xi32>
      %add3A_617 = arith.addi %add3A_239, %add3A_616 : vector<16xi32>
      tpu.vector_store_idx %arg23[%add3A_617], %gather3A_614 : memref<31232xf32, #tpu.memory_space<vmem>>[vector<16xi32>], vector<16xf32>,
      %add3A_618 = arith.constant 9 : i32
      %add3A_619 = vector.broadcast %add3A_618 : i32 to vector<16xi32>
      %add3A_620 = arith.addi %broadcast_in_dim3A_554, %add3A_619 : vector<16xi32>
      %gather3A_621 = tpu.vector_load_idx %arg19[%add3A_235, %add3A_620] : memref<512x16xf32, #tpu.memory_space<vmem>>[vector<16xi32>, vector<16xi32>], vector<16xf32>,
      %add3A_622 = arith.constant 53 : i32
      %add3A_623 = vector.broadcast %add3A_622 : i32 to vector<16xi32>
      %add3A_624 = arith.addi %add3A_239, %add3A_623 : vector<16xi32>
      tpu.vector_store_idx %arg23[%add3A_624], %gather3A_621 : memref<31232xf32, #tpu.memory_space<vmem>>[vector<16xi32>], vector<16xf32>,
      %add3A_625 = arith.constant 10 : i32
      %add3A_626 = vector.broadcast %add3A_625 : i32 to vector<16xi32>
      %add3A_627 = arith.addi %broadcast_in_dim3A_554, %add3A_626 : vector<16xi32>
      %gather3A_628 = tpu.vector_load_idx %arg19[%add3A_235, %add3A_627] : memref<512x16xf32, #tpu.memory_space<vmem>>[vector<16xi32>, vector<16xi32>], vector<16xf32>,
      %add3A_629 = arith.constant 54 : i32
      %add3A_630 = vector.broadcast %add3A_629 : i32 to vector<16xi32>
      %add3A_631 = arith.addi %add3A_239, %add3A_630 : vector<16xi32>
      tpu.vector_store_idx %arg23[%add3A_631], %gather3A_628 : memref<31232xf32, #tpu.memory_space<vmem>>[vector<16xi32>], vector<16xf32>,
      %add3A_632 = arith.constant 11 : i32
      %add3A_633 = vector.broadcast %add3A_632 : i32 to vector<16xi32>
      %add3A_634 = arith.addi %broadcast_in_dim3A_554, %add3A_633 : vector<16xi32>
      %gather3A_635 = tpu.vector_load_idx %arg19[%add3A_235, %add3A_634] : memref<512x16xf32, #tpu.memory_space<vmem>>[vector<16xi32>, vector<16xi32>], vector<16xf32>,
      %add3A_636 = arith.constant 55 : i32
      %add3A_637 = vector.broadcast %add3A_636 : i32 to vector<16xi32>
      %add3A_638 = arith.addi %add3A_239, %add3A_637 : vector<16xi32>
      tpu.vector_store_idx %arg23[%add3A_638], %gather3A_635 : memref<31232xf32, #tpu.memory_space<vmem>>[vector<16xi32>], vector<16xf32>,
      %add3A_639 = arith.constant 12 : i32
      %add3A_640 = vector.broadcast %add3A_639 : i32 to vector<16xi32>
      %add3A_641 = arith.addi %broadcast_in_dim3A_554, %add3A_640 : vector<16xi32>
      %gather3A_642 = tpu.vector_load_idx %arg19[%add3A_235, %add3A_641] : memref<512x16xf32, #tpu.memory_space<vmem>>[vector<16xi32>, vector<16xi32>], vector<16xf32>,
      %add3A_643 = arith.constant 56 : i32
      %add3A_644 = vector.broadcast %add3A_643 : i32 to vector<16xi32>
      %add3A_645 = arith.addi %add3A_239, %add3A_644 : vector<16xi32>
      tpu.vector_store_idx %arg23[%add3A_645], %gather3A_642 : memref<31232xf32, #tpu.memory_space<vmem>>[vector<16xi32>], vector<16xf32>,
      %add3A_646 = arith.constant 13 : i32
      %add3A_647 = vector.broadcast %add3A_646 : i32 to vector<16xi32>
      %add3A_648 = arith.addi %broadcast_in_dim3A_554, %add3A_647 : vector<16xi32>
      %gather3A_649 = tpu.vector_load_idx %arg19[%add3A_235, %add3A_648] : memref<512x16xf32, #tpu.memory_space<vmem>>[vector<16xi32>, vector<16xi32>], vector<16xf32>,
      %add3A_650 = arith.constant 57 : i32
      %add3A_651 = vector.broadcast %add3A_650 : i32 to vector<16xi32>
      %add3A_652 = arith.addi %add3A_239, %add3A_651 : vector<16xi32>
      tpu.vector_store_idx %arg23[%add3A_652], %gather3A_649 : memref<31232xf32, #tpu.memory_space<vmem>>[vector<16xi32>], vector<16xf32>,
      %add3A_653 = arith.constant 14 : i32
      %add3A_654 = vector.broadcast %add3A_653 : i32 to vector<16xi32>
      %add3A_655 = arith.addi %broadcast_in_dim3A_554, %add3A_654 : vector<16xi32>
      %gather3A_656 = tpu.vector_load_idx %arg19[%add3A_235, %add3A_655] : memref<512x16xf32, #tpu.memory_space<vmem>>[vector<16xi32>, vector<16xi32>], vector<16xf32>,
      %add3A_657 = arith.constant 58 : i32
      %add3A_658 = vector.broadcast %add3A_657 : i32 to vector<16xi32>
      %add3A_659 = arith.addi %add3A_239, %add3A_658 : vector<16xi32>
      tpu.vector_store_idx %arg23[%add3A_659], %gather3A_656 : memref<31232xf32, #tpu.memory_space<vmem>>[vector<16xi32>], vector<16xf32>,
      %add3A_660 = arith.constant 15 : i32
      %add3A_661 = vector.broadcast %add3A_660 : i32 to vector<16xi32>
      %add3A_662 = arith.addi %broadcast_in_dim3A_554, %add3A_661 : vector<16xi32>
      %gather3A_663 = tpu.vector_load_idx %arg19[%add3A_235, %add3A_662] : memref<512x16xf32, #tpu.memory_space<vmem>>[vector<16xi32>, vector<16xi32>], vector<16xf32>,
      %add3A_664 = arith.constant 59 : i32
      %add3A_665 = vector.broadcast %add3A_664 : i32 to vector<16xi32>
      %add3A_666 = arith.addi %add3A_239, %add3A_665 : vector<16xi32>
      tpu.vector_store_idx %arg23[%add3A_666], %gather3A_663 : memref<31232xf32, #tpu.memory_space<vmem>>[vector<16xi32>], vector<16xf32>,
      %mul3A_667 = arith.constant 16 : i32
      %mul3A_668 = arith.muli %scan3A_231, %mul3A_667 : i32
      %get3A_669 = arith.index_cast %mul3A_668 : i32 to index
      %get3A_670 = tpu.vector_load %arg21[%get3A_669] {strides = array<i32>} : memref<512xf32, #tpu.memory_space<vmem>>, vector<16xf32>,
      %add3A_671 = arith.constant 60 : i32
      %add3A_672 = vector.broadcast %add3A_671 : i32 to vector<16xi32>
      %add3A_673 = arith.addi %add3A_239, %add3A_672 : vector<16xi32>
      tpu.vector_store_idx %arg23[%add3A_673], %get3A_670 : memref<31232xf32, #tpu.memory_space<vmem>>[vector<16xi32>], vector<16xf32>,
    }
    %scan3A_222 = arith.constant 21 : i32
    %mul3A_223 = arith.constant 61 : i32
    %mul3A_224 = arith.muli %add3A_160, %mul3A_223 : i32
    "tpu.region"() ({
      %run_scoped3A = tpu.sem_alloc : memref<!tpu.dma_semaphore, #tpu.memory_space<semaphore_mem>>
      %dma_start3A_231 = arith.constant 0 : i32
      %dma_start3A_232 = tpu.memref_slice %arg23[%dma_start3A_231] : memref<31232xf32, #tpu.memory_space<vmem>> -> memref<20496xf32, #tpu.memory_space<vmem>>
      %dma_start3A_233 = tpu.memref_slice %arg8[%mul3A_224] : memref<97600000xf32, #tpu.memory_space<hbm>> -> memref<20496xf32, #tpu.memory_space<hbm>>
      %dma_start3A_234 = tpu.memref_slice %arg8[%mul3A_224] : memref<97600000xf32, #tpu.memory_space<hbm>> -> memref<20496xf32, #tpu.memory_space<hbm>>
      %dma_start3A_235 = arith.constant 0 : i32
      %dma_start3A_236 = tpu.memref_slice %arg23[%dma_start3A_235] : memref<31232xf32, #tpu.memory_space<vmem>> -> memref<20496xf32, #tpu.memory_space<vmem>>
      tpu.enqueue_dma source(%dma_start3A_236 : memref<20496xf32, #tpu.memory_space<vmem>>) target(%dma_start3A_234 : memref<20496xf32, #tpu.memory_space<hbm>>) target_semaphore(%run_scoped3A : memref<!tpu.dma_semaphore, #tpu.memory_space<semaphore_mem>>)
      %dma_wait3A_237 = arith.constant 0 : i32
      %dma_wait3A_238 = tpu.memref_slice %arg23[%dma_wait3A_237] : memref<31232xf32, #tpu.memory_space<vmem>> -> memref<20496xf32, #tpu.memory_space<vmem>>
      %dma_wait3A_239 = tpu.memref_slice %arg8[%mul3A_224] : memref<97600000xf32, #tpu.memory_space<hbm>> -> memref<20496xf32, #tpu.memory_space<hbm>>
      %dma_wait3A_240 = tpu.memref_slice %arg8[%mul3A_224] : memref<97600000xf32, #tpu.memory_space<hbm>> -> memref<20496xf32, #tpu.memory_space<hbm>>
      %dma_wait3A_241 = arith.constant 0 : i32
      %dma_wait3A_242 = tpu.memref_slice %arg23[%dma_wait3A_241] : memref<31232xf32, #tpu.memory_space<vmem>> -> memref<20496xf32, #tpu.memory_space<vmem>>
      tpu.wait_dma2 semaphore(%run_scoped3A : memref<!tpu.dma_semaphore, #tpu.memory_space<semaphore_mem>>) src(%dma_wait3A_242 : memref<20496xf32, #tpu.memory_space<vmem>>) dst(%dma_wait3A_240 : memref<20496xf32, #tpu.memory_space<hbm>>)
      tpu.yield
    }) : () -> ()
    %add3A_225 = arith.constant 49152 : i32
    %add3A_226 = arith.addi %mul3A_2, %add3A_225 : i32
    %mul3A_227 = arith.constant 61 : i32
    %mul3A_228 = arith.muli %add3A_226, %mul3A_227 : i32
    %dma_wait3A_229 = tpu.memref_slice %arg8[%mul3A_228] : memref<97600000xf32, #tpu.memory_space<hbm>> -> memref<31232xf32, #tpu.memory_space<hbm>>
    %dma_wait3A_230 = tpu.memref_slice %arg8[%mul3A_228] : memref<97600000xf32, #tpu.memory_space<hbm>> -> memref<31232xf32, #tpu.memory_space<hbm>>
    tpu.wait_dma2 semaphore(%arg28 : memref<!tpu.dma_semaphore, #tpu.memory_space<semaphore_mem>>) src(%arg22 : memref<31232xf32, #tpu.memory_space<vmem>>) dst(%dma_wait3A_230 : memref<31232xf32, #tpu.memory_space<hbm>>)
    return
  }
}

</mosaic_0001>

<sc_bundles>
// kernel: kernel.3.cloned.1.call-start
scs
__scs_entry_jumppad:
0x0: {  	(pc) =	sbr.rel $0x88, $3  }
0x1: {  	(tag) =	ssettag $0x0;
	lr =	simm.s32 $0x1  }
0x2: {  	[smem:$0x3F9C] =	sst lr;
	_ =	strace $0xD0000000  }
0x3: {  	_ = 	snop  }
0x4: {  	_ = 	snop  }
0x5: {  	_ = 	snop  }
0x6: {  	_ = 	snop  }
0x7: {  	_ = 	snop  }
__scs_overlays_trampoline_lowered:
0x8: {  	[smem:$0x3FAB] =	sst s0  }
0x9: {  	[smem:$0x3FAC] =	sst s1  }
0xa: {  	[smem:$0x3FAD] =	sst s2  }
0xb: {  	[smem:$0x3FAE] =	sst s3  }
0xc: {  	[smem:$0x3FAF] =	sst s4  }
0xd: {  	[smem:$0x3FB0] =	sst s5  }
0xe: {  	[smem:$0x3FB1] =	sst s6  }
0xf: {  	[smem:$0x3FB2] =	sst s7  }
0x10: {  	[smem:$0x3FB3] =	sst s8  }
0x11: {  	[smem:$0x3FB4] =	sst s9;
	s0 =	simm.s32 @!p0 $0x0  }
0x12: {  	s1 =	sld [smem:$0x3F9A];
	s0 =	simm.s32 @p0 $0x1  }
0x13: {  	[smem:$0x3FB5] =	sst s0;
	s0 =	simm.s32 @!p1 $0x0  }
0x14: {  	s2 =	sld [smem:$0x3F99];
	s0 =	simm.s32 @p1 $0x1  }
0x15: {  	[smem:$0x3FB6] =	sst s0;
	s0 =	simm.s32 @!p2 $0x0  }
0x16: {  	s3 =	sld [smem:$0x3FDB];
	s0 =	simm.s32 @p2 $0x1  }
0x17: {  	s4 =	simm.s32 $0x1BF5;
	[smem:$0x3FB8] =	sst s0  }
0x18: {  	s0 =	sld [smem:$0x3F9B];
	_ =	swait.ge [sflag:s4], $0x0  }
0x19: {  	s7 =	sld [smem:$0x3F9C]  }
0x1a: {  	s8 =	sadd.s32 $0xFFFFE003, lr  }
0x1b: {  	s9 =	sadd.s32 $0xFFFFFEF7, lr;
	s5 =	simm.s32 $0xFFFFFFFF;
	p2 =	slt.u32 s8, $0xFFFFF086  }
0x1c: {  	p1 =	slt.u32 s9, $0xF7A;
	s5 =	simm.s32 @!p2 $0x0  }
0x1d: {  	s5 =	simm.s32 @p1 $0x1;
	p0 =	seq.s32 s7, s2  }
0x1e: {  	s7 =	smul.u32 @!p0 $0xF7A, s2;
	p2 =	seq.s32 @!p0 s5, $0x0  }
0x1f: {  	s9 =	smul.u32 $0xF7A, s1;
	s8 =	simm.s32 @!p0 $0x1BF5;
	p2 =	por !p2, p0  }
0x20: {  	[sflag:s8] =	ssyncset.s32 @!p0 $0xFFFFF086;
	s6 =	sadd.s32 @!p0 s3, s7;
	s7 =	simm.s32 @!p0 $0x108  }
0x21: {  	s3 =	sadd.s32 s3, s9;
	s6 =	sadd.s32 @!p0 $0x88, s6;
	s7 =	simm.s32 @p2 $0x1082  }
0x22: {  	[simem:s7], [sflag:s8] =	dma.local @!p0 [hbm:s6], $0xF7A  }
0x23: {  	s9 =	sor.u32 $0xD0000000, s2;
	s6 =	simm.s32 $0x108;
	_ =	swait.ge @!p0 [sflag:s8], $0x0  }
0x24: {  	s3 =	sadd.s32 $0x88, s3;
	s6 =	simm.s32 @!p1 $0x1082;
	[sflag:s4] =	ssyncset.s32 $0xFFFFF086  }
0x25: {  	[simem:s6], [sflag:s4] =	dma.local [hbm:s3], $0xF7A  }
0x26: {  	[smem:$0x3F9C] =	sst s1;
	(tag) =	ssettag s2;
	_ =	strace s9  }
0x27: {  	s1 =	sld [smem:$0x3FAC]  }
0x28: {  	s2 =	sld [smem:$0x3FAD]  }
0x29: {  	s4 =	sld [smem:$0x3FAF]  }
0x2a: {  	p0 =	seq.s32 s5, $0x0;
	s5 =	sld [smem:$0x3FB0]  }
0x2b: {  	s6 =	sld [smem:$0x3FB1]  }
0x2c: {  	s7 =	sld [smem:$0x3FB2]  }
0x2d: {  	s3 =	simm.s32 $0x108;
	s8 =	sld [smem:$0x3FB3]  }
0x2e: {  	s3 =	simm.s32 @!p0 $0x1082;
	s9 =	sld [smem:$0x3FB4]  }
0x2f: {  	lr =	sadd.s32 s0, s3;
	s0 =	sld [smem:$0x3FAB]  }
0x30: {  	s3 =	sld [smem:$0x3FAE]  }
0x31: {  	[smem:$0x3FB7] =	sst s10  }
0x32: {  	s10 =	sld [smem:$0x3FB5];
	_ =	sdelay $0x3  }
0x33: {  	p0 =	seq.s32 s10, $0x1;
	s10 =	sld [smem:$0x3FB7];
	_ =	sdelay $0x3  }
0x34: {  	[smem:$0x3FB7] =	sst s10  }
0x35: {  	s10 =	sld [smem:$0x3FB6];
	_ =	sdelay $0x3  }
0x36: {  	p1 =	seq.s32 s10, $0x1;
	s10 =	sld [smem:$0x3FB7];
	_ =	sdelay $0x3  }
0x37: {  	[smem:$0x3FB7] =	sst s10  }
0x38: {  	s10 =	sld [smem:$0x3FB8]  }
0x39: {  	_ = 	snop;
	(pc) =	sbr.ind lr, $3  }
0x3a: {  	_ = 	snop  }
0x3b: {  	_ = 	snop  }
0x3c: {  	p2 =	seq.s32 s10, $0x1;
	s10 =	sld [smem:$0x3FB7]  }
0x3d: {  	_ =	shalt  }
0x3e: {  	_ =	shalt  }
0x3f: {  	_ =	shalt  }
0x40: {  	_ =	shalt  }
0x41: {  	_ =	shalt  }
0x42: {  	_ =	shalt  }
0x43: {  	_ =	shalt  }
0x44: {  	_ =	shalt  }
0x45: {  	_ =	shalt  }
0x46: {  	_ =	shalt  }
0x47: {  	_ =	shalt  }
0x48: {  	_ =	shalt  }
0x49: {  	_ =	shalt  }
0x4a: {  	_ =	shalt  }
0x4b: {  	_ =	shalt  }
0x4c: {  	_ =	shalt  }
0x4d: {  	_ =	shalt  }
0x4e: {  	_ =	shalt  }
0x4f: {  	_ =	shalt  }
0x50: {  	_ =	shalt  }
0x51: {  	_ =	shalt  }
0x52: {  	_ =	shalt  }
0x53: {  	_ =	shalt  }
0x54: {  	_ =	shalt  }
0x55: {  	_ =	shalt  }
0x56: {  	_ =	shalt  }
0x57: {  	_ =	shalt  }
0x58: {  	_ =	shalt  }
0x59: {  	_ =	shalt  }
0x5a: {  	_ =	shalt  }
0x5b: {  	_ =	shalt  }
0x5c: {  	_ =	shalt  }
0x5d: {  	_ =	shalt  }
0x5e: {  	_ =	shalt  }
0x5f: {  	_ =	shalt  }
0x60: {  	_ =	shalt  }
0x61: {  	_ =	shalt  }
0x62: {  	_ =	shalt  }
0x63: {  	_ =	shalt  }
0x64: {  	_ =	shalt  }
0x65: {  	_ =	shalt  }
0x66: {  	_ =	shalt  }
0x67: {  	_ =	shalt  }
0x68: {  	_ =	shalt  }
0x69: {  	_ =	shalt  }
0x6a: {  	_ =	shalt  }
0x6b: {  	_ =	shalt  }
0x6c: {  	_ =	shalt  }
0x6d: {  	_ =	shalt  }
0x6e: {  	_ =	shalt  }
0x6f: {  	_ =	shalt  }
0x70: {  	_ =	shalt  }
0x71: {  	_ =	shalt  }
0x72: {  	_ =	shalt  }
0x73: {  	_ =	shalt  }
0x74: {  	_ =	shalt  }
0x75: {  	_ =	shalt  }
0x76: {  	_ =	shalt  }
0x77: {  	_ =	shalt  }
0x78: {  	_ =	shalt  }
0x79: {  	_ =	shalt  }
0x7a: {  	_ =	shalt  }
0x7b: {  	_ =	shalt  }
0x7c: {  	_ =	shalt  }
0x7d: {  	_ =	shalt  }
0x7e: {  	_ =	shalt  }
0x7f: {  	_ =	shalt  }
0x80: {  	_ =	shalt  }
0x81: {  	_ =	shalt  }
0x82: {  	_ =	shalt  }
0x83: {  	_ =	shalt  }
0x84: {  	_ =	shalt  }
0x85: {  	_ =	shalt  }
0x86: {  	_ =	shalt  }
0x87: {  	_ =	shalt  }
.Lfunc_end0:
.L_simem_size_0:
called_computation.1_lowered:
.L_overlay_start_0:
0x88: {  	s2 =	sld [smem:$0x3FD9]  }
0x89: {  	s3 =	sld [smem:$0x3FFE];
	_ =	sdelay $0x1  }
0x8a: {  	s1 =	srdreg.scid  }
0x8b: {  	s0 =	sand.u32 $0x1, s1  }
0x8c: {  	s17 =	sshll.u32 s0, $0xA;
	s2 =	sadd.s32 s3, s2  }
0x8d: {  	s2 =	sadd.s32 s2, s17  }
0x8e: {  	[smem:$0x3FC3] =	sst s2  }
0x8f: {  	_ = 	snop  }
0x90: {  	s2 =	sld [smem:$0x3FC8]  }
0x91: {  	s18 =	sld [smem:$0x3FC7]  }
0x92: {  	s4 =	sld [smem:$0x3FD0];
	(tm) =	ssettm $0x1  }
0x93: {  	s5 =	sld [smem:$0x3FFB];
	_ =	sdelay $0x3  }
0x94: {  	_ =	strace s5  }
0x95: {  	s5 =	sld [smem:$0x3FFC];
	_ =	sdelay $0x3  }
0x96: {  	_ =	strace s5  }
0x97: {  	s5 =	sld [smem:$0x3FFD];
	_ =	sdelay $0x3  }
0x98: {  	_ =	strace s5  }
0x99: {  	_ =	strace $0x8FFFFFFF  }
0x9a: {  	s19 =	sld [smem:$0x3FDB];
	_ =	sdelay $0x1  }
0x9b: {  	s6 =	simm.s32 $_scs_section_size  }
0x9c: {  	s7 =	simm.s32 $_size__tile_overlayer_lowered;
	s8 =	simm.s32 $_tile_overlayer_lowered  }
0x9d: {  	s22 =	simm.s32 $0x1BFF;
	s21 =	sshll.u32 s8, $0x1;
	s5 =	sadd.s32 s6, s19  }
0x9e: {  	s9 =	simm.s32 $0x0;
	s20 =	sshll.u32 s7, $0x1;
	s7 =	sadd.s32 s21, s5  }
0x9f: {  	[timem:s9], [sflag:s22] =	dma.local [hbm:s7], s20  }
0xa0: {  	_ =	swait.ge [sflag:s22], s20  }
0xa1: {  	s6 =	ssub.s32 $0x0, s20;
	[sflag:s22] =	ssyncset.done $0x0  }
0xa2: {  	[sflag:s22] =	ssyncadd.s32 s6;
	_ =	sdelay $0x1  }
0xa3: {  	s23 =	simm.s32 $0x1B8B  }
0xa4: {  	_ =	swait.ge [sflag:s23], $0x1  }
0xa5: {  	[sflag:s23] =	ssyncset.done $0x0  }
0xa6: {  	s25 =	simm.s32 $0x1B8E;
	s24 =	sld [smem:$0x3FFE];
	[sflag:s23] =	ssyncadd.s32 $0xFFFFFFFF  }
0xa7: {  	s26 =	simm.s32 $execute0_lowered;
	[smem:$0x3FD2] =	sst s25  }
0xa8: {  	s7 =	sshll.u32 s26, $0x1;
	_ =	strace $0x80000046;
	[dreg:$0x1] =	wrdreg $0xFFFFFFFF  }
0xa9: {  	s28 =	simm.s32 $_size_execute0_lowered;
	s5 =	sadd.s32 s5, s7;
	[dreg:$0x0] =	wrdreg $0x0  }
0xaa: {  	s7 =	sshll.u32 s28, $0x1;
	[dreg:$0x2] =	wrdreg s5  }
0xab: {  	[dreg:$0x3] =	wrdreg s7  }
0xac: {  	[dreg:$0x4] =	wrdreg $0xC0  }
0xad: {  	_ =	task [dreg:s9], $0x5FFFF  }
0xae: {  	[dreg:$0x1] =	wrdreg $0xFFFFFFFF  }
0xaf: {  	[dreg:$0x0] =	wrdreg $0x60  }
0xb0: {  	[dreg:$0x2] =	wrdreg s24  }
0xb1: {  	[dreg:$0x3] =	wrdreg s2  }
0xb2: {  	[dreg:$0x4] =	wrdreg s18  }
0xb3: {  	[dreg:$0x5] =	wrdreg s4  }
0xb4: {  	[dreg:$0x6] =	wrdreg $0x9  }
0xb5: {  	_ =	task.clear_ibuf [dreg:s9], $0x7FFFF;
	_ =	strace $0x90000046  }
0xb6: {  	s29 =	simm.s32 $0x9;
	_ =	strace $0x80000048  }
0xb7: {  	_ =	swait.ge [sflag:s29], $0x1  }
0xb8: {  	[sflag:s29] =	ssyncadd.s32 $0xFFFFFFFF  }
0xb9: {  	_ =	strace $0x90000048  }
0xba: {  	_ =	sfence  }
0xbb: {  	s30 =	sld [smem:$0x0];
	_ =	sdelay $0x2  }
0xbc: {  	s31 =	sshll.u32 s1, $0xD;
	s1 =	sshrl.u32 s1, $0x2  }
0xbd: {  	s3 =	sand.u32 $0x4000, s31;
	s1 =	sadd.s32 s1, s30  }
0xbe: {  	s0 =	sor.u32 s3, s0;
	s1 =	sshll.u32 s1, $0x11  }
0xbf: {  	s0 =	sor.u32 s1, s0  }
0xc0: {  	s0 =	sadd.s32 $0x8F2B, s0  }
0xc1: {  	[sflag:s0] =	ssyncadd.remote.s32 $0x1  }
0xc2: {  	_ =	sfence.sel $0xFFFF  }
0xc3: {  	[dreg:$0x0] =	wrdreg $0xFFFFFFFF;
	(pc) =	sbr.abs _section_cstart, $3  }
0xc4: {  	[dreg:$0x1] =	wrdreg $0xFFFFFFFF  }
0xc5: {  	_ =	task.clear_ibuf [dreg:s9], $0x2FFFF;
	_ =	strace $0x9FFFFFFF  }
0xc6: {  	(tm) =	ssettm $0x7FFFFFFF  }
0xc7: {  	_ =	shalt  }
tec
execute0_lowered:
.L_overlay_start_1:
0x0: {  	(tag) =	ssettag $0x1  }
0x1: {  	s0 =	rddreg [dreg:$0x0]  }
0x2: {  	s7 =	rddreg [dreg:$0x1];
	v0 =	vimm.s32 $0x36147250;
	v2 =	vlaneseq.u32  }
0x3: {  	s12 =	rddreg [dreg:$0x2];
	s5 =	simm.s32 $0x0;
	v4 =	vimm.s32 $0x47250361;
	v5 =	vimm.s32 $0x25036147;
	v29 =	vmul.u32 $0x10, v2  }
0x4: {  	v1 =	vunpack.c.l.s4.s8 v0;
	v0 =	vmul.u32 $0x3D, v2;
	[smem:$0x7FF] =	sst s5;
	v4 =	vunpack.c.l.s4.s8 v4  }
0x5: {  	s11 =	rddreg [dreg:$0x3];
	v7 =	vimm.s32 $0x50361472;
	v6 =	vunpack.c.l.s4.s8 v5;
	_ =	strace $0x80000047;
	[tilespmem:$0x1FD00] =	vst v29  }
0x6: {  	v5 =	vunpack.c.0.s8.s32 v4;
	v4 =	vunpack.c.l.s4.s8 v7;
	v7 =	vadd.s32 $0x17, v0;
	[tilespmem:$0x1FF30] =	vst v0  }
0x7: {  	v8 =	vadd.s32 $0x2, v0;
	[tilespmem:$0x1FC90] =	vst v7  }
0x8: {  	v13 =	vadd.s32 $0x34, v0;
	[tilespmem:$0x1FCA0] =	vst v8  }
0x9: {  	v30 =	vadd.s32 $0x1A, v0;
	[tilespmem:$0x1FCE0] =	vst v13  }
0xa: {  	v31 =	vadd.s32 $0x5, v0;
	[tilespmem:$0x1FD10] =	vst v30  }
0xb: {  	v33 =	vadd.s32 $0x1B, v0;
	[tilespmem:$0x1FD20] =	vst v31  }
0xc: {  	v34 =	vadd.s32 $0x6, v0;
	[tilespmem:$0x1FD30] =	vst v33  }
0xd: {  	v35 =	vadd.s32 $0x1C, v0;
	[tilespmem:$0x1FD40] =	vst v34  }
0xe: {  	v32 =	vadd.s32 $0x7, v0;
	[tilespmem:$0x1FD50] =	vst v35  }
0xf: {  	v27 =	vadd.s32 $0x1D, v0;
	[tilespmem:$0x1FD60] =	vst v32  }
0x10: {  	v17 =	vadd.s32 $0x1E, v0;
	[tilespmem:$0x1FD70] =	vst v27  }
0x11: {  	v15 =	vadd.s32 $0x9, v0;
	[tilespmem:$0x1FD90] =	vst v17  }
0x12: {  	v41 =	vadd.s32 $0x1F, v0;
	[tilespmem:$0x1FDA0] =	vst v15  }
0x13: {  	v42 =	vadd.s32 $0xA, v0;
	[tilespmem:$0x1FDB0] =	vst v41  }
0x14: {  	v43 =	vadd.s32 $0x20, v0;
	[tilespmem:$0x1FDC0] =	vst v42  }
0x15: {  	v44 =	vadd.s32 $0xB, v0;
	[tilespmem:$0x1FDD0] =	vst v43  }
0x16: {  	v45 =	vadd.s32 $0x21, v0;
	[tilespmem:$0x1FDE0] =	vst v44  }
0x17: {  	v46 =	vadd.s32 $0xC, v0;
	[tilespmem:$0x1FDF0] =	vst v45  }
0x18: {  	v47 =	vadd.s32 $0x22, v0;
	[tilespmem:$0x1FE00] =	vst v46  }
0x19: {  	v48 =	vadd.s32 $0xD, v0;
	[tilespmem:$0x1FE10] =	vst v47  }
0x1a: {  	s1 =	srdreg.scid;
	s2 =	stileid.u32;
	v49 =	vadd.s32 $0x23, v0;
	[tilespmem:$0x1FE20] =	vst v48  }
0x1b: {  	s1 =	sand.u32 $0x1, s1;
	s2 =	sshll.u32 s2, $0x1;
	v50 =	vadd.s32 $0xE, v0;
	[tilespmem:$0x1FE30] =	vst v49  }
0x1c: {  	s2 =	sor.u32 s1, s2;
	v51 =	vadd.s32 $0x24, v0;
	[tilespmem:$0x1FE40] =	vst v50  }
0x1d: {  	s3 =	sadd.s32 $0x34800, s0;
	s8 =	sadd.s32 $0x800, s0;
	s13 =	smul.u32 $0xC350, s2;
	v52 =	vadd.s32 $0xF, v0;
	[tilespmem:$0x1FE50] =	vst v51  }
0x1e: {  	s9 =	sadd.s32 $0x3A00, s0;
	s1 =	ssub.s32 $0x2, s1;
	s6 =	smul.u32 $0x186A0, s2;
	v53 =	vadd.s32 $0x25, v0;
	[tilespmem:$0x1FE60] =	vst v52  }
0x1f: {  	s10 =	sadd.s32 $0x186DA00, s0;
	s22 =	sshrl.u32 s1, $0x1;
	s30 =	smul.u32 $0x5D142, s2;
	v54 =	vadd.s32 $0x10, v0;
	[tilespmem:$0x1FE70] =	vst v53  }
0x20: {  	[dreg:$0x5] =	wrdreg s3;
	s2 =	smul.u32 $0x2E8A10, s2;
	v55 =	vadd.s32 $0x26, v0;
	s0 =	ssub.s32 s1, s22;
	[tilespmem:$0x1FE80] =	vst v54  }
0x21: {  	v56 =	vadd.s32 $0x11, v0;
	[tilespmem:$0x1FE90] =	vst v55;
	s4 =	sshrl.u32 s13, $0x3;
	s25 =	sadd.s32 s10, s6;
	s26 =	sadd.s32 $0x200, s13  }
0x22: {  	v57 =	vadd.s32 $0x27, v0;
	[tilespmem:$0x1FEA0] =	vst v56;
	s17 =	sadd.s32 $0x400, s13;
	s19 =	sadd.s32 $0xC000, s13;
	s22 =	sadd.s32 $0x2DC000, s2  }
0x23: {  	v58 =	vadd.s32 $0x12, v0;
	[tilespmem:$0x1FEB0] =	vst v57;
	[dreg:$0x6] =	wrdreg s13;
	s0 =	smax.u32 s0, $0x1;
	s6 =	simm.s32 $0x7  }
0x24: {  	v59 =	vadd.s32 $0x28, v0;
	[tilespmem:$0x1FEC0] =	vst v58;
	s23 =	sadd.s32 s7, s4;
	s24 =	sadd.s32 s12, s4;
	[dreg:$0x9] =	wrdreg s25  }
0x25: {  	v60 =	vadd.s32 $0x13, v0;
	[tilespmem:$0x1FED0] =	vst v59;
	s28 =	sadd.s32 s9, s4;
	s29 =	sshrl.u32 s26, $0x3;
	[dreg:$0xf] =	wrdreg s17  }
0x26: {  	v61 =	vadd.s32 $0x29, v0;
	[tilespmem:$0x1FEE0] =	vst v60;
	s15 =	sshll.u32 s26, $0x1;
	s4 =	sadd.s32 s11, s30;
	[dreg:$0x1c] =	wrdreg s0  }
0x27: {  	v62 =	vadd.s32 $0x14, v0;
	[tilespmem:$0x1FEF0] =	vst v61;
	s18 =	sshrl.u32 s17, $0x3;
	s1 =	smul.u32 $0x3D, s26;
	[dreg:$0x7] =	wrdreg s23  }
0x28: {  	v63 =	vadd.s32 $0x2A, v0;
	[tilespmem:$0x1FF00] =	vst v62;
	s20 =	sshll.u32 s19, $0x1;
	s17 =	simm.s32 $0x1100;
	[dreg:$0x8] =	wrdreg s24  }
0x29: {  	v14 =	vadd.s32 $0x15, v0;
	[tilespmem:$0x1FF10] =	vst v63;
	[dreg:$0xa] =	wrdreg s28;
	s31 =	sadd.s32 s7, s29;
	s14 =	sadd.s32 s12, s29  }
0x2a: {  	v23 =	vadd.s32 $0x2B, v0;
	[tilespmem:$0x1FF20] =	vst v14;
	[dreg:$0xd] =	wrdreg s4;
	s16 =	sadd.s32 s10, s15;
	s3 =	sadd.s32 s9, s29  }
0x2b: {  	v24 =	vadd.s32 $0x2C, v0;
	[tilespmem:$0x1FF40] =	vst v23;
	s4 =	sadd.s32 s7, s18;
	s21 =	sadd.s32 s10, s20;
	[dreg:$0xb] =	wrdreg s31  }
0x2c: {  	v36 =	vadd.s32 $0x2D, v0;
	[tilespmem:$0x1FF50] =	vst v24;
	s23 =	sshrl.u32 s19, $0x3;
	s24 =	sadd.s32 $0xC200, s13;
	[dreg:$0xc] =	wrdreg s14  }
0x2d: {  	v25 =	vadd.s32 $0x2E, v0;
	[tilespmem:$0x1FF60] =	vst v36;
	s28 =	sadd.s32 $0x2E3A00, s2;
	s19 =	smov.u32 s12;
	[dreg:$0xe] =	wrdreg s16  }
0x2e: {  	v26 =	vadd.s32 $0x2F, v0;
	[tilespmem:$0x1FF70] =	vst v25;
	s13 =	simm.s32 $0x1;
	s15 =	simm.s32 $0x1B00;
	[dreg:$0x10] =	wrdreg s3  }
0x2f: {  	v37 =	vadd.s32 $0x30, v0;
	[tilespmem:$0x1FF80] =	vst v26;
	s20 =	simm.s32 $0x5F00;
	[dreg:$0x11] =	wrdreg s4;
	s3 =	sadd.s32 s12, s18  }
0x30: {  	v38 =	vadd.s32 $0x31, v0;
	[tilespmem:$0x1FF90] =	vst v37;
	s1 =	sshrl.u32 s1, $0x3;
	[dreg:$0x14] =	wrdreg s21;
	s25 =	sshll.u32 s24, $0x1  }
0x31: {  	v18 =	vadd.s32 $0x16, v0;
	[tilespmem:$0x1FFA0] =	vst v38;
	s26 =	sshrl.u32 s24, $0x3;
	s14 =	simm.s32 $0x200;
	s16 =	simm.s32 $0xD00  }
0x32: {  	v39 =	vadd.s32 $0x32, v0;
	[tilespmem:$0x1FFB0] =	vst v18;
	s18 =	simm.s32 $0x3;
	[dreg:$0x12] =	wrdreg s3;
	s1 =	sadd.s32 s11, s1  }
0x33: {  	v20 =	vadd.s32 $0x1, v0;
	v7 =	vunpack.c.0.s8.s32 v6;
	v6 =	vimm.s32 $0x61472503;
	[tilespmem:$0x1FFC0] =	vst v39;
	s21 =	simm.s32 $0x2;
	s3 =	sadd.s32 s9, s23;
	[dreg:$0x13] =	wrdreg s1  }
0x34: {  	[tilespmem:$0x1FFD0] =	vst v20;
	v9 =	vunpack.c.0.s8.s32 v4;
	v4 =	vunpack.c.l.s4.s8 v6;
	v6 =	vadd.s32 $0x18, v0;
	s24 =	simm.s32 $0xD900;
	s29 =	sadd.s32 s7, s26;
	[dreg:$0x15] =	wrdreg s3  }
0x35: {  	[tilespmem:$0x1FCB0] =	vst v6;
	v6 =	vadd.s32 $0x3, v0;
	s30 =	sadd.s32 s12, s26;
	s31 =	sadd.s32 s9, s26;
	[dreg:$0x18] =	wrdreg s29  }
0x36: {  	v40 =	vadd.s32 $0x33, v0;
	v28 =	vadd.s32 $0x35, v0;
	[tilespmem:$0x1FCC0] =	vst v6;
	v6 =	vimm.s32 $0x72503614;
	s7 =	smov.u32 s11;
	s1 =	sshrl.u32 s22, $0x3;
	[dreg:$0x19] =	wrdreg s30  }
0x37: {  	[tilespmem:$0x1FFE0] =	vst v40;
	v12 =	vunpack.c.0.s8.s32 v4;
	v4 =	vunpack.c.l.s4.s8 v6;
	v6 =	vimm.s32 $0x3614725;
	s12 =	simm.s32 $0xF00;
	[dreg:$0x1a] =	wrdreg s31;
	s1 =	sadd.s32 s11, s1  }
0x38: {  	v3 =	vimm.s32 $0x14725036;
	v8 =	vadd.s32 $0x19, v0;
	[tilespmem:$0x1FFF0] =	vst v28;
	v2 =	vunpack.c.l.s4.s8 v6;
	s23 =	simm.s32 $0x4;
	[dreg:$0x16] =	wrdreg s1;
	s1 =	sadd.s32 s10, s25  }
0x39: {  	v3 =	vunpack.c.l.s4.s8 v3;
	[tilespmem:$0x1FCF0] =	vst v8;
	v6 =	vadd.s32 $0x4, v0;
	s26 =	simm.s32 $0x6;
	[dreg:$0x17] =	wrdreg s1;
	s1 =	sshrl.u32 s28, $0x3  }
0x3a: {  	[tilespmem:$0x1FCD0] =	vst v6;
	s22 =	simm.s32 $0x3B00;
	v19 =	vunpack.c.0.s8.s32 v2;
	v2 =	vadd.s32 $0x8, v0;
	s25 =	simm.s32 $0x5;
	s1 =	sadd.s32 s11, s1  }
0x3b: {  	v1 =	vunpack.c.0.s8.s32 v1;
	v3 =	vunpack.c.0.s8.s32 v3;
	v16 =	vunpack.c.0.s8.s32 v4;
	v13 =	vmovc v2;
	[tilespmem:$0x1FD80] =	vst v2;
	s11 =	simm.s32 $0xB00;
	[dreg:$0x1b] =	wrdreg s1;
	s1 =	simm.s32 $0x0  }
.LBB2_1:
0x3c: {  	[dreg:$0x1d] =	wrdreg s1  }
0x3d: {  	s0 =	rddreg [dreg:$0x5]  }
0x3e: {  	[tilespmem:s5], [sflag:$0x7] =	stream.linear.gather [hbm4b:s0+s5], $0xB00, $0x38;
	[tilespmem:$0x15300] =	vst v63  }
0x3f: {  	_ =	swait.ge [sflag:s6], $0xB00  }
0x40: {  	[sflag:s6] =	ssyncset.done $0x0  }
0x41: {  	[sflag:s6] =	ssyncadd.s32 $0xFFFFF500;
	s6 =	rddreg [dreg:$0x7]  }
0x42: {  	[tilespmem:s11], [sflag:$0x1] =	stream.linear.gather [hbm4b:s6+s5], $0x200, $0x38;
	[tilespmem:$0x15300] =	vst v63  }
0x43: {  	s28 =	rddreg [dreg:$0x8]  }
0x44: {  	[tilespmem:s12], [sflag:$0x1] =	stream.linear.gather [hbm4b:s28+s5], $0x200, $0x38;
	[tilespmem:$0x15300] =	vst v63  }
0x45: {  	_ =	swait.ge [sflag:s13], $0x200  }
0x46: {  	[sflag:s13] =	ssyncset.done $0x0  }
0x47: {  	[sflag:s13] =	ssyncadd.s32 $0xFFFFFE00  }
0x48: {  	_ =	swait.ge [sflag:s13], $0x200  }
0x49: {  	[sflag:s13] =	ssyncset.done $0x0  }
0x4a: {  	s0 =	simm.s32 $0x1300;
	[sflag:s13] =	ssyncadd.s32 $0xFFFFFE00  }
0x4b: {  	[tilespmem:s0], [sflag:$0x3] =	stream.indirect.gather [hbm4b:s8+s14], $0x1, s11, s14, $0xb8;
	[tilespmem:$0x15300] =	vst v63  }
0x4c: {  	s4 =	simm.s32 $0x1700  }
0x4d: {  	[tilespmem:s4], [sflag:$0x3] =	stream.indirect.gather [hbm4b:s8+s14], $0x1, s12, s14, $0xb8;
	[tilespmem:$0x15300] =	vst v63  }
0x4e: {  	s29 =	rddreg [dreg:$0x9]  }
0x4f: {  	[tilespmem:s15], [sflag:$0x3] =	stream.linear.gather [hbm4b:s29+s5], $0x2000, $0x38;
	[tilespmem:$0x15300] =	vst v63  }
0x50: {  	s1 =	simm.s32 $0x5B00;
	s2 =	rddreg [dreg:$0xa]  }
0x51: {  	[tilespmem:s1], [sflag:$0x3] =	stream.linear.gather [hbm4b:s2+s5], $0x200, $0x38;
	[tilespmem:$0x15300] =	vst v63  }
0x52: {  	s30 =	rddreg [dreg:$0xb]  }
0x53: {  	[tilespmem:s16], [sflag:$0x2] =	stream.linear.gather [hbm4b:s30+s5], $0x200, $0x38;
	[tilespmem:$0x15300] =	vst v63  }
0x54: {  	s31 =	rddreg [dreg:$0xc]  }
0x55: {  	[tilespmem:s17], [sflag:$0x2] =	stream.linear.gather [hbm4b:s31+s5], $0x200, $0x38;
	[tilespmem:$0x15300] =	vst v63  }
0x56: {  	_ =	swait.ge [sflag:s18], $0x200  }
0x57: {  	[sflag:s18] =	ssyncset.done $0x0  }
0x58: {  	[sflag:s18] =	ssyncadd.s32 $0xFFFFFE00  }
0x59: {  	_ =	swait.ge [sflag:s18], $0x200  }
0x5a: {  	[sflag:s18] =	ssyncset.done $0x0  }
0x5b: {  	[sflag:s18] =	ssyncadd.s32 $0xFFFFFE00  }
0x5c: {  	_ =	swait.ge [sflag:s18], $0x2000  }
0x5d: {  	[sflag:s18] =	ssyncset.done $0x0  }
0x5e: {  	[sflag:s18] =	ssyncadd.s32 $0xFFFFE000  }
0x5f: {  	_ =	swait.ge [sflag:s18], $0x200  }
0x60: {  	v25 =	vld [tilespmem:$0x1FCE0]  }
0x61: {  	v26 =	vld [tilespmem:$0x1FC90]  }
0x62: {  	v36 =	vld [tilespmem:$0x1FCA0]  }
0x63: {  	v38 =	vld [tilespmem:$0x1FCB0]  }
0x64: {  	[sflag:s18] =	ssyncset.done $0x0;
	v39 =	vld [tilespmem:$0x1FCC0]  }
0x65: {  	v37 =	vmovc v29;
	v30 =	vmov v13;
	v21 =	vmov v15;
	v22 =	vmov v28;
	s6 =	simm.s32 $0x0;
	s2 =	simm.s32 $0x0;
	v40 =	vld [tilespmem:$0x1FCD0];
	[sflag:s18] =	ssyncadd.s32 $0xFFFFFE00  }
.LBB2_2:
0x66: {  	v4 =	vld [tilespmem:s0+$0x0];
	_ =	sdelay $0x5  }
0x67: {  	v6 =	vadd.s32 s2, v0;
	v2 =	vld [tilespmem:s4+$0x0]  }
0x68: {  	v6 =	vand.u32 $0xFFF8, v6  }
0x69: {  	v6 =	vor.u32 v1, v6;
	v8 =	vld.idx.msk [tilespmem:v4+s5+$0x0], $0xffff;
	_ =	sdelay $0x3  }
0x6a: {  	v10 =	vadd.s32 s2, v18  }
0x6b: {  	[tilespmem:v6+s20+$0x0] =	vst.idx.msk $0xffff, v8;
	v6 =	vand.u32 $0xFFF8, v10  }
0x6c: {  	v8 =	vld.idx.msk [tilespmem:v2+s5+$0x0], $0xffff;
	v6 =	vor.u32 v3, v6  }
0x6d: {  	v10 =	vadd.s32 $0x1, v4;
	_ =	sdelay $0x2  }
0x6e: {  	v11 =	vadd.s32 s2, v20  }
0x6f: {  	[tilespmem:v6+s20+$0x0] =	vst.idx.msk $0xffff, v8;
	v6 =	vand.u32 $0xFFF8, v11  }
0x70: {  	v8 =	vld.idx.msk [tilespmem:v10+s5+$0x0], $0xffff;
	v6 =	vor.u32 v5, v6  }
0x71: {  	v10 =	vadd.s32 $0x1, v2;
	_ =	sdelay $0x2  }
0x72: {  	v11 =	vadd.s32 s2, v26  }
0x73: {  	[tilespmem:v6+s20+$0x0] =	vst.idx.msk $0xffff, v8;
	v6 =	vand.u32 $0xFFF8, v11  }
0x74: {  	v8 =	vld.idx.msk [tilespmem:v10+s5+$0x0], $0xffff;
	v6 =	vor.u32 v7, v6  }
0x75: {  	v10 =	vadd.s32 $0x2, v4;
	_ =	sdelay $0x2  }
0x76: {  	v11 =	vadd.s32 s2, v36  }
0x77: {  	[tilespmem:v6+s20+$0x0] =	vst.idx.msk $0xffff, v8;
	v6 =	vand.u32 $0xFFF8, v11  }
0x78: {  	v8 =	vld.idx.msk [tilespmem:v10+s5+$0x0], $0xffff;
	v6 =	vor.u32 v9, v6  }
0x79: {  	v10 =	vadd.s32 $0x2, v2;
	_ =	sdelay $0x2  }
0x7a: {  	v11 =	vadd.s32 s2, v38  }
0x7b: {  	[tilespmem:v6+s20+$0x0] =	vst.idx.msk $0xffff, v8;
	v6 =	vand.u32 $0xFFF8, v11  }
0x7c: {  	v8 =	vld.idx.msk [tilespmem:v10+s5+$0x0], $0xffff;
	v6 =	vor.u32 v1, v6  }
0x7d: {  	v10 =	vadd.s32 $0x3, v4;
	_ =	sdelay $0x2  }
0x7e: {  	v11 =	vadd.s32 s2, v39  }
0x7f: {  	[tilespmem:v6+s20+$0x0] =	vst.idx.msk $0xffff, v8;
	v6 =	vand.u32 $0xFFF8, v11;
	v11 =	vld [tilespmem:$0x1FCF0]  }
0x80: {  	v8 =	vld.idx.msk [tilespmem:v10+s5+$0x0], $0xffff;
	v6 =	vor.u32 v12, v6  }
0x81: {  	v10 =	vadd.s32 $0x3, v2;
	_ =	sdelay $0x2  }
0x82: {  	v11 =	vadd.s32 s2, v11  }
0x83: {  	[tilespmem:v6+s20+$0x0] =	vst.idx.msk $0xffff, v8;
	v6 =	vand.u32 $0xFFF8, v11  }
0x84: {  	v8 =	vld.idx.msk [tilespmem:v10+s5+$0x0], $0xffff;
	v6 =	vor.u32 v5, v6  }
0x85: {  	v10 =	vadd.s32 $0x4, v4;
	_ =	sdelay $0x2  }
0x86: {  	v11 =	vadd.s32 s2, v40  }
0x87: {  	[tilespmem:v6+s20+$0x0] =	vst.idx.msk $0xffff, v8;
	v6 =	vand.u32 $0xFFF8, v11;
	v11 =	vld [tilespmem:$0x1FD10]  }
0x88: {  	v8 =	vld.idx.msk [tilespmem:v10+s5+$0x0], $0xffff;
	v6 =	vor.u32 v16, v6  }
0x89: {  	v10 =	vadd.s32 $0x4, v2;
	_ =	sdelay $0x2  }
0x8a: {  	v11 =	vadd.s32 s2, v11  }
0x8b: {  	[tilespmem:v6+s20+$0x0] =	vst.idx.msk $0xffff, v8;
	v6 =	vand.u32 $0xFFF8, v11  }
0x8c: {  	v8 =	vld.idx.msk [tilespmem:v10+s5+$0x0], $0xffff;
	v6 =	vor.u32 v9, v6  }
0x8d: {  	v10 =	vadd.s32 $0x5, v4;
	_ =	sdelay $0x2  }
0x8e: {  	v11 =	vadd.s32 s2, v31  }
0x8f: {  	[tilespmem:v6+s20+$0x0] =	vst.idx.msk $0xffff, v8;
	v6 =	vand.u32 $0xFFF8, v11  }
0x90: {  	v8 =	vld.idx.msk [tilespmem:v10+s5+$0x0], $0xffff;
	v6 =	vor.u32 v19, v6  }
0x91: {  	v10 =	vadd.s32 $0x5, v2;
	_ =	sdelay $0x2  }
0x92: {  	v11 =	vadd.s32 s2, v33  }
0x93: {  	[tilespmem:v6+s20+$0x0] =	vst.idx.msk $0xffff, v8;
	v6 =	vand.u32 $0xFFF8, v11  }
0x94: {  	v8 =	vld.idx.msk [tilespmem:v10+s5+$0x0], $0xffff;
	v6 =	vor.u32 v12, v6  }
0x95: {  	v10 =	vadd.s32 $0x6, v4;
	_ =	sdelay $0x2  }
0x96: {  	v11 =	vadd.s32 s2, v34  }
0x97: {  	[tilespmem:v6+s20+$0x0] =	vst.idx.msk $0xffff, v8;
	v6 =	vand.u32 $0xFFF8, v11  }
0x98: {  	v8 =	vld.idx.msk [tilespmem:v10+s5+$0x0], $0xffff;
	v6 =	vor.u32 v3, v6  }
0x99: {  	v10 =	vadd.s32 $0x6, v2;
	_ =	sdelay $0x2  }
0x9a: {  	v11 =	vadd.s32 s2, v35  }
0x9b: {  	[tilespmem:v6+s20+$0x0] =	vst.idx.msk $0xffff, v8;
	v6 =	vand.u32 $0xFFF8, v11  }
0x9c: {  	v8 =	vld.idx.msk [tilespmem:v10+s5+$0x0], $0xffff;
	v6 =	vor.u32 v16, v6  }
0x9d: {  	v10 =	vadd.s32 $0x7, v4;
	_ =	sdelay $0x2  }
0x9e: {  	v11 =	vadd.s32 s2, v32  }
0x9f: {  	[tilespmem:v6+s20+$0x0] =	vst.idx.msk $0xffff, v8;
	v6 =	vand.u32 $0xFFF8, v11  }
0xa0: {  	v8 =	vld.idx.msk [tilespmem:v10+s5+$0x0], $0xffff;
	v6 =	vor.u32 v7, v6  }
0xa1: {  	v10 =	vadd.s32 $0x7, v2;
	_ =	sdelay $0x2  }
0xa2: {  	v11 =	vadd.s32 s2, v27  }
0xa3: {  	[tilespmem:v6+s20+$0x0] =	vst.idx.msk $0xffff, v8;
	v6 =	vand.u32 $0xFFF8, v11  }
0xa4: {  	v8 =	vld.idx.msk [tilespmem:v10+s5+$0x0], $0xffff;
	v6 =	vor.u32 v19, v6  }
0xa5: {  	v10 =	vadd.s32 $0x8, v4;
	_ =	sdelay $0x2  }
0xa6: {  	v11 =	vadd.s32 s2, v30  }
0xa7: {  	[tilespmem:v6+s20+$0x0] =	vst.idx.msk $0xffff, v8;
	v6 =	vand.u32 $0xFFF8, v11  }
0xa8: {  	v8 =	vld.idx.msk [tilespmem:v10+s5+$0x0], $0xffff;
	v6 =	vor.u32 v1, v6  }
0xa9: {  	v10 =	vadd.s32 $0x8, v2;
	_ =	sdelay $0x2  }
0xaa: {  	v11 =	vadd.s32 s2, v17  }
0xab: {  	[tilespmem:v6+s20+$0x0] =	vst.idx.msk $0xffff, v8;
	v6 =	vand.u32 $0xFFF8, v11  }
0xac: {  	v8 =	vld.idx.msk [tilespmem:v10+s5+$0x0], $0xffff;
	v6 =	vor.u32 v3, v6  }
0xad: {  	v10 =	vadd.s32 $0x9, v4;
	_ =	sdelay $0x2  }
0xae: {  	v11 =	vadd.s32 s2, v21  }
0xaf: {  	[tilespmem:v6+s20+$0x0] =	vst.idx.msk $0xffff, v8;
	v6 =	vand.u32 $0xFFF8, v11  }
0xb0: {  	v8 =	vld.idx.msk [tilespmem:v10+s5+$0x0], $0xffff;
	v6 =	vor.u32 v5, v6  }
0xb1: {  	v10 =	vadd.s32 $0x9, v2;
	_ =	sdelay $0x2  }
0xb2: {  	v11 =	vadd.s32 s2, v41  }
0xb3: {  	[tilespmem:v6+s20+$0x0] =	vst.idx.msk $0xffff, v8;
	v6 =	vand.u32 $0xFFF8, v11  }
0xb4: {  	v8 =	vld.idx.msk [tilespmem:v10+s5+$0x0], $0xffff;
	v6 =	vor.u32 v7, v6  }
0xb5: {  	v10 =	vadd.s32 $0xA, v4;
	_ =	sdelay $0x2  }
0xb6: {  	v11 =	vadd.s32 s2, v42  }
0xb7: {  	[tilespmem:v6+s20+$0x0] =	vst.idx.msk $0xffff, v8;
	v6 =	vand.u32 $0xFFF8, v11  }
0xb8: {  	v8 =	vld.idx.msk [tilespmem:v10+s5+$0x0], $0xffff;
	v6 =	vor.u32 v9, v6  }
0xb9: {  	v10 =	vadd.s32 $0xA, v2;
	_ =	sdelay $0x2  }
0xba: {  	v11 =	vadd.s32 s2, v43  }
0xbb: {  	[tilespmem:v6+s20+$0x0] =	vst.idx.msk $0xffff, v8;
	v6 =	vand.u32 $0xFFF8, v11  }
0xbc: {  	v8 =	vld.idx.msk [tilespmem:v10+s5+$0x0], $0xffff;
	v6 =	vor.u32 v1, v6  }
0xbd: {  	v10 =	vadd.s32 $0xB, v4;
	_ =	sdelay $0x2  }
0xbe: {  	v11 =	vadd.s32 s2, v44  }
0xbf: {  	[tilespmem:v6+s20+$0x0] =	vst.idx.msk $0xffff, v8;
	v6 =	vand.u32 $0xFFF8, v11  }
0xc0: {  	v8 =	vld.idx.msk [tilespmem:v10+s5+$0x0], $0xffff;
	v6 =	vor.u32 v12, v6  }
0xc1: {  	v10 =	vadd.s32 $0xB, v2;
	_ =	sdelay $0x2  }
0xc2: {  	v11 =	vadd.s32 s2, v45  }
0xc3: {  	[tilespmem:v6+s20+$0x0] =	vst.idx.msk $0xffff, v8;
	v6 =	vand.u32 $0xFFF8, v11  }
0xc4: {  	v8 =	vld.idx.msk [tilespmem:v10+s5+$0x0], $0xffff;
	v6 =	vor.u32 v5, v6  }
0xc5: {  	v10 =	vadd.s32 $0xC, v4;
	_ =	sdelay $0x2  }
0xc6: {  	v11 =	vadd.s32 s2, v46  }
0xc7: {  	[tilespmem:v6+s20+$0x0] =	vst.idx.msk $0xffff, v8;
	v6 =	vand.u32 $0xFFF8, v11  }
0xc8: {  	v8 =	vld.idx.msk [tilespmem:v10+s5+$0x0], $0xffff;
	v6 =	vor.u32 v16, v6  }
0xc9: {  	v10 =	vadd.s32 $0xC, v2;
	_ =	sdelay $0x2  }
0xca: {  	v11 =	vadd.s32 s2, v47  }
0xcb: {  	[tilespmem:v6+s20+$0x0] =	vst.idx.msk $0xffff, v8;
	v6 =	vand.u32 $0xFFF8, v11  }
0xcc: {  	v8 =	vld.idx.msk [tilespmem:v10+s5+$0x0], $0xffff;
	v6 =	vor.u32 v9, v6  }
0xcd: {  	v10 =	vadd.s32 $0xD, v4;
	_ =	sdelay $0x2  }
0xce: {  	v11 =	vadd.s32 s2, v48  }
0xcf: {  	[tilespmem:v6+s20+$0x0] =	vst.idx.msk $0xffff, v8;
	v6 =	vand.u32 $0xFFF8, v11  }
0xd0: {  	v8 =	vld.idx.msk [tilespmem:v10+s5+$0x0], $0xffff;
	v6 =	vor.u32 v19, v6  }
0xd1: {  	v10 =	vadd.s32 $0xD, v2;
	_ =	sdelay $0x2  }
0xd2: {  	v11 =	vadd.s32 s2, v49  }
0xd3: {  	[tilespmem:v6+s20+$0x0] =	vst.idx.msk $0xffff, v8;
	v6 =	vand.u32 $0xFFF8, v11  }
0xd4: {  	v8 =	vld.idx.msk [tilespmem:v10+s5+$0x0], $0xffff;
	v6 =	vor.u32 v12, v6  }
0xd5: {  	v10 =	vadd.s32 $0xE, v4;
	_ =	sdelay $0x2  }
0xd6: {  	v11 =	vadd.s32 s2, v50  }
0xd7: {  	[tilespmem:v6+s20+$0x0] =	vst.idx.msk $0xffff, v8;
	v6 =	vand.u32 $0xFFF8, v11  }
0xd8: {  	v8 =	vld.idx.msk [tilespmem:v10+s5+$0x0], $0xffff;
	v6 =	vor.u32 v3, v6  }
0xd9: {  	v10 =	vadd.s32 $0xE, v2;
	_ =	sdelay $0x2  }
0xda: {  	v11 =	vadd.s32 s2, v51  }
0xdb: {  	[tilespmem:v6+s20+$0x0] =	vst.idx.msk $0xffff, v8;
	v6 =	vand.u32 $0xFFF8, v11  }
0xdc: {  	v8 =	vld.idx.msk [tilespmem:v10+s5+$0x0], $0xffff;
	v6 =	vor.u32 v16, v6  }
0xdd: {  	v10 =	vadd.s32 $0xF, v4;
	_ =	sdelay $0x2  }
0xde: {  	v11 =	vadd.s32 s2, v52  }
0xdf: {  	[tilespmem:v6+s20+$0x0] =	vst.idx.msk $0xffff, v8;
	v6 =	vand.u32 $0xFFF8, v11  }
0xe0: {  	v8 =	vld.idx.msk [tilespmem:v10+s5+$0x0], $0xffff;
	v6 =	vor.u32 v7, v6  }
0xe1: {  	v10 =	vadd.s32 $0xF, v2;
	_ =	sdelay $0x2  }
0xe2: {  	v11 =	vadd.s32 s2, v53  }
0xe3: {  	[tilespmem:v6+s20+$0x0] =	vst.idx.msk $0xffff, v8;
	v6 =	vand.u32 $0xFFF8, v11  }
0xe4: {  	v8 =	vld.idx.msk [tilespmem:v10+s5+$0x0], $0xffff;
	v6 =	vor.u32 v19, v6  }
0xe5: {  	v10 =	vadd.s32 $0x10, v4;
	_ =	sdelay $0x2  }
0xe6: {  	v11 =	vadd.s32 s2, v54  }
0xe7: {  	[tilespmem:v6+s20+$0x0] =	vst.idx.msk $0xffff, v8;
	v6 =	vand.u32 $0xFFF8, v11  }
0xe8: {  	v8 =	vld.idx.msk [tilespmem:v10+s5+$0x0], $0xffff;
	v6 =	vor.u32 v1, v6  }
0xe9: {  	v10 =	vadd.s32 $0x10, v2;
	_ =	sdelay $0x2  }
0xea: {  	v11 =	vadd.s32 s2, v55  }
0xeb: {  	[tilespmem:v6+s20+$0x0] =	vst.idx.msk $0xffff, v8;
	v6 =	vand.u32 $0xFFF8, v11  }
0xec: {  	v8 =	vld.idx.msk [tilespmem:v10+s5+$0x0], $0xffff;
	v6 =	vor.u32 v3, v6  }
0xed: {  	v10 =	vadd.s32 $0x11, v4;
	_ =	sdelay $0x2  }
0xee: {  	v11 =	vadd.s32 s2, v56  }
0xef: {  	[tilespmem:v6+s20+$0x0] =	vst.idx.msk $0xffff, v8;
	v6 =	vand.u32 $0xFFF8, v11  }
0xf0: {  	v8 =	vld.idx.msk [tilespmem:v10+s5+$0x0], $0xffff;
	v6 =	vor.u32 v5, v6  }
0xf1: {  	v10 =	vadd.s32 $0x11, v2;
	_ =	sdelay $0x2  }
0xf2: {  	v11 =	vadd.s32 s2, v57  }
0xf3: {  	[tilespmem:v6+s20+$0x0] =	vst.idx.msk $0xffff, v8;
	v6 =	vand.u32 $0xFFF8, v11  }
0xf4: {  	v8 =	vld.idx.msk [tilespmem:v10+s5+$0x0], $0xffff;
	v6 =	vor.u32 v7, v6  }
0xf5: {  	v10 =	vadd.s32 $0x12, v4;
	_ =	sdelay $0x2  }
0xf6: {  	v11 =	vadd.s32 s2, v58  }
0xf7: {  	[tilespmem:v6+s20+$0x0] =	vst.idx.msk $0xffff, v8;
	v6 =	vand.u32 $0xFFF8, v11  }
0xf8: {  	v8 =	vld.idx.msk [tilespmem:v10+s5+$0x0], $0xffff;
	v6 =	vor.u32 v9, v6  }
0xf9: {  	v10 =	vadd.s32 $0x12, v2;
	_ =	sdelay $0x2  }
0xfa: {  	v11 =	vadd.s32 s2, v59  }
0xfb: {  	[tilespmem:v6+s20+$0x0] =	vst.idx.msk $0xffff, v8;
	v6 =	vand.u32 $0xFFF8, v11  }
0xfc: {  	v8 =	vld.idx.msk [tilespmem:v10+s5+$0x0], $0xffff;
	v6 =	vor.u32 v1, v6  }
0xfd: {  	v10 =	vadd.s32 $0x13, v4;
	_ =	sdelay $0x2  }
0xfe: {  	v11 =	vadd.s32 s2, v60  }
0xff: {  	[tilespmem:v6+s20+$0x0] =	vst.idx.msk $0xffff, v8;
	v6 =	vand.u32 $0xFFF8, v11  }
0x100: {  	v8 =	vld.idx.msk [tilespmem:v10+s5+$0x0], $0xffff;
	v6 =	vor.u32 v12, v6  }
0x101: {  	v10 =	vadd.s32 $0x13, v2;
	_ =	sdelay $0x2  }
0x102: {  	v11 =	vadd.s32 s2, v61  }
0x103: {  	[tilespmem:v6+s20+$0x0] =	vst.idx.msk $0xffff, v8;
	v6 =	vand.u32 $0xFFF8, v11  }
0x104: {  	v8 =	vld.idx.msk [tilespmem:v10+s5+$0x0], $0xffff;
	v6 =	vor.u32 v5, v6  }
0x105: {  	v10 =	vadd.s32 $0x14, v4;
	_ =	sdelay $0x2  }
0x106: {  	v11 =	vadd.s32 s2, v62  }
0x107: {  	[tilespmem:v6+s20+$0x0] =	vst.idx.msk $0xffff, v8;
	v6 =	vand.u32 $0xFFF8, v11  }
0x108: {  	v8 =	vld.idx.msk [tilespmem:v10+s5+$0x0], $0xffff;
	v6 =	vor.u32 v16, v6  }
0x109: {  	v10 =	vadd.s32 $0x14, v2;
	_ =	sdelay $0x2  }
0x10a: {  	v11 =	vadd.s32 s2, v63  }
0x10b: {  	[tilespmem:v6+s20+$0x0] =	vst.idx.msk $0xffff, v8;
	v6 =	vand.u32 $0xFFF8, v11  }
0x10c: {  	v8 =	vld.idx.msk [tilespmem:v10+s5+$0x0], $0xffff;
	v6 =	vor.u32 v9, v6  }
0x10d: {  	v4 =	vadd.s32 $0x15, v4;
	_ =	sdelay $0x2  }
0x10e: {  	v10 =	vadd.s32 s2, v14  }
0x10f: {  	[tilespmem:v6+s20+$0x0] =	vst.idx.msk $0xffff, v8;
	v6 =	vand.u32 $0xFFF8, v10  }
0x110: {  	v4 =	vld.idx.msk [tilespmem:v4+s5+$0x0], $0xffff;
	v6 =	vor.u32 v19, v6  }
0x111: {  	v2 =	vadd.s32 $0x15, v2;
	_ =	sdelay $0x2  }
0x112: {  	v8 =	vadd.s32 s2, v23  }
0x113: {  	v10 =	vmov s6;
	[tilespmem:v6+s20+$0x0] =	vst.idx.msk $0xffff, v4;
	v4 =	vand.u32 $0xFFF8, v8  }
0x114: {  	v6 =	vshll.u32 v10, $0x4;
	v2 =	vld.idx.msk [tilespmem:v2+s5+$0x0], $0xffff;
	v4 =	vor.u32 v12, v4  }
0x115: {  	v10 =	vor.u32 v37, v6;
	_ =	sdelay $0x2  }
0x116: {  	v6 =	vadd.s32 s2, v24  }
0x117: {  	v8 =	vld [tilespmem:$0x1FF60];
	[tilespmem:v4+s20+$0x0] =	vst.idx.msk $0xffff, v2;
	v2 =	vand.u32 $0xFFF8, v6  }
0x118: {  	v4 =	vld.idx.msk [tilespmem:v10+s15+$0x0], $0xffff;
	v2 =	vor.u32 v16, v2  }
0x119: {  	v6 =	vor.u32 $0x1, v10;
	_ =	sdelay $0x2  }
0x11a: {  	v8 =	vadd.s32 s2, v8  }
0x11b: {  	[tilespmem:v2+s20+$0x0] =	vst.idx.msk $0xffff, v4;
	v2 =	vand.u32 $0xFFF8, v8;
	v8 =	vld [tilespmem:$0x1FF70]  }
0x11c: {  	v4 =	vld.idx.msk [tilespmem:v6+s15+$0x0], $0xffff;
	v2 =	vor.u32 v19, v2  }
0x11d: {  	v6 =	vor.u32 $0x2, v10;
	_ =	sdelay $0x2  }
0x11e: {  	v8 =	vadd.s32 s2, v8  }
0x11f: {  	[tilespmem:v2+s20+$0x0] =	vst.idx.msk $0xffff, v4;
	v2 =	vand.u32 $0xFFF8, v8;
	v8 =	vld [tilespmem:$0x1FF80]  }
0x120: {  	v4 =	vld.idx.msk [tilespmem:v6+s15+$0x0], $0xffff;
	v2 =	vor.u32 v3, v2  }
0x121: {  	v6 =	vor.u32 $0x3, v10;
	_ =	sdelay $0x2  }
0x122: {  	v8 =	vadd.s32 s2, v8  }
0x123: {  	[tilespmem:v2+s20+$0x0] =	vst.idx.msk $0xffff, v4;
	v2 =	vand.u32 $0xFFF8, v8;
	v8 =	vld [tilespmem:$0x1FF90]  }
0x124: {  	v4 =	vld.idx.msk [tilespmem:v6+s15+$0x0], $0xffff;
	v2 =	vor.u32 v7, v2  }
0x125: {  	v6 =	vor.u32 $0x4, v10;
	_ =	sdelay $0x2  }
0x126: {  	v8 =	vadd.s32 s2, v8  }
0x127: {  	[tilespmem:v2+s20+$0x0] =	vst.idx.msk $0xffff, v4;
	v2 =	vand.u32 $0xFFF8, v8;
	v8 =	vld [tilespmem:$0x1FFA0]  }
0x128: {  	v4 =	vld.idx.msk [tilespmem:v6+s15+$0x0], $0xffff;
	v2 =	vor.u32 v1, v2  }
0x129: {  	v6 =	vor.u32 $0x5, v10;
	_ =	sdelay $0x2  }
0x12a: {  	v8 =	vadd.s32 s2, v8  }
0x12b: {  	[tilespmem:v2+s20+$0x0] =	vst.idx.msk $0xffff, v4;
	v2 =	vand.u32 $0xFFF8, v8;
	v8 =	vld [tilespmem:$0x1FFC0]  }
0x12c: {  	v4 =	vld.idx.msk [tilespmem:v6+s15+$0x0], $0xffff;
	v2 =	vor.u32 v5, v2  }
0x12d: {  	v6 =	vor.u32 $0x6, v10;
	_ =	sdelay $0x2  }
0x12e: {  	v8 =	vadd.s32 s2, v8  }
0x12f: {  	[tilespmem:v2+s20+$0x0] =	vst.idx.msk $0xffff, v4;
	v2 =	vand.u32 $0xFFF8, v8;
	v8 =	vld [tilespmem:$0x1FFE0]  }
0x130: {  	v4 =	vld.idx.msk [tilespmem:v6+s15+$0x0], $0xffff;
	v2 =	vor.u32 v9, v2  }
0x131: {  	v6 =	vor.u32 $0x7, v10;
	_ =	sdelay $0x2  }
0x132: {  	v8 =	vadd.s32 s2, v8  }
0x133: {  	[tilespmem:v2+s20+$0x0] =	vst.idx.msk $0xffff, v4;
	v2 =	vand.u32 $0xFFF8, v8  }
0x134: {  	v4 =	vld.idx.msk [tilespmem:v6+s15+$0x0], $0xffff;
	v2 =	vor.u32 v12, v2  }
0x135: {  	v6 =	vor.u32 $0x8, v10;
	_ =	sdelay $0x2  }
0x136: {  	v8 =	vadd.s32 s2, v25  }
0x137: {  	[tilespmem:v2+s20+$0x0] =	vst.idx.msk $0xffff, v4;
	v2 =	vand.u32 $0xFFF8, v8  }
0x138: {  	v4 =	vld.idx.msk [tilespmem:v6+s15+$0x0], $0xffff;
	v2 =	vor.u32 v16, v2  }
0x139: {  	v6 =	vor.u32 $0x9, v10;
	_ =	sdelay $0x2  }
0x13a: {  	v8 =	vadd.s32 s2, v22  }
0x13b: {  	[tilespmem:v2+s20+$0x0] =	vst.idx.msk $0xffff, v4;
	v2 =	vand.u32 $0xFFF8, v8  }
0x13c: {  	v4 =	vld.idx.msk [tilespmem:v6+s15+$0x0], $0xffff;
	v2 =	vor.u32 v19, v2  }
0x13d: {  	v6 =	vor.u32 $0xA, v10;
	_ =	sdelay $0x1  }
0x13e: {  	v28 =	vadd.s32 $0x36, v0  }
0x13f: {  	v8 =	vadd.s32 s2, v28  }
0x140: {  	[tilespmem:v2+s20+$0x0] =	vst.idx.msk $0xffff, v4;
	v2 =	vand.u32 $0xFFF8, v8  }
0x141: {  	v4 =	vld.idx.msk [tilespmem:v6+s15+$0x0], $0xffff;
	v6 =	vor.u32 v3, v2  }
0x142: {  	v8 =	vor.u32 $0xB, v10;
	_ =	sdelay $0x1  }
0x143: {  	v2 =	vadd.s32 $0x37, v0  }
0x144: {  	v11 =	vadd.s32 s2, v2  }
0x145: {  	[tilespmem:v6+s20+$0x0] =	vst.idx.msk $0xffff, v4;
	v4 =	vand.u32 $0xFFF8, v11  }
0x146: {  	v6 =	vld.idx.msk [tilespmem:v8+s15+$0x0], $0xffff;
	v8 =	vor.u32 v7, v4  }
0x147: {  	v11 =	vor.u32 $0xC, v10;
	_ =	sdelay $0x1  }
0x148: {  	v4 =	vadd.s32 $0x38, v0  }
0x149: {  	v13 =	vadd.s32 s2, v4  }
0x14a: {  	[tilespmem:v8+s20+$0x0] =	vst.idx.msk $0xffff, v6;
	v6 =	vand.u32 $0xFFF8, v13  }
0x14b: {  	v8 =	vld.idx.msk [tilespmem:v11+s15+$0x0], $0xffff;
	v11 =	vor.u32 v1, v6  }
0x14c: {  	v13 =	vor.u32 $0xD, v10;
	_ =	sdelay $0x1  }
0x14d: {  	v6 =	vadd.s32 $0x39, v0  }
0x14e: {  	v29 =	vmov v14;
	v14 =	vadd.s32 s2, v6  }
0x14f: {  	[tilespmem:v11+s20+$0x0] =	vst.idx.msk $0xffff, v8;
	v8 =	vand.u32 $0xFFF8, v14  }
0x150: {  	v11 =	vld.idx.msk [tilespmem:v13+s15+$0x0], $0xffff;
	v13 =	vor.u32 v5, v8  }
0x151: {  	v14 =	vor.u32 $0xE, v10;
	_ =	sdelay $0x1  }
0x152: {  	v8 =	vadd.s32 $0x3A, v0  }
0x153: {  	v15 =	vadd.s32 s2, v8  }
0x154: {  	[tilespmem:v13+s20+$0x0] =	vst.idx.msk $0xffff, v11;
	v11 =	vand.u32 $0xFFF8, v15  }
0x155: {  	v13 =	vld.idx.msk [tilespmem:v14+s15+$0x0], $0xffff;
	v11 =	vor.u32 v9, v11  }
0x156: {  	v14 =	vor.u32 $0xF, v10;
	_ =	sdelay $0x1  }
0x157: {  	v10 =	vadd.s32 $0x3B, v0  }
0x158: {  	v15 =	vadd.s32 s2, v10  }
0x159: {  	[tilespmem:v11+s20+$0x0] =	vst.idx.msk $0xffff, v13;
	v11 =	vand.u32 $0xFFF8, v15  }
0x15a: {  	v13 =	vld.idx.msk [tilespmem:v14+s15+$0x0], $0xffff;
	v14 =	vor.u32 v12, v11;
	_ =	sdelay $0x2  }
0x15b: {  	v11 =	vadd.s32 $0x3C, v0  }
0x15c: {  	v15 =	vadd.s32 s2, v11  }
0x15d: {  	[tilespmem:v14+s20+$0x0] =	vst.idx.msk $0xffff, v13;
	v13 =	vand.u32 $0xFFF8, v15  }
0x15e: {  	p0 =	sne.s32 s6, $0x1F0;
	v14 =	vld [tilespmem:s1+$0x0];
	v13 =	vor.u32 v16, v13  }
.Ltmp0:
0x15f: {  	_ = 	snop;
	(pc) =	sbr.rel @p0 .LBB2_2-.Ltmp0, $3  }
0x160: {  	_ =	sdelay $0x1  }
0x161: {  	s0 =	sadd.s32 $0x10, s0;
	s4 =	sadd.s32 $0x10, s4  }
0x162: {  	s6 =	sadd.s32 $0x10, s6;
	s2 =	sadd.s32 $0x3D0, s2;
	s1 =	sadd.s32 $0x10, s1;
	[tilespmem:v13+s20+$0x0] =	vst.idx.msk $0xffff, v14;
	v14 =	vmov v29  }
0x163: {  	s0 =	simm.s32 $0x0;
	s1 =	rddreg [dreg:$0xd]  }
0x164: {  	[hbm4b:s1+s0] =	stream.linear.scatter [tilespmem:s20], [sflag:$0x5], $0x7A00, $0x38;
	[tilespmem:$0x15300] =	vst v63  }
0x165: {  	_ =	swait.ge [sflag:s21], $0x200  }
0x166: {  	[sflag:s21] =	ssyncset.done $0x0  }
0x167: {  	[sflag:s21] =	ssyncadd.s32 $0xFFFFFE00  }
0x168: {  	_ =	swait.ge [sflag:s21], $0x200  }
0x169: {  	[sflag:s21] =	ssyncset.done $0x0  }
0x16a: {  	s1 =	simm.s32 $0x1500;
	[sflag:s21] =	ssyncadd.s32 $0xFFFFFE00  }
0x16b: {  	[tilespmem:s1], [sflag:$0x4] =	stream.indirect.gather [hbm4b:s8+s14], $0x1, s16, s14, $0xb8;
	[tilespmem:$0x15300] =	vst v63  }
0x16c: {  	s2 =	simm.s32 $0x1900  }
0x16d: {  	[tilespmem:s2], [sflag:$0x4] =	stream.indirect.gather [hbm4b:s8+s14], $0x1, s17, s14, $0xb8;
	[tilespmem:$0x15300] =	vst v63  }
0x16e: {  	s3 =	rddreg [dreg:$0xe]  }
0x16f: {  	[tilespmem:s22], [sflag:$0x4] =	stream.linear.gather [hbm4b:s3+s0], $0x2000, $0x38;
	[tilespmem:$0x15300] =	vst v63  }
0x170: {  	s4 =	simm.s32 $0x5D00;
	s29 =	rddreg [dreg:$0x10]  }
0x171: {  	[tilespmem:s4], [sflag:$0x4] =	stream.linear.gather [hbm4b:s29+s0], $0x200, $0x38;
	[tilespmem:$0x15300] =	vst v63  }
0x172: {  	s30 =	rddreg [dreg:$0x11]  }
0x173: {  	[tilespmem:s11], [sflag:$0x1] =	stream.linear.gather [hbm4b:s30+s0], $0x200, $0x38;
	[tilespmem:$0x15300] =	vst v63  }
0x174: {  	s31 =	rddreg [dreg:$0x12]  }
0x175: {  	[tilespmem:s12], [sflag:$0x1] =	stream.linear.gather [hbm4b:s31+s0], $0x200, $0x38;
	[tilespmem:$0x15300] =	vst v63  }
0x176: {  	_ =	swait.ge [sflag:s23], $0x200  }
0x177: {  	[sflag:s23] =	ssyncset.done $0x0  }
0x178: {  	[sflag:s23] =	ssyncadd.s32 $0xFFFFFE00  }
0x179: {  	_ =	swait.ge [sflag:s23], $0x200  }
0x17a: {  	[sflag:s23] =	ssyncset.done $0x0  }
0x17b: {  	[sflag:s23] =	ssyncadd.s32 $0xFFFFFE00  }
0x17c: {  	_ =	swait.ge [sflag:s23], $0x2000  }
0x17d: {  	[sflag:s23] =	ssyncset.done $0x0  }
0x17e: {  	[sflag:s23] =	ssyncadd.s32 $0xFFFFE000  }
0x17f: {  	_ =	swait.ge [sflag:s23], $0x200  }
0x180: {  	v13 =	vmovc v63;
	v63 =	vmov v0;
	v0 =	vmov v61;
	[tilespmem:$0x1FC80] =	vst v2;
	v2 =	vmov v62;
	_ =	sdelay $0x2  }
0x181: {  	v61 =	vmovc v2;
	v2 =	vmov v60;
	v60 =	vmov v0;
	v0 =	vmov v59;
	_ =	sdelay $0x2  }
0x182: {  	v59 =	vmovc v2;
	v2 =	vmov v58;
	v58 =	vmov v0;
	v0 =	vmov v57;
	_ =	sdelay $0x2  }
0x183: {  	v57 =	vmovc v2;
	v2 =	vmov v56;
	v56 =	vmov v0;
	v0 =	vmov v55;
	_ =	sdelay $0x2  }
0x184: {  	v55 =	vmovc v2;
	v2 =	vmov v54;
	v54 =	vmov v0;
	v0 =	vmov v53;
	_ =	sdelay $0x2  }
0x185: {  	v53 =	vmovc v2;
	v2 =	vmov v52;
	v52 =	vmov v0;
	v0 =	vmov v51;
	_ =	sdelay $0x2  }
0x186: {  	v51 =	vmovc v2;
	v2 =	vmov v50;
	v50 =	vmov v0;
	v0 =	vmov v49;
	_ =	sdelay $0x2  }
0x187: {  	v49 =	vmovc v2;
	v2 =	vmov v48;
	v48 =	vmov v0;
	v0 =	vmov v47;
	_ =	sdelay $0x2  }
0x188: {  	v47 =	vmovc v2;
	v2 =	vmov v46;
	v46 =	vmov v0;
	v0 =	vmov v45;
	_ =	sdelay $0x2  }
0x189: {  	v45 =	vmovc v2;
	v2 =	vmov v44;
	v44 =	vmov v0;
	v0 =	vmov v43;
	_ =	sdelay $0x2  }
0x18a: {  	v43 =	vmovc v2;
	v2 =	vmov v42;
	v42 =	vmov v0;
	v0 =	vmov v41;
	_ =	sdelay $0x1  }
0x18b: {  	v37 =	vmov v30;
	v29 =	vmov v24;
	v30 =	vld [tilespmem:$0x1FD10]  }
0x18c: {  	v24 =	vmovc v28;
	v28 =	vmovc v25;
	v25 =	vmov v4;
	v4 =	vld [tilespmem:$0x1FF60];
	v40 =	vmov v0;
	v0 =	vmov v35  }
0x18d: {  	v26 =	vmov v6;
	v6 =	vld [tilespmem:$0x1FF70]  }
0x18e: {  	v23 =	vmov v11;
	v11 =	vld [tilespmem:$0x1FFA0];
	v41 =	vmov v2;
	v2 =	vmov v34  }
0x18f: {  	v39 =	vmov v21;
	v21 =	vld [tilespmem:$0x1FFC0];
	v34 =	vmov v0;
	v0 =	vmov v33  }
0x190: {  	v36 =	vmov v27;
	v27 =	vmov v22;
	v22 =	vld [tilespmem:$0x1FFE0]  }
0x191: {  	[sflag:s23] =	ssyncset.done $0x0;
	v33 =	vmov v2;
	v2 =	vmov v10;
	v10 =	vld [tilespmem:$0x1FF90]  }
0x192: {  	s6 =	simm.s32 $0x0;
	v38 =	vmovc v17;
	v62 =	vmovc v13;
	[sflag:s23] =	ssyncadd.s32 $0xFFFFFE00;
	v35 =	vmov v32;
	v32 =	vmov v0;
	v0 =	vmov v8;
	v8 =	vld [tilespmem:$0x1FF80]  }
.LBB2_4:
0x193: {  	v14 =	vld [tilespmem:s1+$0x0];
	_ =	sdelay $0x5  }
0x194: {  	v15 =	vadd.s32 s0, v63;
	v13 =	vld [tilespmem:s2+$0x0]  }
0x195: {  	v18 =	vld [tilespmem:$0x1FFB0];
	v15 =	vand.u32 $0xFFF8, v15  }
0x196: {  	v15 =	vor.u32 v1, v15;
	v17 =	vld.idx.msk [tilespmem:v14+s5+$0x0], $0xffff;
	_ =	sdelay $0x3  }
0x197: {  	v18 =	vadd.s32 s0, v18  }
0x198: {  	v20 =	vld [tilespmem:$0x1FFD0];
	[tilespmem:v15+s24+$0x0] =	vst.idx.msk $0xffff, v17;
	v15 =	vand.u32 $0xFFF8, v18  }
0x199: {  	v17 =	vld.idx.msk [tilespmem:v13+s5+$0x0], $0xffff;
	v15 =	vor.u32 v3, v15  }
0x19a: {  	v18 =	vadd.s32 $0x1, v14;
	_ =	sdelay $0x2  }
0x19b: {  	v20 =	vadd.s32 s0, v20  }
0x19c: {  	[tilespmem:v15+s24+$0x0] =	vst.idx.msk $0xffff, v17;
	v15 =	vand.u32 $0xFFF8, v20;
	v20 =	vld [tilespmem:$0x1FC90]  }
0x19d: {  	v17 =	vld.idx.msk [tilespmem:v18+s5+$0x0], $0xffff;
	v15 =	vor.u32 v5, v15  }
0x19e: {  	v18 =	vadd.s32 $0x1, v13;
	_ =	sdelay $0x2  }
0x19f: {  	v20 =	vadd.s32 s0, v20  }
0x1a0: {  	[tilespmem:v15+s24+$0x0] =	vst.idx.msk $0xffff, v17;
	v15 =	vand.u32 $0xFFF8, v20;
	v20 =	vld [tilespmem:$0x1FCA0]  }
0x1a1: {  	v17 =	vld.idx.msk [tilespmem:v18+s5+$0x0], $0xffff;
	v15 =	vor.u32 v7, v15  }
0x1a2: {  	v18 =	vadd.s32 $0x2, v14;
	_ =	sdelay $0x2  }
0x1a3: {  	v20 =	vadd.s32 s0, v20  }
0x1a4: {  	[tilespmem:v15+s24+$0x0] =	vst.idx.msk $0xffff, v17;
	v15 =	vand.u32 $0xFFF8, v20;
	v20 =	vld [tilespmem:$0x1FCB0]  }
0x1a5: {  	v17 =	vld.idx.msk [tilespmem:v18+s5+$0x0], $0xffff;
	v15 =	vor.u32 v9, v15  }
0x1a6: {  	v18 =	vadd.s32 $0x2, v13;
	_ =	sdelay $0x2  }
0x1a7: {  	v20 =	vadd.s32 s0, v20  }
0x1a8: {  	[tilespmem:v15+s24+$0x0] =	vst.idx.msk $0xffff, v17;
	v15 =	vand.u32 $0xFFF8, v20;
	v20 =	vld [tilespmem:$0x1FCC0]  }
0x1a9: {  	v17 =	vld.idx.msk [tilespmem:v18+s5+$0x0], $0xffff;
	v15 =	vor.u32 v1, v15  }
0x1aa: {  	v18 =	vadd.s32 $0x3, v14;
	_ =	sdelay $0x2  }
0x1ab: {  	v20 =	vadd.s32 s0, v20  }
0x1ac: {  	[tilespmem:v15+s24+$0x0] =	vst.idx.msk $0xffff, v17;
	v15 =	vand.u32 $0xFFF8, v20;
	v20 =	vld [tilespmem:$0x1FCF0]  }
0x1ad: {  	v17 =	vld.idx.msk [tilespmem:v18+s5+$0x0], $0xffff;
	v15 =	vor.u32 v12, v15  }
0x1ae: {  	v18 =	vadd.s32 $0x3, v13;
	_ =	sdelay $0x2  }
0x1af: {  	v20 =	vadd.s32 s0, v20  }
0x1b0: {  	[tilespmem:v15+s24+$0x0] =	vst.idx.msk $0xffff, v17;
	v15 =	vand.u32 $0xFFF8, v20;
	v20 =	vld [tilespmem:$0x1FCD0]  }
0x1b1: {  	v17 =	vld.idx.msk [tilespmem:v18+s5+$0x0], $0xffff;
	v15 =	vor.u32 v5, v15  }
0x1b2: {  	v18 =	vadd.s32 $0x4, v14;
	_ =	sdelay $0x2  }
0x1b3: {  	v20 =	vadd.s32 s0, v20  }
0x1b4: {  	[tilespmem:v15+s24+$0x0] =	vst.idx.msk $0xffff, v17;
	v15 =	vand.u32 $0xFFF8, v20  }
0x1b5: {  	v17 =	vld.idx.msk [tilespmem:v18+s5+$0x0], $0xffff;
	v15 =	vor.u32 v16, v15  }
0x1b6: {  	v18 =	vadd.s32 $0x4, v13;
	_ =	sdelay $0x2  }
0x1b7: {  	v20 =	vadd.s32 s0, v30  }
0x1b8: {  	[tilespmem:v15+s24+$0x0] =	vst.idx.msk $0xffff, v17;
	v15 =	vand.u32 $0xFFF8, v20  }
0x1b9: {  	v17 =	vld.idx.msk [tilespmem:v18+s5+$0x0], $0xffff;
	v15 =	vor.u32 v9, v15  }
0x1ba: {  	v18 =	vadd.s32 $0x5, v14;
	_ =	sdelay $0x2  }
0x1bb: {  	v20 =	vadd.s32 s0, v31  }
0x1bc: {  	[tilespmem:v15+s24+$0x0] =	vst.idx.msk $0xffff, v17;
	v15 =	vand.u32 $0xFFF8, v20  }
0x1bd: {  	v17 =	vld.idx.msk [tilespmem:v18+s5+$0x0], $0xffff;
	v15 =	vor.u32 v19, v15  }
0x1be: {  	v18 =	vadd.s32 $0x5, v13;
	_ =	sdelay $0x2  }
0x1bf: {  	v20 =	vadd.s32 s0, v32  }
0x1c0: {  	[tilespmem:v15+s24+$0x0] =	vst.idx.msk $0xffff, v17;
	v15 =	vand.u32 $0xFFF8, v20  }
0x1c1: {  	v17 =	vld.idx.msk [tilespmem:v18+s5+$0x0], $0xffff;
	v15 =	vor.u32 v12, v15  }
0x1c2: {  	v18 =	vadd.s32 $0x6, v14;
	_ =	sdelay $0x2  }
0x1c3: {  	v20 =	vadd.s32 s0, v33  }
0x1c4: {  	[tilespmem:v15+s24+$0x0] =	vst.idx.msk $0xffff, v17;
	v15 =	vand.u32 $0xFFF8, v20  }
0x1c5: {  	v17 =	vld.idx.msk [tilespmem:v18+s5+$0x0], $0xffff;
	v15 =	vor.u32 v3, v15  }
0x1c6: {  	v18 =	vadd.s32 $0x6, v13;
	_ =	sdelay $0x2  }
0x1c7: {  	v20 =	vadd.s32 s0, v34  }
0x1c8: {  	[tilespmem:v15+s24+$0x0] =	vst.idx.msk $0xffff, v17;
	v15 =	vand.u32 $0xFFF8, v20  }
0x1c9: {  	v17 =	vld.idx.msk [tilespmem:v18+s5+$0x0], $0xffff;
	v15 =	vor.u32 v16, v15  }
0x1ca: {  	v18 =	vadd.s32 $0x7, v14;
	_ =	sdelay $0x2  }
0x1cb: {  	v20 =	vadd.s32 s0, v35  }
0x1cc: {  	[tilespmem:v15+s24+$0x0] =	vst.idx.msk $0xffff, v17;
	v15 =	vand.u32 $0xFFF8, v20  }
0x1cd: {  	v17 =	vld.idx.msk [tilespmem:v18+s5+$0x0], $0xffff;
	v15 =	vor.u32 v7, v15  }
0x1ce: {  	v18 =	vadd.s32 $0x7, v13;
	_ =	sdelay $0x2  }
0x1cf: {  	v20 =	vadd.s32 s0, v36  }
0x1d0: {  	[tilespmem:v15+s24+$0x0] =	vst.idx.msk $0xffff, v17;
	v15 =	vand.u32 $0xFFF8, v20  }
0x1d1: {  	v17 =	vld.idx.msk [tilespmem:v18+s5+$0x0], $0xffff;
	v15 =	vor.u32 v19, v15  }
0x1d2: {  	v18 =	vadd.s32 $0x8, v14;
	_ =	sdelay $0x2  }
0x1d3: {  	v20 =	vadd.s32 s0, v37  }
0x1d4: {  	[tilespmem:v15+s24+$0x0] =	vst.idx.msk $0xffff, v17;
	v15 =	vand.u32 $0xFFF8, v20  }
0x1d5: {  	v17 =	vld.idx.msk [tilespmem:v18+s5+$0x0], $0xffff;
	v15 =	vor.u32 v1, v15  }
0x1d6: {  	v18 =	vadd.s32 $0x8, v13;
	_ =	sdelay $0x2  }
0x1d7: {  	v20 =	vadd.s32 s0, v38  }
0x1d8: {  	[tilespmem:v15+s24+$0x0] =	vst.idx.msk $0xffff, v17;
	v15 =	vand.u32 $0xFFF8, v20  }
0x1d9: {  	v17 =	vld.idx.msk [tilespmem:v18+s5+$0x0], $0xffff;
	v15 =	vor.u32 v3, v15  }
0x1da: {  	v18 =	vadd.s32 $0x9, v14;
	_ =	sdelay $0x2  }
0x1db: {  	v20 =	vadd.s32 s0, v39  }
0x1dc: {  	[tilespmem:v15+s24+$0x0] =	vst.idx.msk $0xffff, v17;
	v15 =	vand.u32 $0xFFF8, v20  }
0x1dd: {  	v17 =	vld.idx.msk [tilespmem:v18+s5+$0x0], $0xffff;
	v15 =	vor.u32 v5, v15  }
0x1de: {  	v18 =	vadd.s32 $0x9, v13;
	_ =	sdelay $0x2  }
0x1df: {  	v20 =	vadd.s32 s0, v40  }
0x1e0: {  	[tilespmem:v15+s24+$0x0] =	vst.idx.msk $0xffff, v17;
	v15 =	vand.u32 $0xFFF8, v20  }
0x1e1: {  	v17 =	vld.idx.msk [tilespmem:v18+s5+$0x0], $0xffff;
	v15 =	vor.u32 v7, v15  }
0x1e2: {  	v18 =	vadd.s32 $0xA, v14;
	_ =	sdelay $0x2  }
0x1e3: {  	v20 =	vadd.s32 s0, v41  }
0x1e4: {  	[tilespmem:v15+s24+$0x0] =	vst.idx.msk $0xffff, v17;
	v15 =	vand.u32 $0xFFF8, v20  }
0x1e5: {  	v17 =	vld.idx.msk [tilespmem:v18+s5+$0x0], $0xffff;
	v15 =	vor.u32 v9, v15  }
0x1e6: {  	v18 =	vadd.s32 $0xA, v13;
	_ =	sdelay $0x2  }
0x1e7: {  	v20 =	vadd.s32 s0, v42  }
0x1e8: {  	[tilespmem:v15+s24+$0x0] =	vst.idx.msk $0xffff, v17;
	v15 =	vand.u32 $0xFFF8, v20  }
0x1e9: {  	v17 =	vld.idx.msk [tilespmem:v18+s5+$0x0], $0xffff;
	v15 =	vor.u32 v1, v15  }
0x1ea: {  	v18 =	vadd.s32 $0xB, v14;
	_ =	sdelay $0x2  }
0x1eb: {  	v20 =	vadd.s32 s0, v43  }
0x1ec: {  	[tilespmem:v15+s24+$0x0] =	vst.idx.msk $0xffff, v17;
	v15 =	vand.u32 $0xFFF8, v20  }
0x1ed: {  	v17 =	vld.idx.msk [tilespmem:v18+s5+$0x0], $0xffff;
	v15 =	vor.u32 v12, v15  }
0x1ee: {  	v18 =	vadd.s32 $0xB, v13;
	_ =	sdelay $0x2  }
0x1ef: {  	v20 =	vadd.s32 s0, v44  }
0x1f0: {  	[tilespmem:v15+s24+$0x0] =	vst.idx.msk $0xffff, v17;
	v15 =	vand.u32 $0xFFF8, v20  }
0x1f1: {  	v17 =	vld.idx.msk [tilespmem:v18+s5+$0x0], $0xffff;
	v15 =	vor.u32 v5, v15  }
0x1f2: {  	v18 =	vadd.s32 $0xC, v14;
	_ =	sdelay $0x2  }
0x1f3: {  	v20 =	vadd.s32 s0, v45  }
0x1f4: {  	[tilespmem:v15+s24+$0x0] =	vst.idx.msk $0xffff, v17;
	v15 =	vand.u32 $0xFFF8, v20  }
0x1f5: {  	v17 =	vld.idx.msk [tilespmem:v18+s5+$0x0], $0xffff;
	v15 =	vor.u32 v16, v15  }
0x1f6: {  	v18 =	vadd.s32 $0xC, v13;
	_ =	sdelay $0x2  }
0x1f7: {  	v20 =	vadd.s32 s0, v46  }
0x1f8: {  	[tilespmem:v15+s24+$0x0] =	vst.idx.msk $0xffff, v17;
	v15 =	vand.u32 $0xFFF8, v20  }
0x1f9: {  	v17 =	vld.idx.msk [tilespmem:v18+s5+$0x0], $0xffff;
	v15 =	vor.u32 v9, v15  }
0x1fa: {  	v18 =	vadd.s32 $0xD, v14;
	_ =	sdelay $0x2  }
0x1fb: {  	v20 =	vadd.s32 s0, v47  }
0x1fc: {  	[tilespmem:v15+s24+$0x0] =	vst.idx.msk $0xffff, v17;
	v15 =	vand.u32 $0xFFF8, v20  }
0x1fd: {  	v17 =	vld.idx.msk [tilespmem:v18+s5+$0x0], $0xffff;
	v15 =	vor.u32 v19, v15  }
0x1fe: {  	v18 =	vadd.s32 $0xD, v13;
	_ =	sdelay $0x2  }
0x1ff: {  	v20 =	vadd.s32 s0, v48  }
0x200: {  	[tilespmem:v15+s24+$0x0] =	vst.idx.msk $0xffff, v17;
	v15 =	vand.u32 $0xFFF8, v20  }
0x201: {  	v17 =	vld.idx.msk [tilespmem:v18+s5+$0x0], $0xffff;
	v15 =	vor.u32 v12, v15  }
0x202: {  	v18 =	vadd.s32 $0xE, v14;
	_ =	sdelay $0x2  }
0x203: {  	v20 =	vadd.s32 s0, v49  }
0x204: {  	[tilespmem:v15+s24+$0x0] =	vst.idx.msk $0xffff, v17;
	v15 =	vand.u32 $0xFFF8, v20  }
0x205: {  	v17 =	vld.idx.msk [tilespmem:v18+s5+$0x0], $0xffff;
	v15 =	vor.u32 v3, v15  }
0x206: {  	v18 =	vadd.s32 $0xE, v13;
	_ =	sdelay $0x2  }
0x207: {  	v20 =	vadd.s32 s0, v50  }
0x208: {  	[tilespmem:v15+s24+$0x0] =	vst.idx.msk $0xffff, v17;
	v15 =	vand.u32 $0xFFF8, v20  }
0x209: {  	v17 =	vld.idx.msk [tilespmem:v18+s5+$0x0], $0xffff;
	v15 =	vor.u32 v16, v15  }
0x20a: {  	v18 =	vadd.s32 $0xF, v14;
	_ =	sdelay $0x2  }
0x20b: {  	v20 =	vadd.s32 s0, v51  }
0x20c: {  	[tilespmem:v15+s24+$0x0] =	vst.idx.msk $0xffff, v17;
	v15 =	vand.u32 $0xFFF8, v20  }
0x20d: {  	v17 =	vld.idx.msk [tilespmem:v18+s5+$0x0], $0xffff;
	v15 =	vor.u32 v7, v15  }
0x20e: {  	v18 =	vadd.s32 $0xF, v13;
	_ =	sdelay $0x2  }
0x20f: {  	v20 =	vadd.s32 s0, v52  }
0x210: {  	[tilespmem:v15+s24+$0x0] =	vst.idx.msk $0xffff, v17;
	v15 =	vand.u32 $0xFFF8, v20  }
0x211: {  	v17 =	vld.idx.msk [tilespmem:v18+s5+$0x0], $0xffff;
	v15 =	vor.u32 v19, v15  }
0x212: {  	v18 =	vadd.s32 $0x10, v14;
	_ =	sdelay $0x2  }
0x213: {  	v20 =	vadd.s32 s0, v53  }
0x214: {  	[tilespmem:v15+s24+$0x0] =	vst.idx.msk $0xffff, v17;
	v15 =	vand.u32 $0xFFF8, v20  }
0x215: {  	v17 =	vld.idx.msk [tilespmem:v18+s5+$0x0], $0xffff;
	v15 =	vor.u32 v1, v15  }
0x216: {  	v18 =	vadd.s32 $0x10, v13;
	_ =	sdelay $0x2  }
0x217: {  	v20 =	vadd.s32 s0, v54  }
0x218: {  	[tilespmem:v15+s24+$0x0] =	vst.idx.msk $0xffff, v17;
	v15 =	vand.u32 $0xFFF8, v20  }
0x219: {  	v17 =	vld.idx.msk [tilespmem:v18+s5+$0x0], $0xffff;
	v15 =	vor.u32 v3, v15  }
0x21a: {  	v18 =	vadd.s32 $0x11, v14;
	_ =	sdelay $0x2  }
0x21b: {  	v20 =	vadd.s32 s0, v55  }
0x21c: {  	[tilespmem:v15+s24+$0x0] =	vst.idx.msk $0xffff, v17;
	v15 =	vand.u32 $0xFFF8, v20  }
0x21d: {  	v17 =	vld.idx.msk [tilespmem:v18+s5+$0x0], $0xffff;
	v15 =	vor.u32 v5, v15  }
0x21e: {  	v18 =	vadd.s32 $0x11, v13;
	_ =	sdelay $0x2  }
0x21f: {  	v20 =	vadd.s32 s0, v56  }
0x220: {  	[tilespmem:v15+s24+$0x0] =	vst.idx.msk $0xffff, v17;
	v15 =	vand.u32 $0xFFF8, v20  }
0x221: {  	v17 =	vld.idx.msk [tilespmem:v18+s5+$0x0], $0xffff;
	v15 =	vor.u32 v7, v15  }
0x222: {  	v18 =	vadd.s32 $0x12, v14;
	_ =	sdelay $0x2  }
0x223: {  	v20 =	vadd.s32 s0, v57  }
0x224: {  	[tilespmem:v15+s24+$0x0] =	vst.idx.msk $0xffff, v17;
	v15 =	vand.u32 $0xFFF8, v20  }
0x225: {  	v17 =	vld.idx.msk [tilespmem:v18+s5+$0x0], $0xffff;
	v15 =	vor.u32 v9, v15  }
0x226: {  	v18 =	vadd.s32 $0x12, v13;
	_ =	sdelay $0x2  }
0x227: {  	v20 =	vadd.s32 s0, v58  }
0x228: {  	[tilespmem:v15+s24+$0x0] =	vst.idx.msk $0xffff, v17;
	v15 =	vand.u32 $0xFFF8, v20  }
0x229: {  	v17 =	vld.idx.msk [tilespmem:v18+s5+$0x0], $0xffff;
	v15 =	vor.u32 v1, v15  }
0x22a: {  	v18 =	vadd.s32 $0x13, v14;
	_ =	sdelay $0x2  }
0x22b: {  	v20 =	vadd.s32 s0, v59  }
0x22c: {  	[tilespmem:v15+s24+$0x0] =	vst.idx.msk $0xffff, v17;
	v15 =	vand.u32 $0xFFF8, v20  }
0x22d: {  	v17 =	vld.idx.msk [tilespmem:v18+s5+$0x0], $0xffff;
	v15 =	vor.u32 v12, v15  }
0x22e: {  	v18 =	vadd.s32 $0x13, v13;
	_ =	sdelay $0x2  }
0x22f: {  	v20 =	vadd.s32 s0, v60  }
0x230: {  	[tilespmem:v15+s24+$0x0] =	vst.idx.msk $0xffff, v17;
	v15 =	vand.u32 $0xFFF8, v20  }
0x231: {  	v17 =	vld.idx.msk [tilespmem:v18+s5+$0x0], $0xffff;
	v15 =	vor.u32 v5, v15  }
0x232: {  	v18 =	vadd.s32 $0x14, v14;
	_ =	sdelay $0x2  }
0x233: {  	v20 =	vadd.s32 s0, v61  }
0x234: {  	[tilespmem:v15+s24+$0x0] =	vst.idx.msk $0xffff, v17;
	v15 =	vand.u32 $0xFFF8, v20  }
0x235: {  	v17 =	vld.idx.msk [tilespmem:v18+s5+$0x0], $0xffff;
	v15 =	vor.u32 v16, v15  }
0x236: {  	v18 =	vadd.s32 $0x14, v13;
	_ =	sdelay $0x3  }
0x237: {  	[tilespmem:v15+s24+$0x0] =	vst.idx.msk $0xffff, v17  }
0x238: {  	v20 =	vadd.s32 s0, v62;
	v17 =	vld.idx.msk [tilespmem:v18+s5+$0x0], $0xffff  }
0x239: {  	v15 =	vand.u32 $0xFFF8, v20;
	v18 =	vld [tilespmem:$0x1FF20]  }
0x23a: {  	v15 =	vor.u32 v9, v15  }
0x23b: {  	v14 =	vadd.s32 $0x15, v14;
	_ =	sdelay $0x2  }
0x23c: {  	v18 =	vadd.s32 s0, v18  }
0x23d: {  	[tilespmem:v15+s24+$0x0] =	vst.idx.msk $0xffff, v17;
	v17 =	vld [tilespmem:$0x1FF40];
	v15 =	vand.u32 $0xFFF8, v18  }
0x23e: {  	v14 =	vld.idx.msk [tilespmem:v14+s5+$0x0], $0xffff;
	v15 =	vor.u32 v19, v15;
	_ =	sdelay $0x3  }
0x23f: {  	v13 =	vadd.s32 $0x15, v13;
	v17 =	vadd.s32 s0, v17  }
0x240: {  	[tilespmem:v15+s24+$0x0] =	vst.idx.msk $0xffff, v14;
	v14 =	vand.u32 $0xFFF8, v17;
	v17 =	vld [tilespmem:$0x1FD00];
	_ =	sdelay $0x2  }
0x241: {  	v18 =	vmov s6  }
0x242: {  	v15 =	vshll.u32 v18, $0x4;
	v13 =	vld.idx.msk [tilespmem:v13+s5+$0x0], $0xffff;
	v14 =	vor.u32 v12, v14  }
0x243: {  	v15 =	vor.u32 v17, v15;
	_ =	sdelay $0x2  }
0x244: {  	v17 =	vadd.s32 s0, v29  }
0x245: {  	[tilespmem:v14+s24+$0x0] =	vst.idx.msk $0xffff, v13;
	v13 =	vand.u32 $0xFFF8, v17  }
0x246: {  	v13 =	vor.u32 v16, v13;
	v14 =	vld.idx.msk [tilespmem:v15+s22+$0x0], $0xffff  }
0x247: {  	v17 =	vor.u32 $0x1, v15;
	_ =	sdelay $0x2  }
0x248: {  	v18 =	vadd.s32 s0, v4  }
0x249: {  	[tilespmem:v13+s24+$0x0] =	vst.idx.msk $0xffff, v14;
	v13 =	vand.u32 $0xFFF8, v18  }
0x24a: {  	v14 =	vld.idx.msk [tilespmem:v17+s22+$0x0], $0xffff;
	v13 =	vor.u32 v19, v13  }
0x24b: {  	v17 =	vor.u32 $0x2, v15;
	_ =	sdelay $0x2  }
0x24c: {  	v18 =	vadd.s32 s0, v6  }
0x24d: {  	[tilespmem:v13+s24+$0x0] =	vst.idx.msk $0xffff, v14;
	v13 =	vand.u32 $0xFFF8, v18  }
0x24e: {  	v14 =	vld.idx.msk [tilespmem:v17+s22+$0x0], $0xffff;
	v13 =	vor.u32 v3, v13  }
0x24f: {  	v17 =	vor.u32 $0x3, v15;
	_ =	sdelay $0x2  }
0x250: {  	v18 =	vadd.s32 s0, v8  }
0x251: {  	[tilespmem:v13+s24+$0x0] =	vst.idx.msk $0xffff, v14;
	v13 =	vand.u32 $0xFFF8, v18  }
0x252: {  	v14 =	vld.idx.msk [tilespmem:v17+s22+$0x0], $0xffff;
	v13 =	vor.u32 v7, v13  }
0x253: {  	v17 =	vor.u32 $0x4, v15;
	_ =	sdelay $0x2  }
0x254: {  	v18 =	vadd.s32 s0, v10  }
0x255: {  	[tilespmem:v13+s24+$0x0] =	vst.idx.msk $0xffff, v14;
	v13 =	vand.u32 $0xFFF8, v18  }
0x256: {  	v14 =	vld.idx.msk [tilespmem:v17+s22+$0x0], $0xffff;
	v13 =	vor.u32 v1, v13  }
0x257: {  	v17 =	vor.u32 $0x5, v15;
	_ =	sdelay $0x2  }
0x258: {  	v18 =	vadd.s32 s0, v11  }
0x259: {  	[tilespmem:v13+s24+$0x0] =	vst.idx.msk $0xffff, v14;
	v13 =	vand.u32 $0xFFF8, v18  }
0x25a: {  	v14 =	vld.idx.msk [tilespmem:v17+s22+$0x0], $0xffff;
	v13 =	vor.u32 v5, v13  }
0x25b: {  	v17 =	vor.u32 $0x6, v15;
	_ =	sdelay $0x2  }
0x25c: {  	v18 =	vadd.s32 s0, v21  }
0x25d: {  	[tilespmem:v13+s24+$0x0] =	vst.idx.msk $0xffff, v14;
	v13 =	vand.u32 $0xFFF8, v18  }
0x25e: {  	v14 =	vld.idx.msk [tilespmem:v17+s22+$0x0], $0xffff;
	v13 =	vor.u32 v9, v13  }
0x25f: {  	v17 =	vor.u32 $0x7, v15;
	_ =	sdelay $0x2  }
0x260: {  	v18 =	vadd.s32 s0, v22  }
0x261: {  	[tilespmem:v13+s24+$0x0] =	vst.idx.msk $0xffff, v14;
	v13 =	vand.u32 $0xFFF8, v18  }
0x262: {  	v14 =	vld.idx.msk [tilespmem:v17+s22+$0x0], $0xffff;
	v13 =	vor.u32 v12, v13  }
0x263: {  	v17 =	vor.u32 $0x8, v15;
	_ =	sdelay $0x2  }
0x264: {  	v18 =	vadd.s32 s0, v28  }
0x265: {  	[tilespmem:v13+s24+$0x0] =	vst.idx.msk $0xffff, v14;
	v13 =	vand.u32 $0xFFF8, v18  }
0x266: {  	v14 =	vld.idx.msk [tilespmem:v17+s22+$0x0], $0xffff;
	v13 =	vor.u32 v16, v13  }
0x267: {  	v17 =	vor.u32 $0x9, v15;
	_ =	sdelay $0x2  }
0x268: {  	v18 =	vadd.s32 s0, v27  }
0x269: {  	[tilespmem:v13+s24+$0x0] =	vst.idx.msk $0xffff, v14;
	v13 =	vand.u32 $0xFFF8, v18  }
0x26a: {  	v14 =	vld.idx.msk [tilespmem:v17+s22+$0x0], $0xffff;
	v13 =	vor.u32 v19, v13  }
0x26b: {  	v17 =	vor.u32 $0xA, v15;
	_ =	sdelay $0x2  }
0x26c: {  	v18 =	vadd.s32 s0, v24  }
0x26d: {  	[tilespmem:v13+s24+$0x0] =	vst.idx.msk $0xffff, v14;
	v13 =	vand.u32 $0xFFF8, v18;
	v18 =	vld [tilespmem:$0x1FC80]  }
0x26e: {  	v14 =	vld.idx.msk [tilespmem:v17+s22+$0x0], $0xffff;
	v13 =	vor.u32 v3, v13  }
0x26f: {  	v17 =	vor.u32 $0xB, v15;
	_ =	sdelay $0x2  }
0x270: {  	v18 =	vadd.s32 s0, v18  }
0x271: {  	[tilespmem:v13+s24+$0x0] =	vst.idx.msk $0xffff, v14;
	v13 =	vand.u32 $0xFFF8, v18  }
0x272: {  	v14 =	vld.idx.msk [tilespmem:v17+s22+$0x0], $0xffff;
	v13 =	vor.u32 v7, v13  }
0x273: {  	v17 =	vor.u32 $0xC, v15;
	_ =	sdelay $0x2  }
0x274: {  	v18 =	vadd.s32 s0, v25  }
0x275: {  	[tilespmem:v13+s24+$0x0] =	vst.idx.msk $0xffff, v14;
	v13 =	vand.u32 $0xFFF8, v18  }
0x276: {  	v14 =	vld.idx.msk [tilespmem:v17+s22+$0x0], $0xffff;
	v13 =	vor.u32 v1, v13  }
0x277: {  	v17 =	vor.u32 $0xD, v15;
	_ =	sdelay $0x2  }
0x278: {  	v18 =	vadd.s32 s0, v26  }
0x279: {  	[tilespmem:v13+s24+$0x0] =	vst.idx.msk $0xffff, v14;
	v13 =	vand.u32 $0xFFF8, v18  }
0x27a: {  	v14 =	vld.idx.msk [tilespmem:v17+s22+$0x0], $0xffff;
	v13 =	vor.u32 v5, v13  }
0x27b: {  	v17 =	vor.u32 $0xE, v15;
	_ =	sdelay $0x2  }
0x27c: {  	v18 =	vadd.s32 s0, v0  }
0x27d: {  	[tilespmem:v13+s24+$0x0] =	vst.idx.msk $0xffff, v14;
	v13 =	vand.u32 $0xFFF8, v18  }
0x27e: {  	v14 =	vld.idx.msk [tilespmem:v17+s22+$0x0], $0xffff;
	v13 =	vor.u32 v9, v13  }
0x27f: {  	v15 =	vor.u32 $0xF, v15;
	_ =	sdelay $0x2  }
0x280: {  	v17 =	vadd.s32 s0, v2  }
0x281: {  	[tilespmem:v13+s24+$0x0] =	vst.idx.msk $0xffff, v14;
	v13 =	vand.u32 $0xFFF8, v17  }
0x282: {  	v14 =	vld.idx.msk [tilespmem:v15+s22+$0x0], $0xffff;
	v13 =	vor.u32 v12, v13;
	_ =	sdelay $0x3  }
0x283: {  	v15 =	vadd.s32 s0, v23  }
0x284: {  	[tilespmem:v13+s24+$0x0] =	vst.idx.msk $0xffff, v14;
	v13 =	vand.u32 $0xFFF8, v15  }
0x285: {  	p0 =	sne.s32 s6, $0x1F0;
	v14 =	vld [tilespmem:s4+$0x0];
	v13 =	vor.u32 v16, v13  }
.Ltmp1:
0x286: {  	_ = 	snop;
	(pc) =	sbr.rel @p0 .LBB2_4-.Ltmp1, $3  }
0x287: {  	_ =	sdelay $0x1  }
0x288: {  	s1 =	sadd.s32 $0x10, s1;
	s2 =	sadd.s32 $0x10, s2  }
0x289: {  	s6 =	sadd.s32 $0x10, s6;
	s0 =	sadd.s32 $0x3D0, s0;
	s4 =	sadd.s32 $0x10, s4;
	[tilespmem:v13+s24+$0x0] =	vst.idx.msk $0xffff, v14  }
0x28a: {  	[tilespmem:$0x1FC20] =	vst v23  }
0x28b: {  	[tilespmem:$0x1FC30] =	vst v2  }
0x28c: {  	[tilespmem:$0x1FC40] =	vst v0  }
0x28d: {  	[tilespmem:$0x1FC50] =	vst v26  }
0x28e: {  	[tilespmem:$0x1FC60] =	vst v25  }
0x28f: {  	[tilespmem:$0x1FC70] =	vst v24;
	s0 =	rddreg [dreg:$0x13];
	s30 =	simm.s32 $0x1  }
0x290: {  	[hbm4b:s0+s5] =	stream.linear.scatter [tilespmem:s24], [sflag:$0x6], $0x7A00, $0x38;
	[tilespmem:$0x15300] =	vst v63  }
.LBB2_6:
0x291: {  	_ =	swait.ge [sflag:s13], $0x200  }
0x292: {  	[sflag:s13] =	ssyncset.done $0x0  }
0x293: {  	[sflag:s13] =	ssyncadd.s32 $0xFFFFFE00  }
0x294: {  	_ =	swait.ge [sflag:s13], $0x200  }
0x295: {  	s0 =	sshll.u32 s30, $0xA;
	[sflag:s13] =	ssyncset.done $0x0;
	s1 =	rddreg [dreg:$0x6]  }
0x296: {  	s4 =	simm.s32 $0x1300;
	[sflag:s13] =	ssyncadd.s32 $0xFFFFFE00;
	s6 =	sadd.s32 s1, s0  }
0x297: {  	[tilespmem:s4], [sflag:$0x3] =	stream.indirect.gather [hbm4b:s8+s14], $0x1, s11, s14, $0xb8;
	[tilespmem:$0x15300] =	vst v63  }
0x298: {  	s1 =	sshll.u32 s6, $0x1  }
0x299: {  	s29 =	simm.s32 $0x1700;
	s1 =	sand.u32 $0x1FFFFFE0, s1  }
0x29a: {  	[tilespmem:s29], [sflag:$0x3] =	stream.indirect.gather [hbm4b:s8+s14], $0x1, s12, s14, $0xb8;
	[tilespmem:$0x15300] =	vst v63  }
0x29b: {  	s3 =	sshrl.u32 s6, $0x3;
	s2 =	sadd.s32 s10, s1;
	s1 =	simm.s32 $0x0  }
0x29c: {  	[tilespmem:s15], [sflag:$0x3] =	stream.linear.gather [hbm4b:s2+s1], $0x2000, $0x38;
	[tilespmem:$0x15300] =	vst v63  }
0x29d: {  	s31 =	sadd.s32 $0x200, s6;
	s3 =	sadd.s32 s9, s3;
	s2 =	simm.s32 $0x5B00  }
0x29e: {  	[tilespmem:s2], [sflag:$0x3] =	stream.linear.gather [hbm4b:s3+s1], $0x200, $0x38;
	[tilespmem:$0x15300] =	vst v63  }
0x29f: {  	s28 =	sshrl.u32 s31, $0x3;
	s3 =	rddreg [dreg:$0x1]  }
0x2a0: {  	s3 =	sadd.s32 s3, s28  }
0x2a1: {  	[tilespmem:s16], [sflag:$0x2] =	stream.linear.gather [hbm4b:s3+s1], $0x200, $0x38;
	[tilespmem:$0x15300] =	vst v63  }
0x2a2: {  	s3 =	sadd.s32 s19, s28  }
0x2a3: {  	[tilespmem:s17], [sflag:$0x2] =	stream.linear.gather [hbm4b:s3+s1], $0x200, $0x38;
	[tilespmem:$0x15300] =	vst v63  }
0x2a4: {  	_ =	swait.ge [sflag:s18], $0x200  }
0x2a5: {  	[sflag:s18] =	ssyncset.done $0x0  }
0x2a6: {  	[sflag:s18] =	ssyncadd.s32 $0xFFFFFE00  }
0x2a7: {  	_ =	swait.ge [sflag:s18], $0x200  }
0x2a8: {  	[sflag:s18] =	ssyncset.done $0x0  }
0x2a9: {  	[sflag:s18] =	ssyncadd.s32 $0xFFFFFE00  }
0x2aa: {  	_ =	swait.ge [sflag:s18], $0x2000  }
0x2ab: {  	[sflag:s18] =	ssyncset.done $0x0  }
0x2ac: {  	[sflag:s18] =	ssyncadd.s32 $0xFFFFE000  }
0x2ad: {  	_ =	swait.ge [sflag:s18], $0x200  }
0x2ae: {  	[sflag:s18] =	ssyncset.done $0x0  }
0x2af: {  	[sflag:s18] =	ssyncadd.s32 $0xFFFFFE00  }
0x2b0: {  	_ =	swait.ge [sflag:s25], $0x7A00  }
0x2b1: {  	v20 =	vld [tilespmem:$0x1FD00]  }
0x2b2: {  	v35 =	vld [tilespmem:$0x1FD50]  }
0x2b3: {  	v36 =	vld [tilespmem:$0x1FD60]  }
0x2b4: {  	v34 =	vld [tilespmem:$0x1FD70]  }
0x2b5: {  	v37 =	vld [tilespmem:$0x1FD80]  }
0x2b6: {  	v38 =	vld [tilespmem:$0x1FD90]  }
0x2b7: {  	v39 =	vld [tilespmem:$0x1FDA0]  }
0x2b8: {  	v40 =	vld [tilespmem:$0x1FDB0]  }
0x2b9: {  	v41 =	vld [tilespmem:$0x1FDC0]  }
0x2ba: {  	v42 =	vld [tilespmem:$0x1FDD0]  }
0x2bb: {  	v43 =	vld [tilespmem:$0x1FDE0]  }
0x2bc: {  	v44 =	vld [tilespmem:$0x1FDF0]  }
0x2bd: {  	v45 =	vld [tilespmem:$0x1FE00]  }
0x2be: {  	v46 =	vld [tilespmem:$0x1FE10]  }
0x2bf: {  	v47 =	vld [tilespmem:$0x1FE20]  }
0x2c0: {  	v48 =	vld [tilespmem:$0x1FE30]  }
0x2c1: {  	v49 =	vld [tilespmem:$0x1FE40]  }
0x2c2: {  	v50 =	vld [tilespmem:$0x1FE50]  }
0x2c3: {  	v51 =	vld [tilespmem:$0x1FE60]  }
0x2c4: {  	v52 =	vld [tilespmem:$0x1FE70]  }
0x2c5: {  	v53 =	vld [tilespmem:$0x1FE80]  }
0x2c6: {  	v54 =	vld [tilespmem:$0x1FE90]  }
0x2c7: {  	v55 =	vld [tilespmem:$0x1FEA0]  }
0x2c8: {  	v56 =	vld [tilespmem:$0x1FEB0]  }
0x2c9: {  	v57 =	vld [tilespmem:$0x1FEC0]  }
0x2ca: {  	v58 =	vld [tilespmem:$0x1FED0]  }
0x2cb: {  	v59 =	vld [tilespmem:$0x1FEE0]  }
0x2cc: {  	v60 =	vld [tilespmem:$0x1FEF0]  }
0x2cd: {  	v61 =	vld [tilespmem:$0x1FF00]  }
0x2ce: {  	v62 =	vld [tilespmem:$0x1FF10]  }
0x2cf: {  	v0 =	vld [tilespmem:$0x1FF20]  }
0x2d0: {  	v63 =	vld [tilespmem:$0x1FF30]  }
0x2d1: {  	v2 =	vld [tilespmem:$0x1FF40]  }
0x2d2: {  	v4 =	vld [tilespmem:$0x1FF50]  }
0x2d3: {  	v6 =	vld [tilespmem:$0x1FF60]  }
0x2d4: {  	v8 =	vld [tilespmem:$0x1FF70]  }
0x2d5: {  	v10 =	vld [tilespmem:$0x1FF80]  }
0x2d6: {  	v11 =	vld [tilespmem:$0x1FF90]  }
0x2d7: {  	v21 =	vld [tilespmem:$0x1FFA0]  }
0x2d8: {  	v22 =	vld [tilespmem:$0x1FFC0]  }
0x2d9: {  	v23 =	vld [tilespmem:$0x1FFE0]  }
0x2da: {  	v24 =	vld [tilespmem:$0x1FCE0]  }
0x2db: {  	v25 =	vld [tilespmem:$0x1FFF0]  }
0x2dc: {  	v26 =	vld [tilespmem:$0x1FC70]  }
0x2dd: {  	v27 =	vld [tilespmem:$0x1FC80]  }
0x2de: {  	v28 =	vld [tilespmem:$0x1FC60]  }
0x2df: {  	v29 =	vld [tilespmem:$0x1FC50]  }
0x2e0: {  	v30 =	vld [tilespmem:$0x1FC40]  }
0x2e1: {  	[sflag:s25] =	ssyncset.done $0x0;
	v31 =	vld [tilespmem:$0x1FC30]  }
0x2e2: {  	s3 =	simm.s32 $0x0;
	v32 =	vld [tilespmem:$0x1FC20];
	[sflag:s25] =	ssyncadd.s32 $0xFFFF8600  }
.LBB2_7:
0x2e3: {  	v14 =	vld [tilespmem:s4+$0x0];
	_ =	sdelay $0x5  }
0x2e4: {  	v15 =	vadd.s32 s1, v63;
	v13 =	vld [tilespmem:s29+$0x0]  }
0x2e5: {  	v18 =	vld [tilespmem:$0x1FFB0];
	v15 =	vand.u32 $0xFFF8, v15  }
0x2e6: {  	v15 =	vor.u32 v1, v15;
	v17 =	vld.idx.msk [tilespmem:v14+s5+$0x0], $0xffff;
	_ =	sdelay $0x3  }
0x2e7: {  	v18 =	vadd.s32 s1, v18  }
0x2e8: {  	v33 =	vmov v20;
	v20 =	vld [tilespmem:$0x1FFD0];
	[tilespmem:v15+s20+$0x0] =	vst.idx.msk $0xffff, v17;
	v15 =	vand.u32 $0xFFF8, v18  }
0x2e9: {  	v17 =	vld.idx.msk [tilespmem:v13+s5+$0x0], $0xffff;
	v15 =	vor.u32 v3, v15  }
0x2ea: {  	v18 =	vadd.s32 $0x1, v14;
	_ =	sdelay $0x2  }
0x2eb: {  	v20 =	vadd.s32 s1, v20  }
0x2ec: {  	[tilespmem:v15+s20+$0x0] =	vst.idx.msk $0xffff, v17;
	v15 =	vand.u32 $0xFFF8, v20;
	v20 =	vld [tilespmem:$0x1FC90]  }
0x2ed: {  	v17 =	vld.idx.msk [tilespmem:v18+s5+$0x0], $0xffff;
	v15 =	vor.u32 v5, v15  }
0x2ee: {  	v18 =	vadd.s32 $0x1, v13;
	_ =	sdelay $0x2  }
0x2ef: {  	v20 =	vadd.s32 s1, v20  }
0x2f0: {  	[tilespmem:v15+s20+$0x0] =	vst.idx.msk $0xffff, v17;
	v15 =	vand.u32 $0xFFF8, v20;
	v20 =	vld [tilespmem:$0x1FCA0]  }
0x2f1: {  	v17 =	vld.idx.msk [tilespmem:v18+s5+$0x0], $0xffff;
	v15 =	vor.u32 v7, v15  }
0x2f2: {  	v18 =	vadd.s32 $0x2, v14;
	_ =	sdelay $0x2  }
0x2f3: {  	v20 =	vadd.s32 s1, v20  }
0x2f4: {  	[tilespmem:v15+s20+$0x0] =	vst.idx.msk $0xffff, v17;
	v15 =	vand.u32 $0xFFF8, v20;
	v20 =	vld [tilespmem:$0x1FCB0]  }
0x2f5: {  	v17 =	vld.idx.msk [tilespmem:v18+s5+$0x0], $0xffff;
	v15 =	vor.u32 v9, v15  }
0x2f6: {  	v18 =	vadd.s32 $0x2, v13;
	_ =	sdelay $0x2  }
0x2f7: {  	v20 =	vadd.s32 s1, v20  }
0x2f8: {  	[tilespmem:v15+s20+$0x0] =	vst.idx.msk $0xffff, v17;
	v15 =	vand.u32 $0xFFF8, v20;
	v20 =	vld [tilespmem:$0x1FCC0]  }
0x2f9: {  	v17 =	vld.idx.msk [tilespmem:v18+s5+$0x0], $0xffff;
	v15 =	vor.u32 v1, v15  }
0x2fa: {  	v18 =	vadd.s32 $0x3, v14;
	_ =	sdelay $0x2  }
0x2fb: {  	v20 =	vadd.s32 s1, v20  }
0x2fc: {  	[tilespmem:v15+s20+$0x0] =	vst.idx.msk $0xffff, v17;
	v15 =	vand.u32 $0xFFF8, v20;
	v20 =	vld [tilespmem:$0x1FCF0]  }
0x2fd: {  	v17 =	vld.idx.msk [tilespmem:v18+s5+$0x0], $0xffff;
	v15 =	vor.u32 v12, v15  }
0x2fe: {  	v18 =	vadd.s32 $0x3, v13;
	_ =	sdelay $0x2  }
0x2ff: {  	v20 =	vadd.s32 s1, v20  }
0x300: {  	[tilespmem:v15+s20+$0x0] =	vst.idx.msk $0xffff, v17;
	v15 =	vand.u32 $0xFFF8, v20;
	v20 =	vld [tilespmem:$0x1FCD0]  }
0x301: {  	v17 =	vld.idx.msk [tilespmem:v18+s5+$0x0], $0xffff;
	v15 =	vor.u32 v5, v15  }
0x302: {  	v18 =	vadd.s32 $0x4, v14;
	_ =	sdelay $0x2  }
0x303: {  	v20 =	vadd.s32 s1, v20  }
0x304: {  	[tilespmem:v15+s20+$0x0] =	vst.idx.msk $0xffff, v17;
	v15 =	vand.u32 $0xFFF8, v20;
	v20 =	vld [tilespmem:$0x1FD10]  }
0x305: {  	v17 =	vld.idx.msk [tilespmem:v18+s5+$0x0], $0xffff;
	v15 =	vor.u32 v16, v15  }
0x306: {  	v18 =	vadd.s32 $0x4, v13;
	_ =	sdelay $0x2  }
0x307: {  	v20 =	vadd.s32 s1, v20  }
0x308: {  	[tilespmem:v15+s20+$0x0] =	vst.idx.msk $0xffff, v17;
	v15 =	vand.u32 $0xFFF8, v20;
	v20 =	vld [tilespmem:$0x1FD20]  }
0x309: {  	v17 =	vld.idx.msk [tilespmem:v18+s5+$0x0], $0xffff;
	v15 =	vor.u32 v9, v15  }
0x30a: {  	v18 =	vadd.s32 $0x5, v14;
	_ =	sdelay $0x2  }
0x30b: {  	v20 =	vadd.s32 s1, v20  }
0x30c: {  	[tilespmem:v15+s20+$0x0] =	vst.idx.msk $0xffff, v17;
	v15 =	vand.u32 $0xFFF8, v20;
	v20 =	vld [tilespmem:$0x1FD30]  }
0x30d: {  	v17 =	vld.idx.msk [tilespmem:v18+s5+$0x0], $0xffff;
	v15 =	vor.u32 v19, v15  }
0x30e: {  	v18 =	vadd.s32 $0x5, v13;
	_ =	sdelay $0x2  }
0x30f: {  	v20 =	vadd.s32 s1, v20  }
0x310: {  	[tilespmem:v15+s20+$0x0] =	vst.idx.msk $0xffff, v17;
	v15 =	vand.u32 $0xFFF8, v20;
	v20 =	vld [tilespmem:$0x1FD40]  }
0x311: {  	v17 =	vld.idx.msk [tilespmem:v18+s5+$0x0], $0xffff;
	v15 =	vor.u32 v12, v15  }
0x312: {  	v18 =	vadd.s32 $0x6, v14;
	_ =	sdelay $0x2  }
0x313: {  	v20 =	vadd.s32 s1, v20  }
0x314: {  	[tilespmem:v15+s20+$0x0] =	vst.idx.msk $0xffff, v17;
	v15 =	vand.u32 $0xFFF8, v20  }
0x315: {  	v17 =	vld.idx.msk [tilespmem:v18+s5+$0x0], $0xffff;
	v15 =	vor.u32 v3, v15  }
0x316: {  	v18 =	vadd.s32 $0x6, v13;
	_ =	sdelay $0x2  }
0x317: {  	v20 =	vadd.s32 s1, v35  }
0x318: {  	[tilespmem:v15+s20+$0x0] =	vst.idx.msk $0xffff, v17;
	v15 =	vand.u32 $0xFFF8, v20  }
0x319: {  	v17 =	vld.idx.msk [tilespmem:v18+s5+$0x0], $0xffff;
	v15 =	vor.u32 v16, v15  }
0x31a: {  	v18 =	vadd.s32 $0x7, v14;
	_ =	sdelay $0x2  }
0x31b: {  	v20 =	vadd.s32 s1, v36  }
0x31c: {  	[tilespmem:v15+s20+$0x0] =	vst.idx.msk $0xffff, v17;
	v15 =	vand.u32 $0xFFF8, v20  }
0x31d: {  	v17 =	vld.idx.msk [tilespmem:v18+s5+$0x0], $0xffff;
	v15 =	vor.u32 v7, v15  }
0x31e: {  	v18 =	vadd.s32 $0x7, v13;
	_ =	sdelay $0x2  }
0x31f: {  	v20 =	vadd.s32 s1, v34  }
0x320: {  	[tilespmem:v15+s20+$0x0] =	vst.idx.msk $0xffff, v17;
	v15 =	vand.u32 $0xFFF8, v20  }
0x321: {  	v17 =	vld.idx.msk [tilespmem:v18+s5+$0x0], $0xffff;
	v15 =	vor.u32 v19, v15  }
0x322: {  	v18 =	vadd.s32 $0x8, v14;
	_ =	sdelay $0x2  }
0x323: {  	v20 =	vadd.s32 s1, v37  }
0x324: {  	[tilespmem:v15+s20+$0x0] =	vst.idx.msk $0xffff, v17;
	v15 =	vand.u32 $0xFFF8, v20  }
0x325: {  	v17 =	vld.idx.msk [tilespmem:v18+s5+$0x0], $0xffff;
	v15 =	vor.u32 v1, v15  }
0x326: {  	v18 =	vadd.s32 $0x8, v13;
	_ =	sdelay $0x2  }
0x327: {  	v20 =	vadd.s32 s1, v38  }
0x328: {  	[tilespmem:v15+s20+$0x0] =	vst.idx.msk $0xffff, v17;
	v15 =	vand.u32 $0xFFF8, v20  }
0x329: {  	v17 =	vld.idx.msk [tilespmem:v18+s5+$0x0], $0xffff;
	v15 =	vor.u32 v3, v15  }
0x32a: {  	v18 =	vadd.s32 $0x9, v14;
	_ =	sdelay $0x2  }
0x32b: {  	v20 =	vadd.s32 s1, v39  }
0x32c: {  	[tilespmem:v15+s20+$0x0] =	vst.idx.msk $0xffff, v17;
	v15 =	vand.u32 $0xFFF8, v20  }
0x32d: {  	v17 =	vld.idx.msk [tilespmem:v18+s5+$0x0], $0xffff;
	v15 =	vor.u32 v5, v15  }
0x32e: {  	v18 =	vadd.s32 $0x9, v13;
	_ =	sdelay $0x2  }
0x32f: {  	v20 =	vadd.s32 s1, v40  }
0x330: {  	[tilespmem:v15+s20+$0x0] =	vst.idx.msk $0xffff, v17;
	v15 =	vand.u32 $0xFFF8, v20  }
0x331: {  	v17 =	vld.idx.msk [tilespmem:v18+s5+$0x0], $0xffff;
	v15 =	vor.u32 v7, v15  }
0x332: {  	v18 =	vadd.s32 $0xA, v14;
	_ =	sdelay $0x2  }
0x333: {  	v20 =	vadd.s32 s1, v41  }
0x334: {  	[tilespmem:v15+s20+$0x0] =	vst.idx.msk $0xffff, v17;
	v15 =	vand.u32 $0xFFF8, v20  }
0x335: {  	v17 =	vld.idx.msk [tilespmem:v18+s5+$0x0], $0xffff;
	v15 =	vor.u32 v9, v15  }
0x336: {  	v18 =	vadd.s32 $0xA, v13;
	_ =	sdelay $0x2  }
0x337: {  	v20 =	vadd.s32 s1, v42  }
0x338: {  	[tilespmem:v15+s20+$0x0] =	vst.idx.msk $0xffff, v17;
	v15 =	vand.u32 $0xFFF8, v20  }
0x339: {  	v17 =	vld.idx.msk [tilespmem:v18+s5+$0x0], $0xffff;
	v15 =	vor.u32 v1, v15  }
0x33a: {  	v18 =	vadd.s32 $0xB, v14;
	_ =	sdelay $0x2  }
0x33b: {  	v20 =	vadd.s32 s1, v43  }
0x33c: {  	[tilespmem:v15+s20+$0x0] =	vst.idx.msk $0xffff, v17;
	v15 =	vand.u32 $0xFFF8, v20  }
0x33d: {  	v17 =	vld.idx.msk [tilespmem:v18+s5+$0x0], $0xffff;
	v15 =	vor.u32 v12, v15  }
0x33e: {  	v18 =	vadd.s32 $0xB, v13;
	_ =	sdelay $0x2  }
0x33f: {  	v20 =	vadd.s32 s1, v44  }
0x340: {  	[tilespmem:v15+s20+$0x0] =	vst.idx.msk $0xffff, v17;
	v15 =	vand.u32 $0xFFF8, v20  }
0x341: {  	v17 =	vld.idx.msk [tilespmem:v18+s5+$0x0], $0xffff;
	v15 =	vor.u32 v5, v15  }
0x342: {  	v18 =	vadd.s32 $0xC, v14;
	_ =	sdelay $0x2  }
0x343: {  	v20 =	vadd.s32 s1, v45  }
0x344: {  	[tilespmem:v15+s20+$0x0] =	vst.idx.msk $0xffff, v17;
	v15 =	vand.u32 $0xFFF8, v20  }
0x345: {  	v17 =	vld.idx.msk [tilespmem:v18+s5+$0x0], $0xffff;
	v15 =	vor.u32 v16, v15  }
0x346: {  	v18 =	vadd.s32 $0xC, v13;
	_ =	sdelay $0x2  }
0x347: {  	v20 =	vadd.s32 s1, v46  }
0x348: {  	[tilespmem:v15+s20+$0x0] =	vst.idx.msk $0xffff, v17;
	v15 =	vand.u32 $0xFFF8, v20  }
0x349: {  	v17 =	vld.idx.msk [tilespmem:v18+s5+$0x0], $0xffff;
	v15 =	vor.u32 v9, v15  }
0x34a: {  	v18 =	vadd.s32 $0xD, v14;
	_ =	sdelay $0x2  }
0x34b: {  	v20 =	vadd.s32 s1, v47  }
0x34c: {  	[tilespmem:v15+s20+$0x0] =	vst.idx.msk $0xffff, v17;
	v15 =	vand.u32 $0xFFF8, v20  }
0x34d: {  	v17 =	vld.idx.msk [tilespmem:v18+s5+$0x0], $0xffff;
	v15 =	vor.u32 v19, v15  }
0x34e: {  	v18 =	vadd.s32 $0xD, v13;
	_ =	sdelay $0x2  }
0x34f: {  	v20 =	vadd.s32 s1, v48  }
0x350: {  	[tilespmem:v15+s20+$0x0] =	vst.idx.msk $0xffff, v17;
	v15 =	vand.u32 $0xFFF8, v20  }
0x351: {  	v17 =	vld.idx.msk [tilespmem:v18+s5+$0x0], $0xffff;
	v15 =	vor.u32 v12, v15  }
0x352: {  	v18 =	vadd.s32 $0xE, v14;
	_ =	sdelay $0x2  }
0x353: {  	v20 =	vadd.s32 s1, v49  }
0x354: {  	[tilespmem:v15+s20+$0x0] =	vst.idx.msk $0xffff, v17;
	v15 =	vand.u32 $0xFFF8, v20  }
0x355: {  	v17 =	vld.idx.msk [tilespmem:v18+s5+$0x0], $0xffff;
	v15 =	vor.u32 v3, v15  }
0x356: {  	v18 =	vadd.s32 $0xE, v13;
	_ =	sdelay $0x2  }
0x357: {  	v20 =	vadd.s32 s1, v50  }
0x358: {  	[tilespmem:v15+s20+$0x0] =	vst.idx.msk $0xffff, v17;
	v15 =	vand.u32 $0xFFF8, v20  }
0x359: {  	v17 =	vld.idx.msk [tilespmem:v18+s5+$0x0], $0xffff;
	v15 =	vor.u32 v16, v15  }
0x35a: {  	v18 =	vadd.s32 $0xF, v14;
	_ =	sdelay $0x2  }
0x35b: {  	v20 =	vadd.s32 s1, v51  }
0x35c: {  	[tilespmem:v15+s20+$0x0] =	vst.idx.msk $0xffff, v17;
	v15 =	vand.u32 $0xFFF8, v20  }
0x35d: {  	v17 =	vld.idx.msk [tilespmem:v18+s5+$0x0], $0xffff;
	v15 =	vor.u32 v7, v15  }
0x35e: {  	v18 =	vadd.s32 $0xF, v13;
	_ =	sdelay $0x2  }
0x35f: {  	v20 =	vadd.s32 s1, v52  }
0x360: {  	[tilespmem:v15+s20+$0x0] =	vst.idx.msk $0xffff, v17;
	v15 =	vand.u32 $0xFFF8, v20  }
0x361: {  	v17 =	vld.idx.msk [tilespmem:v18+s5+$0x0], $0xffff;
	v15 =	vor.u32 v19, v15  }
0x362: {  	v18 =	vadd.s32 $0x10, v14;
	_ =	sdelay $0x2  }
0x363: {  	v20 =	vadd.s32 s1, v53  }
0x364: {  	[tilespmem:v15+s20+$0x0] =	vst.idx.msk $0xffff, v17;
	v15 =	vand.u32 $0xFFF8, v20  }
0x365: {  	v17 =	vld.idx.msk [tilespmem:v18+s5+$0x0], $0xffff;
	v15 =	vor.u32 v1, v15  }
0x366: {  	v18 =	vadd.s32 $0x10, v13;
	_ =	sdelay $0x2  }
0x367: {  	v20 =	vadd.s32 s1, v54  }
0x368: {  	[tilespmem:v15+s20+$0x0] =	vst.idx.msk $0xffff, v17;
	v15 =	vand.u32 $0xFFF8, v20  }
0x369: {  	v17 =	vld.idx.msk [tilespmem:v18+s5+$0x0], $0xffff;
	v15 =	vor.u32 v3, v15  }
0x36a: {  	v18 =	vadd.s32 $0x11, v14;
	_ =	sdelay $0x2  }
0x36b: {  	v20 =	vadd.s32 s1, v55  }
0x36c: {  	[tilespmem:v15+s20+$0x0] =	vst.idx.msk $0xffff, v17;
	v15 =	vand.u32 $0xFFF8, v20  }
0x36d: {  	v17 =	vld.idx.msk [tilespmem:v18+s5+$0x0], $0xffff;
	v15 =	vor.u32 v5, v15  }
0x36e: {  	v18 =	vadd.s32 $0x11, v13;
	_ =	sdelay $0x2  }
0x36f: {  	v20 =	vadd.s32 s1, v56  }
0x370: {  	[tilespmem:v15+s20+$0x0] =	vst.idx.msk $0xffff, v17;
	v15 =	vand.u32 $0xFFF8, v20  }
0x371: {  	v17 =	vld.idx.msk [tilespmem:v18+s5+$0x0], $0xffff;
	v15 =	vor.u32 v7, v15  }
0x372: {  	v18 =	vadd.s32 $0x12, v14;
	_ =	sdelay $0x2  }
0x373: {  	v20 =	vadd.s32 s1, v57  }
0x374: {  	[tilespmem:v15+s20+$0x0] =	vst.idx.msk $0xffff, v17;
	v15 =	vand.u32 $0xFFF8, v20  }
0x375: {  	v17 =	vld.idx.msk [tilespmem:v18+s5+$0x0], $0xffff;
	v15 =	vor.u32 v9, v15  }
0x376: {  	v18 =	vadd.s32 $0x12, v13;
	_ =	sdelay $0x2  }
0x377: {  	v20 =	vadd.s32 s1, v58  }
0x378: {  	[tilespmem:v15+s20+$0x0] =	vst.idx.msk $0xffff, v17;
	v15 =	vand.u32 $0xFFF8, v20  }
0x379: {  	v17 =	vld.idx.msk [tilespmem:v18+s5+$0x0], $0xffff;
	v15 =	vor.u32 v1, v15  }
0x37a: {  	v18 =	vadd.s32 $0x13, v14;
	_ =	sdelay $0x2  }
0x37b: {  	v20 =	vadd.s32 s1, v59  }
0x37c: {  	[tilespmem:v15+s20+$0x0] =	vst.idx.msk $0xffff, v17;
	v15 =	vand.u32 $0xFFF8, v20  }
0x37d: {  	v17 =	vld.idx.msk [tilespmem:v18+s5+$0x0], $0xffff;
	v15 =	vor.u32 v12, v15  }
0x37e: {  	v18 =	vadd.s32 $0x13, v13;
	_ =	sdelay $0x2  }
0x37f: {  	v20 =	vadd.s32 s1, v60  }
0x380: {  	[tilespmem:v15+s20+$0x0] =	vst.idx.msk $0xffff, v17;
	v15 =	vand.u32 $0xFFF8, v20  }
0x381: {  	v17 =	vld.idx.msk [tilespmem:v18+s5+$0x0], $0xffff;
	v15 =	vor.u32 v5, v15  }
0x382: {  	v18 =	vadd.s32 $0x14, v14;
	_ =	sdelay $0x2  }
0x383: {  	v20 =	vadd.s32 s1, v61  }
0x384: {  	[tilespmem:v15+s20+$0x0] =	vst.idx.msk $0xffff, v17;
	v15 =	vand.u32 $0xFFF8, v20  }
0x385: {  	v17 =	vld.idx.msk [tilespmem:v18+s5+$0x0], $0xffff;
	v15 =	vor.u32 v16, v15  }
0x386: {  	v18 =	vadd.s32 $0x14, v13;
	_ =	sdelay $0x2  }
0x387: {  	v20 =	vadd.s32 s1, v62  }
0x388: {  	[tilespmem:v15+s20+$0x0] =	vst.idx.msk $0xffff, v17;
	v15 =	vand.u32 $0xFFF8, v20  }
0x389: {  	v17 =	vld.idx.msk [tilespmem:v18+s5+$0x0], $0xffff;
	v15 =	vor.u32 v9, v15  }
0x38a: {  	v14 =	vadd.s32 $0x15, v14;
	_ =	sdelay $0x2  }
0x38b: {  	v18 =	vadd.s32 s1, v0  }
0x38c: {  	[tilespmem:v15+s20+$0x0] =	vst.idx.msk $0xffff, v17;
	v15 =	vand.u32 $0xFFF8, v18  }
0x38d: {  	v14 =	vld.idx.msk [tilespmem:v14+s5+$0x0], $0xffff;
	v15 =	vor.u32 v19, v15  }
0x38e: {  	v13 =	vadd.s32 $0x15, v13;
	_ =	sdelay $0x2  }
0x38f: {  	v17 =	vadd.s32 s1, v2  }
0x390: {  	v18 =	vmov s3;
	[tilespmem:v15+s20+$0x0] =	vst.idx.msk $0xffff, v14;
	v14 =	vand.u32 $0xFFF8, v17  }
0x391: {  	v15 =	vshll.u32 v18, $0x4;
	v13 =	vld.idx.msk [tilespmem:v13+s5+$0x0], $0xffff;
	v14 =	vor.u32 v12, v14  }
0x392: {  	v15 =	vor.u32 v33, v15;
	_ =	sdelay $0x2  }
0x393: {  	v17 =	vadd.s32 s1, v4  }
0x394: {  	[tilespmem:v14+s20+$0x0] =	vst.idx.msk $0xffff, v13;
	v13 =	vand.u32 $0xFFF8, v17  }
0x395: {  	v14 =	vld.idx.msk [tilespmem:v15+s15+$0x0], $0xffff;
	v13 =	vor.u32 v16, v13  }
0x396: {  	v17 =	vor.u32 $0x1, v15;
	_ =	sdelay $0x2  }
0x397: {  	v18 =	vadd.s32 s1, v6  }
0x398: {  	[tilespmem:v13+s20+$0x0] =	vst.idx.msk $0xffff, v14;
	v13 =	vand.u32 $0xFFF8, v18  }
0x399: {  	v14 =	vld.idx.msk [tilespmem:v17+s15+$0x0], $0xffff;
	v13 =	vor.u32 v19, v13  }
0x39a: {  	v17 =	vor.u32 $0x2, v15;
	_ =	sdelay $0x2  }
0x39b: {  	v18 =	vadd.s32 s1, v8  }
0x39c: {  	[tilespmem:v13+s20+$0x0] =	vst.idx.msk $0xffff, v14;
	v13 =	vand.u32 $0xFFF8, v18  }
0x39d: {  	v14 =	vld.idx.msk [tilespmem:v17+s15+$0x0], $0xffff;
	v13 =	vor.u32 v3, v13  }
0x39e: {  	v17 =	vor.u32 $0x3, v15;
	_ =	sdelay $0x2  }
0x39f: {  	v18 =	vadd.s32 s1, v10  }
0x3a0: {  	[tilespmem:v13+s20+$0x0] =	vst.idx.msk $0xffff, v14;
	v13 =	vand.u32 $0xFFF8, v18  }
0x3a1: {  	v14 =	vld.idx.msk [tilespmem:v17+s15+$0x0], $0xffff;
	v13 =	vor.u32 v7, v13  }
0x3a2: {  	v17 =	vor.u32 $0x4, v15;
	_ =	sdelay $0x2  }
0x3a3: {  	v18 =	vadd.s32 s1, v11  }
0x3a4: {  	[tilespmem:v13+s20+$0x0] =	vst.idx.msk $0xffff, v14;
	v13 =	vand.u32 $0xFFF8, v18  }
0x3a5: {  	v14 =	vld.idx.msk [tilespmem:v17+s15+$0x0], $0xffff;
	v13 =	vor.u32 v1, v13  }
0x3a6: {  	v17 =	vor.u32 $0x5, v15;
	_ =	sdelay $0x2  }
0x3a7: {  	v18 =	vadd.s32 s1, v21  }
0x3a8: {  	[tilespmem:v13+s20+$0x0] =	vst.idx.msk $0xffff, v14;
	v13 =	vand.u32 $0xFFF8, v18  }
0x3a9: {  	v14 =	vld.idx.msk [tilespmem:v17+s15+$0x0], $0xffff;
	v13 =	vor.u32 v5, v13  }
0x3aa: {  	v17 =	vor.u32 $0x6, v15;
	_ =	sdelay $0x2  }
0x3ab: {  	v18 =	vadd.s32 s1, v22  }
0x3ac: {  	[tilespmem:v13+s20+$0x0] =	vst.idx.msk $0xffff, v14;
	v13 =	vand.u32 $0xFFF8, v18  }
0x3ad: {  	v14 =	vld.idx.msk [tilespmem:v17+s15+$0x0], $0xffff;
	v13 =	vor.u32 v9, v13  }
0x3ae: {  	v17 =	vor.u32 $0x7, v15;
	_ =	sdelay $0x2  }
0x3af: {  	v18 =	vadd.s32 s1, v23  }
0x3b0: {  	[tilespmem:v13+s20+$0x0] =	vst.idx.msk $0xffff, v14;
	v13 =	vand.u32 $0xFFF8, v18  }
0x3b1: {  	v14 =	vld.idx.msk [tilespmem:v17+s15+$0x0], $0xffff;
	v13 =	vor.u32 v12, v13  }
0x3b2: {  	v17 =	vor.u32 $0x8, v15;
	_ =	sdelay $0x2  }
0x3b3: {  	v18 =	vadd.s32 s1, v24  }
0x3b4: {  	[tilespmem:v13+s20+$0x0] =	vst.idx.msk $0xffff, v14;
	v13 =	vand.u32 $0xFFF8, v18  }
0x3b5: {  	v14 =	vld.idx.msk [tilespmem:v17+s15+$0x0], $0xffff;
	v13 =	vor.u32 v16, v13  }
0x3b6: {  	v17 =	vor.u32 $0x9, v15;
	_ =	sdelay $0x2  }
0x3b7: {  	v18 =	vadd.s32 s1, v25  }
0x3b8: {  	[tilespmem:v13+s20+$0x0] =	vst.idx.msk $0xffff, v14;
	v13 =	vand.u32 $0xFFF8, v18  }
0x3b9: {  	v14 =	vld.idx.msk [tilespmem:v17+s15+$0x0], $0xffff;
	v13 =	vor.u32 v19, v13  }
0x3ba: {  	v17 =	vor.u32 $0xA, v15;
	_ =	sdelay $0x2  }
0x3bb: {  	v18 =	vadd.s32 s1, v26  }
0x3bc: {  	[tilespmem:v13+s20+$0x0] =	vst.idx.msk $0xffff, v14;
	v13 =	vand.u32 $0xFFF8, v18  }
0x3bd: {  	v14 =	vld.idx.msk [tilespmem:v17+s15+$0x0], $0xffff;
	v13 =	vor.u32 v3, v13  }
0x3be: {  	v17 =	vor.u32 $0xB, v15;
	_ =	sdelay $0x2  }
0x3bf: {  	v18 =	vadd.s32 s1, v27  }
0x3c0: {  	[tilespmem:v13+s20+$0x0] =	vst.idx.msk $0xffff, v14;
	v13 =	vand.u32 $0xFFF8, v18  }
0x3c1: {  	v14 =	vld.idx.msk [tilespmem:v17+s15+$0x0], $0xffff;
	v13 =	vor.u32 v7, v13  }
0x3c2: {  	v17 =	vor.u32 $0xC, v15;
	_ =	sdelay $0x2  }
0x3c3: {  	v18 =	vadd.s32 s1, v28  }
0x3c4: {  	[tilespmem:v13+s20+$0x0] =	vst.idx.msk $0xffff, v14;
	v13 =	vand.u32 $0xFFF8, v18  }
0x3c5: {  	v14 =	vld.idx.msk [tilespmem:v17+s15+$0x0], $0xffff;
	v13 =	vor.u32 v1, v13  }
0x3c6: {  	v17 =	vor.u32 $0xD, v15;
	_ =	sdelay $0x2  }
0x3c7: {  	v18 =	vadd.s32 s1, v29  }
0x3c8: {  	[tilespmem:v13+s20+$0x0] =	vst.idx.msk $0xffff, v14;
	v13 =	vand.u32 $0xFFF8, v18  }
0x3c9: {  	v14 =	vld.idx.msk [tilespmem:v17+s15+$0x0], $0xffff;
	v13 =	vor.u32 v5, v13  }
0x3ca: {  	v17 =	vor.u32 $0xE, v15;
	_ =	sdelay $0x2  }
0x3cb: {  	v18 =	vadd.s32 s1, v30  }
0x3cc: {  	[tilespmem:v13+s20+$0x0] =	vst.idx.msk $0xffff, v14;
	v13 =	vand.u32 $0xFFF8, v18  }
0x3cd: {  	v14 =	vld.idx.msk [tilespmem:v17+s15+$0x0], $0xffff;
	v13 =	vor.u32 v9, v13  }
0x3ce: {  	v15 =	vor.u32 $0xF, v15;
	_ =	sdelay $0x2  }
0x3cf: {  	v17 =	vadd.s32 s1, v31  }
0x3d0: {  	[tilespmem:v13+s20+$0x0] =	vst.idx.msk $0xffff, v14;
	v13 =	vand.u32 $0xFFF8, v17  }
0x3d1: {  	v14 =	vld.idx.msk [tilespmem:v15+s15+$0x0], $0xffff;
	v13 =	vor.u32 v12, v13;
	_ =	sdelay $0x3  }
0x3d2: {  	v15 =	vadd.s32 s1, v32  }
0x3d3: {  	[tilespmem:v13+s20+$0x0] =	vst.idx.msk $0xffff, v14;
	v13 =	vand.u32 $0xFFF8, v15  }
0x3d4: {  	p0 =	sne.s32 s3, $0x1F0;
	v14 =	vld [tilespmem:s2+$0x0];
	v13 =	vor.u32 v16, v13  }
.Ltmp2:
0x3d5: {  	_ = 	snop;
	(pc) =	sbr.rel @p0 .LBB2_7-.Ltmp2, $3  }
0x3d6: {  	_ =	sdelay $0x1  }
0x3d7: {  	s4 =	sadd.s32 $0x10, s4;
	s29 =	sadd.s32 $0x10, s29  }
0x3d8: {  	v20 =	vmov v33;
	s3 =	sadd.s32 $0x10, s3;
	s1 =	sadd.s32 $0x3D0, s1;
	s2 =	sadd.s32 $0x10, s2;
	[tilespmem:v13+s20+$0x0] =	vst.idx.msk $0xffff, v14  }
0x3d9: {  	s1 =	smul.u32 $0x3D, s6;
	_ =	sdelay $0x1  }
0x3da: {  	s1 =	sshrl.u32 s1, $0x3  }
0x3db: {  	s4 =	simm.s32 $0x0;
	s1 =	sadd.s32 s7, s1  }
0x3dc: {  	[hbm4b:s1+s4] =	stream.linear.scatter [tilespmem:s20], [sflag:$0x5], $0x7A00, $0x38;
	[tilespmem:$0x15300] =	vst v63  }
0x3dd: {  	_ =	swait.ge [sflag:s21], $0x200  }
0x3de: {  	[sflag:s21] =	ssyncset.done $0x0  }
0x3df: {  	[sflag:s21] =	ssyncadd.s32 $0xFFFFFE00  }
0x3e0: {  	_ =	swait.ge [sflag:s21], $0x200  }
0x3e1: {  	[sflag:s21] =	ssyncset.done $0x0  }
0x3e2: {  	s6 =	simm.s32 $0x1500;
	s2 =	sshll.u32 s31, $0x1;
	[sflag:s21] =	ssyncadd.s32 $0xFFFFFE00  }
0x3e3: {  	[tilespmem:s6], [sflag:$0x4] =	stream.indirect.gather [hbm4b:s8+s14], $0x1, s16, s14, $0xb8;
	[tilespmem:$0x15300] =	vst v63  }
0x3e4: {  	s29 =	simm.s32 $0x1900;
	s1 =	sand.u32 $0x1FFFFFE0, s2;
	s3 =	rddreg [dreg:$0xf]  }
0x3e5: {  	[tilespmem:s29], [sflag:$0x4] =	stream.indirect.gather [hbm4b:s8+s14], $0x1, s17, s14, $0xb8;
	[tilespmem:$0x15300] =	vst v63  }
0x3e6: {  	s2 =	sadd.s32 s9, s28;
	s1 =	sadd.s32 s10, s1;
	s0 =	sadd.s32 s0, s3  }
0x3e7: {  	[tilespmem:s22], [sflag:$0x4] =	stream.linear.gather [hbm4b:s1+s4], $0x2000, $0x38;
	[tilespmem:$0x15300] =	vst v63  }
0x3e8: {  	s0 =	sshrl.u32 s0, $0x3;
	s28 =	rddreg [dreg:$0x1];
	s1 =	simm.s32 $0x5D00  }
0x3e9: {  	[tilespmem:s1], [sflag:$0x4] =	stream.linear.gather [hbm4b:s2+s4], $0x200, $0x38;
	[tilespmem:$0x15300] =	vst v63  }
0x3ea: {  	s2 =	sadd.s32 s28, s0  }
0x3eb: {  	[tilespmem:s11], [sflag:$0x1] =	stream.linear.gather [hbm4b:s2+s4], $0x200, $0x38;
	[tilespmem:$0x15300] =	vst v63  }
0x3ec: {  	s0 =	sadd.s32 s19, s0  }
0x3ed: {  	[tilespmem:s12], [sflag:$0x1] =	stream.linear.gather [hbm4b:s0+s4], $0x200, $0x38;
	[tilespmem:$0x15300] =	vst v63  }
0x3ee: {  	_ =	swait.ge [sflag:s23], $0x200  }
0x3ef: {  	[sflag:s23] =	ssyncset.done $0x0  }
0x3f0: {  	[sflag:s23] =	ssyncadd.s32 $0xFFFFFE00  }
0x3f1: {  	_ =	swait.ge [sflag:s23], $0x200  }
0x3f2: {  	[sflag:s23] =	ssyncset.done $0x0  }
0x3f3: {  	[sflag:s23] =	ssyncadd.s32 $0xFFFFFE00  }
0x3f4: {  	_ =	swait.ge [sflag:s23], $0x2000  }
0x3f5: {  	[sflag:s23] =	ssyncset.done $0x0  }
0x3f6: {  	[sflag:s23] =	ssyncadd.s32 $0xFFFFE000  }
0x3f7: {  	_ =	swait.ge [sflag:s23], $0x200  }
0x3f8: {  	[sflag:s23] =	ssyncset.done $0x0  }
0x3f9: {  	[sflag:s23] =	ssyncadd.s32 $0xFFFFFE00  }
0x3fa: {  	_ =	swait.ge [sflag:s26], $0x7A00  }
0x3fb: {  	[sflag:s26] =	ssyncset.done $0x0  }
0x3fc: {  	s0 =	simm.s32 $0x0;
	[sflag:s26] =	ssyncadd.s32 $0xFFFF8600  }
.LBB2_9:
0x3fd: {  	v14 =	vld [tilespmem:s6+$0x0];
	_ =	sdelay $0x5  }
0x3fe: {  	v15 =	vadd.s32 s4, v63;
	v13 =	vld [tilespmem:s29+$0x0]  }
0x3ff: {  	v18 =	vld [tilespmem:$0x1FFB0];
	v15 =	vand.u32 $0xFFF8, v15  }
0x400: {  	v15 =	vor.u32 v1, v15;
	v17 =	vld.idx.msk [tilespmem:v14+s5+$0x0], $0xffff;
	_ =	sdelay $0x3  }
0x401: {  	v18 =	vadd.s32 s4, v18  }
0x402: {  	v20 =	vld [tilespmem:$0x1FFD0];
	[tilespmem:v15+s24+$0x0] =	vst.idx.msk $0xffff, v17;
	v15 =	vand.u32 $0xFFF8, v18  }
0x403: {  	v17 =	vld.idx.msk [tilespmem:v13+s5+$0x0], $0xffff;
	v15 =	vor.u32 v3, v15  }
0x404: {  	v18 =	vadd.s32 $0x1, v14;
	_ =	sdelay $0x2  }
0x405: {  	v20 =	vadd.s32 s4, v20  }
0x406: {  	[tilespmem:v15+s24+$0x0] =	vst.idx.msk $0xffff, v17;
	v15 =	vand.u32 $0xFFF8, v20;
	v20 =	vld [tilespmem:$0x1FC90]  }
0x407: {  	v17 =	vld.idx.msk [tilespmem:v18+s5+$0x0], $0xffff;
	v15 =	vor.u32 v5, v15  }
0x408: {  	v18 =	vadd.s32 $0x1, v13;
	_ =	sdelay $0x2  }
0x409: {  	v20 =	vadd.s32 s4, v20  }
0x40a: {  	[tilespmem:v15+s24+$0x0] =	vst.idx.msk $0xffff, v17;
	v15 =	vand.u32 $0xFFF8, v20;
	v20 =	vld [tilespmem:$0x1FCA0]  }
0x40b: {  	v17 =	vld.idx.msk [tilespmem:v18+s5+$0x0], $0xffff;
	v15 =	vor.u32 v7, v15  }
0x40c: {  	v18 =	vadd.s32 $0x2, v14;
	_ =	sdelay $0x2  }
0x40d: {  	v20 =	vadd.s32 s4, v20  }
0x40e: {  	[tilespmem:v15+s24+$0x0] =	vst.idx.msk $0xffff, v17;
	v15 =	vand.u32 $0xFFF8, v20;
	v20 =	vld [tilespmem:$0x1FCB0]  }
0x40f: {  	v17 =	vld.idx.msk [tilespmem:v18+s5+$0x0], $0xffff;
	v15 =	vor.u32 v9, v15  }
0x410: {  	v18 =	vadd.s32 $0x2, v13;
	_ =	sdelay $0x2  }
0x411: {  	v20 =	vadd.s32 s4, v20  }
0x412: {  	[tilespmem:v15+s24+$0x0] =	vst.idx.msk $0xffff, v17;
	v15 =	vand.u32 $0xFFF8, v20;
	v20 =	vld [tilespmem:$0x1FCC0]  }
0x413: {  	v17 =	vld.idx.msk [tilespmem:v18+s5+$0x0], $0xffff;
	v15 =	vor.u32 v1, v15  }
0x414: {  	v18 =	vadd.s32 $0x3, v14;
	_ =	sdelay $0x2  }
0x415: {  	v20 =	vadd.s32 s4, v20  }
0x416: {  	[tilespmem:v15+s24+$0x0] =	vst.idx.msk $0xffff, v17;
	v15 =	vand.u32 $0xFFF8, v20;
	v20 =	vld [tilespmem:$0x1FCF0]  }
0x417: {  	v17 =	vld.idx.msk [tilespmem:v18+s5+$0x0], $0xffff;
	v15 =	vor.u32 v12, v15  }
0x418: {  	v18 =	vadd.s32 $0x3, v13;
	_ =	sdelay $0x2  }
0x419: {  	v20 =	vadd.s32 s4, v20  }
0x41a: {  	[tilespmem:v15+s24+$0x0] =	vst.idx.msk $0xffff, v17;
	v15 =	vand.u32 $0xFFF8, v20;
	v20 =	vld [tilespmem:$0x1FCD0]  }
0x41b: {  	v17 =	vld.idx.msk [tilespmem:v18+s5+$0x0], $0xffff;
	v15 =	vor.u32 v5, v15  }
0x41c: {  	v18 =	vadd.s32 $0x4, v14;
	_ =	sdelay $0x2  }
0x41d: {  	v20 =	vadd.s32 s4, v20  }
0x41e: {  	[tilespmem:v15+s24+$0x0] =	vst.idx.msk $0xffff, v17;
	v15 =	vand.u32 $0xFFF8, v20;
	v20 =	vld [tilespmem:$0x1FD10]  }
0x41f: {  	v17 =	vld.idx.msk [tilespmem:v18+s5+$0x0], $0xffff;
	v15 =	vor.u32 v16, v15  }
0x420: {  	v18 =	vadd.s32 $0x4, v13;
	_ =	sdelay $0x2  }
0x421: {  	v20 =	vadd.s32 s4, v20  }
0x422: {  	[tilespmem:v15+s24+$0x0] =	vst.idx.msk $0xffff, v17;
	v15 =	vand.u32 $0xFFF8, v20;
	v20 =	vld [tilespmem:$0x1FD20]  }
0x423: {  	v17 =	vld.idx.msk [tilespmem:v18+s5+$0x0], $0xffff;
	v15 =	vor.u32 v9, v15  }
0x424: {  	v18 =	vadd.s32 $0x5, v14;
	_ =	sdelay $0x2  }
0x425: {  	v20 =	vadd.s32 s4, v20  }
0x426: {  	[tilespmem:v15+s24+$0x0] =	vst.idx.msk $0xffff, v17;
	v15 =	vand.u32 $0xFFF8, v20;
	v20 =	vld [tilespmem:$0x1FD30]  }
0x427: {  	v17 =	vld.idx.msk [tilespmem:v18+s5+$0x0], $0xffff;
	v15 =	vor.u32 v19, v15  }
0x428: {  	v18 =	vadd.s32 $0x5, v13;
	_ =	sdelay $0x2  }
0x429: {  	v20 =	vadd.s32 s4, v20  }
0x42a: {  	[tilespmem:v15+s24+$0x0] =	vst.idx.msk $0xffff, v17;
	v15 =	vand.u32 $0xFFF8, v20;
	v20 =	vld [tilespmem:$0x1FD40]  }
0x42b: {  	v17 =	vld.idx.msk [tilespmem:v18+s5+$0x0], $0xffff;
	v15 =	vor.u32 v12, v15  }
0x42c: {  	v18 =	vadd.s32 $0x6, v14;
	_ =	sdelay $0x2  }
0x42d: {  	v20 =	vadd.s32 s4, v20  }
0x42e: {  	[tilespmem:v15+s24+$0x0] =	vst.idx.msk $0xffff, v17;
	v15 =	vand.u32 $0xFFF8, v20  }
0x42f: {  	v17 =	vld.idx.msk [tilespmem:v18+s5+$0x0], $0xffff;
	v15 =	vor.u32 v3, v15  }
0x430: {  	v18 =	vadd.s32 $0x6, v13;
	_ =	sdelay $0x2  }
0x431: {  	v20 =	vadd.s32 s4, v35  }
0x432: {  	[tilespmem:v15+s24+$0x0] =	vst.idx.msk $0xffff, v17;
	v15 =	vand.u32 $0xFFF8, v20  }
0x433: {  	v17 =	vld.idx.msk [tilespmem:v18+s5+$0x0], $0xffff;
	v15 =	vor.u32 v16, v15  }
0x434: {  	v18 =	vadd.s32 $0x7, v14;
	_ =	sdelay $0x2  }
0x435: {  	v20 =	vadd.s32 s4, v36  }
0x436: {  	[tilespmem:v15+s24+$0x0] =	vst.idx.msk $0xffff, v17;
	v15 =	vand.u32 $0xFFF8, v20  }
0x437: {  	v17 =	vld.idx.msk [tilespmem:v18+s5+$0x0], $0xffff;
	v15 =	vor.u32 v7, v15  }
0x438: {  	v18 =	vadd.s32 $0x7, v13;
	_ =	sdelay $0x2  }
0x439: {  	v20 =	vadd.s32 s4, v34  }
0x43a: {  	[tilespmem:v15+s24+$0x0] =	vst.idx.msk $0xffff, v17;
	v15 =	vand.u32 $0xFFF8, v20  }
0x43b: {  	v17 =	vld.idx.msk [tilespmem:v18+s5+$0x0], $0xffff;
	v15 =	vor.u32 v19, v15  }
0x43c: {  	v18 =	vadd.s32 $0x8, v14;
	_ =	sdelay $0x2  }
0x43d: {  	v20 =	vadd.s32 s4, v37  }
0x43e: {  	[tilespmem:v15+s24+$0x0] =	vst.idx.msk $0xffff, v17;
	v15 =	vand.u32 $0xFFF8, v20  }
0x43f: {  	v17 =	vld.idx.msk [tilespmem:v18+s5+$0x0], $0xffff;
	v15 =	vor.u32 v1, v15  }
0x440: {  	v18 =	vadd.s32 $0x8, v13;
	_ =	sdelay $0x2  }
0x441: {  	v20 =	vadd.s32 s4, v38  }
0x442: {  	[tilespmem:v15+s24+$0x0] =	vst.idx.msk $0xffff, v17;
	v15 =	vand.u32 $0xFFF8, v20  }
0x443: {  	v17 =	vld.idx.msk [tilespmem:v18+s5+$0x0], $0xffff;
	v15 =	vor.u32 v3, v15  }
0x444: {  	v18 =	vadd.s32 $0x9, v14;
	_ =	sdelay $0x2  }
0x445: {  	v20 =	vadd.s32 s4, v39  }
0x446: {  	[tilespmem:v15+s24+$0x0] =	vst.idx.msk $0xffff, v17;
	v15 =	vand.u32 $0xFFF8, v20  }
0x447: {  	v17 =	vld.idx.msk [tilespmem:v18+s5+$0x0], $0xffff;
	v15 =	vor.u32 v5, v15  }
0x448: {  	v18 =	vadd.s32 $0x9, v13;
	_ =	sdelay $0x2  }
0x449: {  	v20 =	vadd.s32 s4, v40  }
0x44a: {  	[tilespmem:v15+s24+$0x0] =	vst.idx.msk $0xffff, v17;
	v15 =	vand.u32 $0xFFF8, v20  }
0x44b: {  	v17 =	vld.idx.msk [tilespmem:v18+s5+$0x0], $0xffff;
	v15 =	vor.u32 v7, v15  }
0x44c: {  	v18 =	vadd.s32 $0xA, v14;
	_ =	sdelay $0x2  }
0x44d: {  	v20 =	vadd.s32 s4, v41  }
0x44e: {  	[tilespmem:v15+s24+$0x0] =	vst.idx.msk $0xffff, v17;
	v15 =	vand.u32 $0xFFF8, v20  }
0x44f: {  	v17 =	vld.idx.msk [tilespmem:v18+s5+$0x0], $0xffff;
	v15 =	vor.u32 v9, v15  }
0x450: {  	v18 =	vadd.s32 $0xA, v13;
	_ =	sdelay $0x2  }
0x451: {  	v20 =	vadd.s32 s4, v42  }
0x452: {  	[tilespmem:v15+s24+$0x0] =	vst.idx.msk $0xffff, v17;
	v15 =	vand.u32 $0xFFF8, v20  }
0x453: {  	v17 =	vld.idx.msk [tilespmem:v18+s5+$0x0], $0xffff;
	v15 =	vor.u32 v1, v15  }
0x454: {  	v18 =	vadd.s32 $0xB, v14;
	_ =	sdelay $0x2  }
0x455: {  	v20 =	vadd.s32 s4, v43  }
0x456: {  	[tilespmem:v15+s24+$0x0] =	vst.idx.msk $0xffff, v17;
	v15 =	vand.u32 $0xFFF8, v20  }
0x457: {  	v17 =	vld.idx.msk [tilespmem:v18+s5+$0x0], $0xffff;
	v15 =	vor.u32 v12, v15  }
0x458: {  	v18 =	vadd.s32 $0xB, v13;
	_ =	sdelay $0x2  }
0x459: {  	v20 =	vadd.s32 s4, v44  }
0x45a: {  	[tilespmem:v15+s24+$0x0] =	vst.idx.msk $0xffff, v17;
	v15 =	vand.u32 $0xFFF8, v20  }
0x45b: {  	v17 =	vld.idx.msk [tilespmem:v18+s5+$0x0], $0xffff;
	v15 =	vor.u32 v5, v15  }
0x45c: {  	v18 =	vadd.s32 $0xC, v14;
	_ =	sdelay $0x2  }
0x45d: {  	v20 =	vadd.s32 s4, v45  }
0x45e: {  	[tilespmem:v15+s24+$0x0] =	vst.idx.msk $0xffff, v17;
	v15 =	vand.u32 $0xFFF8, v20  }
0x45f: {  	v17 =	vld.idx.msk [tilespmem:v18+s5+$0x0], $0xffff;
	v15 =	vor.u32 v16, v15  }
0x460: {  	v18 =	vadd.s32 $0xC, v13;
	_ =	sdelay $0x2  }
0x461: {  	v20 =	vadd.s32 s4, v46  }
0x462: {  	[tilespmem:v15+s24+$0x0] =	vst.idx.msk $0xffff, v17;
	v15 =	vand.u32 $0xFFF8, v20  }
0x463: {  	v17 =	vld.idx.msk [tilespmem:v18+s5+$0x0], $0xffff;
	v15 =	vor.u32 v9, v15  }
0x464: {  	v18 =	vadd.s32 $0xD, v14;
	_ =	sdelay $0x2  }
0x465: {  	v20 =	vadd.s32 s4, v47  }
0x466: {  	[tilespmem:v15+s24+$0x0] =	vst.idx.msk $0xffff, v17;
	v15 =	vand.u32 $0xFFF8, v20  }
0x467: {  	v17 =	vld.idx.msk [tilespmem:v18+s5+$0x0], $0xffff;
	v15 =	vor.u32 v19, v15  }
0x468: {  	v18 =	vadd.s32 $0xD, v13;
	_ =	sdelay $0x2  }
0x469: {  	v20 =	vadd.s32 s4, v48  }
0x46a: {  	[tilespmem:v15+s24+$0x0] =	vst.idx.msk $0xffff, v17;
	v15 =	vand.u32 $0xFFF8, v20  }
0x46b: {  	v17 =	vld.idx.msk [tilespmem:v18+s5+$0x0], $0xffff;
	v15 =	vor.u32 v12, v15  }
0x46c: {  	v18 =	vadd.s32 $0xE, v14;
	_ =	sdelay $0x2  }
0x46d: {  	v20 =	vadd.s32 s4, v49  }
0x46e: {  	[tilespmem:v15+s24+$0x0] =	vst.idx.msk $0xffff, v17;
	v15 =	vand.u32 $0xFFF8, v20  }
0x46f: {  	v17 =	vld.idx.msk [tilespmem:v18+s5+$0x0], $0xffff;
	v15 =	vor.u32 v3, v15  }
0x470: {  	v18 =	vadd.s32 $0xE, v13;
	_ =	sdelay $0x2  }
0x471: {  	v20 =	vadd.s32 s4, v50  }
0x472: {  	[tilespmem:v15+s24+$0x0] =	vst.idx.msk $0xffff, v17;
	v15 =	vand.u32 $0xFFF8, v20  }
0x473: {  	v17 =	vld.idx.msk [tilespmem:v18+s5+$0x0], $0xffff;
	v15 =	vor.u32 v16, v15  }
0x474: {  	v18 =	vadd.s32 $0xF, v14;
	_ =	sdelay $0x2  }
0x475: {  	v20 =	vadd.s32 s4, v51  }
0x476: {  	[tilespmem:v15+s24+$0x0] =	vst.idx.msk $0xffff, v17;
	v15 =	vand.u32 $0xFFF8, v20  }
0x477: {  	v17 =	vld.idx.msk [tilespmem:v18+s5+$0x0], $0xffff;
	v15 =	vor.u32 v7, v15  }
0x478: {  	v18 =	vadd.s32 $0xF, v13;
	_ =	sdelay $0x2  }
0x479: {  	v20 =	vadd.s32 s4, v52  }
0x47a: {  	[tilespmem:v15+s24+$0x0] =	vst.idx.msk $0xffff, v17;
	v15 =	vand.u32 $0xFFF8, v20  }
0x47b: {  	v17 =	vld.idx.msk [tilespmem:v18+s5+$0x0], $0xffff;
	v15 =	vor.u32 v19, v15  }
0x47c: {  	v18 =	vadd.s32 $0x10, v14;
	_ =	sdelay $0x2  }
0x47d: {  	v20 =	vadd.s32 s4, v53  }
0x47e: {  	[tilespmem:v15+s24+$0x0] =	vst.idx.msk $0xffff, v17;
	v15 =	vand.u32 $0xFFF8, v20  }
0x47f: {  	v17 =	vld.idx.msk [tilespmem:v18+s5+$0x0], $0xffff;
	v15 =	vor.u32 v1, v15  }
0x480: {  	v18 =	vadd.s32 $0x10, v13;
	_ =	sdelay $0x2  }
0x481: {  	v20 =	vadd.s32 s4, v54  }
0x482: {  	[tilespmem:v15+s24+$0x0] =	vst.idx.msk $0xffff, v17;
	v15 =	vand.u32 $0xFFF8, v20  }
0x483: {  	v17 =	vld.idx.msk [tilespmem:v18+s5+$0x0], $0xffff;
	v15 =	vor.u32 v3, v15  }
0x484: {  	v18 =	vadd.s32 $0x11, v14;
	_ =	sdelay $0x2  }
0x485: {  	v20 =	vadd.s32 s4, v55  }
0x486: {  	[tilespmem:v15+s24+$0x0] =	vst.idx.msk $0xffff, v17;
	v15 =	vand.u32 $0xFFF8, v20  }
0x487: {  	v17 =	vld.idx.msk [tilespmem:v18+s5+$0x0], $0xffff;
	v15 =	vor.u32 v5, v15  }
0x488: {  	v18 =	vadd.s32 $0x11, v13;
	_ =	sdelay $0x2  }
0x489: {  	v20 =	vadd.s32 s4, v56  }
0x48a: {  	[tilespmem:v15+s24+$0x0] =	vst.idx.msk $0xffff, v17;
	v15 =	vand.u32 $0xFFF8, v20  }
0x48b: {  	v17 =	vld.idx.msk [tilespmem:v18+s5+$0x0], $0xffff;
	v15 =	vor.u32 v7, v15  }
0x48c: {  	v18 =	vadd.s32 $0x12, v14;
	_ =	sdelay $0x2  }
0x48d: {  	v20 =	vadd.s32 s4, v57  }
0x48e: {  	[tilespmem:v15+s24+$0x0] =	vst.idx.msk $0xffff, v17;
	v15 =	vand.u32 $0xFFF8, v20  }
0x48f: {  	v17 =	vld.idx.msk [tilespmem:v18+s5+$0x0], $0xffff;
	v15 =	vor.u32 v9, v15  }
0x490: {  	v18 =	vadd.s32 $0x12, v13;
	_ =	sdelay $0x2  }
0x491: {  	v20 =	vadd.s32 s4, v58  }
0x492: {  	[tilespmem:v15+s24+$0x0] =	vst.idx.msk $0xffff, v17;
	v15 =	vand.u32 $0xFFF8, v20  }
0x493: {  	v17 =	vld.idx.msk [tilespmem:v18+s5+$0x0], $0xffff;
	v15 =	vor.u32 v1, v15  }
0x494: {  	v18 =	vadd.s32 $0x13, v14;
	_ =	sdelay $0x2  }
0x495: {  	v20 =	vadd.s32 s4, v59  }
0x496: {  	[tilespmem:v15+s24+$0x0] =	vst.idx.msk $0xffff, v17;
	v15 =	vand.u32 $0xFFF8, v20  }
0x497: {  	v17 =	vld.idx.msk [tilespmem:v18+s5+$0x0], $0xffff;
	v15 =	vor.u32 v12, v15  }
0x498: {  	v18 =	vadd.s32 $0x13, v13;
	_ =	sdelay $0x2  }
0x499: {  	v20 =	vadd.s32 s4, v60  }
0x49a: {  	[tilespmem:v15+s24+$0x0] =	vst.idx.msk $0xffff, v17;
	v15 =	vand.u32 $0xFFF8, v20  }
0x49b: {  	v17 =	vld.idx.msk [tilespmem:v18+s5+$0x0], $0xffff;
	v15 =	vor.u32 v5, v15  }
0x49c: {  	v18 =	vadd.s32 $0x14, v14;
	_ =	sdelay $0x2  }
0x49d: {  	v20 =	vadd.s32 s4, v61  }
0x49e: {  	[tilespmem:v15+s24+$0x0] =	vst.idx.msk $0xffff, v17;
	v15 =	vand.u32 $0xFFF8, v20  }
0x49f: {  	v17 =	vld.idx.msk [tilespmem:v18+s5+$0x0], $0xffff;
	v15 =	vor.u32 v16, v15  }
0x4a0: {  	v18 =	vadd.s32 $0x14, v13;
	_ =	sdelay $0x2  }
0x4a1: {  	v20 =	vadd.s32 s4, v62  }
0x4a2: {  	[tilespmem:v15+s24+$0x0] =	vst.idx.msk $0xffff, v17;
	v15 =	vand.u32 $0xFFF8, v20  }
0x4a3: {  	v17 =	vld.idx.msk [tilespmem:v18+s5+$0x0], $0xffff;
	v15 =	vor.u32 v9, v15  }
0x4a4: {  	v14 =	vadd.s32 $0x15, v14;
	_ =	sdelay $0x2  }
0x4a5: {  	v18 =	vadd.s32 s4, v0  }
0x4a6: {  	[tilespmem:v15+s24+$0x0] =	vst.idx.msk $0xffff, v17;
	v15 =	vand.u32 $0xFFF8, v18  }
0x4a7: {  	v14 =	vld.idx.msk [tilespmem:v14+s5+$0x0], $0xffff;
	v15 =	vor.u32 v19, v15  }
0x4a8: {  	v13 =	vadd.s32 $0x15, v13;
	_ =	sdelay $0x2  }
0x4a9: {  	v17 =	vadd.s32 s4, v2  }
0x4aa: {  	v18 =	vmov s0;
	[tilespmem:v15+s24+$0x0] =	vst.idx.msk $0xffff, v14;
	v14 =	vand.u32 $0xFFF8, v17  }
0x4ab: {  	v15 =	vshll.u32 v18, $0x4;
	v13 =	vld.idx.msk [tilespmem:v13+s5+$0x0], $0xffff;
	v14 =	vor.u32 v12, v14  }
0x4ac: {  	v15 =	vor.u32 v33, v15;
	_ =	sdelay $0x2  }
0x4ad: {  	v17 =	vadd.s32 s4, v4  }
0x4ae: {  	[tilespmem:v14+s24+$0x0] =	vst.idx.msk $0xffff, v13;
	v13 =	vand.u32 $0xFFF8, v17  }
0x4af: {  	v14 =	vld.idx.msk [tilespmem:v15+s22+$0x0], $0xffff;
	v13 =	vor.u32 v16, v13  }
0x4b0: {  	v17 =	vor.u32 $0x1, v15;
	_ =	sdelay $0x2  }
0x4b1: {  	v18 =	vadd.s32 s4, v6  }
0x4b2: {  	[tilespmem:v13+s24+$0x0] =	vst.idx.msk $0xffff, v14;
	v13 =	vand.u32 $0xFFF8, v18  }
0x4b3: {  	v14 =	vld.idx.msk [tilespmem:v17+s22+$0x0], $0xffff;
	v13 =	vor.u32 v19, v13  }
0x4b4: {  	v17 =	vor.u32 $0x2, v15;
	_ =	sdelay $0x2  }
0x4b5: {  	v18 =	vadd.s32 s4, v8  }
0x4b6: {  	[tilespmem:v13+s24+$0x0] =	vst.idx.msk $0xffff, v14;
	v13 =	vand.u32 $0xFFF8, v18  }
0x4b7: {  	v14 =	vld.idx.msk [tilespmem:v17+s22+$0x0], $0xffff;
	v13 =	vor.u32 v3, v13  }
0x4b8: {  	v17 =	vor.u32 $0x3, v15;
	_ =	sdelay $0x2  }
0x4b9: {  	v18 =	vadd.s32 s4, v10  }
0x4ba: {  	[tilespmem:v13+s24+$0x0] =	vst.idx.msk $0xffff, v14;
	v13 =	vand.u32 $0xFFF8, v18  }
0x4bb: {  	v14 =	vld.idx.msk [tilespmem:v17+s22+$0x0], $0xffff;
	v13 =	vor.u32 v7, v13  }
0x4bc: {  	v17 =	vor.u32 $0x4, v15;
	_ =	sdelay $0x2  }
0x4bd: {  	v18 =	vadd.s32 s4, v11  }
0x4be: {  	[tilespmem:v13+s24+$0x0] =	vst.idx.msk $0xffff, v14;
	v13 =	vand.u32 $0xFFF8, v18  }
0x4bf: {  	v14 =	vld.idx.msk [tilespmem:v17+s22+$0x0], $0xffff;
	v13 =	vor.u32 v1, v13  }
0x4c0: {  	v17 =	vor.u32 $0x5, v15;
	_ =	sdelay $0x2  }
0x4c1: {  	v18 =	vadd.s32 s4, v21  }
0x4c2: {  	[tilespmem:v13+s24+$0x0] =	vst.idx.msk $0xffff, v14;
	v13 =	vand.u32 $0xFFF8, v18  }
0x4c3: {  	v14 =	vld.idx.msk [tilespmem:v17+s22+$0x0], $0xffff;
	v13 =	vor.u32 v5, v13  }
0x4c4: {  	v17 =	vor.u32 $0x6, v15;
	_ =	sdelay $0x2  }
0x4c5: {  	v18 =	vadd.s32 s4, v22  }
0x4c6: {  	[tilespmem:v13+s24+$0x0] =	vst.idx.msk $0xffff, v14;
	v13 =	vand.u32 $0xFFF8, v18  }
0x4c7: {  	v14 =	vld.idx.msk [tilespmem:v17+s22+$0x0], $0xffff;
	v13 =	vor.u32 v9, v13  }
0x4c8: {  	v17 =	vor.u32 $0x7, v15;
	_ =	sdelay $0x2  }
0x4c9: {  	v18 =	vadd.s32 s4, v23  }
0x4ca: {  	[tilespmem:v13+s24+$0x0] =	vst.idx.msk $0xffff, v14;
	v13 =	vand.u32 $0xFFF8, v18  }
0x4cb: {  	v14 =	vld.idx.msk [tilespmem:v17+s22+$0x0], $0xffff;
	v13 =	vor.u32 v12, v13  }
0x4cc: {  	v17 =	vor.u32 $0x8, v15;
	_ =	sdelay $0x2  }
0x4cd: {  	v18 =	vadd.s32 s4, v24  }
0x4ce: {  	[tilespmem:v13+s24+$0x0] =	vst.idx.msk $0xffff, v14;
	v13 =	vand.u32 $0xFFF8, v18  }
0x4cf: {  	v14 =	vld.idx.msk [tilespmem:v17+s22+$0x0], $0xffff;
	v13 =	vor.u32 v16, v13  }
0x4d0: {  	v17 =	vor.u32 $0x9, v15;
	_ =	sdelay $0x2  }
0x4d1: {  	v18 =	vadd.s32 s4, v25  }
0x4d2: {  	[tilespmem:v13+s24+$0x0] =	vst.idx.msk $0xffff, v14;
	v13 =	vand.u32 $0xFFF8, v18  }
0x4d3: {  	v14 =	vld.idx.msk [tilespmem:v17+s22+$0x0], $0xffff;
	v13 =	vor.u32 v19, v13  }
0x4d4: {  	v17 =	vor.u32 $0xA, v15;
	_ =	sdelay $0x2  }
0x4d5: {  	v18 =	vadd.s32 s4, v26  }
0x4d6: {  	[tilespmem:v13+s24+$0x0] =	vst.idx.msk $0xffff, v14;
	v13 =	vand.u32 $0xFFF8, v18  }
0x4d7: {  	v14 =	vld.idx.msk [tilespmem:v17+s22+$0x0], $0xffff;
	v13 =	vor.u32 v3, v13  }
0x4d8: {  	v17 =	vor.u32 $0xB, v15;
	_ =	sdelay $0x2  }
0x4d9: {  	v18 =	vadd.s32 s4, v27  }
0x4da: {  	[tilespmem:v13+s24+$0x0] =	vst.idx.msk $0xffff, v14;
	v13 =	vand.u32 $0xFFF8, v18  }
0x4db: {  	v14 =	vld.idx.msk [tilespmem:v17+s22+$0x0], $0xffff;
	v13 =	vor.u32 v7, v13  }
0x4dc: {  	v17 =	vor.u32 $0xC, v15;
	_ =	sdelay $0x2  }
0x4dd: {  	v18 =	vadd.s32 s4, v28  }
0x4de: {  	[tilespmem:v13+s24+$0x0] =	vst.idx.msk $0xffff, v14;
	v13 =	vand.u32 $0xFFF8, v18  }
0x4df: {  	v14 =	vld.idx.msk [tilespmem:v17+s22+$0x0], $0xffff;
	v13 =	vor.u32 v1, v13  }
0x4e0: {  	v17 =	vor.u32 $0xD, v15;
	_ =	sdelay $0x2  }
0x4e1: {  	v18 =	vadd.s32 s4, v29  }
0x4e2: {  	[tilespmem:v13+s24+$0x0] =	vst.idx.msk $0xffff, v14;
	v13 =	vand.u32 $0xFFF8, v18  }
0x4e3: {  	v14 =	vld.idx.msk [tilespmem:v17+s22+$0x0], $0xffff;
	v13 =	vor.u32 v5, v13  }
0x4e4: {  	v17 =	vor.u32 $0xE, v15;
	_ =	sdelay $0x2  }
0x4e5: {  	v18 =	vadd.s32 s4, v30  }
0x4e6: {  	[tilespmem:v13+s24+$0x0] =	vst.idx.msk $0xffff, v14;
	v13 =	vand.u32 $0xFFF8, v18  }
0x4e7: {  	v14 =	vld.idx.msk [tilespmem:v17+s22+$0x0], $0xffff;
	v13 =	vor.u32 v9, v13  }
0x4e8: {  	v15 =	vor.u32 $0xF, v15;
	_ =	sdelay $0x2  }
0x4e9: {  	v17 =	vadd.s32 s4, v31  }
0x4ea: {  	[tilespmem:v13+s24+$0x0] =	vst.idx.msk $0xffff, v14;
	v13 =	vand.u32 $0xFFF8, v17  }
0x4eb: {  	v14 =	vld.idx.msk [tilespmem:v15+s22+$0x0], $0xffff;
	v13 =	vor.u32 v12, v13;
	_ =	sdelay $0x3  }
0x4ec: {  	v15 =	vadd.s32 s4, v32  }
0x4ed: {  	[tilespmem:v13+s24+$0x0] =	vst.idx.msk $0xffff, v14;
	v13 =	vand.u32 $0xFFF8, v15  }
0x4ee: {  	p0 =	sne.s32 s0, $0x1F0;
	v14 =	vld [tilespmem:s1+$0x0];
	v13 =	vor.u32 v16, v13  }
.Ltmp3:
0x4ef: {  	_ = 	snop;
	(pc) =	sbr.rel @p0 .LBB2_9-.Ltmp3, $3  }
0x4f0: {  	_ =	sdelay $0x1  }
0x4f1: {  	s6 =	sadd.s32 $0x10, s6;
	s29 =	sadd.s32 $0x10, s29  }
0x4f2: {  	s0 =	sadd.s32 $0x10, s0;
	s4 =	sadd.s32 $0x3D0, s4;
	s1 =	sadd.s32 $0x10, s1;
	[tilespmem:v13+s24+$0x0] =	vst.idx.msk $0xffff, v14  }
0x4f3: {  	s30 =	sadd.s32 $0x1, s30  }
0x4f4: {  	s0 =	smul.u32 $0x3D, s31;
	p0 =	sne.s32 s30, $0x30  }
.Ltmp4:
0x4f5: {  	_ = 	snop;
	(pc) =	sbr.rel @p0 .LBB2_6-.Ltmp4, $4  }
0x4f6: {  	_ = 	snop  }
0x4f7: {  	s0 =	sshrl.u32 s0, $0x3  }
0x4f8: {  	s0 =	sadd.s32 s7, s0  }
0x4f9: {  	[hbm4b:s0+s5] =	stream.linear.scatter [tilespmem:s24], [sflag:$0x6], $0x7A00, $0x38;
	[tilespmem:$0x15300] =	vst v63  }
0x4fa: {  	_ =	swait.ge [sflag:s13], $0x200  }
0x4fb: {  	[sflag:s13] =	ssyncset.done $0x0  }
0x4fc: {  	[sflag:s13] =	ssyncadd.s32 $0xFFFFFE00  }
0x4fd: {  	_ =	swait.ge [sflag:s13], $0x200  }
0x4fe: {  	[sflag:s13] =	ssyncset.done $0x0  }
0x4ff: {  	s0 =	simm.s32 $0x1300;
	[sflag:s13] =	ssyncadd.s32 $0xFFFFFE00  }
0x500: {  	[tilespmem:s0], [sflag:$0x3] =	stream.indirect.gather [hbm4b:s8+s14], $0x1, s11, s14, $0xb8;
	[tilespmem:$0x15300] =	vst v63  }
0x501: {  	s1 =	simm.s32 $0x1700  }
0x502: {  	[tilespmem:s1], [sflag:$0x3] =	stream.indirect.gather [hbm4b:s8+s14], $0x1, s12, s14, $0xb8;
	[tilespmem:$0x15300] =	vst v63  }
0x503: {  	s2 =	simm.s32 $0x0;
	s3 =	rddreg [dreg:$0x14]  }
0x504: {  	[tilespmem:s15], [sflag:$0x3] =	stream.linear.gather [hbm4b:s3+s2], $0x2000, $0x38;
	[tilespmem:$0x15300] =	vst v63  }
0x505: {  	s4 =	simm.s32 $0x5B00;
	s31 =	rddreg [dreg:$0x15]  }
0x506: {  	[tilespmem:s4], [sflag:$0x3] =	stream.linear.gather [hbm4b:s31+s2], $0x200, $0x38;
	[tilespmem:$0x15300] =	vst v63  }
0x507: {  	_ =	swait.ge [sflag:s18], $0x200  }
0x508: {  	[sflag:s18] =	ssyncset.done $0x0  }
0x509: {  	[sflag:s18] =	ssyncadd.s32 $0xFFFFFE00  }
0x50a: {  	_ =	swait.ge [sflag:s18], $0x200  }
0x50b: {  	[sflag:s18] =	ssyncset.done $0x0  }
0x50c: {  	[sflag:s18] =	ssyncadd.s32 $0xFFFFFE00  }
0x50d: {  	_ =	swait.ge [sflag:s18], $0x2000  }
0x50e: {  	[sflag:s18] =	ssyncset.done $0x0  }
0x50f: {  	[sflag:s18] =	ssyncadd.s32 $0xFFFFE000  }
0x510: {  	_ =	swait.ge [sflag:s18], $0x200  }
0x511: {  	[sflag:s18] =	ssyncset.done $0x0  }
0x512: {  	[sflag:s18] =	ssyncadd.s32 $0xFFFFFE00  }
0x513: {  	_ =	swait.ge [sflag:s25], $0x7A00  }
0x514: {  	v41 =	vld [tilespmem:$0x1FD40]  }
0x515: {  	v42 =	vld [tilespmem:$0x1FD50]  }
0x516: {  	v43 =	vld [tilespmem:$0x1FD60]  }
0x517: {  	v44 =	vld [tilespmem:$0x1FD70]  }
0x518: {  	v45 =	vld [tilespmem:$0x1FD80]  }
0x519: {  	v46 =	vld [tilespmem:$0x1FD90]  }
0x51a: {  	v47 =	vld [tilespmem:$0x1FDA0]  }
0x51b: {  	v48 =	vld [tilespmem:$0x1FDB0]  }
0x51c: {  	v49 =	vld [tilespmem:$0x1FDC0]  }
0x51d: {  	v50 =	vld [tilespmem:$0x1FDD0]  }
0x51e: {  	v51 =	vld [tilespmem:$0x1FDE0]  }
0x51f: {  	v52 =	vld [tilespmem:$0x1FDF0]  }
0x520: {  	v53 =	vld [tilespmem:$0x1FE00]  }
0x521: {  	v54 =	vld [tilespmem:$0x1FE10]  }
0x522: {  	v55 =	vld [tilespmem:$0x1FE20]  }
0x523: {  	v56 =	vld [tilespmem:$0x1FE30]  }
0x524: {  	v57 =	vld [tilespmem:$0x1FE40]  }
0x525: {  	v58 =	vld [tilespmem:$0x1FE50]  }
0x526: {  	v59 =	vld [tilespmem:$0x1FE60]  }
0x527: {  	v60 =	vld [tilespmem:$0x1FE70]  }
0x528: {  	v61 =	vld [tilespmem:$0x1FE80]  }
0x529: {  	v62 =	vld [tilespmem:$0x1FE90]  }
0x52a: {  	v63 =	vld [tilespmem:$0x1FEA0]  }
0x52b: {  	v2 =	vld [tilespmem:$0x1FEB0]  }
0x52c: {  	v4 =	vld [tilespmem:$0x1FEC0]  }
0x52d: {  	v6 =	vld [tilespmem:$0x1FED0]  }
0x52e: {  	v8 =	vld [tilespmem:$0x1FEE0]  }
0x52f: {  	v10 =	vld [tilespmem:$0x1FEF0]  }
0x530: {  	v11 =	vld [tilespmem:$0x1FF00]  }
0x531: {  	v21 =	vld [tilespmem:$0x1FF10]  }
0x532: {  	v22 =	vld [tilespmem:$0x1FF20]  }
0x533: {  	v0 =	vld [tilespmem:$0x1FF30]  }
0x534: {  	v23 =	vld [tilespmem:$0x1FF40]  }
0x535: {  	v24 =	vld [tilespmem:$0x1FF50]  }
0x536: {  	v36 =	vld [tilespmem:$0x1FF60]  }
0x537: {  	v25 =	vld [tilespmem:$0x1FF70]  }
0x538: {  	v26 =	vld [tilespmem:$0x1FF80]  }
0x539: {  	v37 =	vld [tilespmem:$0x1FF90]  }
0x53a: {  	v38 =	vld [tilespmem:$0x1FFA0]  }
0x53b: {  	v39 =	vld [tilespmem:$0x1FFC0]  }
0x53c: {  	v40 =	vld [tilespmem:$0x1FFE0]  }
0x53d: {  	v27 =	vld [tilespmem:$0x1FCE0]  }
0x53e: {  	v28 =	vld [tilespmem:$0x1FFF0]  }
0x53f: {  	v29 =	vld [tilespmem:$0x1FC70]  }
0x540: {  	v30 =	vld [tilespmem:$0x1FC80]  }
0x541: {  	v31 =	vld [tilespmem:$0x1FC60]  }
0x542: {  	v32 =	vld [tilespmem:$0x1FC50]  }
0x543: {  	v33 =	vld [tilespmem:$0x1FC40]  }
0x544: {  	[sflag:s25] =	ssyncset.done $0x0;
	v34 =	vld [tilespmem:$0x1FC30]  }
0x545: {  	s6 =	simm.s32 $0x7;
	s3 =	simm.s32 $0x0;
	v35 =	vld [tilespmem:$0x1FC20];
	[sflag:s25] =	ssyncadd.s32 $0xFFFF8600  }
.LBB2_12:
0x546: {  	v14 =	vld [tilespmem:s0+$0x0];
	_ =	sdelay $0x5  }
0x547: {  	v15 =	vadd.s32 s2, v0;
	v13 =	vld [tilespmem:s1+$0x0]  }
0x548: {  	v18 =	vld [tilespmem:$0x1FFB0];
	v15 =	vand.u32 $0xFFF8, v15  }
0x549: {  	v15 =	vor.u32 v1, v15;
	v17 =	vld.idx.msk [tilespmem:v14+s5+$0x0], $0xffff;
	_ =	sdelay $0x3  }
0x54a: {  	v18 =	vadd.s32 s2, v18  }
0x54b: {  	v20 =	vld [tilespmem:$0x1FFD0];
	[tilespmem:v15+s20+$0x0] =	vst.idx.msk $0xffff, v17;
	v15 =	vand.u32 $0xFFF8, v18  }
0x54c: {  	v17 =	vld.idx.msk [tilespmem:v13+s5+$0x0], $0xffff;
	v15 =	vor.u32 v3, v15  }
0x54d: {  	v18 =	vadd.s32 $0x1, v14;
	_ =	sdelay $0x2  }
0x54e: {  	v20 =	vadd.s32 s2, v20  }
0x54f: {  	[tilespmem:v15+s20+$0x0] =	vst.idx.msk $0xffff, v17;
	v15 =	vand.u32 $0xFFF8, v20;
	v20 =	vld [tilespmem:$0x1FC90]  }
0x550: {  	v17 =	vld.idx.msk [tilespmem:v18+s5+$0x0], $0xffff;
	v15 =	vor.u32 v5, v15  }
0x551: {  	v18 =	vadd.s32 $0x1, v13;
	_ =	sdelay $0x2  }
0x552: {  	v20 =	vadd.s32 s2, v20  }
0x553: {  	[tilespmem:v15+s20+$0x0] =	vst.idx.msk $0xffff, v17;
	v15 =	vand.u32 $0xFFF8, v20;
	v20 =	vld [tilespmem:$0x1FCA0]  }
0x554: {  	v17 =	vld.idx.msk [tilespmem:v18+s5+$0x0], $0xffff;
	v15 =	vor.u32 v7, v15  }
0x555: {  	v18 =	vadd.s32 $0x2, v14;
	_ =	sdelay $0x2  }
0x556: {  	v20 =	vadd.s32 s2, v20  }
0x557: {  	[tilespmem:v15+s20+$0x0] =	vst.idx.msk $0xffff, v17;
	v15 =	vand.u32 $0xFFF8, v20;
	v20 =	vld [tilespmem:$0x1FCB0]  }
0x558: {  	v17 =	vld.idx.msk [tilespmem:v18+s5+$0x0], $0xffff;
	v15 =	vor.u32 v9, v15  }
0x559: {  	v18 =	vadd.s32 $0x2, v13;
	_ =	sdelay $0x2  }
0x55a: {  	v20 =	vadd.s32 s2, v20  }
0x55b: {  	[tilespmem:v15+s20+$0x0] =	vst.idx.msk $0xffff, v17;
	v15 =	vand.u32 $0xFFF8, v20;
	v20 =	vld [tilespmem:$0x1FCC0]  }
0x55c: {  	v17 =	vld.idx.msk [tilespmem:v18+s5+$0x0], $0xffff;
	v15 =	vor.u32 v1, v15  }
0x55d: {  	v18 =	vadd.s32 $0x3, v14;
	_ =	sdelay $0x2  }
0x55e: {  	v20 =	vadd.s32 s2, v20  }
0x55f: {  	[tilespmem:v15+s20+$0x0] =	vst.idx.msk $0xffff, v17;
	v15 =	vand.u32 $0xFFF8, v20;
	v20 =	vld [tilespmem:$0x1FCF0]  }
0x560: {  	v17 =	vld.idx.msk [tilespmem:v18+s5+$0x0], $0xffff;
	v15 =	vor.u32 v12, v15  }
0x561: {  	v18 =	vadd.s32 $0x3, v13;
	_ =	sdelay $0x2  }
0x562: {  	v20 =	vadd.s32 s2, v20  }
0x563: {  	[tilespmem:v15+s20+$0x0] =	vst.idx.msk $0xffff, v17;
	v15 =	vand.u32 $0xFFF8, v20;
	v20 =	vld [tilespmem:$0x1FCD0]  }
0x564: {  	v17 =	vld.idx.msk [tilespmem:v18+s5+$0x0], $0xffff;
	v15 =	vor.u32 v5, v15  }
0x565: {  	v18 =	vadd.s32 $0x4, v14;
	_ =	sdelay $0x2  }
0x566: {  	v20 =	vadd.s32 s2, v20  }
0x567: {  	[tilespmem:v15+s20+$0x0] =	vst.idx.msk $0xffff, v17;
	v15 =	vand.u32 $0xFFF8, v20;
	v20 =	vld [tilespmem:$0x1FD10]  }
0x568: {  	v17 =	vld.idx.msk [tilespmem:v18+s5+$0x0], $0xffff;
	v15 =	vor.u32 v16, v15  }
0x569: {  	v18 =	vadd.s32 $0x4, v13;
	_ =	sdelay $0x2  }
0x56a: {  	v20 =	vadd.s32 s2, v20  }
0x56b: {  	[tilespmem:v15+s20+$0x0] =	vst.idx.msk $0xffff, v17;
	v15 =	vand.u32 $0xFFF8, v20;
	v20 =	vld [tilespmem:$0x1FD20]  }
0x56c: {  	v17 =	vld.idx.msk [tilespmem:v18+s5+$0x0], $0xffff;
	v15 =	vor.u32 v9, v15  }
0x56d: {  	v18 =	vadd.s32 $0x5, v14;
	_ =	sdelay $0x2  }
0x56e: {  	v20 =	vadd.s32 s2, v20  }
0x56f: {  	[tilespmem:v15+s20+$0x0] =	vst.idx.msk $0xffff, v17;
	v15 =	vand.u32 $0xFFF8, v20;
	v20 =	vld [tilespmem:$0x1FD30]  }
0x570: {  	v17 =	vld.idx.msk [tilespmem:v18+s5+$0x0], $0xffff;
	v15 =	vor.u32 v19, v15  }
0x571: {  	v18 =	vadd.s32 $0x5, v13;
	_ =	sdelay $0x2  }
0x572: {  	v20 =	vadd.s32 s2, v20  }
0x573: {  	[tilespmem:v15+s20+$0x0] =	vst.idx.msk $0xffff, v17;
	v15 =	vand.u32 $0xFFF8, v20  }
0x574: {  	v17 =	vld.idx.msk [tilespmem:v18+s5+$0x0], $0xffff;
	v15 =	vor.u32 v12, v15  }
0x575: {  	v18 =	vadd.s32 $0x6, v14;
	_ =	sdelay $0x2  }
0x576: {  	v20 =	vadd.s32 s2, v41  }
0x577: {  	[tilespmem:v15+s20+$0x0] =	vst.idx.msk $0xffff, v17;
	v15 =	vand.u32 $0xFFF8, v20  }
0x578: {  	v17 =	vld.idx.msk [tilespmem:v18+s5+$0x0], $0xffff;
	v15 =	vor.u32 v3, v15  }
0x579: {  	v18 =	vadd.s32 $0x6, v13;
	_ =	sdelay $0x2  }
0x57a: {  	v20 =	vadd.s32 s2, v42  }
0x57b: {  	[tilespmem:v15+s20+$0x0] =	vst.idx.msk $0xffff, v17;
	v15 =	vand.u32 $0xFFF8, v20  }
0x57c: {  	v17 =	vld.idx.msk [tilespmem:v18+s5+$0x0], $0xffff;
	v15 =	vor.u32 v16, v15  }
0x57d: {  	v18 =	vadd.s32 $0x7, v14;
	_ =	sdelay $0x2  }
0x57e: {  	v20 =	vadd.s32 s2, v43  }
0x57f: {  	[tilespmem:v15+s20+$0x0] =	vst.idx.msk $0xffff, v17;
	v15 =	vand.u32 $0xFFF8, v20  }
0x580: {  	v17 =	vld.idx.msk [tilespmem:v18+s5+$0x0], $0xffff;
	v15 =	vor.u32 v7, v15  }
0x581: {  	v18 =	vadd.s32 $0x7, v13;
	_ =	sdelay $0x2  }
0x582: {  	v20 =	vadd.s32 s2, v44  }
0x583: {  	[tilespmem:v15+s20+$0x0] =	vst.idx.msk $0xffff, v17;
	v15 =	vand.u32 $0xFFF8, v20  }
0x584: {  	v17 =	vld.idx.msk [tilespmem:v18+s5+$0x0], $0xffff;
	v15 =	vor.u32 v19, v15  }
0x585: {  	v18 =	vadd.s32 $0x8, v14;
	_ =	sdelay $0x2  }
0x586: {  	v20 =	vadd.s32 s2, v45  }
0x587: {  	[tilespmem:v15+s20+$0x0] =	vst.idx.msk $0xffff, v17;
	v15 =	vand.u32 $0xFFF8, v20  }
0x588: {  	v17 =	vld.idx.msk [tilespmem:v18+s5+$0x0], $0xffff;
	v15 =	vor.u32 v1, v15  }
0x589: {  	v18 =	vadd.s32 $0x8, v13;
	_ =	sdelay $0x2  }
0x58a: {  	v20 =	vadd.s32 s2, v46  }
0x58b: {  	[tilespmem:v15+s20+$0x0] =	vst.idx.msk $0xffff, v17;
	v15 =	vand.u32 $0xFFF8, v20  }
0x58c: {  	v17 =	vld.idx.msk [tilespmem:v18+s5+$0x0], $0xffff;
	v15 =	vor.u32 v3, v15  }
0x58d: {  	v18 =	vadd.s32 $0x9, v14;
	_ =	sdelay $0x2  }
0x58e: {  	v20 =	vadd.s32 s2, v47  }
0x58f: {  	[tilespmem:v15+s20+$0x0] =	vst.idx.msk $0xffff, v17;
	v15 =	vand.u32 $0xFFF8, v20  }
0x590: {  	v17 =	vld.idx.msk [tilespmem:v18+s5+$0x0], $0xffff;
	v15 =	vor.u32 v5, v15  }
0x591: {  	v18 =	vadd.s32 $0x9, v13;
	_ =	sdelay $0x2  }
0x592: {  	v20 =	vadd.s32 s2, v48  }
0x593: {  	[tilespmem:v15+s20+$0x0] =	vst.idx.msk $0xffff, v17;
	v15 =	vand.u32 $0xFFF8, v20  }
0x594: {  	v17 =	vld.idx.msk [tilespmem:v18+s5+$0x0], $0xffff;
	v15 =	vor.u32 v7, v15  }
0x595: {  	v18 =	vadd.s32 $0xA, v14;
	_ =	sdelay $0x2  }
0x596: {  	v20 =	vadd.s32 s2, v49  }
0x597: {  	[tilespmem:v15+s20+$0x0] =	vst.idx.msk $0xffff, v17;
	v15 =	vand.u32 $0xFFF8, v20  }
0x598: {  	v17 =	vld.idx.msk [tilespmem:v18+s5+$0x0], $0xffff;
	v15 =	vor.u32 v9, v15  }
0x599: {  	v18 =	vadd.s32 $0xA, v13;
	_ =	sdelay $0x2  }
0x59a: {  	v20 =	vadd.s32 s2, v50  }
0x59b: {  	[tilespmem:v15+s20+$0x0] =	vst.idx.msk $0xffff, v17;
	v15 =	vand.u32 $0xFFF8, v20  }
0x59c: {  	v17 =	vld.idx.msk [tilespmem:v18+s5+$0x0], $0xffff;
	v15 =	vor.u32 v1, v15  }
0x59d: {  	v18 =	vadd.s32 $0xB, v14;
	_ =	sdelay $0x2  }
0x59e: {  	v20 =	vadd.s32 s2, v51  }
0x59f: {  	[tilespmem:v15+s20+$0x0] =	vst.idx.msk $0xffff, v17;
	v15 =	vand.u32 $0xFFF8, v20  }
0x5a0: {  	v17 =	vld.idx.msk [tilespmem:v18+s5+$0x0], $0xffff;
	v15 =	vor.u32 v12, v15  }
0x5a1: {  	v18 =	vadd.s32 $0xB, v13;
	_ =	sdelay $0x2  }
0x5a2: {  	v20 =	vadd.s32 s2, v52  }
0x5a3: {  	[tilespmem:v15+s20+$0x0] =	vst.idx.msk $0xffff, v17;
	v15 =	vand.u32 $0xFFF8, v20  }
0x5a4: {  	v17 =	vld.idx.msk [tilespmem:v18+s5+$0x0], $0xffff;
	v15 =	vor.u32 v5, v15  }
0x5a5: {  	v18 =	vadd.s32 $0xC, v14;
	_ =	sdelay $0x2  }
0x5a6: {  	v20 =	vadd.s32 s2, v53  }
0x5a7: {  	[tilespmem:v15+s20+$0x0] =	vst.idx.msk $0xffff, v17;
	v15 =	vand.u32 $0xFFF8, v20  }
0x5a8: {  	v17 =	vld.idx.msk [tilespmem:v18+s5+$0x0], $0xffff;
	v15 =	vor.u32 v16, v15  }
0x5a9: {  	v18 =	vadd.s32 $0xC, v13;
	_ =	sdelay $0x2  }
0x5aa: {  	v20 =	vadd.s32 s2, v54  }
0x5ab: {  	[tilespmem:v15+s20+$0x0] =	vst.idx.msk $0xffff, v17;
	v15 =	vand.u32 $0xFFF8, v20  }
0x5ac: {  	v17 =	vld.idx.msk [tilespmem:v18+s5+$0x0], $0xffff;
	v15 =	vor.u32 v9, v15  }
0x5ad: {  	v18 =	vadd.s32 $0xD, v14;
	_ =	sdelay $0x2  }
0x5ae: {  	v20 =	vadd.s32 s2, v55  }
0x5af: {  	[tilespmem:v15+s20+$0x0] =	vst.idx.msk $0xffff, v17;
	v15 =	vand.u32 $0xFFF8, v20  }
0x5b0: {  	v17 =	vld.idx.msk [tilespmem:v18+s5+$0x0], $0xffff;
	v15 =	vor.u32 v19, v15  }
0x5b1: {  	v18 =	vadd.s32 $0xD, v13;
	_ =	sdelay $0x2  }
0x5b2: {  	v20 =	vadd.s32 s2, v56  }
0x5b3: {  	[tilespmem:v15+s20+$0x0] =	vst.idx.msk $0xffff, v17;
	v15 =	vand.u32 $0xFFF8, v20  }
0x5b4: {  	v17 =	vld.idx.msk [tilespmem:v18+s5+$0x0], $0xffff;
	v15 =	vor.u32 v12, v15  }
0x5b5: {  	v18 =	vadd.s32 $0xE, v14;
	_ =	sdelay $0x2  }
0x5b6: {  	v20 =	vadd.s32 s2, v57  }
0x5b7: {  	[tilespmem:v15+s20+$0x0] =	vst.idx.msk $0xffff, v17;
	v15 =	vand.u32 $0xFFF8, v20  }
0x5b8: {  	v17 =	vld.idx.msk [tilespmem:v18+s5+$0x0], $0xffff;
	v15 =	vor.u32 v3, v15  }
0x5b9: {  	v18 =	vadd.s32 $0xE, v13;
	_ =	sdelay $0x2  }
0x5ba: {  	v20 =	vadd.s32 s2, v58  }
0x5bb: {  	[tilespmem:v15+s20+$0x0] =	vst.idx.msk $0xffff, v17;
	v15 =	vand.u32 $0xFFF8, v20  }
0x5bc: {  	v17 =	vld.idx.msk [tilespmem:v18+s5+$0x0], $0xffff;
	v15 =	vor.u32 v16, v15  }
0x5bd: {  	v18 =	vadd.s32 $0xF, v14;
	_ =	sdelay $0x2  }
0x5be: {  	v20 =	vadd.s32 s2, v59  }
0x5bf: {  	[tilespmem:v15+s20+$0x0] =	vst.idx.msk $0xffff, v17;
	v15 =	vand.u32 $0xFFF8, v20  }
0x5c0: {  	v17 =	vld.idx.msk [tilespmem:v18+s5+$0x0], $0xffff;
	v15 =	vor.u32 v7, v15  }
0x5c1: {  	v18 =	vadd.s32 $0xF, v13;
	_ =	sdelay $0x2  }
0x5c2: {  	v20 =	vadd.s32 s2, v60  }
0x5c3: {  	[tilespmem:v15+s20+$0x0] =	vst.idx.msk $0xffff, v17;
	v15 =	vand.u32 $0xFFF8, v20  }
0x5c4: {  	v17 =	vld.idx.msk [tilespmem:v18+s5+$0x0], $0xffff;
	v15 =	vor.u32 v19, v15  }
0x5c5: {  	v18 =	vadd.s32 $0x10, v14;
	_ =	sdelay $0x2  }
0x5c6: {  	v20 =	vadd.s32 s2, v61  }
0x5c7: {  	[tilespmem:v15+s20+$0x0] =	vst.idx.msk $0xffff, v17;
	v15 =	vand.u32 $0xFFF8, v20  }
0x5c8: {  	v17 =	vld.idx.msk [tilespmem:v18+s5+$0x0], $0xffff;
	v15 =	vor.u32 v1, v15  }
0x5c9: {  	v18 =	vadd.s32 $0x10, v13;
	_ =	sdelay $0x2  }
0x5ca: {  	v20 =	vadd.s32 s2, v62  }
0x5cb: {  	[tilespmem:v15+s20+$0x0] =	vst.idx.msk $0xffff, v17;
	v15 =	vand.u32 $0xFFF8, v20  }
0x5cc: {  	v17 =	vld.idx.msk [tilespmem:v18+s5+$0x0], $0xffff;
	v15 =	vor.u32 v3, v15  }
0x5cd: {  	v18 =	vadd.s32 $0x11, v14;
	_ =	sdelay $0x2  }
0x5ce: {  	v20 =	vadd.s32 s2, v63  }
0x5cf: {  	[tilespmem:v15+s20+$0x0] =	vst.idx.msk $0xffff, v17;
	v15 =	vand.u32 $0xFFF8, v20  }
0x5d0: {  	v17 =	vld.idx.msk [tilespmem:v18+s5+$0x0], $0xffff;
	v15 =	vor.u32 v5, v15  }
0x5d1: {  	v18 =	vadd.s32 $0x11, v13;
	_ =	sdelay $0x2  }
0x5d2: {  	v20 =	vadd.s32 s2, v2  }
0x5d3: {  	[tilespmem:v15+s20+$0x0] =	vst.idx.msk $0xffff, v17;
	v15 =	vand.u32 $0xFFF8, v20  }
0x5d4: {  	v17 =	vld.idx.msk [tilespmem:v18+s5+$0x0], $0xffff;
	v15 =	vor.u32 v7, v15  }
0x5d5: {  	v18 =	vadd.s32 $0x12, v14;
	_ =	sdelay $0x2  }
0x5d6: {  	v20 =	vadd.s32 s2, v4  }
0x5d7: {  	[tilespmem:v15+s20+$0x0] =	vst.idx.msk $0xffff, v17;
	v15 =	vand.u32 $0xFFF8, v20  }
0x5d8: {  	v17 =	vld.idx.msk [tilespmem:v18+s5+$0x0], $0xffff;
	v15 =	vor.u32 v9, v15  }
0x5d9: {  	v18 =	vadd.s32 $0x12, v13;
	_ =	sdelay $0x2  }
0x5da: {  	v20 =	vadd.s32 s2, v6  }
0x5db: {  	[tilespmem:v15+s20+$0x0] =	vst.idx.msk $0xffff, v17;
	v15 =	vand.u32 $0xFFF8, v20  }
0x5dc: {  	v17 =	vld.idx.msk [tilespmem:v18+s5+$0x0], $0xffff;
	v15 =	vor.u32 v1, v15  }
0x5dd: {  	v18 =	vadd.s32 $0x13, v14;
	_ =	sdelay $0x2  }
0x5de: {  	v20 =	vadd.s32 s2, v8  }
0x5df: {  	[tilespmem:v15+s20+$0x0] =	vst.idx.msk $0xffff, v17;
	v15 =	vand.u32 $0xFFF8, v20  }
0x5e0: {  	v17 =	vld.idx.msk [tilespmem:v18+s5+$0x0], $0xffff;
	v15 =	vor.u32 v12, v15  }
0x5e1: {  	v18 =	vadd.s32 $0x13, v13;
	_ =	sdelay $0x2  }
0x5e2: {  	v20 =	vadd.s32 s2, v10  }
0x5e3: {  	[tilespmem:v15+s20+$0x0] =	vst.idx.msk $0xffff, v17;
	v15 =	vand.u32 $0xFFF8, v20  }
0x5e4: {  	v17 =	vld.idx.msk [tilespmem:v18+s5+$0x0], $0xffff;
	v15 =	vor.u32 v5, v15  }
0x5e5: {  	v18 =	vadd.s32 $0x14, v14;
	_ =	sdelay $0x2  }
0x5e6: {  	v20 =	vadd.s32 s2, v11  }
0x5e7: {  	[tilespmem:v15+s20+$0x0] =	vst.idx.msk $0xffff, v17;
	v15 =	vand.u32 $0xFFF8, v20  }
0x5e8: {  	v17 =	vld.idx.msk [tilespmem:v18+s5+$0x0], $0xffff;
	v15 =	vor.u32 v16, v15  }
0x5e9: {  	v18 =	vadd.s32 $0x14, v13;
	_ =	sdelay $0x2  }
0x5ea: {  	v20 =	vadd.s32 s2, v21  }
0x5eb: {  	[tilespmem:v15+s20+$0x0] =	vst.idx.msk $0xffff, v17;
	v15 =	vand.u32 $0xFFF8, v20  }
0x5ec: {  	v17 =	vld.idx.msk [tilespmem:v18+s5+$0x0], $0xffff;
	v15 =	vor.u32 v9, v15  }
0x5ed: {  	v14 =	vadd.s32 $0x15, v14;
	_ =	sdelay $0x2  }
0x5ee: {  	v18 =	vadd.s32 s2, v22  }
0x5ef: {  	[tilespmem:v15+s20+$0x0] =	vst.idx.msk $0xffff, v17;
	v15 =	vand.u32 $0xFFF8, v18  }
0x5f0: {  	v14 =	vld.idx.msk [tilespmem:v14+s5+$0x0], $0xffff;
	v15 =	vor.u32 v19, v15;
	_ =	sdelay $0x3  }
0x5f1: {  	v13 =	vadd.s32 $0x15, v13;
	v17 =	vadd.s32 s2, v23  }
0x5f2: {  	[tilespmem:v15+s20+$0x0] =	vst.idx.msk $0xffff, v14;
	v14 =	vand.u32 $0xFFF8, v17;
	v17 =	vld [tilespmem:$0x1FD00];
	_ =	sdelay $0x2  }
0x5f3: {  	v18 =	vmov s3  }
0x5f4: {  	v15 =	vshll.u32 v18, $0x4;
	v13 =	vld.idx.msk [tilespmem:v13+s5+$0x0], $0xffff;
	v14 =	vor.u32 v12, v14  }
0x5f5: {  	v15 =	vor.u32 v17, v15;
	_ =	sdelay $0x2  }
0x5f6: {  	v17 =	vadd.s32 s2, v24  }
0x5f7: {  	[tilespmem:v14+s20+$0x0] =	vst.idx.msk $0xffff, v13;
	v13 =	vand.u32 $0xFFF8, v17  }
0x5f8: {  	v13 =	vor.u32 v16, v13;
	v14 =	vld.idx.msk [tilespmem:v15+s15+$0x0], $0xffff  }
0x5f9: {  	v17 =	vor.u32 $0x1, v15;
	_ =	sdelay $0x2  }
0x5fa: {  	v18 =	vadd.s32 s2, v36  }
0x5fb: {  	[tilespmem:v13+s20+$0x0] =	vst.idx.msk $0xffff, v14;
	v13 =	vand.u32 $0xFFF8, v18  }
0x5fc: {  	v14 =	vld.idx.msk [tilespmem:v17+s15+$0x0], $0xffff;
	v13 =	vor.u32 v19, v13  }
0x5fd: {  	v17 =	vor.u32 $0x2, v15;
	_ =	sdelay $0x2  }
0x5fe: {  	v18 =	vadd.s32 s2, v25  }
0x5ff: {  	[tilespmem:v13+s20+$0x0] =	vst.idx.msk $0xffff, v14;
	v13 =	vand.u32 $0xFFF8, v18  }
0x600: {  	v14 =	vld.idx.msk [tilespmem:v17+s15+$0x0], $0xffff;
	v13 =	vor.u32 v3, v13  }
0x601: {  	v17 =	vor.u32 $0x3, v15;
	_ =	sdelay $0x2  }
0x602: {  	v18 =	vadd.s32 s2, v26  }
0x603: {  	[tilespmem:v13+s20+$0x0] =	vst.idx.msk $0xffff, v14;
	v13 =	vand.u32 $0xFFF8, v18  }
0x604: {  	v14 =	vld.idx.msk [tilespmem:v17+s15+$0x0], $0xffff;
	v13 =	vor.u32 v7, v13  }
0x605: {  	v17 =	vor.u32 $0x4, v15;
	_ =	sdelay $0x2  }
0x606: {  	v18 =	vadd.s32 s2, v37  }
0x607: {  	[tilespmem:v13+s20+$0x0] =	vst.idx.msk $0xffff, v14;
	v13 =	vand.u32 $0xFFF8, v18  }
0x608: {  	v14 =	vld.idx.msk [tilespmem:v17+s15+$0x0], $0xffff;
	v13 =	vor.u32 v1, v13  }
0x609: {  	v17 =	vor.u32 $0x5, v15;
	_ =	sdelay $0x2  }
0x60a: {  	v18 =	vadd.s32 s2, v38  }
0x60b: {  	[tilespmem:v13+s20+$0x0] =	vst.idx.msk $0xffff, v14;
	v13 =	vand.u32 $0xFFF8, v18  }
0x60c: {  	v14 =	vld.idx.msk [tilespmem:v17+s15+$0x0], $0xffff;
	v13 =	vor.u32 v5, v13  }
0x60d: {  	v17 =	vor.u32 $0x6, v15;
	_ =	sdelay $0x2  }
0x60e: {  	v18 =	vadd.s32 s2, v39  }
0x60f: {  	[tilespmem:v13+s20+$0x0] =	vst.idx.msk $0xffff, v14;
	v13 =	vand.u32 $0xFFF8, v18  }
0x610: {  	v14 =	vld.idx.msk [tilespmem:v17+s15+$0x0], $0xffff;
	v13 =	vor.u32 v9, v13  }
0x611: {  	v17 =	vor.u32 $0x7, v15;
	_ =	sdelay $0x2  }
0x612: {  	v18 =	vadd.s32 s2, v40  }
0x613: {  	[tilespmem:v13+s20+$0x0] =	vst.idx.msk $0xffff, v14;
	v13 =	vand.u32 $0xFFF8, v18  }
0x614: {  	v14 =	vld.idx.msk [tilespmem:v17+s15+$0x0], $0xffff;
	v13 =	vor.u32 v12, v13  }
0x615: {  	v17 =	vor.u32 $0x8, v15;
	_ =	sdelay $0x2  }
0x616: {  	v18 =	vadd.s32 s2, v27  }
0x617: {  	[tilespmem:v13+s20+$0x0] =	vst.idx.msk $0xffff, v14;
	v13 =	vand.u32 $0xFFF8, v18  }
0x618: {  	v14 =	vld.idx.msk [tilespmem:v17+s15+$0x0], $0xffff;
	v13 =	vor.u32 v16, v13  }
0x619: {  	v17 =	vor.u32 $0x9, v15;
	_ =	sdelay $0x2  }
0x61a: {  	v18 =	vadd.s32 s2, v28  }
0x61b: {  	[tilespmem:v13+s20+$0x0] =	vst.idx.msk $0xffff, v14;
	v13 =	vand.u32 $0xFFF8, v18  }
0x61c: {  	v14 =	vld.idx.msk [tilespmem:v17+s15+$0x0], $0xffff;
	v13 =	vor.u32 v19, v13  }
0x61d: {  	v17 =	vor.u32 $0xA, v15;
	_ =	sdelay $0x2  }
0x61e: {  	v18 =	vadd.s32 s2, v29  }
0x61f: {  	[tilespmem:v13+s20+$0x0] =	vst.idx.msk $0xffff, v14;
	v13 =	vand.u32 $0xFFF8, v18  }
0x620: {  	v14 =	vld.idx.msk [tilespmem:v17+s15+$0x0], $0xffff;
	v13 =	vor.u32 v3, v13  }
0x621: {  	v17 =	vor.u32 $0xB, v15;
	_ =	sdelay $0x2  }
0x622: {  	v18 =	vadd.s32 s2, v30  }
0x623: {  	[tilespmem:v13+s20+$0x0] =	vst.idx.msk $0xffff, v14;
	v13 =	vand.u32 $0xFFF8, v18  }
0x624: {  	v14 =	vld.idx.msk [tilespmem:v17+s15+$0x0], $0xffff;
	v13 =	vor.u32 v7, v13  }
0x625: {  	v17 =	vor.u32 $0xC, v15;
	_ =	sdelay $0x2  }
0x626: {  	v18 =	vadd.s32 s2, v31  }
0x627: {  	[tilespmem:v13+s20+$0x0] =	vst.idx.msk $0xffff, v14;
	v13 =	vand.u32 $0xFFF8, v18  }
0x628: {  	v14 =	vld.idx.msk [tilespmem:v17+s15+$0x0], $0xffff;
	v13 =	vor.u32 v1, v13  }
0x629: {  	v17 =	vor.u32 $0xD, v15;
	_ =	sdelay $0x2  }
0x62a: {  	v18 =	vadd.s32 s2, v32  }
0x62b: {  	[tilespmem:v13+s20+$0x0] =	vst.idx.msk $0xffff, v14;
	v13 =	vand.u32 $0xFFF8, v18  }
0x62c: {  	v14 =	vld.idx.msk [tilespmem:v17+s15+$0x0], $0xffff;
	v13 =	vor.u32 v5, v13  }
0x62d: {  	v17 =	vor.u32 $0xE, v15;
	_ =	sdelay $0x2  }
0x62e: {  	v18 =	vadd.s32 s2, v33  }
0x62f: {  	[tilespmem:v13+s20+$0x0] =	vst.idx.msk $0xffff, v14;
	v13 =	vand.u32 $0xFFF8, v18  }
0x630: {  	v14 =	vld.idx.msk [tilespmem:v17+s15+$0x0], $0xffff;
	v13 =	vor.u32 v9, v13  }
0x631: {  	v15 =	vor.u32 $0xF, v15;
	_ =	sdelay $0x2  }
0x632: {  	v17 =	vadd.s32 s2, v34  }
0x633: {  	[tilespmem:v13+s20+$0x0] =	vst.idx.msk $0xffff, v14;
	v13 =	vand.u32 $0xFFF8, v17  }
0x634: {  	v14 =	vld.idx.msk [tilespmem:v15+s15+$0x0], $0xffff;
	v13 =	vor.u32 v12, v13;
	_ =	sdelay $0x3  }
0x635: {  	v15 =	vadd.s32 s2, v35  }
0x636: {  	[tilespmem:v13+s20+$0x0] =	vst.idx.msk $0xffff, v14;
	v13 =	vand.u32 $0xFFF8, v15  }
0x637: {  	p0 =	sne.s32 s3, $0x1F0;
	v14 =	vld [tilespmem:s4+$0x0];
	v13 =	vor.u32 v16, v13  }
.Ltmp5:
0x638: {  	_ = 	snop;
	(pc) =	sbr.rel @p0 .LBB2_12-.Ltmp5, $3  }
0x639: {  	_ =	sdelay $0x1  }
0x63a: {  	s0 =	sadd.s32 $0x10, s0;
	s1 =	sadd.s32 $0x10, s1  }
0x63b: {  	s3 =	sadd.s32 $0x10, s3;
	s2 =	sadd.s32 $0x3D0, s2;
	s4 =	sadd.s32 $0x10, s4;
	[tilespmem:v13+s20+$0x0] =	vst.idx.msk $0xffff, v14  }
0x63c: {  	s0 =	simm.s32 $0x0;
	s1 =	rddreg [dreg:$0x16]  }
0x63d: {  	[hbm4b:s1+s0] =	stream.linear.scatter [tilespmem:s20], [sflag:$0x5], $0x7A00, $0x38;
	[tilespmem:$0x15300] =	vst v63  }
0x63e: {  	_ =	swait.ge [sflag:s26], $0x7A00  }
0x63f: {  	[sflag:s26] =	ssyncset.done $0x0  }
0x640: {  	s28 =	rddreg [dreg:$0x18];
	[sflag:s26] =	ssyncadd.s32 $0xFFFF8600  }
0x641: {  	[tilespmem:s16], [sflag:$0x7] =	stream.linear.gather [hbm4b:s28+s0], $0x150, $0x38;
	[tilespmem:$0x15300] =	vst v63  }
0x642: {  	_ =	swait.ge [sflag:s6], $0x150  }
0x643: {  	[sflag:s6] =	ssyncset.done $0x0  }
0x644: {  	s29 =	rddreg [dreg:$0x19];
	[sflag:s6] =	ssyncadd.s32 $0xFFFFFEB0  }
0x645: {  	[tilespmem:s17], [sflag:$0x7] =	stream.linear.gather [hbm4b:s29+s0], $0x150, $0x38;
	[tilespmem:$0x15300] =	vst v63  }
0x646: {  	_ =	swait.ge [sflag:s6], $0x150  }
0x647: {  	[sflag:s6] =	ssyncset.done $0x0  }
0x648: {  	s3 =	simm.s32 $0x150;
	s1 =	simm.s32 $0x1500;
	[sflag:s6] =	ssyncadd.s32 $0xFFFFFEB0  }
0x649: {  	[tilespmem:s1], [sflag:$0x4] =	stream.indirect.gather [hbm4b:s8+s3], $0x1, s16, s3, $0xb8;
	[tilespmem:$0x15300] =	vst v63  }
0x64a: {  	s2 =	simm.s32 $0x1900  }
0x64b: {  	[tilespmem:s2], [sflag:$0x4] =	stream.indirect.gather [hbm4b:s8+s3], $0x1, s17, s3, $0xb8;
	[tilespmem:$0x15300] =	vst v63  }
0x64c: {  	s30 =	rddreg [dreg:$0x17]  }
0x64d: {  	[tilespmem:s22], [sflag:$0x4] =	stream.linear.gather [hbm4b:s30+s0], $0x1500, $0x38;
	[tilespmem:$0x15300] =	vst v63  }
0x64e: {  	s4 =	simm.s32 $0x5D00;
	s31 =	rddreg [dreg:$0x1a]  }
0x64f: {  	[tilespmem:s4], [sflag:$0x4] =	stream.linear.gather [hbm4b:s31+s0], $0x150, $0x38;
	[tilespmem:$0x15300] =	vst v63  }
0x650: {  	_ =	swait.ge [sflag:s23], $0x150  }
0x651: {  	[sflag:s23] =	ssyncset.done $0x0  }
0x652: {  	[sflag:s23] =	ssyncadd.s32 $0xFFFFFEB0  }
0x653: {  	_ =	swait.ge [sflag:s23], $0x150  }
0x654: {  	[sflag:s23] =	ssyncset.done $0x0  }
0x655: {  	[sflag:s23] =	ssyncadd.s32 $0xFFFFFEB0  }
0x656: {  	_ =	swait.ge [sflag:s23], $0x1500  }
0x657: {  	[sflag:s23] =	ssyncset.done $0x0  }
0x658: {  	[sflag:s23] =	ssyncadd.s32 $0xFFFFEB00  }
0x659: {  	_ =	swait.ge [sflag:s23], $0x150  }
0x65a: {  	[sflag:s23] =	ssyncset.done $0x0  }
0x65b: {  	s3 =	simm.s32 $0x0;
	[sflag:s23] =	ssyncadd.s32 $0xFFFFFEB0  }
.LBB2_14:
0x65c: {  	v14 =	vld [tilespmem:s1+$0x0];
	_ =	sdelay $0x5  }
0x65d: {  	v15 =	vadd.s32 s0, v0;
	v13 =	vld [tilespmem:s2+$0x0]  }
0x65e: {  	v18 =	vld [tilespmem:$0x1FFB0];
	v15 =	vand.u32 $0xFFF8, v15  }
0x65f: {  	v15 =	vor.u32 v1, v15;
	v17 =	vld.idx.msk [tilespmem:v14+s5+$0x0], $0xffff;
	_ =	sdelay $0x3  }
0x660: {  	v18 =	vadd.s32 s0, v18  }
0x661: {  	v20 =	vld [tilespmem:$0x1FFD0];
	[tilespmem:v15+s24+$0x0] =	vst.idx.msk $0xffff, v17;
	v15 =	vand.u32 $0xFFF8, v18  }
0x662: {  	v17 =	vld.idx.msk [tilespmem:v13+s5+$0x0], $0xffff;
	v15 =	vor.u32 v3, v15  }
0x663: {  	v18 =	vadd.s32 $0x1, v14;
	_ =	sdelay $0x2  }
0x664: {  	v20 =	vadd.s32 s0, v20  }
0x665: {  	[tilespmem:v15+s24+$0x0] =	vst.idx.msk $0xffff, v17;
	v15 =	vand.u32 $0xFFF8, v20;
	v20 =	vld [tilespmem:$0x1FC90]  }
0x666: {  	v17 =	vld.idx.msk [tilespmem:v18+s5+$0x0], $0xffff;
	v15 =	vor.u32 v5, v15  }
0x667: {  	v18 =	vadd.s32 $0x1, v13;
	_ =	sdelay $0x2  }
0x668: {  	v20 =	vadd.s32 s0, v20  }
0x669: {  	[tilespmem:v15+s24+$0x0] =	vst.idx.msk $0xffff, v17;
	v15 =	vand.u32 $0xFFF8, v20;
	v20 =	vld [tilespmem:$0x1FCA0]  }
0x66a: {  	v17 =	vld.idx.msk [tilespmem:v18+s5+$0x0], $0xffff;
	v15 =	vor.u32 v7, v15  }
0x66b: {  	v18 =	vadd.s32 $0x2, v14;
	_ =	sdelay $0x2  }
0x66c: {  	v20 =	vadd.s32 s0, v20  }
0x66d: {  	[tilespmem:v15+s24+$0x0] =	vst.idx.msk $0xffff, v17;
	v15 =	vand.u32 $0xFFF8, v20;
	v20 =	vld [tilespmem:$0x1FCB0]  }
0x66e: {  	v17 =	vld.idx.msk [tilespmem:v18+s5+$0x0], $0xffff;
	v15 =	vor.u32 v9, v15  }
0x66f: {  	v18 =	vadd.s32 $0x2, v13;
	_ =	sdelay $0x2  }
0x670: {  	v20 =	vadd.s32 s0, v20  }
0x671: {  	[tilespmem:v15+s24+$0x0] =	vst.idx.msk $0xffff, v17;
	v15 =	vand.u32 $0xFFF8, v20;
	v20 =	vld [tilespmem:$0x1FCC0]  }
0x672: {  	v17 =	vld.idx.msk [tilespmem:v18+s5+$0x0], $0xffff;
	v15 =	vor.u32 v1, v15  }
0x673: {  	v18 =	vadd.s32 $0x3, v14;
	_ =	sdelay $0x2  }
0x674: {  	v20 =	vadd.s32 s0, v20  }
0x675: {  	[tilespmem:v15+s24+$0x0] =	vst.idx.msk $0xffff, v17;
	v15 =	vand.u32 $0xFFF8, v20;
	v20 =	vld [tilespmem:$0x1FCF0]  }
0x676: {  	v17 =	vld.idx.msk [tilespmem:v18+s5+$0x0], $0xffff;
	v15 =	vor.u32 v12, v15  }
0x677: {  	v18 =	vadd.s32 $0x3, v13;
	_ =	sdelay $0x2  }
0x678: {  	v20 =	vadd.s32 s0, v20  }
0x679: {  	[tilespmem:v15+s24+$0x0] =	vst.idx.msk $0xffff, v17;
	v15 =	vand.u32 $0xFFF8, v20;
	v20 =	vld [tilespmem:$0x1FCD0]  }
0x67a: {  	v17 =	vld.idx.msk [tilespmem:v18+s5+$0x0], $0xffff;
	v15 =	vor.u32 v5, v15  }
0x67b: {  	v18 =	vadd.s32 $0x4, v14;
	_ =	sdelay $0x2  }
0x67c: {  	v20 =	vadd.s32 s0, v20  }
0x67d: {  	[tilespmem:v15+s24+$0x0] =	vst.idx.msk $0xffff, v17;
	v15 =	vand.u32 $0xFFF8, v20;
	v20 =	vld [tilespmem:$0x1FD10]  }
0x67e: {  	v17 =	vld.idx.msk [tilespmem:v18+s5+$0x0], $0xffff;
	v15 =	vor.u32 v16, v15  }
0x67f: {  	v18 =	vadd.s32 $0x4, v13;
	_ =	sdelay $0x2  }
0x680: {  	v20 =	vadd.s32 s0, v20  }
0x681: {  	[tilespmem:v15+s24+$0x0] =	vst.idx.msk $0xffff, v17;
	v15 =	vand.u32 $0xFFF8, v20;
	v20 =	vld [tilespmem:$0x1FD20]  }
0x682: {  	v17 =	vld.idx.msk [tilespmem:v18+s5+$0x0], $0xffff;
	v15 =	vor.u32 v9, v15  }
0x683: {  	v18 =	vadd.s32 $0x5, v14;
	_ =	sdelay $0x2  }
0x684: {  	v20 =	vadd.s32 s0, v20  }
0x685: {  	[tilespmem:v15+s24+$0x0] =	vst.idx.msk $0xffff, v17;
	v15 =	vand.u32 $0xFFF8, v20;
	v20 =	vld [tilespmem:$0x1FD30]  }
0x686: {  	v17 =	vld.idx.msk [tilespmem:v18+s5+$0x0], $0xffff;
	v15 =	vor.u32 v19, v15  }
0x687: {  	v18 =	vadd.s32 $0x5, v13;
	_ =	sdelay $0x2  }
0x688: {  	v20 =	vadd.s32 s0, v20  }
0x689: {  	[tilespmem:v15+s24+$0x0] =	vst.idx.msk $0xffff, v17;
	v15 =	vand.u32 $0xFFF8, v20  }
0x68a: {  	v17 =	vld.idx.msk [tilespmem:v18+s5+$0x0], $0xffff;
	v15 =	vor.u32 v12, v15  }
0x68b: {  	v18 =	vadd.s32 $0x6, v14;
	_ =	sdelay $0x2  }
0x68c: {  	v20 =	vadd.s32 s0, v41  }
0x68d: {  	[tilespmem:v15+s24+$0x0] =	vst.idx.msk $0xffff, v17;
	v15 =	vand.u32 $0xFFF8, v20  }
0x68e: {  	v17 =	vld.idx.msk [tilespmem:v18+s5+$0x0], $0xffff;
	v15 =	vor.u32 v3, v15  }
0x68f: {  	v18 =	vadd.s32 $0x6, v13;
	_ =	sdelay $0x2  }
0x690: {  	v20 =	vadd.s32 s0, v42  }
0x691: {  	[tilespmem:v15+s24+$0x0] =	vst.idx.msk $0xffff, v17;
	v15 =	vand.u32 $0xFFF8, v20  }
0x692: {  	v17 =	vld.idx.msk [tilespmem:v18+s5+$0x0], $0xffff;
	v15 =	vor.u32 v16, v15  }
0x693: {  	v18 =	vadd.s32 $0x7, v14;
	_ =	sdelay $0x2  }
0x694: {  	v20 =	vadd.s32 s0, v43  }
0x695: {  	[tilespmem:v15+s24+$0x0] =	vst.idx.msk $0xffff, v17;
	v15 =	vand.u32 $0xFFF8, v20  }
0x696: {  	v17 =	vld.idx.msk [tilespmem:v18+s5+$0x0], $0xffff;
	v15 =	vor.u32 v7, v15  }
0x697: {  	v18 =	vadd.s32 $0x7, v13;
	_ =	sdelay $0x2  }
0x698: {  	v20 =	vadd.s32 s0, v44  }
0x699: {  	[tilespmem:v15+s24+$0x0] =	vst.idx.msk $0xffff, v17;
	v15 =	vand.u32 $0xFFF8, v20  }
0x69a: {  	v17 =	vld.idx.msk [tilespmem:v18+s5+$0x0], $0xffff;
	v15 =	vor.u32 v19, v15  }
0x69b: {  	v18 =	vadd.s32 $0x8, v14;
	_ =	sdelay $0x2  }
0x69c: {  	v20 =	vadd.s32 s0, v45  }
0x69d: {  	[tilespmem:v15+s24+$0x0] =	vst.idx.msk $0xffff, v17;
	v15 =	vand.u32 $0xFFF8, v20  }
0x69e: {  	v17 =	vld.idx.msk [tilespmem:v18+s5+$0x0], $0xffff;
	v15 =	vor.u32 v1, v15  }
0x69f: {  	v18 =	vadd.s32 $0x8, v13;
	_ =	sdelay $0x2  }
0x6a0: {  	v20 =	vadd.s32 s0, v46  }
0x6a1: {  	[tilespmem:v15+s24+$0x0] =	vst.idx.msk $0xffff, v17;
	v15 =	vand.u32 $0xFFF8, v20  }
0x6a2: {  	v17 =	vld.idx.msk [tilespmem:v18+s5+$0x0], $0xffff;
	v15 =	vor.u32 v3, v15  }
0x6a3: {  	v18 =	vadd.s32 $0x9, v14;
	_ =	sdelay $0x2  }
0x6a4: {  	v20 =	vadd.s32 s0, v47  }
0x6a5: {  	[tilespmem:v15+s24+$0x0] =	vst.idx.msk $0xffff, v17;
	v15 =	vand.u32 $0xFFF8, v20  }
0x6a6: {  	v17 =	vld.idx.msk [tilespmem:v18+s5+$0x0], $0xffff;
	v15 =	vor.u32 v5, v15  }
0x6a7: {  	v18 =	vadd.s32 $0x9, v13;
	_ =	sdelay $0x2  }
0x6a8: {  	v20 =	vadd.s32 s0, v48  }
0x6a9: {  	[tilespmem:v15+s24+$0x0] =	vst.idx.msk $0xffff, v17;
	v15 =	vand.u32 $0xFFF8, v20  }
0x6aa: {  	v17 =	vld.idx.msk [tilespmem:v18+s5+$0x0], $0xffff;
	v15 =	vor.u32 v7, v15  }
0x6ab: {  	v18 =	vadd.s32 $0xA, v14;
	_ =	sdelay $0x2  }
0x6ac: {  	v20 =	vadd.s32 s0, v49  }
0x6ad: {  	[tilespmem:v15+s24+$0x0] =	vst.idx.msk $0xffff, v17;
	v15 =	vand.u32 $0xFFF8, v20  }
0x6ae: {  	v17 =	vld.idx.msk [tilespmem:v18+s5+$0x0], $0xffff;
	v15 =	vor.u32 v9, v15  }
0x6af: {  	v18 =	vadd.s32 $0xA, v13;
	_ =	sdelay $0x2  }
0x6b0: {  	v20 =	vadd.s32 s0, v50  }
0x6b1: {  	[tilespmem:v15+s24+$0x0] =	vst.idx.msk $0xffff, v17;
	v15 =	vand.u32 $0xFFF8, v20  }
0x6b2: {  	v17 =	vld.idx.msk [tilespmem:v18+s5+$0x0], $0xffff;
	v15 =	vor.u32 v1, v15  }
0x6b3: {  	v18 =	vadd.s32 $0xB, v14;
	_ =	sdelay $0x2  }
0x6b4: {  	v20 =	vadd.s32 s0, v51  }
0x6b5: {  	[tilespmem:v15+s24+$0x0] =	vst.idx.msk $0xffff, v17;
	v15 =	vand.u32 $0xFFF8, v20  }
0x6b6: {  	v17 =	vld.idx.msk [tilespmem:v18+s5+$0x0], $0xffff;
	v15 =	vor.u32 v12, v15  }
0x6b7: {  	v18 =	vadd.s32 $0xB, v13;
	_ =	sdelay $0x2  }
0x6b8: {  	v20 =	vadd.s32 s0, v52  }
0x6b9: {  	[tilespmem:v15+s24+$0x0] =	vst.idx.msk $0xffff, v17;
	v15 =	vand.u32 $0xFFF8, v20  }
0x6ba: {  	v17 =	vld.idx.msk [tilespmem:v18+s5+$0x0], $0xffff;
	v15 =	vor.u32 v5, v15  }
0x6bb: {  	v18 =	vadd.s32 $0xC, v14;
	_ =	sdelay $0x2  }
0x6bc: {  	v20 =	vadd.s32 s0, v53  }
0x6bd: {  	[tilespmem:v15+s24+$0x0] =	vst.idx.msk $0xffff, v17;
	v15 =	vand.u32 $0xFFF8, v20  }
0x6be: {  	v17 =	vld.idx.msk [tilespmem:v18+s5+$0x0], $0xffff;
	v15 =	vor.u32 v16, v15  }
0x6bf: {  	v18 =	vadd.s32 $0xC, v13;
	_ =	sdelay $0x2  }
0x6c0: {  	v20 =	vadd.s32 s0, v54  }
0x6c1: {  	[tilespmem:v15+s24+$0x0] =	vst.idx.msk $0xffff, v17;
	v15 =	vand.u32 $0xFFF8, v20  }
0x6c2: {  	v17 =	vld.idx.msk [tilespmem:v18+s5+$0x0], $0xffff;
	v15 =	vor.u32 v9, v15  }
0x6c3: {  	v18 =	vadd.s32 $0xD, v14;
	_ =	sdelay $0x2  }
0x6c4: {  	v20 =	vadd.s32 s0, v55  }
0x6c5: {  	[tilespmem:v15+s24+$0x0] =	vst.idx.msk $0xffff, v17;
	v15 =	vand.u32 $0xFFF8, v20  }
0x6c6: {  	v17 =	vld.idx.msk [tilespmem:v18+s5+$0x0], $0xffff;
	v15 =	vor.u32 v19, v15  }
0x6c7: {  	v18 =	vadd.s32 $0xD, v13;
	_ =	sdelay $0x2  }
0x6c8: {  	v20 =	vadd.s32 s0, v56  }
0x6c9: {  	[tilespmem:v15+s24+$0x0] =	vst.idx.msk $0xffff, v17;
	v15 =	vand.u32 $0xFFF8, v20  }
0x6ca: {  	v17 =	vld.idx.msk [tilespmem:v18+s5+$0x0], $0xffff;
	v15 =	vor.u32 v12, v15  }
0x6cb: {  	v18 =	vadd.s32 $0xE, v14;
	_ =	sdelay $0x2  }
0x6cc: {  	v20 =	vadd.s32 s0, v57  }
0x6cd: {  	[tilespmem:v15+s24+$0x0] =	vst.idx.msk $0xffff, v17;
	v15 =	vand.u32 $0xFFF8, v20  }
0x6ce: {  	v17 =	vld.idx.msk [tilespmem:v18+s5+$0x0], $0xffff;
	v15 =	vor.u32 v3, v15  }
0x6cf: {  	v18 =	vadd.s32 $0xE, v13;
	_ =	sdelay $0x2  }
0x6d0: {  	v20 =	vadd.s32 s0, v58  }
0x6d1: {  	[tilespmem:v15+s24+$0x0] =	vst.idx.msk $0xffff, v17;
	v15 =	vand.u32 $0xFFF8, v20  }
0x6d2: {  	v17 =	vld.idx.msk [tilespmem:v18+s5+$0x0], $0xffff;
	v15 =	vor.u32 v16, v15  }
0x6d3: {  	v18 =	vadd.s32 $0xF, v14;
	_ =	sdelay $0x2  }
0x6d4: {  	v20 =	vadd.s32 s0, v59  }
0x6d5: {  	[tilespmem:v15+s24+$0x0] =	vst.idx.msk $0xffff, v17;
	v15 =	vand.u32 $0xFFF8, v20  }
0x6d6: {  	v17 =	vld.idx.msk [tilespmem:v18+s5+$0x0], $0xffff;
	v15 =	vor.u32 v7, v15  }
0x6d7: {  	v18 =	vadd.s32 $0xF, v13;
	_ =	sdelay $0x2  }
0x6d8: {  	v20 =	vadd.s32 s0, v60  }
0x6d9: {  	[tilespmem:v15+s24+$0x0] =	vst.idx.msk $0xffff, v17;
	v15 =	vand.u32 $0xFFF8, v20  }
0x6da: {  	v17 =	vld.idx.msk [tilespmem:v18+s5+$0x0], $0xffff;
	v15 =	vor.u32 v19, v15  }
0x6db: {  	v18 =	vadd.s32 $0x10, v14;
	_ =	sdelay $0x2  }
0x6dc: {  	v20 =	vadd.s32 s0, v61  }
0x6dd: {  	[tilespmem:v15+s24+$0x0] =	vst.idx.msk $0xffff, v17;
	v15 =	vand.u32 $0xFFF8, v20  }
0x6de: {  	v17 =	vld.idx.msk [tilespmem:v18+s5+$0x0], $0xffff;
	v15 =	vor.u32 v1, v15  }
0x6df: {  	v18 =	vadd.s32 $0x10, v13;
	_ =	sdelay $0x2  }
0x6e0: {  	v20 =	vadd.s32 s0, v62  }
0x6e1: {  	[tilespmem:v15+s24+$0x0] =	vst.idx.msk $0xffff, v17;
	v15 =	vand.u32 $0xFFF8, v20  }
0x6e2: {  	v17 =	vld.idx.msk [tilespmem:v18+s5+$0x0], $0xffff;
	v15 =	vor.u32 v3, v15  }
0x6e3: {  	v18 =	vadd.s32 $0x11, v14;
	_ =	sdelay $0x2  }
0x6e4: {  	v20 =	vadd.s32 s0, v63  }
0x6e5: {  	[tilespmem:v15+s24+$0x0] =	vst.idx.msk $0xffff, v17;
	v15 =	vand.u32 $0xFFF8, v20  }
0x6e6: {  	v17 =	vld.idx.msk [tilespmem:v18+s5+$0x0], $0xffff;
	v15 =	vor.u32 v5, v15  }
0x6e7: {  	v18 =	vadd.s32 $0x11, v13;
	_ =	sdelay $0x2  }
0x6e8: {  	v20 =	vadd.s32 s0, v2  }
0x6e9: {  	[tilespmem:v15+s24+$0x0] =	vst.idx.msk $0xffff, v17;
	v15 =	vand.u32 $0xFFF8, v20  }
0x6ea: {  	v17 =	vld.idx.msk [tilespmem:v18+s5+$0x0], $0xffff;
	v15 =	vor.u32 v7, v15  }
0x6eb: {  	v18 =	vadd.s32 $0x12, v14;
	_ =	sdelay $0x2  }
0x6ec: {  	v20 =	vadd.s32 s0, v4  }
0x6ed: {  	[tilespmem:v15+s24+$0x0] =	vst.idx.msk $0xffff, v17;
	v15 =	vand.u32 $0xFFF8, v20  }
0x6ee: {  	v17 =	vld.idx.msk [tilespmem:v18+s5+$0x0], $0xffff;
	v15 =	vor.u32 v9, v15  }
0x6ef: {  	v18 =	vadd.s32 $0x12, v13;
	_ =	sdelay $0x2  }
0x6f0: {  	v20 =	vadd.s32 s0, v6  }
0x6f1: {  	[tilespmem:v15+s24+$0x0] =	vst.idx.msk $0xffff, v17;
	v15 =	vand.u32 $0xFFF8, v20  }
0x6f2: {  	v17 =	vld.idx.msk [tilespmem:v18+s5+$0x0], $0xffff;
	v15 =	vor.u32 v1, v15  }
0x6f3: {  	v18 =	vadd.s32 $0x13, v14;
	_ =	sdelay $0x2  }
0x6f4: {  	v20 =	vadd.s32 s0, v8  }
0x6f5: {  	[tilespmem:v15+s24+$0x0] =	vst.idx.msk $0xffff, v17;
	v15 =	vand.u32 $0xFFF8, v20  }
0x6f6: {  	v17 =	vld.idx.msk [tilespmem:v18+s5+$0x0], $0xffff;
	v15 =	vor.u32 v12, v15  }
0x6f7: {  	v18 =	vadd.s32 $0x13, v13;
	_ =	sdelay $0x2  }
0x6f8: {  	v20 =	vadd.s32 s0, v10  }
0x6f9: {  	[tilespmem:v15+s24+$0x0] =	vst.idx.msk $0xffff, v17;
	v15 =	vand.u32 $0xFFF8, v20  }
0x6fa: {  	v17 =	vld.idx.msk [tilespmem:v18+s5+$0x0], $0xffff;
	v15 =	vor.u32 v5, v15  }
0x6fb: {  	v18 =	vadd.s32 $0x14, v14;
	_ =	sdelay $0x2  }
0x6fc: {  	v20 =	vadd.s32 s0, v11  }
0x6fd: {  	[tilespmem:v15+s24+$0x0] =	vst.idx.msk $0xffff, v17;
	v15 =	vand.u32 $0xFFF8, v20  }
0x6fe: {  	v17 =	vld.idx.msk [tilespmem:v18+s5+$0x0], $0xffff;
	v15 =	vor.u32 v16, v15  }
0x6ff: {  	v18 =	vadd.s32 $0x14, v13;
	_ =	sdelay $0x2  }
0x700: {  	v20 =	vadd.s32 s0, v21  }
0x701: {  	[tilespmem:v15+s24+$0x0] =	vst.idx.msk $0xffff, v17;
	v15 =	vand.u32 $0xFFF8, v20  }
0x702: {  	v17 =	vld.idx.msk [tilespmem:v18+s5+$0x0], $0xffff;
	v15 =	vor.u32 v9, v15  }
0x703: {  	v14 =	vadd.s32 $0x15, v14;
	_ =	sdelay $0x2  }
0x704: {  	v18 =	vadd.s32 s0, v22  }
0x705: {  	[tilespmem:v15+s24+$0x0] =	vst.idx.msk $0xffff, v17;
	v15 =	vand.u32 $0xFFF8, v18  }
0x706: {  	v14 =	vld.idx.msk [tilespmem:v14+s5+$0x0], $0xffff;
	v15 =	vor.u32 v19, v15;
	_ =	sdelay $0x3  }
0x707: {  	v13 =	vadd.s32 $0x15, v13;
	v17 =	vadd.s32 s0, v23  }
0x708: {  	[tilespmem:v15+s24+$0x0] =	vst.idx.msk $0xffff, v14;
	v14 =	vand.u32 $0xFFF8, v17;
	v17 =	vld [tilespmem:$0x1FD00];
	_ =	sdelay $0x2  }
0x709: {  	v18 =	vmov s3  }
0x70a: {  	v15 =	vshll.u32 v18, $0x4;
	v13 =	vld.idx.msk [tilespmem:v13+s5+$0x0], $0xffff;
	v14 =	vor.u32 v12, v14  }
0x70b: {  	v15 =	vor.u32 v17, v15;
	_ =	sdelay $0x2  }
0x70c: {  	v17 =	vadd.s32 s0, v24  }
0x70d: {  	[tilespmem:v14+s24+$0x0] =	vst.idx.msk $0xffff, v13;
	v13 =	vand.u32 $0xFFF8, v17  }
0x70e: {  	v13 =	vor.u32 v16, v13;
	v14 =	vld.idx.msk [tilespmem:v15+s22+$0x0], $0xffff  }
0x70f: {  	v17 =	vor.u32 $0x1, v15;
	_ =	sdelay $0x2  }
0x710: {  	v18 =	vadd.s32 s0, v36  }
0x711: {  	[tilespmem:v13+s24+$0x0] =	vst.idx.msk $0xffff, v14;
	v13 =	vand.u32 $0xFFF8, v18  }
0x712: {  	v14 =	vld.idx.msk [tilespmem:v17+s22+$0x0], $0xffff;
	v13 =	vor.u32 v19, v13  }
0x713: {  	v17 =	vor.u32 $0x2, v15;
	_ =	sdelay $0x2  }
0x714: {  	v18 =	vadd.s32 s0, v25  }
0x715: {  	[tilespmem:v13+s24+$0x0] =	vst.idx.msk $0xffff, v14;
	v13 =	vand.u32 $0xFFF8, v18  }
0x716: {  	v14 =	vld.idx.msk [tilespmem:v17+s22+$0x0], $0xffff;
	v13 =	vor.u32 v3, v13  }
0x717: {  	v17 =	vor.u32 $0x3, v15;
	_ =	sdelay $0x2  }
0x718: {  	v18 =	vadd.s32 s0, v26  }
0x719: {  	[tilespmem:v13+s24+$0x0] =	vst.idx.msk $0xffff, v14;
	v13 =	vand.u32 $0xFFF8, v18  }
0x71a: {  	v14 =	vld.idx.msk [tilespmem:v17+s22+$0x0], $0xffff;
	v13 =	vor.u32 v7, v13  }
0x71b: {  	v17 =	vor.u32 $0x4, v15;
	_ =	sdelay $0x2  }
0x71c: {  	v18 =	vadd.s32 s0, v37  }
0x71d: {  	[tilespmem:v13+s24+$0x0] =	vst.idx.msk $0xffff, v14;
	v13 =	vand.u32 $0xFFF8, v18  }
0x71e: {  	v14 =	vld.idx.msk [tilespmem:v17+s22+$0x0], $0xffff;
	v13 =	vor.u32 v1, v13  }
0x71f: {  	v17 =	vor.u32 $0x5, v15;
	_ =	sdelay $0x2  }
0x720: {  	v18 =	vadd.s32 s0, v38  }
0x721: {  	[tilespmem:v13+s24+$0x0] =	vst.idx.msk $0xffff, v14;
	v13 =	vand.u32 $0xFFF8, v18  }
0x722: {  	v14 =	vld.idx.msk [tilespmem:v17+s22+$0x0], $0xffff;
	v13 =	vor.u32 v5, v13  }
0x723: {  	v17 =	vor.u32 $0x6, v15;
	_ =	sdelay $0x2  }
0x724: {  	v18 =	vadd.s32 s0, v39  }
0x725: {  	[tilespmem:v13+s24+$0x0] =	vst.idx.msk $0xffff, v14;
	v13 =	vand.u32 $0xFFF8, v18  }
0x726: {  	v14 =	vld.idx.msk [tilespmem:v17+s22+$0x0], $0xffff;
	v13 =	vor.u32 v9, v13  }
0x727: {  	v17 =	vor.u32 $0x7, v15;
	_ =	sdelay $0x2  }
0x728: {  	v18 =	vadd.s32 s0, v40  }
0x729: {  	[tilespmem:v13+s24+$0x0] =	vst.idx.msk $0xffff, v14;
	v13 =	vand.u32 $0xFFF8, v18  }
0x72a: {  	v14 =	vld.idx.msk [tilespmem:v17+s22+$0x0], $0xffff;
	v13 =	vor.u32 v12, v13  }
0x72b: {  	v17 =	vor.u32 $0x8, v15;
	_ =	sdelay $0x2  }
0x72c: {  	v18 =	vadd.s32 s0, v27  }
0x72d: {  	[tilespmem:v13+s24+$0x0] =	vst.idx.msk $0xffff, v14;
	v13 =	vand.u32 $0xFFF8, v18  }
0x72e: {  	v14 =	vld.idx.msk [tilespmem:v17+s22+$0x0], $0xffff;
	v13 =	vor.u32 v16, v13  }
0x72f: {  	v17 =	vor.u32 $0x9, v15;
	_ =	sdelay $0x2  }
0x730: {  	v18 =	vadd.s32 s0, v28  }
0x731: {  	[tilespmem:v13+s24+$0x0] =	vst.idx.msk $0xffff, v14;
	v13 =	vand.u32 $0xFFF8, v18  }
0x732: {  	v14 =	vld.idx.msk [tilespmem:v17+s22+$0x0], $0xffff;
	v13 =	vor.u32 v19, v13  }
0x733: {  	v17 =	vor.u32 $0xA, v15;
	_ =	sdelay $0x2  }
0x734: {  	v18 =	vadd.s32 s0, v29  }
0x735: {  	[tilespmem:v13+s24+$0x0] =	vst.idx.msk $0xffff, v14;
	v13 =	vand.u32 $0xFFF8, v18  }
0x736: {  	v14 =	vld.idx.msk [tilespmem:v17+s22+$0x0], $0xffff;
	v13 =	vor.u32 v3, v13  }
0x737: {  	v17 =	vor.u32 $0xB, v15;
	_ =	sdelay $0x2  }
0x738: {  	v18 =	vadd.s32 s0, v30  }
0x739: {  	[tilespmem:v13+s24+$0x0] =	vst.idx.msk $0xffff, v14;
	v13 =	vand.u32 $0xFFF8, v18  }
0x73a: {  	v14 =	vld.idx.msk [tilespmem:v17+s22+$0x0], $0xffff;
	v13 =	vor.u32 v7, v13  }
0x73b: {  	v17 =	vor.u32 $0xC, v15;
	_ =	sdelay $0x2  }
0x73c: {  	v18 =	vadd.s32 s0, v31  }
0x73d: {  	[tilespmem:v13+s24+$0x0] =	vst.idx.msk $0xffff, v14;
	v13 =	vand.u32 $0xFFF8, v18  }
0x73e: {  	v14 =	vld.idx.msk [tilespmem:v17+s22+$0x0], $0xffff;
	v13 =	vor.u32 v1, v13  }
0x73f: {  	v17 =	vor.u32 $0xD, v15;
	_ =	sdelay $0x2  }
0x740: {  	v18 =	vadd.s32 s0, v32  }
0x741: {  	[tilespmem:v13+s24+$0x0] =	vst.idx.msk $0xffff, v14;
	v13 =	vand.u32 $0xFFF8, v18  }
0x742: {  	v14 =	vld.idx.msk [tilespmem:v17+s22+$0x0], $0xffff;
	v13 =	vor.u32 v5, v13  }
0x743: {  	v17 =	vor.u32 $0xE, v15;
	_ =	sdelay $0x2  }
0x744: {  	v18 =	vadd.s32 s0, v33  }
0x745: {  	[tilespmem:v13+s24+$0x0] =	vst.idx.msk $0xffff, v14;
	v13 =	vand.u32 $0xFFF8, v18  }
0x746: {  	v14 =	vld.idx.msk [tilespmem:v17+s22+$0x0], $0xffff;
	v13 =	vor.u32 v9, v13  }
0x747: {  	v15 =	vor.u32 $0xF, v15;
	_ =	sdelay $0x2  }
0x748: {  	v17 =	vadd.s32 s0, v34  }
0x749: {  	[tilespmem:v13+s24+$0x0] =	vst.idx.msk $0xffff, v14;
	v13 =	vand.u32 $0xFFF8, v17  }
0x74a: {  	v14 =	vld.idx.msk [tilespmem:v15+s22+$0x0], $0xffff;
	v13 =	vor.u32 v12, v13;
	_ =	sdelay $0x3  }
0x74b: {  	v15 =	vadd.s32 s0, v35  }
0x74c: {  	[tilespmem:v13+s24+$0x0] =	vst.idx.msk $0xffff, v14;
	v13 =	vand.u32 $0xFFF8, v15  }
0x74d: {  	p0 =	sne.s32 s3, $0x140;
	v14 =	vld [tilespmem:s4+$0x0];
	v13 =	vor.u32 v16, v13  }
.Ltmp6:
0x74e: {  	_ = 	snop;
	(pc) =	sbr.rel @p0 .LBB2_14-.Ltmp6, $3  }
0x74f: {  	_ =	sdelay $0x1  }
0x750: {  	s1 =	sadd.s32 $0x10, s1;
	s2 =	sadd.s32 $0x10, s2;
	v20 =	vld [tilespmem:$0x1FFD0]  }
0x751: {  	s3 =	sadd.s32 $0x10, s3;
	v18 =	vld [tilespmem:$0x1FFB0];
	s0 =	sadd.s32 $0x3D0, s0;
	s4 =	sadd.s32 $0x10, s4;
	[tilespmem:v13+s24+$0x0] =	vst.idx.msk $0xffff, v14  }
0x752: {  	s0 =	rddreg [dreg:$0x1b]  }
0x753: {  	[hbm4b:s0+s5] =	stream.linear.scatter [tilespmem:s24], [sflag:$0x7], $0x5010, $0x38;
	[tilespmem:$0x15300] =	vst v63  }
0x754: {  	_ =	swait.ge [sflag:s6], $0x5010  }
0x755: {  	[sflag:s6] =	ssyncset.done $0x0  }
0x756: {  	[sflag:s6] =	ssyncadd.s32 $0xFFFFAFF0  }
0x757: {  	_ =	swait.ge [sflag:s25], $0x7A00  }
0x758: {  	s1 =	rddreg [dreg:$0x1d]  }
0x759: {  	v34 =	vmov v41;
	s31 =	rddreg [dreg:$0x1c];
	s1 =	sadd.s32 $0x1, s1  }
0x75a: {  	v35 =	vmovc v42;
	v32 =	vmovc v43;
	v27 =	vmov v44;
	v13 =	vmov v45;
	v17 =	vmov v46;
	p0 =	sne.s32 s1, s31  }
.Ltmp7:
0x75b: {  	v15 =	vmovc v47;
	v41 =	vmovc v48;
	v42 =	vmov v49;
	v43 =	vmov v50;
	v44 =	vmov v51;
	(pc) =	sbr.rel @p0 .LBB2_1-.Ltmp7, $4  }
0x75c: {  	v45 =	vmovc v52;
	v46 =	vmovc v53;
	v47 =	vmov v54;
	v48 =	vmov v55;
	v49 =	vmov v56  }
0x75d: {  	v50 =	vmovc v57;
	v51 =	vmovc v58;
	v52 =	vmov v59;
	v53 =	vmov v60;
	v54 =	vmov v61;
	v29 =	vld [tilespmem:$0x1FD00]  }
0x75e: {  	v55 =	vmovc v62;
	v56 =	vmovc v63;
	v57 =	vmov v2;
	v58 =	vmov v4;
	v59 =	vmov v6;
	[sflag:s25] =	ssyncset.done $0x0;
	v31 =	vld [tilespmem:$0x1FD20]  }
0x75f: {  	v60 =	vmovc v8;
	v61 =	vmovc v10;
	v62 =	vmov v11;
	v63 =	vmov v21;
	v14 =	vmov v22;
	v33 =	vld [tilespmem:$0x1FD30];
	[sflag:s25] =	ssyncadd.s32 $0xFFFF8600  }
0x760: {  	_ =	sfence.sel $0x180000  }
0x761: {  	[bflag:$0x0] =	sbarrier.arrive $0xFFFF  }
0x762: {  	_ =	strace $0x90000047  }
0x763: {  	s0 =	stileid.u32;
	[bflag:$0x2] =	sbarrier.arrive $0xFFFF  }
0x764: {  	p0 =	sne.s32 s0, $0x0;
	s0 =	rddreg [dreg:$0x4]  }
0x765: {  	s0 =	sadd.s32 @!p0 $0x100000, s0  }
0x766: {  	[sflag:s0] =	ssyncadd.tile.s32 @!p0 $0x1;
	_ =	shalt  }
.Lfunc_end2:
_tile_overlayer_lowered:
.L_overlay_start_2:
0x767: {  	(tag) =	ssettag $0x2  }
0x768: {  	s0 =	rddreg [dreg:$0x0];
	s2 =	stileid.u32  }
0x769: {  	s1 =	rddreg [dreg:$0x1];
	p0 =	sne.s32 s2, $0x0  }
0x76a: {  	s3 =	rddreg [dreg:$0x2];
	[bflag:$0x3] =	sbarrier.arrive $0xFFFF;
	s2 =	simm.s32 @!p0 $0x1C07  }
0x76b: {  	[timem:s3], [sflag:s2] =	dma.local @!p0 [hbm:s0], s1  }
0x76c: {  	s0 =	simm.s32 @!p0 $0x7  }
0x76d: {  	_ =	swait.ge @!p0 [sflag:s0], s1  }
0x76e: {  	s1 =	ssub.s32 @!p0 $0x0, s1;
	[sflag:s0] =	ssyncset.done @!p0 $0x0  }
0x76f: {  	[sflag:s0] =	ssyncadd.s32 @!p0 s1  }
0x770: {  	[bflag:$0x3] =	sbarrier.arrive $0xFFFF  }
0x771: {  	_ =	shalt  }

// kernel: sparse-core-data-format-call.cloned.1.call-start
scs
called_computation_lowered:
.L_overlay_start_0:
0x0: {  	s2 =	sld [smem:$0x3FD9]  }
0x1: {  	s3 =	sld [smem:$0x3FFE];
	_ =	sdelay $0x1  }
0x2: {  	s1 =	srdreg.scid  }
0x3: {  	s0 =	sand.u32 $0x1, s1  }
0x4: {  	s18 =	sshll.u32 s0, $0xA;
	s2 =	sadd.s32 s3, s2  }
0x5: {  	s2 =	sadd.s32 s2, s18  }
0x6: {  	[smem:$0x3FC3] =	sst s2  }
0x7: {  	_ = 	snop  }
0x8: {  	s2 =	sld [smem:$0x3FD0];
	(tm) =	ssettm $0x1  }
0x9: {  	s19 =	sld [smem:$0x3FFB];
	_ =	sdelay $0x3  }
0xa: {  	_ =	strace s19  }
0xb: {  	s3 =	sld [smem:$0x3FFC];
	_ =	sdelay $0x3  }
0xc: {  	_ =	strace s3  }
0xd: {  	s3 =	sld [smem:$0x3FFD];
	_ =	sdelay $0x3  }
0xe: {  	_ =	strace s3  }
0xf: {  	_ =	strace $0x8FFFFFFF  }
0x10: {  	s20 =	sld [smem:$0x3FDB];
	_ =	sdelay $0x1  }
0x11: {  	s4 =	simm.s32 $_scs_section_size  }
0x12: {  	s5 =	simm.s32 $_size__tile_overlayer_lowered;
	s6 =	simm.s32 $_tile_overlayer_lowered  }
0x13: {  	s23 =	simm.s32 $0x1BFF;
	s22 =	sshll.u32 s6, $0x1;
	s3 =	sadd.s32 s4, s20  }
0x14: {  	s7 =	simm.s32 $0x0;
	s21 =	sshll.u32 s5, $0x1;
	s5 =	sadd.s32 s22, s3  }
0x15: {  	[timem:s7], [sflag:s23] =	dma.local [hbm:s5], s21  }
0x16: {  	_ =	swait.ge [sflag:s23], s21  }
0x17: {  	s4 =	ssub.s32 $0x0, s21;
	[sflag:s23] =	ssyncset.done $0x0  }
0x18: {  	[sflag:s23] =	ssyncadd.s32 s4;
	_ =	sdelay $0x1  }
0x19: {  	s24 =	simm.s32 $0x1B8B  }
0x1a: {  	_ =	swait.ge [sflag:s24], $0x1  }
0x1b: {  	[sflag:s24] =	ssyncset.done $0x0  }
0x1c: {  	s26 =	simm.s32 $0x1B8E;
	s25 =	sld [smem:$0x3FFE];
	[sflag:s24] =	ssyncadd.s32 $0xFFFFFFFF  }
0x1d: {  	s27 =	simm.s32 $execute0_lowered;
	[smem:$0x3FD2] =	sst s26  }
0x1e: {  	s5 =	sshll.u32 s27, $0x1;
	_ =	strace $0x80000049;
	[dreg:$0x1] =	wrdreg $0xFFFFFFFF  }
0x1f: {  	s28 =	simm.s32 $_size_execute0_lowered;
	s3 =	sadd.s32 s3, s5;
	[dreg:$0x0] =	wrdreg $0x0  }
0x20: {  	s5 =	sshll.u32 s28, $0x1;
	[dreg:$0x2] =	wrdreg s3  }
0x21: {  	[dreg:$0x3] =	wrdreg s5  }
0x22: {  	[dreg:$0x4] =	wrdreg $0xC0  }
0x23: {  	_ =	task [dreg:s7], $0x5FFFF  }
0x24: {  	[dreg:$0x1] =	wrdreg $0xFFFFFFFF  }
0x25: {  	[dreg:$0x0] =	wrdreg $0x60  }
0x26: {  	[dreg:$0x2] =	wrdreg s25  }
0x27: {  	[dreg:$0x3] =	wrdreg s2  }
0x28: {  	[dreg:$0x4] =	wrdreg $0x9  }
0x29: {  	_ =	task.clear_ibuf [dreg:s7], $0x5FFFF;
	_ =	strace $0x90000049  }
0x2a: {  	s29 =	simm.s32 $0x9;
	_ =	strace $0x8000004B  }
0x2b: {  	_ =	swait.ge [sflag:s29], $0x1  }
0x2c: {  	[sflag:s29] =	ssyncadd.s32 $0xFFFFFFFF  }
0x2d: {  	_ =	strace $0x9000004B  }
0x2e: {  	_ =	sfence  }
0x2f: {  	s30 =	sld [smem:$0x0];
	_ =	sdelay $0x2  }
0x30: {  	s31 =	sshll.u32 s1, $0xD;
	s1 =	sshrl.u32 s1, $0x2  }
0x31: {  	s3 =	sand.u32 $0x4000, s31;
	s1 =	sadd.s32 s1, s30  }
0x32: {  	s0 =	sor.u32 s3, s0;
	s1 =	sshll.u32 s1, $0x11  }
0x33: {  	s0 =	sor.u32 s1, s0  }
0x34: {  	s0 =	sadd.s32 $0x8F2B, s0  }
0x35: {  	[sflag:s0] =	ssyncadd.remote.s32 $0x1  }
0x36: {  	_ =	sfence.sel $0xFFFF  }
0x37: {  	[dreg:$0x0] =	wrdreg $0xFFFFFFFF;
	(pc) =	sbr.abs _section_cstart, $3  }
0x38: {  	[dreg:$0x1] =	wrdreg $0xFFFFFFFF  }
0x39: {  	_ =	task.clear_ibuf [dreg:s7], $0x2FFFF;
	_ =	strace $0x9FFFFFFF  }
0x3a: {  	(tm) =	ssettm $0x7FFFFFFF  }
0x3b: {  	_ =	shalt  }
tec
execute0_lowered:
.L_overlay_start_1:
0x0: {  	(tag) =	ssettag $0x1  }
0x1: {  	s0 =	srdreg.scid  }
0x2: {  	s1 =	sshll.u32 s0, $0x4  }
0x3: {  	s4 =	rddreg [dreg:$0x0];
	s0 =	stileid.u32;
	s1 =	sand.u32 $0x10, s1  }
0x4: {  	s2 =	rddreg [dreg:$0x1];
	s7 =	simm.s32 $0x1;
	s1 =	sor.u32 s0, s1  }
0x5: {  	s8 =	simm.s32 $0x2;
	s11 =	simm.s32 $0x0;
	s3 =	sshll.u32 s1, $0x7  }
0x6: {  	s10 =	simm.s32 $0x0;
	s4 =	sadd.s32 $0x800, s4;
	s6 =	ssub.s32 $0x186A00, s3  }
.Ltmp0:
0x7: {  	s1 =	rddreg [dreg:$0x2];
	s5 =	sand.u32 $0xF80, s6;
	(pc) =	sbr.rel .LBB1_1-.Ltmp0, $4  }
0x8: {  	_ =	strace $0x8000004A;
	s9 =	smov.u32 s3;
	p0 =	sne.s32 s5, $0x0  }
0x9: {  	s6 =	sshrl.u32 s6, $0xC;
	s5 =	simm.s32 $0x1;
	s7 =	simm.s32 @!p0 $0x0  }
0xa: {  	[sflag:s5] =	ssyncpa.u1 $0x0;
	p0 =	por $0x0, $0x0;
	s6 =	sadd.s32 s7, s6  }
0xb: {  	[sflag:s8] =	ssyncpa.u1 $0x0;
	s8 =	simm.s32 $0xC35000;
	s7 =	sadd.s32 $0x1, s6  }
.LBB1_4:
0xc: {  	s14 =	sshll.u32 s11, $0x3  }
0xd: {  	s14 =	sand.u32 $0xFFFFFC00, s14  }
0xe: {  	s15 =	sshrl.u32 s14, $0x9  }
0xf: {  	s15 =	smulhi.u32 $0xA7C5AD, s15;
	_ =	sdelay $0x1  }
0x10: {  	s15 =	sshrl.u32 s15, $0x3  }
0x11: {  	s28 =	sand.u32 $0x7F, s11;
	s16 =	smul.u32 $0x186A00, s15  }
0x12: {  	s11 =	sor.u32 s28, s14  }
0x13: {  	s29 =	sand.u32 $0x3F, s15;
	s11 =	ssub.s32 s11, s16  }
0x14: {  	[tilespmem:s13+$0x810 ss:$0x81] =	vst.msk $0xffff, v2;
	s14 =	smul.u32 $0x30D40, s29;
	s30 =	sshrl.u32 s11, $0x3;
	s11 =	sand.u32 $0x7, s11  }
0x15: {  	[tilespmem:s13+$0x1020 ss:$0x81] =	vst.msk $0xffff, v0;
	s15 =	sadd.s32 s2, s30;
	s11 =	sshll.u32 s11, $0x12  }
0x16: {  	[tilespmem:s13+$0x0 ss:$0x81] =	vst.msk $0xffff, v1;
	s31 =	sadd.s32 s14, s15;
	s11 =	sor.u32 $0x400, s11  }
0x17: {  	[hbm4b:s31+s11] =	stream.strided.scatter [tilespmem:s12], [sflag:$0x2], $0x2000, s8, s11, $0x20;
	[tilespmem:$0x8080] =	vst v63  }
.LBB1_5:
0x18: {  	s13 =	sadd.s32 $0x1000, s9  }
0x19: {  	p2 =	sgt.s32 s13, $0x1869FF  }
0x1a: {  	s13 =	smov.u32 @p2 s3;
	p2 =	sne.s32 s10, s7  }
.Ltmp1:
0x1b: {  	p1 =	slt.u32 s10, $0x2;
	(pc) =	sbr.rel @!p2 .LBB1_6-.Ltmp1, $4  }
0x1c: {  	s12 =	simm.s32 @!p1 $0x2  }
0x1d: {  	s14 =	sadd.s32 $0x1, s10;
	_ =	swait.ge @!p1 [sflag:s12], $0x2000  }
0x1e: {  	s11 =	smov.u32 s9;
	p0 =	por !p0, !p0;
	[sflag:s12] =	ssyncset.done @!p1 $0x0  }
0x1f: {  	s10 =	smov.u32 s14;
	s9 =	smov.u32 s13;
	[sflag:s12] =	ssyncadd.s32 @!p1 $0xFFFFE000  }
.LBB1_1:
0x20: {  	p1 =	sge.u32 s10, s6  }
0x21: {  	s12 =	sand.u32 @!p1 $0x1FFFFFF, s9  }
0x22: {  	s13 =	smulhi.u32 @!p1 $0x14F8B59, s12;
	_ =	sdelay $0x1  }
0x23: {  	s13 =	sshrl.u32 @!p1 s13, $0xD  }
0x24: {  	s13 =	smul.u32 @!p1 $0x186A00, s13;
	_ =	sdelay $0x1  }
0x25: {  	s31 =	sadd.s32 $0xFFFFFFFF, s10;
	s14 =	sxor.u32 @!p1 $0xFFFFFFFF, s10;
	s12 =	ssub.s32 @!p1 s12, s13  }
0x26: {  	s15 =	simm.s32 @!p1 $0x80;
	s14 =	sshll.u32 @!p1 s14, $0xD;
	s12 =	sshll.u32 @!p1 s12, $0x4  }
0x27: {  	s13 =	sand.u32 @!p1 $0x2000, s14;
	s14 =	simm.s32 @!p1 $0x40;
	s12 =	sadd.s32 @!p1 s4, s12  }
0x28: {  	[tilespmem:s13], [sflag:$0x1] =	stream.strided.gather @!p1 [hbm4b:s12+s14], $0x2000, s15, s14, $0x38;
	[tilespmem:$0x8080] =	vst v63  }
0x29: {  	p1 =	sge.u32 s31, s6  }
.Ltmp2:
0x2a: {  	_ = 	snop;
	(pc) =	sbr.rel @p1 .LBB1_5-.Ltmp2, $1  }
0x2b: {  	_ =	sdelay $0x3  }
0x2c: {  	s12 =	simm.s32 $0x1  }
0x2d: {  	_ =	swait.ge [sflag:s5], $0x2000;
	s12 =	simm.s32 @!p0 $0x0  }
0x2e: {  	[sflag:s5] =	ssyncset.done $0x0;
	s13 =	sshll.u32 s12, $0xD  }
0x2f: {  	[sflag:s5] =	ssyncadd.s32 $0xFFFFE000;
	s16 =	sor.u32 $0x20, s13  }
0x30: {  	s12 =	smul.u32 $0x8100, s12;
	v3 =	vld [tilespmem:s16+$0x10]  }
0x31: {  	s30 =	sand.u32 $0x1, s10;
	v2 =	vld [tilespmem:s16+$0xFFFFFFF0]  }
0x32: {  	s13 =	smul.u32 $0x8100, s30;
	s12 =	sshrl.u32 s12, $0x2;
	v0 =	vld [tilespmem:s16+$0x0]  }
0x33: {  	v1 =	vld [tilespmem:s16+$0xFFFFFFE0];
	s14 =	sor.u32 $0x4000, s12  }
0x34: {  	s31 =	sshrl.u32 s13, $0x2;
	s13 =	sadd.s32 $0x0, s14  }
0x35: {  	s15 =	simm.s32 $0x4;
	s16 =	sadd.s32 $0x40, s16;
	s12 =	sor.u32 $0x4000, s31;
	[tilespmem:s13+$0x1830 ss:$0x81] =	vst.msk $0xffff, v3  }
.LBB1_3:
0x36: {  	v3 =	vld [tilespmem:s16+$0x10];
	p1 =	sne.s32 s15, $0x1FC;
	[tilespmem:s13+$0x810 ss:$0x81] =	vst.msk $0xffff, v2;
	s17 =	smov.u32 s15;
	s15 =	sadd.s32 $0x4, s15  }
.Ltmp3:
0x37: {  	v2 =	vld [tilespmem:s16+$0xFFFFFFF0];
	[tilespmem:s13+$0x1020 ss:$0x81] =	vst.msk $0xffff, v0;
	(pc) =	sbr.rel @p1 .LBB1_3-.Ltmp3, $4  }
0x38: {  	v0 =	vld [tilespmem:s16+$0x0];
	[tilespmem:s13+$0x0 ss:$0x81] =	vst.msk $0xffff, v1  }
0x39: {  	s13 =	sshra.s32 s17, $0x2;
	v1 =	vld [tilespmem:s16+$0xFFFFFFE0]  }
0x3a: {  	s13 =	sadd.s32 s13, s14  }
0x3b: {  	s16 =	sadd.s32 $0x40, s16;
	[tilespmem:s13+$0x1830 ss:$0x81] =	vst.msk $0xffff, v3  }
.Ltmp4:
0x3c: {  	_ = 	snop;
	(pc) =	sbr.rel .LBB1_4-.Ltmp4, $1  }
0x3d: {  	_ =	sdelay $0x3  }
.LBB1_6:
0x3e: {  	_ =	sfence.sel $0x180000  }
0x3f: {  	s2 =	simm.s32 $0x1;
	[bflag:$0x0] =	sbarrier.arrive $0xFFFF  }
0x40: {  	s31 =	simm.s32 $0x2;
	[sflag:s2] =	ssyncpa.u1 $0x1  }
0x41: {  	[sflag:s31] =	ssyncpa.u1 $0x1  }
0x42: {  	p0 =	sne.s32 s0, $0x0;
	_ =	strace $0x9000004A  }
0x43: {  	s0 =	sadd.s32 @!p0 $0x100000, s1;
	[bflag:$0x2] =	sbarrier.arrive $0xFFFF  }
0x44: {  	[sflag:s0] =	ssyncadd.tile.s32 @!p0 $0x1;
	_ =	shalt  }
.Lfunc_end1:
_tile_overlayer_lowered:
.L_overlay_start_2:
0x45: {  	(tag) =	ssettag $0x2  }
0x46: {  	s0 =	rddreg [dreg:$0x0];
	s2 =	stileid.u32  }
0x47: {  	s1 =	rddreg [dreg:$0x1];
	p0 =	sne.s32 s2, $0x0  }
0x48: {  	s3 =	rddreg [dreg:$0x2];
	[bflag:$0x3] =	sbarrier.arrive $0xFFFF;
	s2 =	simm.s32 @!p0 $0x1C01  }
0x49: {  	[timem:s3], [sflag:s2] =	dma.local @!p0 [hbm:s0], s1  }
0x4a: {  	s0 =	simm.s32 @!p0 $0x1  }
0x4b: {  	_ =	swait.ge @!p0 [sflag:s0], s1  }
0x4c: {  	s1 =	ssub.s32 @!p0 $0x0, s1;
	[sflag:s0] =	ssyncset.done @!p0 $0x0  }
0x4d: {  	[sflag:s0] =	ssyncadd.s32 @!p0 s1  }
0x4e: {  	[bflag:$0x3] =	sbarrier.arrive $0xFFFF  }
0x4f: {  	_ =	shalt  }

</sc_bundles>
